<compile_context>
chip_gen: v7x
topology: tpu7x:2x2x1
jax: 0.10.2.dev20260603
libtpu: 0.0.44.dev20260713+nightly
codegen_flags: <defaults>
</compile_context>

<pallas_src>
import functools

import jax
import jax.numpy as jnp
from jax import lax
from jax.experimental import pallas as pl
from jax.experimental.pallas import tpu as pltpu
from jax.experimental.pallas import tpu_sc as plsc

NC = 2
NS = 16
NW = NC * NS
L = 16

L1_BINS = 512
L2_BINS = 2048
L3_BINS = 1024

_MESH = plsc.VectorSubcoreMesh(core_axis_name="c", subcore_axis_name="s")
_SC_PARAMS = pltpu.CompilerParams(needs_layout_passes=False,
                                  use_tc_tiling_on_sc=False)


def _wid():
    return lax.axis_index("s") * NC + lax.axis_index("c")


def _proj_body(x_ref, w_ref, out_ref):
    out_ref[...] = lax.dot_general(
        x_ref[...], w_ref[...],
        dimension_numbers=(((1,), (1,)), ((), ())),
        preferred_element_type=jnp.float32)


def _node_proj(x, w_node):
    n = x.shape[0]
    r = w_node.shape[0]
    return pl.pallas_call(
        _proj_body,
        out_shape=jax.ShapeDtypeStruct((n, r), jnp.float32),
    )(x, w_node)


def _scores_body(nnz, blk, node_hbm, vidx_hbm, eidx_hbm, eidtab_hbm, ef_hbm,
                 scores_hbm, hist1_hbm,
                 eidtab_v, vv_v, ve_v, eids_v, node_b, ef_b, sc_b,
                 hist_v, merged_v, sem):
    chunk = nnz // NW
    nblk = chunk // blk
    grp = blk // L
    wid = _wid()
    base = wid * chunk
    iota = lax.iota(jnp.int32, L)
    ones_i = jnp.ones((L,), jnp.int32)

    pltpu.sync_copy(eidtab_hbm, eidtab_v)

    def zh(i, _):
        hist_v[i, :] = jnp.zeros((L,), jnp.int32)
        return 0
    lax.fori_loop(0, L1_BINS, zh, 0)

    def blk_body(j, _):
        off = base + j * blk
        pltpu.sync_copy(vidx_hbm.at[pl.ds(off, blk)], vv_v)
        pltpu.sync_copy(eidx_hbm.at[pl.ds(off, blk)], ve_v)

        def eg(i, _):
            idx = ve_v[pl.ds(i * L, L)]
            eids_v[pl.ds(i * L, L)] = plsc.load_gather(eidtab_v, [idx])
            return 0
        lax.fori_loop(0, grp, eg, 0)

        slices = [(c, min(128, blk - c)) for c in range(0, blk, 128)]
        for g in range(0, len(slices), 4):
            descs = []
            for (c, sz) in slices[g:g + 4]:
                descs.append(pltpu.async_copy(
                    node_hbm.at[vv_v.at[pl.ds(c, sz)]],
                    node_b.at[pl.ds(c, sz)], sem))
                descs.append(pltpu.async_copy(
                    ef_hbm.at[eids_v.at[pl.ds(c, sz)]],
                    ef_b.at[pl.ds(c, sz)], sem))
            for d in descs:
                d.wait()

        def grp_body(i, _):
            rows = i * L + iota
            acc = jnp.zeros((L,), jnp.float32)
            for cc in range(L):
                col = jnp.full((L,), cc, jnp.int32)
                nv = plsc.load_gather(node_b, [rows, col])
                ev = plsc.load_gather(ef_b, [rows, col])
                acc = acc + nv * ev
            sig = 1.0 / (1.0 + jnp.exp(-acc))
            sc_b[pl.ds(i * L, L)] = sig
            key = plsc.bitcast(sig, jnp.int32)
            bin1 = lax.shift_right_logical(key, 21)
            plsc.addupdate_scatter(hist_v, [bin1, iota], ones_i)
            return 0
        lax.fori_loop(0, grp, grp_body, 0)
        pltpu.sync_copy(sc_b, scores_hbm.at[pl.ds(off, blk)])
        return 0
    lax.fori_loop(0, nblk, blk_body, 0)

    def mg(bq, _):
        rows = bq * L + iota
        accm = jnp.zeros((L,), jnp.int32)
        for cc in range(L):
            col = jnp.full((L,), cc, jnp.int32)
            accm = accm + plsc.load_gather(hist_v, [rows, col])
        merged_v[pl.ds(bq * L, L)] = accm
        return 0
    lax.fori_loop(0, L1_BINS // L, mg, 0)
    pltpu.sync_copy(merged_v, hist1_hbm.at[wid])


def _scores_and_hist1(node_r, v_idx, e_idx, edge_ids, edge_factors, blk=2000):
    nnz = v_idx.shape[0]
    ne = edge_ids.shape[0]
    body = functools.partial(_scores_body, nnz, blk)
    f = pl.kernel(
        body,
        out_type=(jax.ShapeDtypeStruct((nnz,), jnp.float32),
                  jax.ShapeDtypeStruct((NW, L1_BINS), jnp.int32)),
        mesh=_MESH,
        compiler_params=_SC_PARAMS,
        scratch_types=[
            pltpu.VMEM((ne,), jnp.int32),
            pltpu.VMEM((blk,), jnp.int32),
            pltpu.VMEM((blk,), jnp.int32),
            pltpu.VMEM((blk,), jnp.int32),
            pltpu.VMEM((blk, L), jnp.float32),
            pltpu.VMEM((blk, L), jnp.float32),
            pltpu.VMEM((blk,), jnp.float32),
            pltpu.VMEM((L1_BINS, L), jnp.int32),
            pltpu.VMEM((L1_BINS,), jnp.int32),
            pltpu.SemaphoreType.DMA,
        ],
    )
    return f(node_r, v_idx, e_idx, edge_ids, edge_factors)


def _hist_body(nnz, level, scores_hbm, params_hbm, out_hbm,
               sc_v, hist_v, merged_v, params_v):
    nbins = L2_BINS if level == 2 else L3_BINS
    chunk = nnz // NW
    grp = chunk // L
    wid = _wid()
    base = wid * chunk
    iota = lax.iota(jnp.int32, L)
    ones_i = jnp.ones((L,), jnp.int32)

    pltpu.sync_copy(params_hbm.at[0], params_v)
    head = params_v[pl.ds(0, L)]
    pref = head[0] if level == 2 else head[2]

    pltpu.sync_copy(scores_hbm.at[pl.ds(base, chunk)], sc_v)

    def zh(i, _):
        hist_v[i, :] = jnp.zeros((L,), jnp.int32)
        return 0
    lax.fori_loop(0, nbins, zh, 0)

    def grp_body(i, _):
        key = plsc.bitcast(sc_v[pl.ds(i * L, L)], jnp.int32)
        if level == 2:
            match = lax.shift_right_logical(key, 21) == pref
            b = lax.shift_right_logical(key, 10) & (L2_BINS - 1)
        else:
            match = lax.shift_right_logical(key, 10) == pref
            b = key & (L3_BINS - 1)
        plsc.addupdate_scatter(hist_v, [b, iota], ones_i, mask=match)
        return 0
    lax.fori_loop(0, grp, grp_body, 0)

    def mg(bq, _):
        rows = bq * L + iota
        accm = jnp.zeros((L,), jnp.int32)
        for cc in range(L):
            col = jnp.full((L,), cc, jnp.int32)
            accm = accm + plsc.load_gather(hist_v, [rows, col])
        merged_v[pl.ds(bq * L, L)] = accm
        return 0
    lax.fori_loop(0, nbins // L, mg, 0)
    pltpu.sync_copy(merged_v, out_hbm.at[wid])


def _hist_level(scores, params, level):
    nnz = scores.shape[0]
    nbins = L2_BINS if level == 2 else L3_BINS
    body = functools.partial(_hist_body, nnz, level)
    f = pl.kernel(
        body,
        out_type=jax.ShapeDtypeStruct((NW, nbins), jnp.int32),
        mesh=_MESH,
        compiler_params=_SC_PARAMS,
        scratch_types=[
            pltpu.VMEM((nnz // NW,), jnp.float32),
            pltpu.VMEM((nbins, L), jnp.int32),
            pltpu.VMEM((nbins,), jnp.int32),
            pltpu.VMEM((128,), jnp.int32),
        ],
    )
    return f(scores, params)


def _count_ge(h2):
    rows = h2.shape[0]
    lanes = lax.broadcasted_iota(jnp.int32, (rows, 128), 1)
    suffix_within = h2
    for d in (1, 2, 4, 8, 16, 32, 64):
        rolled = pltpu.roll(suffix_within, 128 - d, 1)
        suffix_within = suffix_within + jnp.where(lanes < 128 - d, rolled, 0)
    rowsum = jnp.sum(h2, axis=1, keepdims=True)
    ri = lax.broadcasted_iota(jnp.int32, (rows, rows), 0)
    rj = lax.broadcasted_iota(jnp.int32, (rows, rows), 1)
    rs_b = jnp.broadcast_to(rowsum.reshape(1, rows), (rows, rows))
    below = jnp.sum(jnp.where(rj > ri, rs_b, 0), axis=1,
                    keepdims=True)
    return suffix_within + below


def _pick_core(hist_ref, kk):
    nbins = hist_ref.shape[1]
    rows = nbins // 128
    h2 = jnp.sum(hist_ref[...], axis=0).reshape(rows, 128)
    cg = _count_ge(h2)
    flat = (lax.broadcasted_iota(jnp.int32, (rows, 128), 0) * 128 +
            lax.broadcasted_iota(jnp.int32, (rows, 128), 1))
    mask = cg >= kk
    bsel = jnp.max(jnp.where(mask, flat, -1))
    hb = jnp.sum(jnp.where(flat == bsel, h2, 0))
    cgb = jnp.sum(jnp.where(flat == bsel, cg, 0))
    knext = kk - (cgb - hb)
    return bsel, knext


def _lane_vec(pairs, default=0):
    lanes = lax.broadcasted_iota(jnp.int32, (1, 128), 1)
    out = jnp.full((1, 128), default, jnp.int32)
    for lane, val in pairs:
        out = jnp.where(lanes == lane, val, out)
    return out


def _pick1_body(k, hist_ref, out_ref):
    b1, k2 = _pick_core(hist_ref, jnp.int32(k))
    out_ref[...] = _lane_vec([(0, b1), (1, k2)])


def _pick2_body(hist_ref, p1_ref, out_ref):
    kk = p1_ref[0, 1]
    b1 = p1_ref[0, 0]
    b2, k3 = _pick_core(hist_ref, kk)
    pref = lax.shift_left(b1, 11) | b2
    out_ref[...] = _lane_vec([(0, b2), (1, k3), (2, pref)])


def _pick3_body(hist_ref, p2_ref, out_ref):
    kk = p2_ref[0, 1]
    pref = p2_ref[0, 2]
    b3, rem = _pick_core(hist_ref, kk)
    t = lax.shift_left(pref, 10) | b3
    hi = hist_ref[...]
    bins = lax.broadcasted_iota(jnp.int32, (NW, L3_BINS), 1)
    col = jnp.sum(jnp.where(bins == b3, hi, 0), axis=1,
                  keepdims=True)
    wi = lax.broadcasted_iota(jnp.int32, (NW, NW), 0)
    wj = lax.broadcasted_iota(jnp.int32, (NW, NW), 1)
    col_b = jnp.broadcast_to(col.reshape(1, NW), (NW, NW))
    exi = jnp.sum(jnp.where(wj < wi, col_b, 0), axis=1).reshape(1, NW)
    exp_pad = jnp.concatenate(
        [jnp.zeros((1, 2), jnp.int32), exi,
         jnp.zeros((1, 128 - 2 - NW), jnp.int32)], axis=1)
    head = _lane_vec([(0, t), (1, rem)], default=0)
    lanes = lax.broadcasted_iota(jnp.int32, (1, 128), 1)
    out_ref[...] = jnp.where(lanes < 2, head, exp_pad)


def _pick(body, hist, *params):
    return pl.pallas_call(
        body, out_shape=jax.ShapeDtypeStruct((1, 128), jnp.int32),
    )(hist, *params)


def _final_body(nnz, ne, blk, scores_hbm, eidx_hbm, params_hbm,
                hard_hbm, accs_hbm, acch_hbm, accc_hbm,
                params_v, sc_b, e_b, hd_b, acc_s, acc_h, acc_c,
                sh_i, sh_f):
    chunk = nnz // NW
    nblk = chunk // blk
    grp = blk // L
    wid = _wid()
    base = wid * chunk
    iota = lax.iota(jnp.int32, L)

    pltpu.sync_copy(params_hbm.at[0], params_v)
    head = params_v[pl.ds(0, L)]
    t = head[0]
    rem = head[1]
    lane_pos = 2 + wid
    seg = params_v[pl.ds((lane_pos // L) * L, L)]
    base_eq = jnp.sum(jnp.where(iota == lane_pos % L, seg, 0))

    def za(i, _):
        z = jnp.zeros((L,), jnp.float32)
        acc_s[pl.ds(i * L, L)] = z
        acc_h[pl.ds(i * L, L)] = z
        acc_c[pl.ds(i * L, L)] = z
        return 0
    lax.fori_loop(0, ne // L, za, 0)

    def seg_add(acc_ref, cs, ends, e16):
        mcs = jnp.where(ends, cs, 0.0)
        cm = plsc.cummax(mcs)
        sh_f[...] = cm
        prev = plsc.load_gather(sh_f, [jnp.maximum(iota - 1, 0)])
        prev = jnp.where(iota == 0, 0.0, prev)
        plsc.addupdate_scatter(acc_ref, [e16], cs - prev, mask=ends)

    def blk_body(j, carry_eq):
        off = base + j * blk
        pltpu.sync_copy(scores_hbm.at[pl.ds(off, blk)], sc_b)
        pltpu.sync_copy(eidx_hbm.at[pl.ds(off, blk)], e_b)

        def grp_body(i, ce):
            s16 = sc_b[pl.ds(i * L, L)]
            key = plsc.bitcast(s16, jnp.int32)
            gt = key > t
            eq = key == t
            eqi = jnp.where(eq, 1, 0)
            csq = plsc.cumsum(eqi)
            rank = base_eq + ce + csq - eqi
            keep = jnp.logical_and(eq, rank < rem)
            hardv = jnp.where(jnp.logical_or(gt, keep), 1.0, 0.0)
            hd_b[pl.ds(i * L, L)] = hardv

            e16 = e_b[pl.ds(i * L, L)]
            sh_i[...] = e16
            e_next = plsc.load_gather(sh_i, [jnp.minimum(iota + 1, L - 1)])
            ends = jnp.logical_or(e16 != e_next, iota == L - 1)
            seg_add(acc_s, plsc.cumsum(s16), ends, e16)
            seg_add(acc_h, plsc.cumsum(hardv), ends, e16)
            seg_add(acc_c, (iota + 1).astype(jnp.float32), ends, e16)
            return ce + jnp.sum(eqi)
        carry_eq = lax.fori_loop(0, grp, grp_body, carry_eq)
        pltpu.sync_copy(hd_b, hard_hbm.at[pl.ds(off, blk)])
        return carry_eq
    lax.fori_loop(0, nblk, blk_body, jnp.int32(0))

    pltpu.sync_copy(acc_s, accs_hbm.at[wid])
    pltpu.sync_copy(acc_h, acch_hbm.at[wid])
    pltpu.sync_copy(acc_c, accc_hbm.at[wid])


def _final_pass(scores, e_idx, params3, ne, blk=2000):
    nnz = scores.shape[0]
    body = functools.partial(_final_body, nnz, ne, blk)
    f = pl.kernel(
        body,
        out_type=(jax.ShapeDtypeStruct((nnz,), jnp.float32),
                  jax.ShapeDtypeStruct((NW, ne), jnp.float32),
                  jax.ShapeDtypeStruct((NW, ne), jnp.float32),
                  jax.ShapeDtypeStruct((NW, ne), jnp.float32)),
        mesh=_MESH,
        compiler_params=_SC_PARAMS,
        scratch_types=[
            pltpu.VMEM((128,), jnp.int32),
            pltpu.VMEM((blk,), jnp.float32),
            pltpu.VMEM((blk,), jnp.int32),
            pltpu.VMEM((blk,), jnp.float32),
            pltpu.VMEM((ne,), jnp.float32),
            pltpu.VMEM((ne,), jnp.float32),
            pltpu.VMEM((ne,), jnp.float32),
            pltpu.VMEM((L,), jnp.int32),
            pltpu.VMEM((L,), jnp.float32),
        ],
    )
    return f(scores, e_idx, params3)


def _edge_body(accs_ref, acch_ref, accc_ref, ep_ref, es_ref, eh_ref):
    s = jnp.sum(accs_ref[...], axis=0, keepdims=True)
    h = jnp.sum(acch_ref[...], axis=0, keepdims=True)
    c = jnp.sum(accc_ref[...], axis=0, keepdims=True)
    c1 = jnp.maximum(c, 1.0)
    ep_ref[...] = s / c1
    es_ref[...] = h / c1
    eh_ref[...] = jnp.where(h > 0.0, 1.0, 0.0)


def _edge_outputs(accs, acch, accc):
    ne = accs.shape[1]
    out = jax.ShapeDtypeStruct((1, ne), jnp.float32)
    ep, es, eh = pl.pallas_call(
        _edge_body, out_shape=(out, out, out),
    )(accs, acch, accc)
    return ep.reshape(ne), es.reshape(ne), eh.reshape(ne)


def kernel(x, V_idx, E_idx, edge_ids, W_node, edge_factors):
    nnz = V_idx.shape[0]
    ne = edge_ids.shape[0]
    k = max(1, int(0.5 * nnz))

    node_r = _node_proj(x, W_node)
    scores, hist1 = _scores_and_hist1(node_r, V_idx, E_idx, edge_ids,
                                      edge_factors)
    p1 = _pick(functools.partial(_pick1_body, k), hist1)
    hist2 = _hist_level(scores, p1, 2)
    p2 = _pick(_pick2_body, hist2, p1)
    hist3 = _hist_level(scores, p2, 3)
    p3 = _pick(_pick3_body, hist3, p2)
    hard, accs, acch, accc = _final_pass(scores, E_idx, p3, ne)
    edge_probs, edge_soft, edge_hard = _edge_outputs(accs, acch, accc)
    return (scores, hard, hard, edge_probs, edge_soft, edge_hard)

# --- scband reference (transcript-rebuilt; emitter-appended) ---
"""Pipeline reference for scband-neural-incidence-mask-45921790329371 (READ-ONLY COPY).

The authoritative reference and input builder live on the scoring server;
editing this copy changes nothing except your own understanding.
"""

import jax, jax.numpy as jnp
import numpy as np

N = 10000
D = 128
NNZ = 320000
NE = 20000
NET = 50000
R = 16


def reduce_incidence_to_edge(vals, E_idx, num_edges):
    s = jax.ops.segment_sum(vals, E_idx, num_segments=num_edges)
    c = jax.ops.segment_sum(jnp.ones_like(vals), E_idx, num_segments=num_edges)
    return s / jnp.maximum(c, 1.0)


def setup_inputs(seed: int = 0) -> dict:
    key = jax.random.key(seed)
    k1, k2, k3, k4, k5, k6 = jax.random.split(key, 6)
    x = jax.random.normal(k1, (N, D), dtype=jnp.float32)
    V_idx = jax.random.randint(k2, (NNZ,), 0, N)
    E_idx = jnp.sort(jax.random.randint(k3, (NNZ,), 0, NE))
    edge_ids = jax.random.randint(k4, (NE,), 0, NET)
    # learned params: node_proj (Linear(D, R, bias=False) -> weight [R, D]) and edge_factors [NET, R]
    W_node = jax.random.normal(k5, (R, D), dtype=jnp.float32) * 0.05
    edge_factors = jax.random.normal(k6, (NET, R), dtype=jnp.float32)
    return {"x": x, "V_idx": V_idx, "E_idx": E_idx, "edge_ids": edge_ids,
            "W_node": W_node, "edge_factors": edge_factors}


def reference(x, V_idx, E_idx, edge_ids, W_node, edge_factors):
    # is_test=True path (deterministic top-k selection), keep_ratio=0.5
    keep_ratio = 0.5
    num_edges = edge_ids.shape[0]
    node_r = x @ W_node.T                                   # [N, R]
    eids = jnp.take(edge_ids, E_idx, axis=0)                # [NNZ]
    logits = jnp.sum(jnp.take(node_r, V_idx, axis=0) *
                     jnp.take(edge_factors, eids, axis=0), axis=-1)
    scores = jax.nn.sigmoid(logits)                         # [NNZ]
    nnz = scores.shape[0]
    k = max(1, int(keep_ratio * nnz))
    _, keep_ids = jax.lax.top_k(scores, k)
    hard = jnp.zeros_like(scores).at[keep_ids].set(1.0)
    soft = hard + (scores - jax.lax.stop_gradient(scores)) * hard
    edge_probs = reduce_incidence_to_edge(jax.lax.stop_gradient(scores), E_idx, num_edges)
    edge_soft = reduce_incidence_to_edge(soft, E_idx, num_edges)
    edge_hard = (reduce_incidence_to_edge(hard, E_idx, num_edges) > 0).astype(jnp.float32)
    return (scores, soft, hard, edge_probs, edge_soft, edge_hard)

if __name__ == "__main__":
    import jax
    _d = setup_inputs()
    print(jax.jit(kernel)(*tuple(_d.values())))

</pallas_src>

<mosaic_0001>
#map = affine_map<(d0, d1) -> (0, 0)>
#map1 = affine_map<(d0, d1) -> (0)>
module attributes {stable_mosaic.version = 14 : i64} {
  func.func @_scores_body(%arg0: i32, %arg1: i32, %arg2: memref<10000x16xf32, #tpu.memory_space<hbm>>, %arg3: memref<320000xi32, #tpu.memory_space<hbm>>, %arg4: memref<320000xi32, #tpu.memory_space<hbm>>, %arg5: memref<20000xi32, #tpu.memory_space<hbm>>, %arg6: memref<50000x16xf32, #tpu.memory_space<hbm>>, %arg7: memref<320000xf32, #tpu.memory_space<hbm>>, %arg8: memref<32x512xi32, #tpu.memory_space<hbm>>, %arg9: memref<20000xi32, #tpu.memory_space<vmem>>, %arg10: memref<2000xi32, #tpu.memory_space<vmem>>, %arg11: memref<2000xi32, #tpu.memory_space<vmem>>, %arg12: memref<2000xi32, #tpu.memory_space<vmem>>, %arg13: memref<2000x16xf32, #tpu.memory_space<vmem>>, %arg14: memref<2000x16xf32, #tpu.memory_space<vmem>>, %arg15: memref<2000xf32, #tpu.memory_space<vmem>>, %arg16: memref<512x16xi32, #tpu.memory_space<vmem>>, %arg17: memref<512xi32, #tpu.memory_space<vmem>>, %arg18: memref<!tpu.dma_semaphore, #tpu.memory_space<semaphore_mem>>) attributes {dimension_semantics = [#tpu.dimension_semantics<core_parallel>, #tpu.dimension_semantics<subcore_parallel>], iteration_bounds = array<i64: 2, 16>, scalar_prefetch = 0 : i64, scratch_operands = 10 : i64, tpu.core_type = #tpu.core_type<sc_vector_subcore>, window_params = [{transform_indices = #map}, {transform_indices = #map1}, {transform_indices = #map1}, {transform_indices = #map1}, {transform_indices = #map}, {transform_indices = #map1}, {transform_indices = #map}]} {
    %mul3A = arith.constant 2 : i32
    %mul3A_0 = arith.muli %arg1, %mul3A : i32
    %add3A = arith.addi %mul3A_0, %arg0 : i32
    %mul3A_1 = arith.constant 10000 : i32
    %mul3A_2 = arith.muli %add3A, %mul3A_1 : i32
    %iota3A = tpu.iota {dimensions = array<i32: 0>} : vector<16xi32>
    %broadcast_in_dim3A = arith.constant 1 : i32
    %broadcast_in_dim3A_3 = vector.broadcast %broadcast_in_dim3A : i32 to vector<16xi32>
    "tpu.region"() ({
      %run_scoped3A = tpu.sem_alloc : memref<!tpu.dma_semaphore, #tpu.memory_space<semaphore_mem>>
      tpu.enqueue_dma source(%arg5 : memref<20000xi32, #tpu.memory_space<hbm>>) target(%arg9 : memref<20000xi32, #tpu.memory_space<vmem>>) target_semaphore(%run_scoped3A : memref<!tpu.dma_semaphore, #tpu.memory_space<semaphore_mem>>)
      tpu.wait_dma2 semaphore(%run_scoped3A : memref<!tpu.dma_semaphore, #tpu.memory_space<semaphore_mem>>) src(%arg5 : memref<20000xi32, #tpu.memory_space<hbm>>) dst(%arg9 : memref<20000xi32, #tpu.memory_space<vmem>>)
      tpu.yield
    }) : () -> ()
    %scan3A = arith.constant 0 : i32
    %scan3A_4 = arith.constant 0 : i32
    %scan3A_5 = arith.constant 512 : i32
    %scan3A_6 = arith.addi %scan3A_4, %scan3A_5 : i32
    %scan3A_7 = arith.constant 1 : i32
    %scan3A_8 = scf.for %scan3A_24 = %scan3A_4 to %scan3A_6 step %scan3A_7 iter_args(%scan3A_25 = %scan3A) -> (i32)  : i32 {
      %broadcast_in_dim3A_26 = arith.constant 0 : i32
      %broadcast_in_dim3A_27 = vector.broadcast %broadcast_in_dim3A_26 : i32 to vector<16xi32>
      %swap3A = arith.index_cast %scan3A_24 : i32 to index
      %swap3A_28 = arith.constant 0 : index
      %swap3A_29 = tpu.vector_load %arg16[%swap3A, %swap3A_28] {strides = array<i32>} : memref<512x16xi32, #tpu.memory_space<vmem>>, vector<16xi32>,
      tpu.vector_store %arg16[%swap3A, %swap3A_28], %broadcast_in_dim3A_27 {strides = array<i32>} : memref<512x16xi32, #tpu.memory_space<vmem>>, vector<16xi32>,
      %scan3A_30 = arith.constant 0 : i32
      scf.yield %scan3A_30 : i32
    }
    %scan3A_9 = arith.constant 512 : i32
    %scan3A_10 = arith.constant 0 : i32
    %scan3A_11 = arith.constant 0 : i32
    %scan3A_12 = arith.constant 5 : i32
    %scan3A_13 = arith.addi %scan3A_11, %scan3A_12 : i32
    %scan3A_14 = arith.constant 1 : i32
    %scan3A_15 = scf.for %scan3A_24 = %scan3A_11 to %scan3A_13 step %scan3A_14 iter_args(%scan3A_25 = %scan3A_10) -> (i32)  : i32 {
      %mul3A_26 = arith.constant 2000 : i32
      %mul3A_27 = arith.muli %scan3A_24, %mul3A_26 : i32
      %add3A_28 = arith.addi %mul3A_2, %mul3A_27 : i32
      "tpu.region"() ({
        %run_scoped3A = tpu.sem_alloc : memref<!tpu.dma_semaphore, #tpu.memory_space<semaphore_mem>>
        %dma_start3A_554 = tpu.memref_slice %arg3[%add3A_28] : memref<320000xi32, #tpu.memory_space<hbm>> -> memref<2000xi32, #tpu.memory_space<hbm>>
        %dma_start3A_555 = tpu.memref_slice %arg3[%add3A_28] : memref<320000xi32, #tpu.memory_space<hbm>> -> memref<2000xi32, #tpu.memory_space<hbm>>
        tpu.enqueue_dma source(%dma_start3A_555 : memref<2000xi32, #tpu.memory_space<hbm>>) target(%arg10 : memref<2000xi32, #tpu.memory_space<vmem>>) target_semaphore(%run_scoped3A : memref<!tpu.dma_semaphore, #tpu.memory_space<semaphore_mem>>)
        %dma_wait3A_556 = tpu.memref_slice %arg3[%add3A_28] : memref<320000xi32, #tpu.memory_space<hbm>> -> memref<2000xi32, #tpu.memory_space<hbm>>
        %dma_wait3A_557 = tpu.memref_slice %arg3[%add3A_28] : memref<320000xi32, #tpu.memory_space<hbm>> -> memref<2000xi32, #tpu.memory_space<hbm>>
        tpu.wait_dma2 semaphore(%run_scoped3A : memref<!tpu.dma_semaphore, #tpu.memory_space<semaphore_mem>>) src(%dma_wait3A_557 : memref<2000xi32, #tpu.memory_space<hbm>>) dst(%arg10 : memref<2000xi32, #tpu.memory_space<vmem>>)
        tpu.yield
      }) : () -> ()
      "tpu.region"() ({
        %run_scoped3A = tpu.sem_alloc : memref<!tpu.dma_semaphore, #tpu.memory_space<semaphore_mem>>
        %dma_start3A_554 = tpu.memref_slice %arg4[%add3A_28] : memref<320000xi32, #tpu.memory_space<hbm>> -> memref<2000xi32, #tpu.memory_space<hbm>>
        %dma_start3A_555 = tpu.memref_slice %arg4[%add3A_28] : memref<320000xi32, #tpu.memory_space<hbm>> -> memref<2000xi32, #tpu.memory_space<hbm>>
        tpu.enqueue_dma source(%dma_start3A_555 : memref<2000xi32, #tpu.memory_space<hbm>>) target(%arg11 : memref<2000xi32, #tpu.memory_space<vmem>>) target_semaphore(%run_scoped3A : memref<!tpu.dma_semaphore, #tpu.memory_space<semaphore_mem>>)
        %dma_wait3A_556 = tpu.memref_slice %arg4[%add3A_28] : memref<320000xi32, #tpu.memory_space<hbm>> -> memref<2000xi32, #tpu.memory_space<hbm>>
        %dma_wait3A_557 = tpu.memref_slice %arg4[%add3A_28] : memref<320000xi32, #tpu.memory_space<hbm>> -> memref<2000xi32, #tpu.memory_space<hbm>>
        tpu.wait_dma2 semaphore(%run_scoped3A : memref<!tpu.dma_semaphore, #tpu.memory_space<semaphore_mem>>) src(%dma_wait3A_557 : memref<2000xi32, #tpu.memory_space<hbm>>) dst(%arg11 : memref<2000xi32, #tpu.memory_space<vmem>>)
        tpu.yield
      }) : () -> ()
      %scan3A_29 = arith.constant 0 : i32
      %scan3A_30 = arith.constant 0 : i32
      %scan3A_31 = arith.constant 125 : i32
      %scan3A_32 = arith.addi %scan3A_30, %scan3A_31 : i32
      %scan3A_33 = arith.constant 1 : i32
      %scan3A_34 = scf.for %scan3A_554 = %scan3A_30 to %scan3A_32 step %scan3A_33 iter_args(%scan3A_555 = %scan3A_29) -> (i32)  : i32 {
        %mul3A_556 = arith.constant 16 : i32
        %mul3A_557 = arith.muli %scan3A_554, %mul3A_556 : i32
        %get3A = arith.index_cast %mul3A_557 : i32 to index
        %get3A_558 = tpu.vector_load %arg11[%get3A] {strides = array<i32>} : memref<2000xi32, #tpu.memory_space<vmem>>, vector<16xi32>,
        %gather3A = tpu.vector_load_idx %arg9[%get3A_558] : memref<20000xi32, #tpu.memory_space<vmem>>[vector<16xi32>], vector<16xi32>,
        %mul3A_559 = arith.constant 16 : i32
        %mul3A_560 = arith.muli %scan3A_554, %mul3A_559 : i32
        %swap3A = arith.index_cast %mul3A_560 : i32 to index
        %swap3A_561 = tpu.vector_load %arg12[%swap3A] {strides = array<i32>} : memref<2000xi32, #tpu.memory_space<vmem>>, vector<16xi32>,
        tpu.vector_store %arg12[%swap3A], %gather3A {strides = array<i32>} : memref<2000xi32, #tpu.memory_space<vmem>>, vector<16xi32>,
        %scan3A_562 = arith.constant 0 : i32
        scf.yield %scan3A_562 : i32
      }
      %scan3A_35 = arith.constant 125 : i32
      %dma_start3A = arith.constant 0 : i32
      %dma_start3A_36 = arith.constant 0 : i32
      %dma_start3A_37 = tpu.memref_slice %arg13[%dma_start3A, %dma_start3A_36] : memref<2000x16xf32, #tpu.memory_space<vmem>> -> memref<128x16xf32, #tpu.memory_space<vmem>>
      %dma_start3A_38 = arith.constant 0 : i32
      %dma_start3A_39 = tpu.memref_slice %arg10[%dma_start3A_38] : memref<2000xi32, #tpu.memory_space<vmem>> -> memref<128xi32, #tpu.memory_space<vmem>>
      %dma_start3A_40 = arith.constant 0 : i32
      %dma_start3A_41 = arith.constant 0 : i32
      %dma_start3A_42 = tpu.memref_slice %arg2[%dma_start3A_40, %dma_start3A_41] : memref<10000x16xf32, #tpu.memory_space<hbm>> -> memref<10000x16xf32, #tpu.memory_space<hbm>>
      tpu.enqueue_indirect_dma source(%dma_start3A_42 : memref<10000x16xf32, #tpu.memory_space<hbm>>) target(%dma_start3A_37 : memref<128x16xf32, #tpu.memory_space<vmem>>) offsets(%dma_start3A_39 : memref<128xi32, #tpu.memory_space<vmem>>) semaphore(%arg18 : memref<!tpu.dma_semaphore, #tpu.memory_space<semaphore_mem>>)
      %dma_start3A_43 = arith.constant 0 : i32
      %dma_start3A_44 = arith.constant 0 : i32
      %dma_start3A_45 = tpu.memref_slice %arg14[%dma_start3A_43, %dma_start3A_44] : memref<2000x16xf32, #tpu.memory_space<vmem>> -> memref<128x16xf32, #tpu.memory_space<vmem>>
      %dma_start3A_46 = arith.constant 0 : i32
      %dma_start3A_47 = tpu.memref_slice %arg12[%dma_start3A_46] : memref<2000xi32, #tpu.memory_space<vmem>> -> memref<128xi32, #tpu.memory_space<vmem>>
      %dma_start3A_48 = arith.constant 0 : i32
      %dma_start3A_49 = arith.constant 0 : i32
      %dma_start3A_50 = tpu.memref_slice %arg6[%dma_start3A_48, %dma_start3A_49] : memref<50000x16xf32, #tpu.memory_space<hbm>> -> memref<50000x16xf32, #tpu.memory_space<hbm>>
      tpu.enqueue_indirect_dma source(%dma_start3A_50 : memref<50000x16xf32, #tpu.memory_space<hbm>>) target(%dma_start3A_45 : memref<128x16xf32, #tpu.memory_space<vmem>>) offsets(%dma_start3A_47 : memref<128xi32, #tpu.memory_space<vmem>>) semaphore(%arg18 : memref<!tpu.dma_semaphore, #tpu.memory_space<semaphore_mem>>)
      %dma_start3A_51 = arith.constant 128 : i32
      %dma_start3A_52 = arith.constant 0 : i32
      %dma_start3A_53 = tpu.memref_slice %arg13[%dma_start3A_51, %dma_start3A_52] : memref<2000x16xf32, #tpu.memory_space<vmem>> -> memref<128x16xf32, #tpu.memory_space<vmem>>
      %dma_start3A_54 = arith.constant 128 : i32
      %dma_start3A_55 = tpu.memref_slice %arg10[%dma_start3A_54] : memref<2000xi32, #tpu.memory_space<vmem>> -> memref<128xi32, #tpu.memory_space<vmem>>
      %dma_start3A_56 = arith.constant 0 : i32
      %dma_start3A_57 = arith.constant 0 : i32
      %dma_start3A_58 = tpu.memref_slice %arg2[%dma_start3A_56, %dma_start3A_57] : memref<10000x16xf32, #tpu.memory_space<hbm>> -> memref<10000x16xf32, #tpu.memory_space<hbm>>
      tpu.enqueue_indirect_dma source(%dma_start3A_58 : memref<10000x16xf32, #tpu.memory_space<hbm>>) target(%dma_start3A_53 : memref<128x16xf32, #tpu.memory_space<vmem>>) offsets(%dma_start3A_55 : memref<128xi32, #tpu.memory_space<vmem>>) semaphore(%arg18 : memref<!tpu.dma_semaphore, #tpu.memory_space<semaphore_mem>>)
      %dma_start3A_59 = arith.constant 128 : i32
      %dma_start3A_60 = arith.constant 0 : i32
      %dma_start3A_61 = tpu.memref_slice %arg14[%dma_start3A_59, %dma_start3A_60] : memref<2000x16xf32, #tpu.memory_space<vmem>> -> memref<128x16xf32, #tpu.memory_space<vmem>>
      %dma_start3A_62 = arith.constant 128 : i32
      %dma_start3A_63 = tpu.memref_slice %arg12[%dma_start3A_62] : memref<2000xi32, #tpu.memory_space<vmem>> -> memref<128xi32, #tpu.memory_space<vmem>>
      %dma_start3A_64 = arith.constant 0 : i32
      %dma_start3A_65 = arith.constant 0 : i32
      %dma_start3A_66 = tpu.memref_slice %arg6[%dma_start3A_64, %dma_start3A_65] : memref<50000x16xf32, #tpu.memory_space<hbm>> -> memref<50000x16xf32, #tpu.memory_space<hbm>>
      tpu.enqueue_indirect_dma source(%dma_start3A_66 : memref<50000x16xf32, #tpu.memory_space<hbm>>) target(%dma_start3A_61 : memref<128x16xf32, #tpu.memory_space<vmem>>) offsets(%dma_start3A_63 : memref<128xi32, #tpu.memory_space<vmem>>) semaphore(%arg18 : memref<!tpu.dma_semaphore, #tpu.memory_space<semaphore_mem>>)
      %dma_start3A_67 = arith.constant 256 : i32
      %dma_start3A_68 = arith.constant 0 : i32
      %dma_start3A_69 = tpu.memref_slice %arg13[%dma_start3A_67, %dma_start3A_68] : memref<2000x16xf32, #tpu.memory_space<vmem>> -> memref<128x16xf32, #tpu.memory_space<vmem>>
      %dma_start3A_70 = arith.constant 256 : i32
      %dma_start3A_71 = tpu.memref_slice %arg10[%dma_start3A_70] : memref<2000xi32, #tpu.memory_space<vmem>> -> memref<128xi32, #tpu.memory_space<vmem>>
      %dma_start3A_72 = arith.constant 0 : i32
      %dma_start3A_73 = arith.constant 0 : i32
      %dma_start3A_74 = tpu.memref_slice %arg2[%dma_start3A_72, %dma_start3A_73] : memref<10000x16xf32, #tpu.memory_space<hbm>> -> memref<10000x16xf32, #tpu.memory_space<hbm>>
      tpu.enqueue_indirect_dma source(%dma_start3A_74 : memref<10000x16xf32, #tpu.memory_space<hbm>>) target(%dma_start3A_69 : memref<128x16xf32, #tpu.memory_space<vmem>>) offsets(%dma_start3A_71 : memref<128xi32, #tpu.memory_space<vmem>>) semaphore(%arg18 : memref<!tpu.dma_semaphore, #tpu.memory_space<semaphore_mem>>)
      %dma_start3A_75 = arith.constant 256 : i32
      %dma_start3A_76 = arith.constant 0 : i32
      %dma_start3A_77 = tpu.memref_slice %arg14[%dma_start3A_75, %dma_start3A_76] : memref<2000x16xf32, #tpu.memory_space<vmem>> -> memref<128x16xf32, #tpu.memory_space<vmem>>
      %dma_start3A_78 = arith.constant 256 : i32
      %dma_start3A_79 = tpu.memref_slice %arg12[%dma_start3A_78] : memref<2000xi32, #tpu.memory_space<vmem>> -> memref<128xi32, #tpu.memory_space<vmem>>
      %dma_start3A_80 = arith.constant 0 : i32
      %dma_start3A_81 = arith.constant 0 : i32
      %dma_start3A_82 = tpu.memref_slice %arg6[%dma_start3A_80, %dma_start3A_81] : memref<50000x16xf32, #tpu.memory_space<hbm>> -> memref<50000x16xf32, #tpu.memory_space<hbm>>
      tpu.enqueue_indirect_dma source(%dma_start3A_82 : memref<50000x16xf32, #tpu.memory_space<hbm>>) target(%dma_start3A_77 : memref<128x16xf32, #tpu.memory_space<vmem>>) offsets(%dma_start3A_79 : memref<128xi32, #tpu.memory_space<vmem>>) semaphore(%arg18 : memref<!tpu.dma_semaphore, #tpu.memory_space<semaphore_mem>>)
      %dma_start3A_83 = arith.constant 384 : i32
      %dma_start3A_84 = arith.constant 0 : i32
      %dma_start3A_85 = tpu.memref_slice %arg13[%dma_start3A_83, %dma_start3A_84] : memref<2000x16xf32, #tpu.memory_space<vmem>> -> memref<128x16xf32, #tpu.memory_space<vmem>>
      %dma_start3A_86 = arith.constant 384 : i32
      %dma_start3A_87 = tpu.memref_slice %arg10[%dma_start3A_86] : memref<2000xi32, #tpu.memory_space<vmem>> -> memref<128xi32, #tpu.memory_space<vmem>>
      %dma_start3A_88 = arith.constant 0 : i32
      %dma_start3A_89 = arith.constant 0 : i32
      %dma_start3A_90 = tpu.memref_slice %arg2[%dma_start3A_88, %dma_start3A_89] : memref<10000x16xf32, #tpu.memory_space<hbm>> -> memref<10000x16xf32, #tpu.memory_space<hbm>>
      tpu.enqueue_indirect_dma source(%dma_start3A_90 : memref<10000x16xf32, #tpu.memory_space<hbm>>) target(%dma_start3A_85 : memref<128x16xf32, #tpu.memory_space<vmem>>) offsets(%dma_start3A_87 : memref<128xi32, #tpu.memory_space<vmem>>) semaphore(%arg18 : memref<!tpu.dma_semaphore, #tpu.memory_space<semaphore_mem>>)
      %dma_start3A_91 = arith.constant 384 : i32
      %dma_start3A_92 = arith.constant 0 : i32
      %dma_start3A_93 = tpu.memref_slice %arg14[%dma_start3A_91, %dma_start3A_92] : memref<2000x16xf32, #tpu.memory_space<vmem>> -> memref<128x16xf32, #tpu.memory_space<vmem>>
      %dma_start3A_94 = arith.constant 384 : i32
      %dma_start3A_95 = tpu.memref_slice %arg12[%dma_start3A_94] : memref<2000xi32, #tpu.memory_space<vmem>> -> memref<128xi32, #tpu.memory_space<vmem>>
      %dma_start3A_96 = arith.constant 0 : i32
      %dma_start3A_97 = arith.constant 0 : i32
      %dma_start3A_98 = tpu.memref_slice %arg6[%dma_start3A_96, %dma_start3A_97] : memref<50000x16xf32, #tpu.memory_space<hbm>> -> memref<50000x16xf32, #tpu.memory_space<hbm>>
      tpu.enqueue_indirect_dma source(%dma_start3A_98 : memref<50000x16xf32, #tpu.memory_space<hbm>>) target(%dma_start3A_93 : memref<128x16xf32, #tpu.memory_space<vmem>>) offsets(%dma_start3A_95 : memref<128xi32, #tpu.memory_space<vmem>>) semaphore(%arg18 : memref<!tpu.dma_semaphore, #tpu.memory_space<semaphore_mem>>)
      %dma_wait3A = arith.constant 0 : i32
      %dma_wait3A_99 = arith.constant 0 : i32
      %dma_wait3A_100 = tpu.memref_slice %arg13[%dma_wait3A, %dma_wait3A_99] : memref<2000x16xf32, #tpu.memory_space<vmem>> -> memref<128x16xf32, #tpu.memory_space<vmem>>
      %dma_wait3A_101 = arith.constant 0 : i32
      %dma_wait3A_102 = tpu.memref_slice %arg10[%dma_wait3A_101] : memref<2000xi32, #tpu.memory_space<vmem>> -> memref<128xi32, #tpu.memory_space<vmem>>
      %dma_wait3A_103 = arith.constant 0 : i32
      %dma_wait3A_104 = arith.constant 0 : i32
      %dma_wait3A_105 = tpu.memref_slice %arg2[%dma_wait3A_103, %dma_wait3A_104] : memref<10000x16xf32, #tpu.memory_space<hbm>> -> memref<10000x16xf32, #tpu.memory_space<hbm>>
      tpu.wait_indirect_dma semaphore(%arg18 : memref<!tpu.dma_semaphore, #tpu.memory_space<semaphore_mem>>) src(%dma_wait3A_105 : memref<10000x16xf32, #tpu.memory_space<hbm>>) dst(%dma_wait3A_100 : memref<128x16xf32, #tpu.memory_space<vmem>>)
      %dma_wait3A_106 = arith.constant 0 : i32
      %dma_wait3A_107 = arith.constant 0 : i32
      %dma_wait3A_108 = tpu.memref_slice %arg14[%dma_wait3A_106, %dma_wait3A_107] : memref<2000x16xf32, #tpu.memory_space<vmem>> -> memref<128x16xf32, #tpu.memory_space<vmem>>
      %dma_wait3A_109 = arith.constant 0 : i32
      %dma_wait3A_110 = tpu.memref_slice %arg12[%dma_wait3A_109] : memref<2000xi32, #tpu.memory_space<vmem>> -> memref<128xi32, #tpu.memory_space<vmem>>
      %dma_wait3A_111 = arith.constant 0 : i32
      %dma_wait3A_112 = arith.constant 0 : i32
      %dma_wait3A_113 = tpu.memref_slice %arg6[%dma_wait3A_111, %dma_wait3A_112] : memref<50000x16xf32, #tpu.memory_space<hbm>> -> memref<50000x16xf32, #tpu.memory_space<hbm>>
      tpu.wait_indirect_dma semaphore(%arg18 : memref<!tpu.dma_semaphore, #tpu.memory_space<semaphore_mem>>) src(%dma_wait3A_113 : memref<50000x16xf32, #tpu.memory_space<hbm>>) dst(%dma_wait3A_108 : memref<128x16xf32, #tpu.memory_space<vmem>>)
      %dma_wait3A_114 = arith.constant 128 : i32
      %dma_wait3A_115 = arith.constant 0 : i32
      %dma_wait3A_116 = tpu.memref_slice %arg13[%dma_wait3A_114, %dma_wait3A_115] : memref<2000x16xf32, #tpu.memory_space<vmem>> -> memref<128x16xf32, #tpu.memory_space<vmem>>
      %dma_wait3A_117 = arith.constant 128 : i32
      %dma_wait3A_118 = tpu.memref_slice %arg10[%dma_wait3A_117] : memref<2000xi32, #tpu.memory_space<vmem>> -> memref<128xi32, #tpu.memory_space<vmem>>
      %dma_wait3A_119 = arith.constant 0 : i32
      %dma_wait3A_120 = arith.constant 0 : i32
      %dma_wait3A_121 = tpu.memref_slice %arg2[%dma_wait3A_119, %dma_wait3A_120] : memref<10000x16xf32, #tpu.memory_space<hbm>> -> memref<10000x16xf32, #tpu.memory_space<hbm>>
      tpu.wait_indirect_dma semaphore(%arg18 : memref<!tpu.dma_semaphore, #tpu.memory_space<semaphore_mem>>) src(%dma_wait3A_121 : memref<10000x16xf32, #tpu.memory_space<hbm>>) dst(%dma_wait3A_116 : memref<128x16xf32, #tpu.memory_space<vmem>>)
      %dma_wait3A_122 = arith.constant 128 : i32
      %dma_wait3A_123 = arith.constant 0 : i32
      %dma_wait3A_124 = tpu.memref_slice %arg14[%dma_wait3A_122, %dma_wait3A_123] : memref<2000x16xf32, #tpu.memory_space<vmem>> -> memref<128x16xf32, #tpu.memory_space<vmem>>
      %dma_wait3A_125 = arith.constant 128 : i32
      %dma_wait3A_126 = tpu.memref_slice %arg12[%dma_wait3A_125] : memref<2000xi32, #tpu.memory_space<vmem>> -> memref<128xi32, #tpu.memory_space<vmem>>
      %dma_wait3A_127 = arith.constant 0 : i32
      %dma_wait3A_128 = arith.constant 0 : i32
      %dma_wait3A_129 = tpu.memref_slice %arg6[%dma_wait3A_127, %dma_wait3A_128] : memref<50000x16xf32, #tpu.memory_space<hbm>> -> memref<50000x16xf32, #tpu.memory_space<hbm>>
      tpu.wait_indirect_dma semaphore(%arg18 : memref<!tpu.dma_semaphore, #tpu.memory_space<semaphore_mem>>) src(%dma_wait3A_129 : memref<50000x16xf32, #tpu.memory_space<hbm>>) dst(%dma_wait3A_124 : memref<128x16xf32, #tpu.memory_space<vmem>>)
      %dma_wait3A_130 = arith.constant 256 : i32
      %dma_wait3A_131 = arith.constant 0 : i32
      %dma_wait3A_132 = tpu.memref_slice %arg13[%dma_wait3A_130, %dma_wait3A_131] : memref<2000x16xf32, #tpu.memory_space<vmem>> -> memref<128x16xf32, #tpu.memory_space<vmem>>
      %dma_wait3A_133 = arith.constant 256 : i32
      %dma_wait3A_134 = tpu.memref_slice %arg10[%dma_wait3A_133] : memref<2000xi32, #tpu.memory_space<vmem>> -> memref<128xi32, #tpu.memory_space<vmem>>
      %dma_wait3A_135 = arith.constant 0 : i32
      %dma_wait3A_136 = arith.constant 0 : i32
      %dma_wait3A_137 = tpu.memref_slice %arg2[%dma_wait3A_135, %dma_wait3A_136] : memref<10000x16xf32, #tpu.memory_space<hbm>> -> memref<10000x16xf32, #tpu.memory_space<hbm>>
      tpu.wait_indirect_dma semaphore(%arg18 : memref<!tpu.dma_semaphore, #tpu.memory_space<semaphore_mem>>) src(%dma_wait3A_137 : memref<10000x16xf32, #tpu.memory_space<hbm>>) dst(%dma_wait3A_132 : memref<128x16xf32, #tpu.memory_space<vmem>>)
      %dma_wait3A_138 = arith.constant 256 : i32
      %dma_wait3A_139 = arith.constant 0 : i32
      %dma_wait3A_140 = tpu.memref_slice %arg14[%dma_wait3A_138, %dma_wait3A_139] : memref<2000x16xf32, #tpu.memory_space<vmem>> -> memref<128x16xf32, #tpu.memory_space<vmem>>
      %dma_wait3A_141 = arith.constant 256 : i32
      %dma_wait3A_142 = tpu.memref_slice %arg12[%dma_wait3A_141] : memref<2000xi32, #tpu.memory_space<vmem>> -> memref<128xi32, #tpu.memory_space<vmem>>
      %dma_wait3A_143 = arith.constant 0 : i32
      %dma_wait3A_144 = arith.constant 0 : i32
      %dma_wait3A_145 = tpu.memref_slice %arg6[%dma_wait3A_143, %dma_wait3A_144] : memref<50000x16xf32, #tpu.memory_space<hbm>> -> memref<50000x16xf32, #tpu.memory_space<hbm>>
      tpu.wait_indirect_dma semaphore(%arg18 : memref<!tpu.dma_semaphore, #tpu.memory_space<semaphore_mem>>) src(%dma_wait3A_145 : memref<50000x16xf32, #tpu.memory_space<hbm>>) dst(%dma_wait3A_140 : memref<128x16xf32, #tpu.memory_space<vmem>>)
      %dma_wait3A_146 = arith.constant 384 : i32
      %dma_wait3A_147 = arith.constant 0 : i32
      %dma_wait3A_148 = tpu.memref_slice %arg13[%dma_wait3A_146, %dma_wait3A_147] : memref<2000x16xf32, #tpu.memory_space<vmem>> -> memref<128x16xf32, #tpu.memory_space<vmem>>
      %dma_wait3A_149 = arith.constant 384 : i32
      %dma_wait3A_150 = tpu.memref_slice %arg10[%dma_wait3A_149] : memref<2000xi32, #tpu.memory_space<vmem>> -> memref<128xi32, #tpu.memory_space<vmem>>
      %dma_wait3A_151 = arith.constant 0 : i32
      %dma_wait3A_152 = arith.constant 0 : i32
      %dma_wait3A_153 = tpu.memref_slice %arg2[%dma_wait3A_151, %dma_wait3A_152] : memref<10000x16xf32, #tpu.memory_space<hbm>> -> memref<10000x16xf32, #tpu.memory_space<hbm>>
      tpu.wait_indirect_dma semaphore(%arg18 : memref<!tpu.dma_semaphore, #tpu.memory_space<semaphore_mem>>) src(%dma_wait3A_153 : memref<10000x16xf32, #tpu.memory_space<hbm>>) dst(%dma_wait3A_148 : memref<128x16xf32, #tpu.memory_space<vmem>>)
      %dma_wait3A_154 = arith.constant 384 : i32
      %dma_wait3A_155 = arith.constant 0 : i32
      %dma_wait3A_156 = tpu.memref_slice %arg14[%dma_wait3A_154, %dma_wait3A_155] : memref<2000x16xf32, #tpu.memory_space<vmem>> -> memref<128x16xf32, #tpu.memory_space<vmem>>
      %dma_wait3A_157 = arith.constant 384 : i32
      %dma_wait3A_158 = tpu.memref_slice %arg12[%dma_wait3A_157] : memref<2000xi32, #tpu.memory_space<vmem>> -> memref<128xi32, #tpu.memory_space<vmem>>
      %dma_wait3A_159 = arith.constant 0 : i32
      %dma_wait3A_160 = arith.constant 0 : i32
      %dma_wait3A_161 = tpu.memref_slice %arg6[%dma_wait3A_159, %dma_wait3A_160] : memref<50000x16xf32, #tpu.memory_space<hbm>> -> memref<50000x16xf32, #tpu.memory_space<hbm>>
      tpu.wait_indirect_dma semaphore(%arg18 : memref<!tpu.dma_semaphore, #tpu.memory_space<semaphore_mem>>) src(%dma_wait3A_161 : memref<50000x16xf32, #tpu.memory_space<hbm>>) dst(%dma_wait3A_156 : memref<128x16xf32, #tpu.memory_space<vmem>>)
      %dma_start3A_162 = arith.constant 512 : i32
      %dma_start3A_163 = arith.constant 0 : i32
      %dma_start3A_164 = tpu.memref_slice %arg13[%dma_start3A_162, %dma_start3A_163] : memref<2000x16xf32, #tpu.memory_space<vmem>> -> memref<128x16xf32, #tpu.memory_space<vmem>>
      %dma_start3A_165 = arith.constant 512 : i32
      %dma_start3A_166 = tpu.memref_slice %arg10[%dma_start3A_165] : memref<2000xi32, #tpu.memory_space<vmem>> -> memref<128xi32, #tpu.memory_space<vmem>>
      %dma_start3A_167 = arith.constant 0 : i32
      %dma_start3A_168 = arith.constant 0 : i32
      %dma_start3A_169 = tpu.memref_slice %arg2[%dma_start3A_167, %dma_start3A_168] : memref<10000x16xf32, #tpu.memory_space<hbm>> -> memref<10000x16xf32, #tpu.memory_space<hbm>>
      tpu.enqueue_indirect_dma source(%dma_start3A_169 : memref<10000x16xf32, #tpu.memory_space<hbm>>) target(%dma_start3A_164 : memref<128x16xf32, #tpu.memory_space<vmem>>) offsets(%dma_start3A_166 : memref<128xi32, #tpu.memory_space<vmem>>) semaphore(%arg18 : memref<!tpu.dma_semaphore, #tpu.memory_space<semaphore_mem>>)
      %dma_start3A_170 = arith.constant 512 : i32
      %dma_start3A_171 = arith.constant 0 : i32
      %dma_start3A_172 = tpu.memref_slice %arg14[%dma_start3A_170, %dma_start3A_171] : memref<2000x16xf32, #tpu.memory_space<vmem>> -> memref<128x16xf32, #tpu.memory_space<vmem>>
      %dma_start3A_173 = arith.constant 512 : i32
      %dma_start3A_174 = tpu.memref_slice %arg12[%dma_start3A_173] : memref<2000xi32, #tpu.memory_space<vmem>> -> memref<128xi32, #tpu.memory_space<vmem>>
      %dma_start3A_175 = arith.constant 0 : i32
      %dma_start3A_176 = arith.constant 0 : i32
      %dma_start3A_177 = tpu.memref_slice %arg6[%dma_start3A_175, %dma_start3A_176] : memref<50000x16xf32, #tpu.memory_space<hbm>> -> memref<50000x16xf32, #tpu.memory_space<hbm>>
      tpu.enqueue_indirect_dma source(%dma_start3A_177 : memref<50000x16xf32, #tpu.memory_space<hbm>>) target(%dma_start3A_172 : memref<128x16xf32, #tpu.memory_space<vmem>>) offsets(%dma_start3A_174 : memref<128xi32, #tpu.memory_space<vmem>>) semaphore(%arg18 : memref<!tpu.dma_semaphore, #tpu.memory_space<semaphore_mem>>)
      %dma_start3A_178 = arith.constant 640 : i32
      %dma_start3A_179 = arith.constant 0 : i32
      %dma_start3A_180 = tpu.memref_slice %arg13[%dma_start3A_178, %dma_start3A_179] : memref<2000x16xf32, #tpu.memory_space<vmem>> -> memref<128x16xf32, #tpu.memory_space<vmem>>
      %dma_start3A_181 = arith.constant 640 : i32
      %dma_start3A_182 = tpu.memref_slice %arg10[%dma_start3A_181] : memref<2000xi32, #tpu.memory_space<vmem>> -> memref<128xi32, #tpu.memory_space<vmem>>
      %dma_start3A_183 = arith.constant 0 : i32
      %dma_start3A_184 = arith.constant 0 : i32
      %dma_start3A_185 = tpu.memref_slice %arg2[%dma_start3A_183, %dma_start3A_184] : memref<10000x16xf32, #tpu.memory_space<hbm>> -> memref<10000x16xf32, #tpu.memory_space<hbm>>
      tpu.enqueue_indirect_dma source(%dma_start3A_185 : memref<10000x16xf32, #tpu.memory_space<hbm>>) target(%dma_start3A_180 : memref<128x16xf32, #tpu.memory_space<vmem>>) offsets(%dma_start3A_182 : memref<128xi32, #tpu.memory_space<vmem>>) semaphore(%arg18 : memref<!tpu.dma_semaphore, #tpu.memory_space<semaphore_mem>>)
      %dma_start3A_186 = arith.constant 640 : i32
      %dma_start3A_187 = arith.constant 0 : i32
      %dma_start3A_188 = tpu.memref_slice %arg14[%dma_start3A_186, %dma_start3A_187] : memref<2000x16xf32, #tpu.memory_space<vmem>> -> memref<128x16xf32, #tpu.memory_space<vmem>>
      %dma_start3A_189 = arith.constant 640 : i32
      %dma_start3A_190 = tpu.memref_slice %arg12[%dma_start3A_189] : memref<2000xi32, #tpu.memory_space<vmem>> -> memref<128xi32, #tpu.memory_space<vmem>>
      %dma_start3A_191 = arith.constant 0 : i32
      %dma_start3A_192 = arith.constant 0 : i32
      %dma_start3A_193 = tpu.memref_slice %arg6[%dma_start3A_191, %dma_start3A_192] : memref<50000x16xf32, #tpu.memory_space<hbm>> -> memref<50000x16xf32, #tpu.memory_space<hbm>>
      tpu.enqueue_indirect_dma source(%dma_start3A_193 : memref<50000x16xf32, #tpu.memory_space<hbm>>) target(%dma_start3A_188 : memref<128x16xf32, #tpu.memory_space<vmem>>) offsets(%dma_start3A_190 : memref<128xi32, #tpu.memory_space<vmem>>) semaphore(%arg18 : memref<!tpu.dma_semaphore, #tpu.memory_space<semaphore_mem>>)
      %dma_start3A_194 = arith.constant 768 : i32
      %dma_start3A_195 = arith.constant 0 : i32
      %dma_start3A_196 = tpu.memref_slice %arg13[%dma_start3A_194, %dma_start3A_195] : memref<2000x16xf32, #tpu.memory_space<vmem>> -> memref<128x16xf32, #tpu.memory_space<vmem>>
      %dma_start3A_197 = arith.constant 768 : i32
      %dma_start3A_198 = tpu.memref_slice %arg10[%dma_start3A_197] : memref<2000xi32, #tpu.memory_space<vmem>> -> memref<128xi32, #tpu.memory_space<vmem>>
      %dma_start3A_199 = arith.constant 0 : i32
      %dma_start3A_200 = arith.constant 0 : i32
      %dma_start3A_201 = tpu.memref_slice %arg2[%dma_start3A_199, %dma_start3A_200] : memref<10000x16xf32, #tpu.memory_space<hbm>> -> memref<10000x16xf32, #tpu.memory_space<hbm>>
      tpu.enqueue_indirect_dma source(%dma_start3A_201 : memref<10000x16xf32, #tpu.memory_space<hbm>>) target(%dma_start3A_196 : memref<128x16xf32, #tpu.memory_space<vmem>>) offsets(%dma_start3A_198 : memref<128xi32, #tpu.memory_space<vmem>>) semaphore(%arg18 : memref<!tpu.dma_semaphore, #tpu.memory_space<semaphore_mem>>)
      %dma_start3A_202 = arith.constant 768 : i32
      %dma_start3A_203 = arith.constant 0 : i32
      %dma_start3A_204 = tpu.memref_slice %arg14[%dma_start3A_202, %dma_start3A_203] : memref<2000x16xf32, #tpu.memory_space<vmem>> -> memref<128x16xf32, #tpu.memory_space<vmem>>
      %dma_start3A_205 = arith.constant 768 : i32
      %dma_start3A_206 = tpu.memref_slice %arg12[%dma_start3A_205] : memref<2000xi32, #tpu.memory_space<vmem>> -> memref<128xi32, #tpu.memory_space<vmem>>
      %dma_start3A_207 = arith.constant 0 : i32
      %dma_start3A_208 = arith.constant 0 : i32
      %dma_start3A_209 = tpu.memref_slice %arg6[%dma_start3A_207, %dma_start3A_208] : memref<50000x16xf32, #tpu.memory_space<hbm>> -> memref<50000x16xf32, #tpu.memory_space<hbm>>
      tpu.enqueue_indirect_dma source(%dma_start3A_209 : memref<50000x16xf32, #tpu.memory_space<hbm>>) target(%dma_start3A_204 : memref<128x16xf32, #tpu.memory_space<vmem>>) offsets(%dma_start3A_206 : memref<128xi32, #tpu.memory_space<vmem>>) semaphore(%arg18 : memref<!tpu.dma_semaphore, #tpu.memory_space<semaphore_mem>>)
      %dma_start3A_210 = arith.constant 896 : i32
      %dma_start3A_211 = arith.constant 0 : i32
      %dma_start3A_212 = tpu.memref_slice %arg13[%dma_start3A_210, %dma_start3A_211] : memref<2000x16xf32, #tpu.memory_space<vmem>> -> memref<128x16xf32, #tpu.memory_space<vmem>>
      %dma_start3A_213 = arith.constant 896 : i32
      %dma_start3A_214 = tpu.memref_slice %arg10[%dma_start3A_213] : memref<2000xi32, #tpu.memory_space<vmem>> -> memref<128xi32, #tpu.memory_space<vmem>>
      %dma_start3A_215 = arith.constant 0 : i32
      %dma_start3A_216 = arith.constant 0 : i32
      %dma_start3A_217 = tpu.memref_slice %arg2[%dma_start3A_215, %dma_start3A_216] : memref<10000x16xf32, #tpu.memory_space<hbm>> -> memref<10000x16xf32, #tpu.memory_space<hbm>>
      tpu.enqueue_indirect_dma source(%dma_start3A_217 : memref<10000x16xf32, #tpu.memory_space<hbm>>) target(%dma_start3A_212 : memref<128x16xf32, #tpu.memory_space<vmem>>) offsets(%dma_start3A_214 : memref<128xi32, #tpu.memory_space<vmem>>) semaphore(%arg18 : memref<!tpu.dma_semaphore, #tpu.memory_space<semaphore_mem>>)
      %dma_start3A_218 = arith.constant 896 : i32
      %dma_start3A_219 = arith.constant 0 : i32
      %dma_start3A_220 = tpu.memref_slice %arg14[%dma_start3A_218, %dma_start3A_219] : memref<2000x16xf32, #tpu.memory_space<vmem>> -> memref<128x16xf32, #tpu.memory_space<vmem>>
      %dma_start3A_221 = arith.constant 896 : i32
      %dma_start3A_222 = tpu.memref_slice %arg12[%dma_start3A_221] : memref<2000xi32, #tpu.memory_space<vmem>> -> memref<128xi32, #tpu.memory_space<vmem>>
      %dma_start3A_223 = arith.constant 0 : i32
      %dma_start3A_224 = arith.constant 0 : i32
      %dma_start3A_225 = tpu.memref_slice %arg6[%dma_start3A_223, %dma_start3A_224] : memref<50000x16xf32, #tpu.memory_space<hbm>> -> memref<50000x16xf32, #tpu.memory_space<hbm>>
      tpu.enqueue_indirect_dma source(%dma_start3A_225 : memref<50000x16xf32, #tpu.memory_space<hbm>>) target(%dma_start3A_220 : memref<128x16xf32, #tpu.memory_space<vmem>>) offsets(%dma_start3A_222 : memref<128xi32, #tpu.memory_space<vmem>>) semaphore(%arg18 : memref<!tpu.dma_semaphore, #tpu.memory_space<semaphore_mem>>)
      %dma_wait3A_226 = arith.constant 512 : i32
      %dma_wait3A_227 = arith.constant 0 : i32
      %dma_wait3A_228 = tpu.memref_slice %arg13[%dma_wait3A_226, %dma_wait3A_227] : memref<2000x16xf32, #tpu.memory_space<vmem>> -> memref<128x16xf32, #tpu.memory_space<vmem>>
      %dma_wait3A_229 = arith.constant 512 : i32
      %dma_wait3A_230 = tpu.memref_slice %arg10[%dma_wait3A_229] : memref<2000xi32, #tpu.memory_space<vmem>> -> memref<128xi32, #tpu.memory_space<vmem>>
      %dma_wait3A_231 = arith.constant 0 : i32
      %dma_wait3A_232 = arith.constant 0 : i32
      %dma_wait3A_233 = tpu.memref_slice %arg2[%dma_wait3A_231, %dma_wait3A_232] : memref<10000x16xf32, #tpu.memory_space<hbm>> -> memref<10000x16xf32, #tpu.memory_space<hbm>>
      tpu.wait_indirect_dma semaphore(%arg18 : memref<!tpu.dma_semaphore, #tpu.memory_space<semaphore_mem>>) src(%dma_wait3A_233 : memref<10000x16xf32, #tpu.memory_space<hbm>>) dst(%dma_wait3A_228 : memref<128x16xf32, #tpu.memory_space<vmem>>)
      %dma_wait3A_234 = arith.constant 512 : i32
      %dma_wait3A_235 = arith.constant 0 : i32
      %dma_wait3A_236 = tpu.memref_slice %arg14[%dma_wait3A_234, %dma_wait3A_235] : memref<2000x16xf32, #tpu.memory_space<vmem>> -> memref<128x16xf32, #tpu.memory_space<vmem>>
      %dma_wait3A_237 = arith.constant 512 : i32
      %dma_wait3A_238 = tpu.memref_slice %arg12[%dma_wait3A_237] : memref<2000xi32, #tpu.memory_space<vmem>> -> memref<128xi32, #tpu.memory_space<vmem>>
      %dma_wait3A_239 = arith.constant 0 : i32
      %dma_wait3A_240 = arith.constant 0 : i32
      %dma_wait3A_241 = tpu.memref_slice %arg6[%dma_wait3A_239, %dma_wait3A_240] : memref<50000x16xf32, #tpu.memory_space<hbm>> -> memref<50000x16xf32, #tpu.memory_space<hbm>>
      tpu.wait_indirect_dma semaphore(%arg18 : memref<!tpu.dma_semaphore, #tpu.memory_space<semaphore_mem>>) src(%dma_wait3A_241 : memref<50000x16xf32, #tpu.memory_space<hbm>>) dst(%dma_wait3A_236 : memref<128x16xf32, #tpu.memory_space<vmem>>)
      %dma_wait3A_242 = arith.constant 640 : i32
      %dma_wait3A_243 = arith.constant 0 : i32
      %dma_wait3A_244 = tpu.memref_slice %arg13[%dma_wait3A_242, %dma_wait3A_243] : memref<2000x16xf32, #tpu.memory_space<vmem>> -> memref<128x16xf32, #tpu.memory_space<vmem>>
      %dma_wait3A_245 = arith.constant 640 : i32
      %dma_wait3A_246 = tpu.memref_slice %arg10[%dma_wait3A_245] : memref<2000xi32, #tpu.memory_space<vmem>> -> memref<128xi32, #tpu.memory_space<vmem>>
      %dma_wait3A_247 = arith.constant 0 : i32
      %dma_wait3A_248 = arith.constant 0 : i32
      %dma_wait3A_249 = tpu.memref_slice %arg2[%dma_wait3A_247, %dma_wait3A_248] : memref<10000x16xf32, #tpu.memory_space<hbm>> -> memref<10000x16xf32, #tpu.memory_space<hbm>>
      tpu.wait_indirect_dma semaphore(%arg18 : memref<!tpu.dma_semaphore, #tpu.memory_space<semaphore_mem>>) src(%dma_wait3A_249 : memref<10000x16xf32, #tpu.memory_space<hbm>>) dst(%dma_wait3A_244 : memref<128x16xf32, #tpu.memory_space<vmem>>)
      %dma_wait3A_250 = arith.constant 640 : i32
      %dma_wait3A_251 = arith.constant 0 : i32
      %dma_wait3A_252 = tpu.memref_slice %arg14[%dma_wait3A_250, %dma_wait3A_251] : memref<2000x16xf32, #tpu.memory_space<vmem>> -> memref<128x16xf32, #tpu.memory_space<vmem>>
      %dma_wait3A_253 = arith.constant 640 : i32
      %dma_wait3A_254 = tpu.memref_slice %arg12[%dma_wait3A_253] : memref<2000xi32, #tpu.memory_space<vmem>> -> memref<128xi32, #tpu.memory_space<vmem>>
      %dma_wait3A_255 = arith.constant 0 : i32
      %dma_wait3A_256 = arith.constant 0 : i32
      %dma_wait3A_257 = tpu.memref_slice %arg6[%dma_wait3A_255, %dma_wait3A_256] : memref<50000x16xf32, #tpu.memory_space<hbm>> -> memref<50000x16xf32, #tpu.memory_space<hbm>>
      tpu.wait_indirect_dma semaphore(%arg18 : memref<!tpu.dma_semaphore, #tpu.memory_space<semaphore_mem>>) src(%dma_wait3A_257 : memref<50000x16xf32, #tpu.memory_space<hbm>>) dst(%dma_wait3A_252 : memref<128x16xf32, #tpu.memory_space<vmem>>)
      %dma_wait3A_258 = arith.constant 768 : i32
      %dma_wait3A_259 = arith.constant 0 : i32
      %dma_wait3A_260 = tpu.memref_slice %arg13[%dma_wait3A_258, %dma_wait3A_259] : memref<2000x16xf32, #tpu.memory_space<vmem>> -> memref<128x16xf32, #tpu.memory_space<vmem>>
      %dma_wait3A_261 = arith.constant 768 : i32
      %dma_wait3A_262 = tpu.memref_slice %arg10[%dma_wait3A_261] : memref<2000xi32, #tpu.memory_space<vmem>> -> memref<128xi32, #tpu.memory_space<vmem>>
      %dma_wait3A_263 = arith.constant 0 : i32
      %dma_wait3A_264 = arith.constant 0 : i32
      %dma_wait3A_265 = tpu.memref_slice %arg2[%dma_wait3A_263, %dma_wait3A_264] : memref<10000x16xf32, #tpu.memory_space<hbm>> -> memref<10000x16xf32, #tpu.memory_space<hbm>>
      tpu.wait_indirect_dma semaphore(%arg18 : memref<!tpu.dma_semaphore, #tpu.memory_space<semaphore_mem>>) src(%dma_wait3A_265 : memref<10000x16xf32, #tpu.memory_space<hbm>>) dst(%dma_wait3A_260 : memref<128x16xf32, #tpu.memory_space<vmem>>)
      %dma_wait3A_266 = arith.constant 768 : i32
      %dma_wait3A_267 = arith.constant 0 : i32
      %dma_wait3A_268 = tpu.memref_slice %arg14[%dma_wait3A_266, %dma_wait3A_267] : memref<2000x16xf32, #tpu.memory_space<vmem>> -> memref<128x16xf32, #tpu.memory_space<vmem>>
      %dma_wait3A_269 = arith.constant 768 : i32
      %dma_wait3A_270 = tpu.memref_slice %arg12[%dma_wait3A_269] : memref<2000xi32, #tpu.memory_space<vmem>> -> memref<128xi32, #tpu.memory_space<vmem>>
      %dma_wait3A_271 = arith.constant 0 : i32
      %dma_wait3A_272 = arith.constant 0 : i32
      %dma_wait3A_273 = tpu.memref_slice %arg6[%dma_wait3A_271, %dma_wait3A_272] : memref<50000x16xf32, #tpu.memory_space<hbm>> -> memref<50000x16xf32, #tpu.memory_space<hbm>>
      tpu.wait_indirect_dma semaphore(%arg18 : memref<!tpu.dma_semaphore, #tpu.memory_space<semaphore_mem>>) src(%dma_wait3A_273 : memref<50000x16xf32, #tpu.memory_space<hbm>>) dst(%dma_wait3A_268 : memref<128x16xf32, #tpu.memory_space<vmem>>)
      %dma_wait3A_274 = arith.constant 896 : i32
      %dma_wait3A_275 = arith.constant 0 : i32
      %dma_wait3A_276 = tpu.memref_slice %arg13[%dma_wait3A_274, %dma_wait3A_275] : memref<2000x16xf32, #tpu.memory_space<vmem>> -> memref<128x16xf32, #tpu.memory_space<vmem>>
      %dma_wait3A_277 = arith.constant 896 : i32
      %dma_wait3A_278 = tpu.memref_slice %arg10[%dma_wait3A_277] : memref<2000xi32, #tpu.memory_space<vmem>> -> memref<128xi32, #tpu.memory_space<vmem>>
      %dma_wait3A_279 = arith.constant 0 : i32
      %dma_wait3A_280 = arith.constant 0 : i32
      %dma_wait3A_281 = tpu.memref_slice %arg2[%dma_wait3A_279, %dma_wait3A_280] : memref<10000x16xf32, #tpu.memory_space<hbm>> -> memref<10000x16xf32, #tpu.memory_space<hbm>>
      tpu.wait_indirect_dma semaphore(%arg18 : memref<!tpu.dma_semaphore, #tpu.memory_space<semaphore_mem>>) src(%dma_wait3A_281 : memref<10000x16xf32, #tpu.memory_space<hbm>>) dst(%dma_wait3A_276 : memref<128x16xf32, #tpu.memory_space<vmem>>)
      %dma_wait3A_282 = arith.constant 896 : i32
      %dma_wait3A_283 = arith.constant 0 : i32
      %dma_wait3A_284 = tpu.memref_slice %arg14[%dma_wait3A_282, %dma_wait3A_283] : memref<2000x16xf32, #tpu.memory_space<vmem>> -> memref<128x16xf32, #tpu.memory_space<vmem>>
      %dma_wait3A_285 = arith.constant 896 : i32
      %dma_wait3A_286 = tpu.memref_slice %arg12[%dma_wait3A_285] : memref<2000xi32, #tpu.memory_space<vmem>> -> memref<128xi32, #tpu.memory_space<vmem>>
      %dma_wait3A_287 = arith.constant 0 : i32
      %dma_wait3A_288 = arith.constant 0 : i32
      %dma_wait3A_289 = tpu.memref_slice %arg6[%dma_wait3A_287, %dma_wait3A_288] : memref<50000x16xf32, #tpu.memory_space<hbm>> -> memref<50000x16xf32, #tpu.memory_space<hbm>>
      tpu.wait_indirect_dma semaphore(%arg18 : memref<!tpu.dma_semaphore, #tpu.memory_space<semaphore_mem>>) src(%dma_wait3A_289 : memref<50000x16xf32, #tpu.memory_space<hbm>>) dst(%dma_wait3A_284 : memref<128x16xf32, #tpu.memory_space<vmem>>)
      %dma_start3A_290 = arith.constant 1024 : i32
      %dma_start3A_291 = arith.constant 0 : i32
      %dma_start3A_292 = tpu.memref_slice %arg13[%dma_start3A_290, %dma_start3A_291] : memref<2000x16xf32, #tpu.memory_space<vmem>> -> memref<128x16xf32, #tpu.memory_space<vmem>>
      %dma_start3A_293 = arith.constant 1024 : i32
      %dma_start3A_294 = tpu.memref_slice %arg10[%dma_start3A_293] : memref<2000xi32, #tpu.memory_space<vmem>> -> memref<128xi32, #tpu.memory_space<vmem>>
      %dma_start3A_295 = arith.constant 0 : i32
      %dma_start3A_296 = arith.constant 0 : i32
      %dma_start3A_297 = tpu.memref_slice %arg2[%dma_start3A_295, %dma_start3A_296] : memref<10000x16xf32, #tpu.memory_space<hbm>> -> memref<10000x16xf32, #tpu.memory_space<hbm>>
      tpu.enqueue_indirect_dma source(%dma_start3A_297 : memref<10000x16xf32, #tpu.memory_space<hbm>>) target(%dma_start3A_292 : memref<128x16xf32, #tpu.memory_space<vmem>>) offsets(%dma_start3A_294 : memref<128xi32, #tpu.memory_space<vmem>>) semaphore(%arg18 : memref<!tpu.dma_semaphore, #tpu.memory_space<semaphore_mem>>)
      %dma_start3A_298 = arith.constant 1024 : i32
      %dma_start3A_299 = arith.constant 0 : i32
      %dma_start3A_300 = tpu.memref_slice %arg14[%dma_start3A_298, %dma_start3A_299] : memref<2000x16xf32, #tpu.memory_space<vmem>> -> memref<128x16xf32, #tpu.memory_space<vmem>>
      %dma_start3A_301 = arith.constant 1024 : i32
      %dma_start3A_302 = tpu.memref_slice %arg12[%dma_start3A_301] : memref<2000xi32, #tpu.memory_space<vmem>> -> memref<128xi32, #tpu.memory_space<vmem>>
      %dma_start3A_303 = arith.constant 0 : i32
      %dma_start3A_304 = arith.constant 0 : i32
      %dma_start3A_305 = tpu.memref_slice %arg6[%dma_start3A_303, %dma_start3A_304] : memref<50000x16xf32, #tpu.memory_space<hbm>> -> memref<50000x16xf32, #tpu.memory_space<hbm>>
      tpu.enqueue_indirect_dma source(%dma_start3A_305 : memref<50000x16xf32, #tpu.memory_space<hbm>>) target(%dma_start3A_300 : memref<128x16xf32, #tpu.memory_space<vmem>>) offsets(%dma_start3A_302 : memref<128xi32, #tpu.memory_space<vmem>>) semaphore(%arg18 : memref<!tpu.dma_semaphore, #tpu.memory_space<semaphore_mem>>)
      %dma_start3A_306 = arith.constant 1152 : i32
      %dma_start3A_307 = arith.constant 0 : i32
      %dma_start3A_308 = tpu.memref_slice %arg13[%dma_start3A_306, %dma_start3A_307] : memref<2000x16xf32, #tpu.memory_space<vmem>> -> memref<128x16xf32, #tpu.memory_space<vmem>>
      %dma_start3A_309 = arith.constant 1152 : i32
      %dma_start3A_310 = tpu.memref_slice %arg10[%dma_start3A_309] : memref<2000xi32, #tpu.memory_space<vmem>> -> memref<128xi32, #tpu.memory_space<vmem>>
      %dma_start3A_311 = arith.constant 0 : i32
      %dma_start3A_312 = arith.constant 0 : i32
      %dma_start3A_313 = tpu.memref_slice %arg2[%dma_start3A_311, %dma_start3A_312] : memref<10000x16xf32, #tpu.memory_space<hbm>> -> memref<10000x16xf32, #tpu.memory_space<hbm>>
      tpu.enqueue_indirect_dma source(%dma_start3A_313 : memref<10000x16xf32, #tpu.memory_space<hbm>>) target(%dma_start3A_308 : memref<128x16xf32, #tpu.memory_space<vmem>>) offsets(%dma_start3A_310 : memref<128xi32, #tpu.memory_space<vmem>>) semaphore(%arg18 : memref<!tpu.dma_semaphore, #tpu.memory_space<semaphore_mem>>)
      %dma_start3A_314 = arith.constant 1152 : i32
      %dma_start3A_315 = arith.constant 0 : i32
      %dma_start3A_316 = tpu.memref_slice %arg14[%dma_start3A_314, %dma_start3A_315] : memref<2000x16xf32, #tpu.memory_space<vmem>> -> memref<128x16xf32, #tpu.memory_space<vmem>>
      %dma_start3A_317 = arith.constant 1152 : i32
      %dma_start3A_318 = tpu.memref_slice %arg12[%dma_start3A_317] : memref<2000xi32, #tpu.memory_space<vmem>> -> memref<128xi32, #tpu.memory_space<vmem>>
      %dma_start3A_319 = arith.constant 0 : i32
      %dma_start3A_320 = arith.constant 0 : i32
      %dma_start3A_321 = tpu.memref_slice %arg6[%dma_start3A_319, %dma_start3A_320] : memref<50000x16xf32, #tpu.memory_space<hbm>> -> memref<50000x16xf32, #tpu.memory_space<hbm>>
      tpu.enqueue_indirect_dma source(%dma_start3A_321 : memref<50000x16xf32, #tpu.memory_space<hbm>>) target(%dma_start3A_316 : memref<128x16xf32, #tpu.memory_space<vmem>>) offsets(%dma_start3A_318 : memref<128xi32, #tpu.memory_space<vmem>>) semaphore(%arg18 : memref<!tpu.dma_semaphore, #tpu.memory_space<semaphore_mem>>)
      %dma_start3A_322 = arith.constant 1280 : i32
      %dma_start3A_323 = arith.constant 0 : i32
      %dma_start3A_324 = tpu.memref_slice %arg13[%dma_start3A_322, %dma_start3A_323] : memref<2000x16xf32, #tpu.memory_space<vmem>> -> memref<128x16xf32, #tpu.memory_space<vmem>>
      %dma_start3A_325 = arith.constant 1280 : i32
      %dma_start3A_326 = tpu.memref_slice %arg10[%dma_start3A_325] : memref<2000xi32, #tpu.memory_space<vmem>> -> memref<128xi32, #tpu.memory_space<vmem>>
      %dma_start3A_327 = arith.constant 0 : i32
      %dma_start3A_328 = arith.constant 0 : i32
      %dma_start3A_329 = tpu.memref_slice %arg2[%dma_start3A_327, %dma_start3A_328] : memref<10000x16xf32, #tpu.memory_space<hbm>> -> memref<10000x16xf32, #tpu.memory_space<hbm>>
      tpu.enqueue_indirect_dma source(%dma_start3A_329 : memref<10000x16xf32, #tpu.memory_space<hbm>>) target(%dma_start3A_324 : memref<128x16xf32, #tpu.memory_space<vmem>>) offsets(%dma_start3A_326 : memref<128xi32, #tpu.memory_space<vmem>>) semaphore(%arg18 : memref<!tpu.dma_semaphore, #tpu.memory_space<semaphore_mem>>)
      %dma_start3A_330 = arith.constant 1280 : i32
      %dma_start3A_331 = arith.constant 0 : i32
      %dma_start3A_332 = tpu.memref_slice %arg14[%dma_start3A_330, %dma_start3A_331] : memref<2000x16xf32, #tpu.memory_space<vmem>> -> memref<128x16xf32, #tpu.memory_space<vmem>>
      %dma_start3A_333 = arith.constant 1280 : i32
      %dma_start3A_334 = tpu.memref_slice %arg12[%dma_start3A_333] : memref<2000xi32, #tpu.memory_space<vmem>> -> memref<128xi32, #tpu.memory_space<vmem>>
      %dma_start3A_335 = arith.constant 0 : i32
      %dma_start3A_336 = arith.constant 0 : i32
      %dma_start3A_337 = tpu.memref_slice %arg6[%dma_start3A_335, %dma_start3A_336] : memref<50000x16xf32, #tpu.memory_space<hbm>> -> memref<50000x16xf32, #tpu.memory_space<hbm>>
      tpu.enqueue_indirect_dma source(%dma_start3A_337 : memref<50000x16xf32, #tpu.memory_space<hbm>>) target(%dma_start3A_332 : memref<128x16xf32, #tpu.memory_space<vmem>>) offsets(%dma_start3A_334 : memref<128xi32, #tpu.memory_space<vmem>>) semaphore(%arg18 : memref<!tpu.dma_semaphore, #tpu.memory_space<semaphore_mem>>)
      %dma_start3A_338 = arith.constant 1408 : i32
      %dma_start3A_339 = arith.constant 0 : i32
      %dma_start3A_340 = tpu.memref_slice %arg13[%dma_start3A_338, %dma_start3A_339] : memref<2000x16xf32, #tpu.memory_space<vmem>> -> memref<128x16xf32, #tpu.memory_space<vmem>>
      %dma_start3A_341 = arith.constant 1408 : i32
      %dma_start3A_342 = tpu.memref_slice %arg10[%dma_start3A_341] : memref<2000xi32, #tpu.memory_space<vmem>> -> memref<128xi32, #tpu.memory_space<vmem>>
      %dma_start3A_343 = arith.constant 0 : i32
      %dma_start3A_344 = arith.constant 0 : i32
      %dma_start3A_345 = tpu.memref_slice %arg2[%dma_start3A_343, %dma_start3A_344] : memref<10000x16xf32, #tpu.memory_space<hbm>> -> memref<10000x16xf32, #tpu.memory_space<hbm>>
      tpu.enqueue_indirect_dma source(%dma_start3A_345 : memref<10000x16xf32, #tpu.memory_space<hbm>>) target(%dma_start3A_340 : memref<128x16xf32, #tpu.memory_space<vmem>>) offsets(%dma_start3A_342 : memref<128xi32, #tpu.memory_space<vmem>>) semaphore(%arg18 : memref<!tpu.dma_semaphore, #tpu.memory_space<semaphore_mem>>)
      %dma_start3A_346 = arith.constant 1408 : i32
      %dma_start3A_347 = arith.constant 0 : i32
      %dma_start3A_348 = tpu.memref_slice %arg14[%dma_start3A_346, %dma_start3A_347] : memref<2000x16xf32, #tpu.memory_space<vmem>> -> memref<128x16xf32, #tpu.memory_space<vmem>>
      %dma_start3A_349 = arith.constant 1408 : i32
      %dma_start3A_350 = tpu.memref_slice %arg12[%dma_start3A_349] : memref<2000xi32, #tpu.memory_space<vmem>> -> memref<128xi32, #tpu.memory_space<vmem>>
      %dma_start3A_351 = arith.constant 0 : i32
      %dma_start3A_352 = arith.constant 0 : i32
      %dma_start3A_353 = tpu.memref_slice %arg6[%dma_start3A_351, %dma_start3A_352] : memref<50000x16xf32, #tpu.memory_space<hbm>> -> memref<50000x16xf32, #tpu.memory_space<hbm>>
      tpu.enqueue_indirect_dma source(%dma_start3A_353 : memref<50000x16xf32, #tpu.memory_space<hbm>>) target(%dma_start3A_348 : memref<128x16xf32, #tpu.memory_space<vmem>>) offsets(%dma_start3A_350 : memref<128xi32, #tpu.memory_space<vmem>>) semaphore(%arg18 : memref<!tpu.dma_semaphore, #tpu.memory_space<semaphore_mem>>)
      %dma_wait3A_354 = arith.constant 1024 : i32
      %dma_wait3A_355 = arith.constant 0 : i32
      %dma_wait3A_356 = tpu.memref_slice %arg13[%dma_wait3A_354, %dma_wait3A_355] : memref<2000x16xf32, #tpu.memory_space<vmem>> -> memref<128x16xf32, #tpu.memory_space<vmem>>
      %dma_wait3A_357 = arith.constant 1024 : i32
      %dma_wait3A_358 = tpu.memref_slice %arg10[%dma_wait3A_357] : memref<2000xi32, #tpu.memory_space<vmem>> -> memref<128xi32, #tpu.memory_space<vmem>>
      %dma_wait3A_359 = arith.constant 0 : i32
      %dma_wait3A_360 = arith.constant 0 : i32
      %dma_wait3A_361 = tpu.memref_slice %arg2[%dma_wait3A_359, %dma_wait3A_360] : memref<10000x16xf32, #tpu.memory_space<hbm>> -> memref<10000x16xf32, #tpu.memory_space<hbm>>
      tpu.wait_indirect_dma semaphore(%arg18 : memref<!tpu.dma_semaphore, #tpu.memory_space<semaphore_mem>>) src(%dma_wait3A_361 : memref<10000x16xf32, #tpu.memory_space<hbm>>) dst(%dma_wait3A_356 : memref<128x16xf32, #tpu.memory_space<vmem>>)
      %dma_wait3A_362 = arith.constant 1024 : i32
      %dma_wait3A_363 = arith.constant 0 : i32
      %dma_wait3A_364 = tpu.memref_slice %arg14[%dma_wait3A_362, %dma_wait3A_363] : memref<2000x16xf32, #tpu.memory_space<vmem>> -> memref<128x16xf32, #tpu.memory_space<vmem>>
      %dma_wait3A_365 = arith.constant 1024 : i32
      %dma_wait3A_366 = tpu.memref_slice %arg12[%dma_wait3A_365] : memref<2000xi32, #tpu.memory_space<vmem>> -> memref<128xi32, #tpu.memory_space<vmem>>
      %dma_wait3A_367 = arith.constant 0 : i32
      %dma_wait3A_368 = arith.constant 0 : i32
      %dma_wait3A_369 = tpu.memref_slice %arg6[%dma_wait3A_367, %dma_wait3A_368] : memref<50000x16xf32, #tpu.memory_space<hbm>> -> memref<50000x16xf32, #tpu.memory_space<hbm>>
      tpu.wait_indirect_dma semaphore(%arg18 : memref<!tpu.dma_semaphore, #tpu.memory_space<semaphore_mem>>) src(%dma_wait3A_369 : memref<50000x16xf32, #tpu.memory_space<hbm>>) dst(%dma_wait3A_364 : memref<128x16xf32, #tpu.memory_space<vmem>>)
      %dma_wait3A_370 = arith.constant 1152 : i32
      %dma_wait3A_371 = arith.constant 0 : i32
      %dma_wait3A_372 = tpu.memref_slice %arg13[%dma_wait3A_370, %dma_wait3A_371] : memref<2000x16xf32, #tpu.memory_space<vmem>> -> memref<128x16xf32, #tpu.memory_space<vmem>>
      %dma_wait3A_373 = arith.constant 1152 : i32
      %dma_wait3A_374 = tpu.memref_slice %arg10[%dma_wait3A_373] : memref<2000xi32, #tpu.memory_space<vmem>> -> memref<128xi32, #tpu.memory_space<vmem>>
      %dma_wait3A_375 = arith.constant 0 : i32
      %dma_wait3A_376 = arith.constant 0 : i32
      %dma_wait3A_377 = tpu.memref_slice %arg2[%dma_wait3A_375, %dma_wait3A_376] : memref<10000x16xf32, #tpu.memory_space<hbm>> -> memref<10000x16xf32, #tpu.memory_space<hbm>>
      tpu.wait_indirect_dma semaphore(%arg18 : memref<!tpu.dma_semaphore, #tpu.memory_space<semaphore_mem>>) src(%dma_wait3A_377 : memref<10000x16xf32, #tpu.memory_space<hbm>>) dst(%dma_wait3A_372 : memref<128x16xf32, #tpu.memory_space<vmem>>)
      %dma_wait3A_378 = arith.constant 1152 : i32
      %dma_wait3A_379 = arith.constant 0 : i32
      %dma_wait3A_380 = tpu.memref_slice %arg14[%dma_wait3A_378, %dma_wait3A_379] : memref<2000x16xf32, #tpu.memory_space<vmem>> -> memref<128x16xf32, #tpu.memory_space<vmem>>
      %dma_wait3A_381 = arith.constant 1152 : i32
      %dma_wait3A_382 = tpu.memref_slice %arg12[%dma_wait3A_381] : memref<2000xi32, #tpu.memory_space<vmem>> -> memref<128xi32, #tpu.memory_space<vmem>>
      %dma_wait3A_383 = arith.constant 0 : i32
      %dma_wait3A_384 = arith.constant 0 : i32
      %dma_wait3A_385 = tpu.memref_slice %arg6[%dma_wait3A_383, %dma_wait3A_384] : memref<50000x16xf32, #tpu.memory_space<hbm>> -> memref<50000x16xf32, #tpu.memory_space<hbm>>
      tpu.wait_indirect_dma semaphore(%arg18 : memref<!tpu.dma_semaphore, #tpu.memory_space<semaphore_mem>>) src(%dma_wait3A_385 : memref<50000x16xf32, #tpu.memory_space<hbm>>) dst(%dma_wait3A_380 : memref<128x16xf32, #tpu.memory_space<vmem>>)
      %dma_wait3A_386 = arith.constant 1280 : i32
      %dma_wait3A_387 = arith.constant 0 : i32
      %dma_wait3A_388 = tpu.memref_slice %arg13[%dma_wait3A_386, %dma_wait3A_387] : memref<2000x16xf32, #tpu.memory_space<vmem>> -> memref<128x16xf32, #tpu.memory_space<vmem>>
      %dma_wait3A_389 = arith.constant 1280 : i32
      %dma_wait3A_390 = tpu.memref_slice %arg10[%dma_wait3A_389] : memref<2000xi32, #tpu.memory_space<vmem>> -> memref<128xi32, #tpu.memory_space<vmem>>
      %dma_wait3A_391 = arith.constant 0 : i32
      %dma_wait3A_392 = arith.constant 0 : i32
      %dma_wait3A_393 = tpu.memref_slice %arg2[%dma_wait3A_391, %dma_wait3A_392] : memref<10000x16xf32, #tpu.memory_space<hbm>> -> memref<10000x16xf32, #tpu.memory_space<hbm>>
      tpu.wait_indirect_dma semaphore(%arg18 : memref<!tpu.dma_semaphore, #tpu.memory_space<semaphore_mem>>) src(%dma_wait3A_393 : memref<10000x16xf32, #tpu.memory_space<hbm>>) dst(%dma_wait3A_388 : memref<128x16xf32, #tpu.memory_space<vmem>>)
      %dma_wait3A_394 = arith.constant 1280 : i32
      %dma_wait3A_395 = arith.constant 0 : i32
      %dma_wait3A_396 = tpu.memref_slice %arg14[%dma_wait3A_394, %dma_wait3A_395] : memref<2000x16xf32, #tpu.memory_space<vmem>> -> memref<128x16xf32, #tpu.memory_space<vmem>>
      %dma_wait3A_397 = arith.constant 1280 : i32
      %dma_wait3A_398 = tpu.memref_slice %arg12[%dma_wait3A_397] : memref<2000xi32, #tpu.memory_space<vmem>> -> memref<128xi32, #tpu.memory_space<vmem>>
      %dma_wait3A_399 = arith.constant 0 : i32
      %dma_wait3A_400 = arith.constant 0 : i32
      %dma_wait3A_401 = tpu.memref_slice %arg6[%dma_wait3A_399, %dma_wait3A_400] : memref<50000x16xf32, #tpu.memory_space<hbm>> -> memref<50000x16xf32, #tpu.memory_space<hbm>>
      tpu.wait_indirect_dma semaphore(%arg18 : memref<!tpu.dma_semaphore, #tpu.memory_space<semaphore_mem>>) src(%dma_wait3A_401 : memref<50000x16xf32, #tpu.memory_space<hbm>>) dst(%dma_wait3A_396 : memref<128x16xf32, #tpu.memory_space<vmem>>)
      %dma_wait3A_402 = arith.constant 1408 : i32
      %dma_wait3A_403 = arith.constant 0 : i32
      %dma_wait3A_404 = tpu.memref_slice %arg13[%dma_wait3A_402, %dma_wait3A_403] : memref<2000x16xf32, #tpu.memory_space<vmem>> -> memref<128x16xf32, #tpu.memory_space<vmem>>
      %dma_wait3A_405 = arith.constant 1408 : i32
      %dma_wait3A_406 = tpu.memref_slice %arg10[%dma_wait3A_405] : memref<2000xi32, #tpu.memory_space<vmem>> -> memref<128xi32, #tpu.memory_space<vmem>>
      %dma_wait3A_407 = arith.constant 0 : i32
      %dma_wait3A_408 = arith.constant 0 : i32
      %dma_wait3A_409 = tpu.memref_slice %arg2[%dma_wait3A_407, %dma_wait3A_408] : memref<10000x16xf32, #tpu.memory_space<hbm>> -> memref<10000x16xf32, #tpu.memory_space<hbm>>
      tpu.wait_indirect_dma semaphore(%arg18 : memref<!tpu.dma_semaphore, #tpu.memory_space<semaphore_mem>>) src(%dma_wait3A_409 : memref<10000x16xf32, #tpu.memory_space<hbm>>) dst(%dma_wait3A_404 : memref<128x16xf32, #tpu.memory_space<vmem>>)
      %dma_wait3A_410 = arith.constant 1408 : i32
      %dma_wait3A_411 = arith.constant 0 : i32
      %dma_wait3A_412 = tpu.memref_slice %arg14[%dma_wait3A_410, %dma_wait3A_411] : memref<2000x16xf32, #tpu.memory_space<vmem>> -> memref<128x16xf32, #tpu.memory_space<vmem>>
      %dma_wait3A_413 = arith.constant 1408 : i32
      %dma_wait3A_414 = tpu.memref_slice %arg12[%dma_wait3A_413] : memref<2000xi32, #tpu.memory_space<vmem>> -> memref<128xi32, #tpu.memory_space<vmem>>
      %dma_wait3A_415 = arith.constant 0 : i32
      %dma_wait3A_416 = arith.constant 0 : i32
      %dma_wait3A_417 = tpu.memref_slice %arg6[%dma_wait3A_415, %dma_wait3A_416] : memref<50000x16xf32, #tpu.memory_space<hbm>> -> memref<50000x16xf32, #tpu.memory_space<hbm>>
      tpu.wait_indirect_dma semaphore(%arg18 : memref<!tpu.dma_semaphore, #tpu.memory_space<semaphore_mem>>) src(%dma_wait3A_417 : memref<50000x16xf32, #tpu.memory_space<hbm>>) dst(%dma_wait3A_412 : memref<128x16xf32, #tpu.memory_space<vmem>>)
      %dma_start3A_418 = arith.constant 1536 : i32
      %dma_start3A_419 = arith.constant 0 : i32
      %dma_start3A_420 = tpu.memref_slice %arg13[%dma_start3A_418, %dma_start3A_419] : memref<2000x16xf32, #tpu.memory_space<vmem>> -> memref<128x16xf32, #tpu.memory_space<vmem>>
      %dma_start3A_421 = arith.constant 1536 : i32
      %dma_start3A_422 = tpu.memref_slice %arg10[%dma_start3A_421] : memref<2000xi32, #tpu.memory_space<vmem>> -> memref<128xi32, #tpu.memory_space<vmem>>
      %dma_start3A_423 = arith.constant 0 : i32
      %dma_start3A_424 = arith.constant 0 : i32
      %dma_start3A_425 = tpu.memref_slice %arg2[%dma_start3A_423, %dma_start3A_424] : memref<10000x16xf32, #tpu.memory_space<hbm>> -> memref<10000x16xf32, #tpu.memory_space<hbm>>
      tpu.enqueue_indirect_dma source(%dma_start3A_425 : memref<10000x16xf32, #tpu.memory_space<hbm>>) target(%dma_start3A_420 : memref<128x16xf32, #tpu.memory_space<vmem>>) offsets(%dma_start3A_422 : memref<128xi32, #tpu.memory_space<vmem>>) semaphore(%arg18 : memref<!tpu.dma_semaphore, #tpu.memory_space<semaphore_mem>>)
      %dma_start3A_426 = arith.constant 1536 : i32
      %dma_start3A_427 = arith.constant 0 : i32
      %dma_start3A_428 = tpu.memref_slice %arg14[%dma_start3A_426, %dma_start3A_427] : memref<2000x16xf32, #tpu.memory_space<vmem>> -> memref<128x16xf32, #tpu.memory_space<vmem>>
      %dma_start3A_429 = arith.constant 1536 : i32
      %dma_start3A_430 = tpu.memref_slice %arg12[%dma_start3A_429] : memref<2000xi32, #tpu.memory_space<vmem>> -> memref<128xi32, #tpu.memory_space<vmem>>
      %dma_start3A_431 = arith.constant 0 : i32
      %dma_start3A_432 = arith.constant 0 : i32
      %dma_start3A_433 = tpu.memref_slice %arg6[%dma_start3A_431, %dma_start3A_432] : memref<50000x16xf32, #tpu.memory_space<hbm>> -> memref<50000x16xf32, #tpu.memory_space<hbm>>
      tpu.enqueue_indirect_dma source(%dma_start3A_433 : memref<50000x16xf32, #tpu.memory_space<hbm>>) target(%dma_start3A_428 : memref<128x16xf32, #tpu.memory_space<vmem>>) offsets(%dma_start3A_430 : memref<128xi32, #tpu.memory_space<vmem>>) semaphore(%arg18 : memref<!tpu.dma_semaphore, #tpu.memory_space<semaphore_mem>>)
      %dma_start3A_434 = arith.constant 1664 : i32
      %dma_start3A_435 = arith.constant 0 : i32
      %dma_start3A_436 = tpu.memref_slice %arg13[%dma_start3A_434, %dma_start3A_435] : memref<2000x16xf32, #tpu.memory_space<vmem>> -> memref<128x16xf32, #tpu.memory_space<vmem>>
      %dma_start3A_437 = arith.constant 1664 : i32
      %dma_start3A_438 = tpu.memref_slice %arg10[%dma_start3A_437] : memref<2000xi32, #tpu.memory_space<vmem>> -> memref<128xi32, #tpu.memory_space<vmem>>
      %dma_start3A_439 = arith.constant 0 : i32
      %dma_start3A_440 = arith.constant 0 : i32
      %dma_start3A_441 = tpu.memref_slice %arg2[%dma_start3A_439, %dma_start3A_440] : memref<10000x16xf32, #tpu.memory_space<hbm>> -> memref<10000x16xf32, #tpu.memory_space<hbm>>
      tpu.enqueue_indirect_dma source(%dma_start3A_441 : memref<10000x16xf32, #tpu.memory_space<hbm>>) target(%dma_start3A_436 : memref<128x16xf32, #tpu.memory_space<vmem>>) offsets(%dma_start3A_438 : memref<128xi32, #tpu.memory_space<vmem>>) semaphore(%arg18 : memref<!tpu.dma_semaphore, #tpu.memory_space<semaphore_mem>>)
      %dma_start3A_442 = arith.constant 1664 : i32
      %dma_start3A_443 = arith.constant 0 : i32
      %dma_start3A_444 = tpu.memref_slice %arg14[%dma_start3A_442, %dma_start3A_443] : memref<2000x16xf32, #tpu.memory_space<vmem>> -> memref<128x16xf32, #tpu.memory_space<vmem>>
      %dma_start3A_445 = arith.constant 1664 : i32
      %dma_start3A_446 = tpu.memref_slice %arg12[%dma_start3A_445] : memref<2000xi32, #tpu.memory_space<vmem>> -> memref<128xi32, #tpu.memory_space<vmem>>
      %dma_start3A_447 = arith.constant 0 : i32
      %dma_start3A_448 = arith.constant 0 : i32
      %dma_start3A_449 = tpu.memref_slice %arg6[%dma_start3A_447, %dma_start3A_448] : memref<50000x16xf32, #tpu.memory_space<hbm>> -> memref<50000x16xf32, #tpu.memory_space<hbm>>
      tpu.enqueue_indirect_dma source(%dma_start3A_449 : memref<50000x16xf32, #tpu.memory_space<hbm>>) target(%dma_start3A_444 : memref<128x16xf32, #tpu.memory_space<vmem>>) offsets(%dma_start3A_446 : memref<128xi32, #tpu.memory_space<vmem>>) semaphore(%arg18 : memref<!tpu.dma_semaphore, #tpu.memory_space<semaphore_mem>>)
      %dma_start3A_450 = arith.constant 1792 : i32
      %dma_start3A_451 = arith.constant 0 : i32
      %dma_start3A_452 = tpu.memref_slice %arg13[%dma_start3A_450, %dma_start3A_451] : memref<2000x16xf32, #tpu.memory_space<vmem>> -> memref<128x16xf32, #tpu.memory_space<vmem>>
      %dma_start3A_453 = arith.constant 1792 : i32
      %dma_start3A_454 = tpu.memref_slice %arg10[%dma_start3A_453] : memref<2000xi32, #tpu.memory_space<vmem>> -> memref<128xi32, #tpu.memory_space<vmem>>
      %dma_start3A_455 = arith.constant 0 : i32
      %dma_start3A_456 = arith.constant 0 : i32
      %dma_start3A_457 = tpu.memref_slice %arg2[%dma_start3A_455, %dma_start3A_456] : memref<10000x16xf32, #tpu.memory_space<hbm>> -> memref<10000x16xf32, #tpu.memory_space<hbm>>
      tpu.enqueue_indirect_dma source(%dma_start3A_457 : memref<10000x16xf32, #tpu.memory_space<hbm>>) target(%dma_start3A_452 : memref<128x16xf32, #tpu.memory_space<vmem>>) offsets(%dma_start3A_454 : memref<128xi32, #tpu.memory_space<vmem>>) semaphore(%arg18 : memref<!tpu.dma_semaphore, #tpu.memory_space<semaphore_mem>>)
      %dma_start3A_458 = arith.constant 1792 : i32
      %dma_start3A_459 = arith.constant 0 : i32
      %dma_start3A_460 = tpu.memref_slice %arg14[%dma_start3A_458, %dma_start3A_459] : memref<2000x16xf32, #tpu.memory_space<vmem>> -> memref<128x16xf32, #tpu.memory_space<vmem>>
      %dma_start3A_461 = arith.constant 1792 : i32
      %dma_start3A_462 = tpu.memref_slice %arg12[%dma_start3A_461] : memref<2000xi32, #tpu.memory_space<vmem>> -> memref<128xi32, #tpu.memory_space<vmem>>
      %dma_start3A_463 = arith.constant 0 : i32
      %dma_start3A_464 = arith.constant 0 : i32
      %dma_start3A_465 = tpu.memref_slice %arg6[%dma_start3A_463, %dma_start3A_464] : memref<50000x16xf32, #tpu.memory_space<hbm>> -> memref<50000x16xf32, #tpu.memory_space<hbm>>
      tpu.enqueue_indirect_dma source(%dma_start3A_465 : memref<50000x16xf32, #tpu.memory_space<hbm>>) target(%dma_start3A_460 : memref<128x16xf32, #tpu.memory_space<vmem>>) offsets(%dma_start3A_462 : memref<128xi32, #tpu.memory_space<vmem>>) semaphore(%arg18 : memref<!tpu.dma_semaphore, #tpu.memory_space<semaphore_mem>>)
      %dma_start3A_466 = arith.constant 1920 : i32
      %dma_start3A_467 = arith.constant 0 : i32
      %dma_start3A_468 = tpu.memref_slice %arg13[%dma_start3A_466, %dma_start3A_467] : memref<2000x16xf32, #tpu.memory_space<vmem>> -> memref<80x16xf32, #tpu.memory_space<vmem>>
      %dma_start3A_469 = arith.constant 1920 : i32
      %dma_start3A_470 = tpu.memref_slice %arg10[%dma_start3A_469] : memref<2000xi32, #tpu.memory_space<vmem>> -> memref<80xi32, #tpu.memory_space<vmem>>
      %dma_start3A_471 = arith.constant 0 : i32
      %dma_start3A_472 = arith.constant 0 : i32
      %dma_start3A_473 = tpu.memref_slice %arg2[%dma_start3A_471, %dma_start3A_472] : memref<10000x16xf32, #tpu.memory_space<hbm>> -> memref<10000x16xf32, #tpu.memory_space<hbm>>
      tpu.enqueue_indirect_dma source(%dma_start3A_473 : memref<10000x16xf32, #tpu.memory_space<hbm>>) target(%dma_start3A_468 : memref<80x16xf32, #tpu.memory_space<vmem>>) offsets(%dma_start3A_470 : memref<80xi32, #tpu.memory_space<vmem>>) semaphore(%arg18 : memref<!tpu.dma_semaphore, #tpu.memory_space<semaphore_mem>>)
      %dma_start3A_474 = arith.constant 1920 : i32
      %dma_start3A_475 = arith.constant 0 : i32
      %dma_start3A_476 = tpu.memref_slice %arg14[%dma_start3A_474, %dma_start3A_475] : memref<2000x16xf32, #tpu.memory_space<vmem>> -> memref<80x16xf32, #tpu.memory_space<vmem>>
      %dma_start3A_477 = arith.constant 1920 : i32
      %dma_start3A_478 = tpu.memref_slice %arg12[%dma_start3A_477] : memref<2000xi32, #tpu.memory_space<vmem>> -> memref<80xi32, #tpu.memory_space<vmem>>
      %dma_start3A_479 = arith.constant 0 : i32
      %dma_start3A_480 = arith.constant 0 : i32
      %dma_start3A_481 = tpu.memref_slice %arg6[%dma_start3A_479, %dma_start3A_480] : memref<50000x16xf32, #tpu.memory_space<hbm>> -> memref<50000x16xf32, #tpu.memory_space<hbm>>
      tpu.enqueue_indirect_dma source(%dma_start3A_481 : memref<50000x16xf32, #tpu.memory_space<hbm>>) target(%dma_start3A_476 : memref<80x16xf32, #tpu.memory_space<vmem>>) offsets(%dma_start3A_478 : memref<80xi32, #tpu.memory_space<vmem>>) semaphore(%arg18 : memref<!tpu.dma_semaphore, #tpu.memory_space<semaphore_mem>>)
      %dma_wait3A_482 = arith.constant 1536 : i32
      %dma_wait3A_483 = arith.constant 0 : i32
      %dma_wait3A_484 = tpu.memref_slice %arg13[%dma_wait3A_482, %dma_wait3A_483] : memref<2000x16xf32, #tpu.memory_space<vmem>> -> memref<128x16xf32, #tpu.memory_space<vmem>>
      %dma_wait3A_485 = arith.constant 1536 : i32
      %dma_wait3A_486 = tpu.memref_slice %arg10[%dma_wait3A_485] : memref<2000xi32, #tpu.memory_space<vmem>> -> memref<128xi32, #tpu.memory_space<vmem>>
      %dma_wait3A_487 = arith.constant 0 : i32
      %dma_wait3A_488 = arith.constant 0 : i32
      %dma_wait3A_489 = tpu.memref_slice %arg2[%dma_wait3A_487, %dma_wait3A_488] : memref<10000x16xf32, #tpu.memory_space<hbm>> -> memref<10000x16xf32, #tpu.memory_space<hbm>>
      tpu.wait_indirect_dma semaphore(%arg18 : memref<!tpu.dma_semaphore, #tpu.memory_space<semaphore_mem>>) src(%dma_wait3A_489 : memref<10000x16xf32, #tpu.memory_space<hbm>>) dst(%dma_wait3A_484 : memref<128x16xf32, #tpu.memory_space<vmem>>)
      %dma_wait3A_490 = arith.constant 1536 : i32
      %dma_wait3A_491 = arith.constant 0 : i32
      %dma_wait3A_492 = tpu.memref_slice %arg14[%dma_wait3A_490, %dma_wait3A_491] : memref<2000x16xf32, #tpu.memory_space<vmem>> -> memref<128x16xf32, #tpu.memory_space<vmem>>
      %dma_wait3A_493 = arith.constant 1536 : i32
      %dma_wait3A_494 = tpu.memref_slice %arg12[%dma_wait3A_493] : memref<2000xi32, #tpu.memory_space<vmem>> -> memref<128xi32, #tpu.memory_space<vmem>>
      %dma_wait3A_495 = arith.constant 0 : i32
      %dma_wait3A_496 = arith.constant 0 : i32
      %dma_wait3A_497 = tpu.memref_slice %arg6[%dma_wait3A_495, %dma_wait3A_496] : memref<50000x16xf32, #tpu.memory_space<hbm>> -> memref<50000x16xf32, #tpu.memory_space<hbm>>
      tpu.wait_indirect_dma semaphore(%arg18 : memref<!tpu.dma_semaphore, #tpu.memory_space<semaphore_mem>>) src(%dma_wait3A_497 : memref<50000x16xf32, #tpu.memory_space<hbm>>) dst(%dma_wait3A_492 : memref<128x16xf32, #tpu.memory_space<vmem>>)
      %dma_wait3A_498 = arith.constant 1664 : i32
      %dma_wait3A_499 = arith.constant 0 : i32
      %dma_wait3A_500 = tpu.memref_slice %arg13[%dma_wait3A_498, %dma_wait3A_499] : memref<2000x16xf32, #tpu.memory_space<vmem>> -> memref<128x16xf32, #tpu.memory_space<vmem>>
      %dma_wait3A_501 = arith.constant 1664 : i32
      %dma_wait3A_502 = tpu.memref_slice %arg10[%dma_wait3A_501] : memref<2000xi32, #tpu.memory_space<vmem>> -> memref<128xi32, #tpu.memory_space<vmem>>
      %dma_wait3A_503 = arith.constant 0 : i32
      %dma_wait3A_504 = arith.constant 0 : i32
      %dma_wait3A_505 = tpu.memref_slice %arg2[%dma_wait3A_503, %dma_wait3A_504] : memref<10000x16xf32, #tpu.memory_space<hbm>> -> memref<10000x16xf32, #tpu.memory_space<hbm>>
      tpu.wait_indirect_dma semaphore(%arg18 : memref<!tpu.dma_semaphore, #tpu.memory_space<semaphore_mem>>) src(%dma_wait3A_505 : memref<10000x16xf32, #tpu.memory_space<hbm>>) dst(%dma_wait3A_500 : memref<128x16xf32, #tpu.memory_space<vmem>>)
      %dma_wait3A_506 = arith.constant 1664 : i32
      %dma_wait3A_507 = arith.constant 0 : i32
      %dma_wait3A_508 = tpu.memref_slice %arg14[%dma_wait3A_506, %dma_wait3A_507] : memref<2000x16xf32, #tpu.memory_space<vmem>> -> memref<128x16xf32, #tpu.memory_space<vmem>>
      %dma_wait3A_509 = arith.constant 1664 : i32
      %dma_wait3A_510 = tpu.memref_slice %arg12[%dma_wait3A_509] : memref<2000xi32, #tpu.memory_space<vmem>> -> memref<128xi32, #tpu.memory_space<vmem>>
      %dma_wait3A_511 = arith.constant 0 : i32
      %dma_wait3A_512 = arith.constant 0 : i32
      %dma_wait3A_513 = tpu.memref_slice %arg6[%dma_wait3A_511, %dma_wait3A_512] : memref<50000x16xf32, #tpu.memory_space<hbm>> -> memref<50000x16xf32, #tpu.memory_space<hbm>>
      tpu.wait_indirect_dma semaphore(%arg18 : memref<!tpu.dma_semaphore, #tpu.memory_space<semaphore_mem>>) src(%dma_wait3A_513 : memref<50000x16xf32, #tpu.memory_space<hbm>>) dst(%dma_wait3A_508 : memref<128x16xf32, #tpu.memory_space<vmem>>)
      %dma_wait3A_514 = arith.constant 1792 : i32
      %dma_wait3A_515 = arith.constant 0 : i32
      %dma_wait3A_516 = tpu.memref_slice %arg13[%dma_wait3A_514, %dma_wait3A_515] : memref<2000x16xf32, #tpu.memory_space<vmem>> -> memref<128x16xf32, #tpu.memory_space<vmem>>
      %dma_wait3A_517 = arith.constant 1792 : i32
      %dma_wait3A_518 = tpu.memref_slice %arg10[%dma_wait3A_517] : memref<2000xi32, #tpu.memory_space<vmem>> -> memref<128xi32, #tpu.memory_space<vmem>>
      %dma_wait3A_519 = arith.constant 0 : i32
      %dma_wait3A_520 = arith.constant 0 : i32
      %dma_wait3A_521 = tpu.memref_slice %arg2[%dma_wait3A_519, %dma_wait3A_520] : memref<10000x16xf32, #tpu.memory_space<hbm>> -> memref<10000x16xf32, #tpu.memory_space<hbm>>
      tpu.wait_indirect_dma semaphore(%arg18 : memref<!tpu.dma_semaphore, #tpu.memory_space<semaphore_mem>>) src(%dma_wait3A_521 : memref<10000x16xf32, #tpu.memory_space<hbm>>) dst(%dma_wait3A_516 : memref<128x16xf32, #tpu.memory_space<vmem>>)
      %dma_wait3A_522 = arith.constant 1792 : i32
      %dma_wait3A_523 = arith.constant 0 : i32
      %dma_wait3A_524 = tpu.memref_slice %arg14[%dma_wait3A_522, %dma_wait3A_523] : memref<2000x16xf32, #tpu.memory_space<vmem>> -> memref<128x16xf32, #tpu.memory_space<vmem>>
      %dma_wait3A_525 = arith.constant 1792 : i32
      %dma_wait3A_526 = tpu.memref_slice %arg12[%dma_wait3A_525] : memref<2000xi32, #tpu.memory_space<vmem>> -> memref<128xi32, #tpu.memory_space<vmem>>
      %dma_wait3A_527 = arith.constant 0 : i32
      %dma_wait3A_528 = arith.constant 0 : i32
      %dma_wait3A_529 = tpu.memref_slice %arg6[%dma_wait3A_527, %dma_wait3A_528] : memref<50000x16xf32, #tpu.memory_space<hbm>> -> memref<50000x16xf32, #tpu.memory_space<hbm>>
      tpu.wait_indirect_dma semaphore(%arg18 : memref<!tpu.dma_semaphore, #tpu.memory_space<semaphore_mem>>) src(%dma_wait3A_529 : memref<50000x16xf32, #tpu.memory_space<hbm>>) dst(%dma_wait3A_524 : memref<128x16xf32, #tpu.memory_space<vmem>>)
      %dma_wait3A_530 = arith.constant 1920 : i32
      %dma_wait3A_531 = arith.constant 0 : i32
      %dma_wait3A_532 = tpu.memref_slice %arg13[%dma_wait3A_530, %dma_wait3A_531] : memref<2000x16xf32, #tpu.memory_space<vmem>> -> memref<80x16xf32, #tpu.memory_space<vmem>>
      %dma_wait3A_533 = arith.constant 1920 : i32
      %dma_wait3A_534 = tpu.memref_slice %arg10[%dma_wait3A_533] : memref<2000xi32, #tpu.memory_space<vmem>> -> memref<80xi32, #tpu.memory_space<vmem>>
      %dma_wait3A_535 = arith.constant 0 : i32
      %dma_wait3A_536 = arith.constant 0 : i32
      %dma_wait3A_537 = tpu.memref_slice %arg2[%dma_wait3A_535, %dma_wait3A_536] : memref<10000x16xf32, #tpu.memory_space<hbm>> -> memref<10000x16xf32, #tpu.memory_space<hbm>>
      tpu.wait_indirect_dma semaphore(%arg18 : memref<!tpu.dma_semaphore, #tpu.memory_space<semaphore_mem>>) src(%dma_wait3A_537 : memref<10000x16xf32, #tpu.memory_space<hbm>>) dst(%dma_wait3A_532 : memref<80x16xf32, #tpu.memory_space<vmem>>)
      %dma_wait3A_538 = arith.constant 1920 : i32
      %dma_wait3A_539 = arith.constant 0 : i32
      %dma_wait3A_540 = tpu.memref_slice %arg14[%dma_wait3A_538, %dma_wait3A_539] : memref<2000x16xf32, #tpu.memory_space<vmem>> -> memref<80x16xf32, #tpu.memory_space<vmem>>
      %dma_wait3A_541 = arith.constant 1920 : i32
      %dma_wait3A_542 = tpu.memref_slice %arg12[%dma_wait3A_541] : memref<2000xi32, #tpu.memory_space<vmem>> -> memref<80xi32, #tpu.memory_space<vmem>>
      %dma_wait3A_543 = arith.constant 0 : i32
      %dma_wait3A_544 = arith.constant 0 : i32
      %dma_wait3A_545 = tpu.memref_slice %arg6[%dma_wait3A_543, %dma_wait3A_544] : memref<50000x16xf32, #tpu.memory_space<hbm>> -> memref<50000x16xf32, #tpu.memory_space<hbm>>
      tpu.wait_indirect_dma semaphore(%arg18 : memref<!tpu.dma_semaphore, #tpu.memory_space<semaphore_mem>>) src(%dma_wait3A_545 : memref<50000x16xf32, #tpu.memory_space<hbm>>) dst(%dma_wait3A_540 : memref<80x16xf32, #tpu.memory_space<vmem>>)
      %scan3A_546 = arith.constant 0 : i32
      %scan3A_547 = arith.constant 0 : i32
      %scan3A_548 = arith.constant 125 : i32
      %scan3A_549 = arith.addi %scan3A_547, %scan3A_548 : i32
      %scan3A_550 = arith.constant 1 : i32
      %scan3A_551 = scf.for %scan3A_554 = %scan3A_547 to %scan3A_549 step %scan3A_550 iter_args(%scan3A_555 = %scan3A_546) -> (i32)  : i32 {
        %mul3A_556 = arith.constant 16 : i32
        %mul3A_557 = arith.muli %scan3A_554, %mul3A_556 : i32
        %add3A_558 = vector.broadcast %mul3A_557 : i32 to vector<16xi32>
        %add3A_559 = arith.addi %add3A_558, %iota3A : vector<16xi32>
        %broadcast_in_dim3A_560 = arith.constant 0.000000e+00 : f32
        %broadcast_in_dim3A_561 = vector.broadcast %broadcast_in_dim3A_560 : f32 to vector<16xf32>
        %broadcast_in_dim3A_562 = arith.constant 0 : i32
        %broadcast_in_dim3A_563 = vector.broadcast %broadcast_in_dim3A_562 : i32 to vector<16xi32>
        %gather3A = tpu.vector_load_idx %arg13[%add3A_559, %broadcast_in_dim3A_563] : memref<2000x16xf32, #tpu.memory_space<vmem>>[vector<16xi32>, vector<16xi32>], vector<16xf32>,
        %gather3A_564 = tpu.vector_load_idx %arg14[%add3A_559, %broadcast_in_dim3A_563] : memref<2000x16xf32, #tpu.memory_space<vmem>>[vector<16xi32>, vector<16xi32>], vector<16xf32>,
        %mul3A_565 = arith.mulf %gather3A, %gather3A_564 : vector<16xf32>
        %add3A_566 = arith.addf %broadcast_in_dim3A_561, %mul3A_565 : vector<16xf32>
        %broadcast_in_dim3A_567 = arith.constant 1 : i32
        %broadcast_in_dim3A_568 = vector.broadcast %broadcast_in_dim3A_567 : i32 to vector<16xi32>
        %gather3A_569 = tpu.vector_load_idx %arg13[%add3A_559, %broadcast_in_dim3A_568] : memref<2000x16xf32, #tpu.memory_space<vmem>>[vector<16xi32>, vector<16xi32>], vector<16xf32>,
        %gather3A_570 = tpu.vector_load_idx %arg14[%add3A_559, %broadcast_in_dim3A_568] : memref<2000x16xf32, #tpu.memory_space<vmem>>[vector<16xi32>, vector<16xi32>], vector<16xf32>,
        %mul3A_571 = arith.mulf %gather3A_569, %gather3A_570 : vector<16xf32>
        %add3A_572 = arith.addf %add3A_566, %mul3A_571 : vector<16xf32>
        %broadcast_in_dim3A_573 = arith.constant 2 : i32
        %broadcast_in_dim3A_574 = vector.broadcast %broadcast_in_dim3A_573 : i32 to vector<16xi32>
        %gather3A_575 = tpu.vector_load_idx %arg13[%add3A_559, %broadcast_in_dim3A_574] : memref<2000x16xf32, #tpu.memory_space<vmem>>[vector<16xi32>, vector<16xi32>], vector<16xf32>,
        %gather3A_576 = tpu.vector_load_idx %arg14[%add3A_559, %broadcast_in_dim3A_574] : memref<2000x16xf32, #tpu.memory_space<vmem>>[vector<16xi32>, vector<16xi32>], vector<16xf32>,
        %mul3A_577 = arith.mulf %gather3A_575, %gather3A_576 : vector<16xf32>
        %add3A_578 = arith.addf %add3A_572, %mul3A_577 : vector<16xf32>
        %broadcast_in_dim3A_579 = arith.constant 3 : i32
        %broadcast_in_dim3A_580 = vector.broadcast %broadcast_in_dim3A_579 : i32 to vector<16xi32>
        %gather3A_581 = tpu.vector_load_idx %arg13[%add3A_559, %broadcast_in_dim3A_580] : memref<2000x16xf32, #tpu.memory_space<vmem>>[vector<16xi32>, vector<16xi32>], vector<16xf32>,
        %gather3A_582 = tpu.vector_load_idx %arg14[%add3A_559, %broadcast_in_dim3A_580] : memref<2000x16xf32, #tpu.memory_space<vmem>>[vector<16xi32>, vector<16xi32>], vector<16xf32>,
        %mul3A_583 = arith.mulf %gather3A_581, %gather3A_582 : vector<16xf32>
        %add3A_584 = arith.addf %add3A_578, %mul3A_583 : vector<16xf32>
        %broadcast_in_dim3A_585 = arith.constant 4 : i32
        %broadcast_in_dim3A_586 = vector.broadcast %broadcast_in_dim3A_585 : i32 to vector<16xi32>
        %gather3A_587 = tpu.vector_load_idx %arg13[%add3A_559, %broadcast_in_dim3A_586] : memref<2000x16xf32, #tpu.memory_space<vmem>>[vector<16xi32>, vector<16xi32>], vector<16xf32>,
        %gather3A_588 = tpu.vector_load_idx %arg14[%add3A_559, %broadcast_in_dim3A_586] : memref<2000x16xf32, #tpu.memory_space<vmem>>[vector<16xi32>, vector<16xi32>], vector<16xf32>,
        %mul3A_589 = arith.mulf %gather3A_587, %gather3A_588 : vector<16xf32>
        %add3A_590 = arith.addf %add3A_584, %mul3A_589 : vector<16xf32>
        %broadcast_in_dim3A_591 = arith.constant 5 : i32
        %broadcast_in_dim3A_592 = vector.broadcast %broadcast_in_dim3A_591 : i32 to vector<16xi32>
        %gather3A_593 = tpu.vector_load_idx %arg13[%add3A_559, %broadcast_in_dim3A_592] : memref<2000x16xf32, #tpu.memory_space<vmem>>[vector<16xi32>, vector<16xi32>], vector<16xf32>,
        %gather3A_594 = tpu.vector_load_idx %arg14[%add3A_559, %broadcast_in_dim3A_592] : memref<2000x16xf32, #tpu.memory_space<vmem>>[vector<16xi32>, vector<16xi32>], vector<16xf32>,
        %mul3A_595 = arith.mulf %gather3A_593, %gather3A_594 : vector<16xf32>
        %add3A_596 = arith.addf %add3A_590, %mul3A_595 : vector<16xf32>
        %broadcast_in_dim3A_597 = arith.constant 6 : i32
        %broadcast_in_dim3A_598 = vector.broadcast %broadcast_in_dim3A_597 : i32 to vector<16xi32>
        %gather3A_599 = tpu.vector_load_idx %arg13[%add3A_559, %broadcast_in_dim3A_598] : memref<2000x16xf32, #tpu.memory_space<vmem>>[vector<16xi32>, vector<16xi32>], vector<16xf32>,
        %gather3A_600 = tpu.vector_load_idx %arg14[%add3A_559, %broadcast_in_dim3A_598] : memref<2000x16xf32, #tpu.memory_space<vmem>>[vector<16xi32>, vector<16xi32>], vector<16xf32>,
        %mul3A_601 = arith.mulf %gather3A_599, %gather3A_600 : vector<16xf32>
        %add3A_602 = arith.addf %add3A_596, %mul3A_601 : vector<16xf32>
        %broadcast_in_dim3A_603 = arith.constant 7 : i32
        %broadcast_in_dim3A_604 = vector.broadcast %broadcast_in_dim3A_603 : i32 to vector<16xi32>
        %gather3A_605 = tpu.vector_load_idx %arg13[%add3A_559, %broadcast_in_dim3A_604] : memref<2000x16xf32, #tpu.memory_space<vmem>>[vector<16xi32>, vector<16xi32>], vector<16xf32>,
        %gather3A_606 = tpu.vector_load_idx %arg14[%add3A_559, %broadcast_in_dim3A_604] : memref<2000x16xf32, #tpu.memory_space<vmem>>[vector<16xi32>, vector<16xi32>], vector<16xf32>,
        %mul3A_607 = arith.mulf %gather3A_605, %gather3A_606 : vector<16xf32>
        %add3A_608 = arith.addf %add3A_602, %mul3A_607 : vector<16xf32>
        %broadcast_in_dim3A_609 = arith.constant 8 : i32
        %broadcast_in_dim3A_610 = vector.broadcast %broadcast_in_dim3A_609 : i32 to vector<16xi32>
        %gather3A_611 = tpu.vector_load_idx %arg13[%add3A_559, %broadcast_in_dim3A_610] : memref<2000x16xf32, #tpu.memory_space<vmem>>[vector<16xi32>, vector<16xi32>], vector<16xf32>,
        %gather3A_612 = tpu.vector_load_idx %arg14[%add3A_559, %broadcast_in_dim3A_610] : memref<2000x16xf32, #tpu.memory_space<vmem>>[vector<16xi32>, vector<16xi32>], vector<16xf32>,
        %mul3A_613 = arith.mulf %gather3A_611, %gather3A_612 : vector<16xf32>
        %add3A_614 = arith.addf %add3A_608, %mul3A_613 : vector<16xf32>
        %broadcast_in_dim3A_615 = arith.constant 9 : i32
        %broadcast_in_dim3A_616 = vector.broadcast %broadcast_in_dim3A_615 : i32 to vector<16xi32>
        %gather3A_617 = tpu.vector_load_idx %arg13[%add3A_559, %broadcast_in_dim3A_616] : memref<2000x16xf32, #tpu.memory_space<vmem>>[vector<16xi32>, vector<16xi32>], vector<16xf32>,
        %gather3A_618 = tpu.vector_load_idx %arg14[%add3A_559, %broadcast_in_dim3A_616] : memref<2000x16xf32, #tpu.memory_space<vmem>>[vector<16xi32>, vector<16xi32>], vector<16xf32>,
        %mul3A_619 = arith.mulf %gather3A_617, %gather3A_618 : vector<16xf32>
        %add3A_620 = arith.addf %add3A_614, %mul3A_619 : vector<16xf32>
        %broadcast_in_dim3A_621 = arith.constant 10 : i32
        %broadcast_in_dim3A_622 = vector.broadcast %broadcast_in_dim3A_621 : i32 to vector<16xi32>
        %gather3A_623 = tpu.vector_load_idx %arg13[%add3A_559, %broadcast_in_dim3A_622] : memref<2000x16xf32, #tpu.memory_space<vmem>>[vector<16xi32>, vector<16xi32>], vector<16xf32>,
        %gather3A_624 = tpu.vector_load_idx %arg14[%add3A_559, %broadcast_in_dim3A_622] : memref<2000x16xf32, #tpu.memory_space<vmem>>[vector<16xi32>, vector<16xi32>], vector<16xf32>,
        %mul3A_625 = arith.mulf %gather3A_623, %gather3A_624 : vector<16xf32>
        %add3A_626 = arith.addf %add3A_620, %mul3A_625 : vector<16xf32>
        %broadcast_in_dim3A_627 = arith.constant 11 : i32
        %broadcast_in_dim3A_628 = vector.broadcast %broadcast_in_dim3A_627 : i32 to vector<16xi32>
        %gather3A_629 = tpu.vector_load_idx %arg13[%add3A_559, %broadcast_in_dim3A_628] : memref<2000x16xf32, #tpu.memory_space<vmem>>[vector<16xi32>, vector<16xi32>], vector<16xf32>,
        %gather3A_630 = tpu.vector_load_idx %arg14[%add3A_559, %broadcast_in_dim3A_628] : memref<2000x16xf32, #tpu.memory_space<vmem>>[vector<16xi32>, vector<16xi32>], vector<16xf32>,
        %mul3A_631 = arith.mulf %gather3A_629, %gather3A_630 : vector<16xf32>
        %add3A_632 = arith.addf %add3A_626, %mul3A_631 : vector<16xf32>
        %broadcast_in_dim3A_633 = arith.constant 12 : i32
        %broadcast_in_dim3A_634 = vector.broadcast %broadcast_in_dim3A_633 : i32 to vector<16xi32>
        %gather3A_635 = tpu.vector_load_idx %arg13[%add3A_559, %broadcast_in_dim3A_634] : memref<2000x16xf32, #tpu.memory_space<vmem>>[vector<16xi32>, vector<16xi32>], vector<16xf32>,
        %gather3A_636 = tpu.vector_load_idx %arg14[%add3A_559, %broadcast_in_dim3A_634] : memref<2000x16xf32, #tpu.memory_space<vmem>>[vector<16xi32>, vector<16xi32>], vector<16xf32>,
        %mul3A_637 = arith.mulf %gather3A_635, %gather3A_636 : vector<16xf32>
        %add3A_638 = arith.addf %add3A_632, %mul3A_637 : vector<16xf32>
        %broadcast_in_dim3A_639 = arith.constant 13 : i32
        %broadcast_in_dim3A_640 = vector.broadcast %broadcast_in_dim3A_639 : i32 to vector<16xi32>
        %gather3A_641 = tpu.vector_load_idx %arg13[%add3A_559, %broadcast_in_dim3A_640] : memref<2000x16xf32, #tpu.memory_space<vmem>>[vector<16xi32>, vector<16xi32>], vector<16xf32>,
        %gather3A_642 = tpu.vector_load_idx %arg14[%add3A_559, %broadcast_in_dim3A_640] : memref<2000x16xf32, #tpu.memory_space<vmem>>[vector<16xi32>, vector<16xi32>], vector<16xf32>,
        %mul3A_643 = arith.mulf %gather3A_641, %gather3A_642 : vector<16xf32>
        %add3A_644 = arith.addf %add3A_638, %mul3A_643 : vector<16xf32>
        %broadcast_in_dim3A_645 = arith.constant 14 : i32
        %broadcast_in_dim3A_646 = vector.broadcast %broadcast_in_dim3A_645 : i32 to vector<16xi32>
        %gather3A_647 = tpu.vector_load_idx %arg13[%add3A_559, %broadcast_in_dim3A_646] : memref<2000x16xf32, #tpu.memory_space<vmem>>[vector<16xi32>, vector<16xi32>], vector<16xf32>,
        %gather3A_648 = tpu.vector_load_idx %arg14[%add3A_559, %broadcast_in_dim3A_646] : memref<2000x16xf32, #tpu.memory_space<vmem>>[vector<16xi32>, vector<16xi32>], vector<16xf32>,
        %mul3A_649 = arith.mulf %gather3A_647, %gather3A_648 : vector<16xf32>
        %add3A_650 = arith.addf %add3A_644, %mul3A_649 : vector<16xf32>
        %broadcast_in_dim3A_651 = arith.constant 15 : i32
        %broadcast_in_dim3A_652 = vector.broadcast %broadcast_in_dim3A_651 : i32 to vector<16xi32>
        %gather3A_653 = tpu.vector_load_idx %arg13[%add3A_559, %broadcast_in_dim3A_652] : memref<2000x16xf32, #tpu.memory_space<vmem>>[vector<16xi32>, vector<16xi32>], vector<16xf32>,
        %gather3A_654 = tpu.vector_load_idx %arg14[%add3A_559, %broadcast_in_dim3A_652] : memref<2000x16xf32, #tpu.memory_space<vmem>>[vector<16xi32>, vector<16xi32>], vector<16xf32>,
        %mul3A_655 = arith.mulf %gather3A_653, %gather3A_654 : vector<16xf32>
        %add3A_656 = arith.addf %add3A_650, %mul3A_655 : vector<16xf32>
        %neg3A = arith.constant 0.000000e+00 : f32
        %neg3A_657 = vector.broadcast %neg3A : f32 to vector<16xf32>
        %neg3A_658 = arith.subf %neg3A_657, %add3A_656 : vector<16xf32>
        %exp3A = math.exp %neg3A_658 : vector<16xf32>
        %add3A_659 = arith.constant 1.000000e+00 : f32
        %add3A_660 = vector.broadcast %add3A_659 : f32 to vector<16xf32>
        %add3A_661 = arith.addf %add3A_660, %exp3A : vector<16xf32>
        %div3A = arith.constant 1.000000e+00 : f32
        %div3A_662 = vector.broadcast %div3A : f32 to vector<16xf32>
        %div3A_663 = arith.divf %div3A_662, %add3A_661 : vector<16xf32>
        %mul3A_664 = arith.constant 16 : i32
        %mul3A_665 = arith.muli %scan3A_554, %mul3A_664 : i32
        %swap3A = arith.index_cast %mul3A_665 : i32 to index
        %swap3A_666 = tpu.vector_load %arg15[%swap3A] {strides = array<i32>} : memref<2000xf32, #tpu.memory_space<vmem>>, vector<16xf32>,
        tpu.vector_store %arg15[%swap3A], %div3A_663 {strides = array<i32>} : memref<2000xf32, #tpu.memory_space<vmem>>, vector<16xf32>,
        %bitcast3A = vector.bitcast %div3A_663 : vector<16xf32> to vector<16xi32>
        %shift_right_logical3A = arith.constant 21 : i32
        %shift_right_logical3A_667 = vector.broadcast %shift_right_logical3A : i32 to vector<16xi32>
        %shift_right_logical3A_668 = arith.shrui %bitcast3A, %shift_right_logical3A_667 : vector<16xi32>
        tpu.vector_store_idx %arg16[%shift_right_logical3A_668, %iota3A], %broadcast_in_dim3A_3 {add = true} : memref<512x16xi32, #tpu.memory_space<vmem>>[vector<16xi32>, vector<16xi32>], vector<16xi32>,
        %scan3A_669 = arith.constant 0 : i32
        scf.yield %scan3A_669 : i32
      }
      %scan3A_552 = arith.constant 125 : i32
      "tpu.region"() ({
        %run_scoped3A = tpu.sem_alloc : memref<!tpu.dma_semaphore, #tpu.memory_space<semaphore_mem>>
        %dma_start3A_554 = tpu.memref_slice %arg7[%add3A_28] : memref<320000xf32, #tpu.memory_space<hbm>> -> memref<2000xf32, #tpu.memory_space<hbm>>
        %dma_start3A_555 = tpu.memref_slice %arg7[%add3A_28] : memref<320000xf32, #tpu.memory_space<hbm>> -> memref<2000xf32, #tpu.memory_space<hbm>>
        tpu.enqueue_dma source(%arg15 : memref<2000xf32, #tpu.memory_space<vmem>>) target(%dma_start3A_555 : memref<2000xf32, #tpu.memory_space<hbm>>) target_semaphore(%run_scoped3A : memref<!tpu.dma_semaphore, #tpu.memory_space<semaphore_mem>>)
        %dma_wait3A_556 = tpu.memref_slice %arg7[%add3A_28] : memref<320000xf32, #tpu.memory_space<hbm>> -> memref<2000xf32, #tpu.memory_space<hbm>>
        %dma_wait3A_557 = tpu.memref_slice %arg7[%add3A_28] : memref<320000xf32, #tpu.memory_space<hbm>> -> memref<2000xf32, #tpu.memory_space<hbm>>
        tpu.wait_dma2 semaphore(%run_scoped3A : memref<!tpu.dma_semaphore, #tpu.memory_space<semaphore_mem>>) src(%arg15 : memref<2000xf32, #tpu.memory_space<vmem>>) dst(%dma_wait3A_557 : memref<2000xf32, #tpu.memory_space<hbm>>)
        tpu.yield
      }) : () -> ()
      %scan3A_553 = arith.constant 0 : i32
      scf.yield %scan3A_553 : i32
    }
    %scan3A_16 = arith.constant 5 : i32
    %scan3A_17 = arith.constant 0 : i32
    %scan3A_18 = arith.constant 0 : i32
    %scan3A_19 = arith.constant 32 : i32
    %scan3A_20 = arith.addi %scan3A_18, %scan3A_19 : i32
    %scan3A_21 = arith.constant 1 : i32
    %scan3A_22 = scf.for %scan3A_24 = %scan3A_18 to %scan3A_20 step %scan3A_21 iter_args(%scan3A_25 = %scan3A_17) -> (i32)  : i32 {
      %mul3A_26 = arith.constant 16 : i32
      %mul3A_27 = arith.muli %scan3A_24, %mul3A_26 : i32
      %add3A_28 = vector.broadcast %mul3A_27 : i32 to vector<16xi32>
      %add3A_29 = arith.addi %add3A_28, %iota3A : vector<16xi32>
      %broadcast_in_dim3A_30 = arith.constant 0 : i32
      %broadcast_in_dim3A_31 = vector.broadcast %broadcast_in_dim3A_30 : i32 to vector<16xi32>
      %broadcast_in_dim3A_32 = arith.constant 0 : i32
      %broadcast_in_dim3A_33 = vector.broadcast %broadcast_in_dim3A_32 : i32 to vector<16xi32>
      %gather3A = tpu.vector_load_idx %arg16[%add3A_29, %broadcast_in_dim3A_33] : memref<512x16xi32, #tpu.memory_space<vmem>>[vector<16xi32>, vector<16xi32>], vector<16xi32>,
      %add3A_34 = arith.addi %broadcast_in_dim3A_31, %gather3A : vector<16xi32>
      %broadcast_in_dim3A_35 = arith.constant 1 : i32
      %broadcast_in_dim3A_36 = vector.broadcast %broadcast_in_dim3A_35 : i32 to vector<16xi32>
      %gather3A_37 = tpu.vector_load_idx %arg16[%add3A_29, %broadcast_in_dim3A_36] : memref<512x16xi32, #tpu.memory_space<vmem>>[vector<16xi32>, vector<16xi32>], vector<16xi32>,
      %add3A_38 = arith.addi %add3A_34, %gather3A_37 : vector<16xi32>
      %broadcast_in_dim3A_39 = arith.constant 2 : i32
      %broadcast_in_dim3A_40 = vector.broadcast %broadcast_in_dim3A_39 : i32 to vector<16xi32>
      %gather3A_41 = tpu.vector_load_idx %arg16[%add3A_29, %broadcast_in_dim3A_40] : memref<512x16xi32, #tpu.memory_space<vmem>>[vector<16xi32>, vector<16xi32>], vector<16xi32>,
      %add3A_42 = arith.addi %add3A_38, %gather3A_41 : vector<16xi32>
      %broadcast_in_dim3A_43 = arith.constant 3 : i32
      %broadcast_in_dim3A_44 = vector.broadcast %broadcast_in_dim3A_43 : i32 to vector<16xi32>
      %gather3A_45 = tpu.vector_load_idx %arg16[%add3A_29, %broadcast_in_dim3A_44] : memref<512x16xi32, #tpu.memory_space<vmem>>[vector<16xi32>, vector<16xi32>], vector<16xi32>,
      %add3A_46 = arith.addi %add3A_42, %gather3A_45 : vector<16xi32>
      %broadcast_in_dim3A_47 = arith.constant 4 : i32
      %broadcast_in_dim3A_48 = vector.broadcast %broadcast_in_dim3A_47 : i32 to vector<16xi32>
      %gather3A_49 = tpu.vector_load_idx %arg16[%add3A_29, %broadcast_in_dim3A_48] : memref<512x16xi32, #tpu.memory_space<vmem>>[vector<16xi32>, vector<16xi32>], vector<16xi32>,
      %add3A_50 = arith.addi %add3A_46, %gather3A_49 : vector<16xi32>
      %broadcast_in_dim3A_51 = arith.constant 5 : i32
      %broadcast_in_dim3A_52 = vector.broadcast %broadcast_in_dim3A_51 : i32 to vector<16xi32>
      %gather3A_53 = tpu.vector_load_idx %arg16[%add3A_29, %broadcast_in_dim3A_52] : memref<512x16xi32, #tpu.memory_space<vmem>>[vector<16xi32>, vector<16xi32>], vector<16xi32>,
      %add3A_54 = arith.addi %add3A_50, %gather3A_53 : vector<16xi32>
      %broadcast_in_dim3A_55 = arith.constant 6 : i32
      %broadcast_in_dim3A_56 = vector.broadcast %broadcast_in_dim3A_55 : i32 to vector<16xi32>
      %gather3A_57 = tpu.vector_load_idx %arg16[%add3A_29, %broadcast_in_dim3A_56] : memref<512x16xi32, #tpu.memory_space<vmem>>[vector<16xi32>, vector<16xi32>], vector<16xi32>,
      %add3A_58 = arith.addi %add3A_54, %gather3A_57 : vector<16xi32>
      %broadcast_in_dim3A_59 = arith.constant 7 : i32
      %broadcast_in_dim3A_60 = vector.broadcast %broadcast_in_dim3A_59 : i32 to vector<16xi32>
      %gather3A_61 = tpu.vector_load_idx %arg16[%add3A_29, %broadcast_in_dim3A_60] : memref<512x16xi32, #tpu.memory_space<vmem>>[vector<16xi32>, vector<16xi32>], vector<16xi32>,
      %add3A_62 = arith.addi %add3A_58, %gather3A_61 : vector<16xi32>
      %broadcast_in_dim3A_63 = arith.constant 8 : i32
      %broadcast_in_dim3A_64 = vector.broadcast %broadcast_in_dim3A_63 : i32 to vector<16xi32>
      %gather3A_65 = tpu.vector_load_idx %arg16[%add3A_29, %broadcast_in_dim3A_64] : memref<512x16xi32, #tpu.memory_space<vmem>>[vector<16xi32>, vector<16xi32>], vector<16xi32>,
      %add3A_66 = arith.addi %add3A_62, %gather3A_65 : vector<16xi32>
      %broadcast_in_dim3A_67 = arith.constant 9 : i32
      %broadcast_in_dim3A_68 = vector.broadcast %broadcast_in_dim3A_67 : i32 to vector<16xi32>
      %gather3A_69 = tpu.vector_load_idx %arg16[%add3A_29, %broadcast_in_dim3A_68] : memref<512x16xi32, #tpu.memory_space<vmem>>[vector<16xi32>, vector<16xi32>], vector<16xi32>,
      %add3A_70 = arith.addi %add3A_66, %gather3A_69 : vector<16xi32>
      %broadcast_in_dim3A_71 = arith.constant 10 : i32
      %broadcast_in_dim3A_72 = vector.broadcast %broadcast_in_dim3A_71 : i32 to vector<16xi32>
      %gather3A_73 = tpu.vector_load_idx %arg16[%add3A_29, %broadcast_in_dim3A_72] : memref<512x16xi32, #tpu.memory_space<vmem>>[vector<16xi32>, vector<16xi32>], vector<16xi32>,
      %add3A_74 = arith.addi %add3A_70, %gather3A_73 : vector<16xi32>
      %broadcast_in_dim3A_75 = arith.constant 11 : i32
      %broadcast_in_dim3A_76 = vector.broadcast %broadcast_in_dim3A_75 : i32 to vector<16xi32>
      %gather3A_77 = tpu.vector_load_idx %arg16[%add3A_29, %broadcast_in_dim3A_76] : memref<512x16xi32, #tpu.memory_space<vmem>>[vector<16xi32>, vector<16xi32>], vector<16xi32>,
      %add3A_78 = arith.addi %add3A_74, %gather3A_77 : vector<16xi32>
      %broadcast_in_dim3A_79 = arith.constant 12 : i32
      %broadcast_in_dim3A_80 = vector.broadcast %broadcast_in_dim3A_79 : i32 to vector<16xi32>
      %gather3A_81 = tpu.vector_load_idx %arg16[%add3A_29, %broadcast_in_dim3A_80] : memref<512x16xi32, #tpu.memory_space<vmem>>[vector<16xi32>, vector<16xi32>], vector<16xi32>,
      %add3A_82 = arith.addi %add3A_78, %gather3A_81 : vector<16xi32>
      %broadcast_in_dim3A_83 = arith.constant 13 : i32
      %broadcast_in_dim3A_84 = vector.broadcast %broadcast_in_dim3A_83 : i32 to vector<16xi32>
      %gather3A_85 = tpu.vector_load_idx %arg16[%add3A_29, %broadcast_in_dim3A_84] : memref<512x16xi32, #tpu.memory_space<vmem>>[vector<16xi32>, vector<16xi32>], vector<16xi32>,
      %add3A_86 = arith.addi %add3A_82, %gather3A_85 : vector<16xi32>
      %broadcast_in_dim3A_87 = arith.constant 14 : i32
      %broadcast_in_dim3A_88 = vector.broadcast %broadcast_in_dim3A_87 : i32 to vector<16xi32>
      %gather3A_89 = tpu.vector_load_idx %arg16[%add3A_29, %broadcast_in_dim3A_88] : memref<512x16xi32, #tpu.memory_space<vmem>>[vector<16xi32>, vector<16xi32>], vector<16xi32>,
      %add3A_90 = arith.addi %add3A_86, %gather3A_89 : vector<16xi32>
      %broadcast_in_dim3A_91 = arith.constant 15 : i32
      %broadcast_in_dim3A_92 = vector.broadcast %broadcast_in_dim3A_91 : i32 to vector<16xi32>
      %gather3A_93 = tpu.vector_load_idx %arg16[%add3A_29, %broadcast_in_dim3A_92] : memref<512x16xi32, #tpu.memory_space<vmem>>[vector<16xi32>, vector<16xi32>], vector<16xi32>,
      %add3A_94 = arith.addi %add3A_90, %gather3A_93 : vector<16xi32>
      %mul3A_95 = arith.constant 16 : i32
      %mul3A_96 = arith.muli %scan3A_24, %mul3A_95 : i32
      %swap3A = arith.index_cast %mul3A_96 : i32 to index
      %swap3A_97 = tpu.vector_load %arg17[%swap3A] {strides = array<i32>} : memref<512xi32, #tpu.memory_space<vmem>>, vector<16xi32>,
      tpu.vector_store %arg17[%swap3A], %add3A_94 {strides = array<i32>} : memref<512xi32, #tpu.memory_space<vmem>>, vector<16xi32>,
      %scan3A_98 = arith.constant 0 : i32
      scf.yield %scan3A_98 : i32
    }
    %scan3A_23 = arith.constant 32 : i32
    "tpu.region"() ({
      %run_scoped3A = tpu.sem_alloc : memref<!tpu.dma_semaphore, #tpu.memory_space<semaphore_mem>>
      %dma_start3A = arith.constant 0 : i32
      %dma_start3A_24 = tpu.memref_slice %arg8[%add3A, %dma_start3A] : memref<32x512xi32, #tpu.memory_space<hbm>> -> memref<1x512xi32, #tpu.memory_space<hbm>>
      %dma_start3A_25 = tpu.memref_squeeze %dma_start3A_24 : memref<1x512xi32, #tpu.memory_space<hbm>> -> memref<512xi32, #tpu.memory_space<hbm>>
      %dma_start3A_26 = arith.constant 0 : i32
      %dma_start3A_27 = tpu.memref_slice %arg8[%add3A, %dma_start3A_26] : memref<32x512xi32, #tpu.memory_space<hbm>> -> memref<1x512xi32, #tpu.memory_space<hbm>>
      %dma_start3A_28 = tpu.memref_squeeze %dma_start3A_27 : memref<1x512xi32, #tpu.memory_space<hbm>> -> memref<512xi32, #tpu.memory_space<hbm>>
      tpu.enqueue_dma source(%arg17 : memref<512xi32, #tpu.memory_space<vmem>>) target(%dma_start3A_28 : memref<512xi32, #tpu.memory_space<hbm>>) target_semaphore(%run_scoped3A : memref<!tpu.dma_semaphore, #tpu.memory_space<semaphore_mem>>)
      %dma_wait3A = arith.constant 0 : i32
      %dma_wait3A_29 = tpu.memref_slice %arg8[%add3A, %dma_wait3A] : memref<32x512xi32, #tpu.memory_space<hbm>> -> memref<1x512xi32, #tpu.memory_space<hbm>>
      %dma_wait3A_30 = tpu.memref_squeeze %dma_wait3A_29 : memref<1x512xi32, #tpu.memory_space<hbm>> -> memref<512xi32, #tpu.memory_space<hbm>>
      %dma_wait3A_31 = arith.constant 0 : i32
      %dma_wait3A_32 = tpu.memref_slice %arg8[%add3A, %dma_wait3A_31] : memref<32x512xi32, #tpu.memory_space<hbm>> -> memref<1x512xi32, #tpu.memory_space<hbm>>
      %dma_wait3A_33 = tpu.memref_squeeze %dma_wait3A_32 : memref<1x512xi32, #tpu.memory_space<hbm>> -> memref<512xi32, #tpu.memory_space<hbm>>
      tpu.wait_dma2 semaphore(%run_scoped3A : memref<!tpu.dma_semaphore, #tpu.memory_space<semaphore_mem>>) src(%arg17 : memref<512xi32, #tpu.memory_space<vmem>>) dst(%dma_wait3A_33 : memref<512xi32, #tpu.memory_space<hbm>>)
      tpu.yield
    }) : () -> ()
    return
  }
}

#map = affine_map<(d0, d1) -> (0)>
#map1 = affine_map<(d0, d1) -> (0, 0)>
module attributes {stable_mosaic.version = 14 : i64} {
  func.func @_hist_body(%arg0: i32, %arg1: i32, %arg2: memref<320000xf32, #tpu.memory_space<hbm>>, %arg3: memref<1x128xi32, #tpu.memory_space<hbm>>, %arg4: memref<32x1024xi32, #tpu.memory_space<hbm>>, %arg5: memref<10000xf32, #tpu.memory_space<vmem>>, %arg6: memref<1024x16xi32, #tpu.memory_space<vmem>>, %arg7: memref<1024xi32, #tpu.memory_space<vmem>>, %arg8: memref<128xi32, #tpu.memory_space<vmem>>) attributes {dimension_semantics = [#tpu.dimension_semantics<core_parallel>, #tpu.dimension_semantics<subcore_parallel>], iteration_bounds = array<i64: 2, 16>, scalar_prefetch = 0 : i64, scratch_operands = 4 : i64, tpu.core_type = #tpu.core_type<sc_vector_subcore>, window_params = [{transform_indices = #map}, {transform_indices = #map1}, {transform_indices = #map1}]} {
    %mul3A = arith.constant 2 : i32
    %mul3A_0 = arith.muli %arg1, %mul3A : i32
    %add3A = arith.addi %mul3A_0, %arg0 : i32
    %mul3A_1 = arith.constant 10000 : i32
    %mul3A_2 = arith.muli %add3A, %mul3A_1 : i32
    %iota3A = tpu.iota {dimensions = array<i32: 0>} : vector<16xi32>
    %broadcast_in_dim3A = arith.constant 1 : i32
    %broadcast_in_dim3A_3 = vector.broadcast %broadcast_in_dim3A : i32 to vector<16xi32>
    %run_scoped3A = arith.constant 0 : i32
    "tpu.region"() ({
      %run_scoped3A_25 = tpu.sem_alloc : memref<!tpu.dma_semaphore, #tpu.memory_space<semaphore_mem>>
      %dma_start3A = arith.constant 0 : i32
      %dma_start3A_26 = tpu.memref_slice %arg3[%run_scoped3A, %dma_start3A] : memref<1x128xi32, #tpu.memory_space<hbm>> -> memref<1x128xi32, #tpu.memory_space<hbm>>
      %dma_start3A_27 = tpu.memref_squeeze %dma_start3A_26 : memref<1x128xi32, #tpu.memory_space<hbm>> -> memref<128xi32, #tpu.memory_space<hbm>>
      %dma_start3A_28 = arith.constant 0 : i32
      %dma_start3A_29 = tpu.memref_slice %arg3[%run_scoped3A, %dma_start3A_28] : memref<1x128xi32, #tpu.memory_space<hbm>> -> memref<1x128xi32, #tpu.memory_space<hbm>>
      %dma_start3A_30 = tpu.memref_squeeze %dma_start3A_29 : memref<1x128xi32, #tpu.memory_space<hbm>> -> memref<128xi32, #tpu.memory_space<hbm>>
      tpu.enqueue_dma source(%dma_start3A_30 : memref<128xi32, #tpu.memory_space<hbm>>) target(%arg8 : memref<128xi32, #tpu.memory_space<vmem>>) target_semaphore(%run_scoped3A_25 : memref<!tpu.dma_semaphore, #tpu.memory_space<semaphore_mem>>)
      %dma_wait3A = arith.constant 0 : i32
      %dma_wait3A_31 = tpu.memref_slice %arg3[%run_scoped3A, %dma_wait3A] : memref<1x128xi32, #tpu.memory_space<hbm>> -> memref<1x128xi32, #tpu.memory_space<hbm>>
      %dma_wait3A_32 = tpu.memref_squeeze %dma_wait3A_31 : memref<1x128xi32, #tpu.memory_space<hbm>> -> memref<128xi32, #tpu.memory_space<hbm>>
      %dma_wait3A_33 = arith.constant 0 : i32
      %dma_wait3A_34 = tpu.memref_slice %arg3[%run_scoped3A, %dma_wait3A_33] : memref<1x128xi32, #tpu.memory_space<hbm>> -> memref<1x128xi32, #tpu.memory_space<hbm>>
      %dma_wait3A_35 = tpu.memref_squeeze %dma_wait3A_34 : memref<1x128xi32, #tpu.memory_space<hbm>> -> memref<128xi32, #tpu.memory_space<hbm>>
      tpu.wait_dma2 semaphore(%run_scoped3A_25 : memref<!tpu.dma_semaphore, #tpu.memory_space<semaphore_mem>>) src(%dma_wait3A_35 : memref<128xi32, #tpu.memory_space<hbm>>) dst(%arg8 : memref<128xi32, #tpu.memory_space<vmem>>)
      tpu.yield
    }) : () -> ()
    %get3A = arith.constant 0 : index
    %get3A_4 = tpu.vector_load %arg8[%get3A] {strides = array<i32>} : memref<128xi32, #tpu.memory_space<vmem>>, vector<16xi32>,
    %slice3A = vector.extract_strided_slice %get3A_4 {offsets = [2], sizes = [1], strides = [1]} : vector<16xi32> to vector<1xi32>
    %squeeze3A = vector.extract %slice3A[0] : i32 from vector<1xi32>
    "tpu.region"() ({
      %run_scoped3A_25 = tpu.sem_alloc : memref<!tpu.dma_semaphore, #tpu.memory_space<semaphore_mem>>
      %dma_start3A = tpu.memref_slice %arg2[%mul3A_2] : memref<320000xf32, #tpu.memory_space<hbm>> -> memref<10000xf32, #tpu.memory_space<hbm>>
      %dma_start3A_26 = tpu.memref_slice %arg2[%mul3A_2] : memref<320000xf32, #tpu.memory_space<hbm>> -> memref<10000xf32, #tpu.memory_space<hbm>>
      tpu.enqueue_dma source(%dma_start3A_26 : memref<10000xf32, #tpu.memory_space<hbm>>) target(%arg5 : memref<10000xf32, #tpu.memory_space<vmem>>) target_semaphore(%run_scoped3A_25 : memref<!tpu.dma_semaphore, #tpu.memory_space<semaphore_mem>>)
      %dma_wait3A = tpu.memref_slice %arg2[%mul3A_2] : memref<320000xf32, #tpu.memory_space<hbm>> -> memref<10000xf32, #tpu.memory_space<hbm>>
      %dma_wait3A_27 = tpu.memref_slice %arg2[%mul3A_2] : memref<320000xf32, #tpu.memory_space<hbm>> -> memref<10000xf32, #tpu.memory_space<hbm>>
      tpu.wait_dma2 semaphore(%run_scoped3A_25 : memref<!tpu.dma_semaphore, #tpu.memory_space<semaphore_mem>>) src(%dma_wait3A_27 : memref<10000xf32, #tpu.memory_space<hbm>>) dst(%arg5 : memref<10000xf32, #tpu.memory_space<vmem>>)
      tpu.yield
    }) : () -> ()
    %scan3A = arith.constant 0 : i32
    %scan3A_5 = arith.constant 0 : i32
    %scan3A_6 = arith.constant 1024 : i32
    %scan3A_7 = arith.addi %scan3A_5, %scan3A_6 : i32
    %scan3A_8 = arith.constant 1 : i32
    %scan3A_9 = scf.for %scan3A_25 = %scan3A_5 to %scan3A_7 step %scan3A_8 iter_args(%scan3A_26 = %scan3A) -> (i32)  : i32 {
      %broadcast_in_dim3A_27 = arith.constant 0 : i32
      %broadcast_in_dim3A_28 = vector.broadcast %broadcast_in_dim3A_27 : i32 to vector<16xi32>
      %swap3A = arith.index_cast %scan3A_25 : i32 to index
      %swap3A_29 = arith.constant 0 : index
      %swap3A_30 = tpu.vector_load %arg6[%swap3A, %swap3A_29] {strides = array<i32>} : memref<1024x16xi32, #tpu.memory_space<vmem>>, vector<16xi32>,
      tpu.vector_store %arg6[%swap3A, %swap3A_29], %broadcast_in_dim3A_28 {strides = array<i32>} : memref<1024x16xi32, #tpu.memory_space<vmem>>, vector<16xi32>,
      %scan3A_31 = arith.constant 0 : i32
      scf.yield %scan3A_31 : i32
    }
    %scan3A_10 = arith.constant 1024 : i32
    %scan3A_11 = arith.constant 0 : i32
    %scan3A_12 = arith.constant 0 : i32
    %scan3A_13 = arith.constant 625 : i32
    %scan3A_14 = arith.addi %scan3A_12, %scan3A_13 : i32
    %scan3A_15 = arith.constant 1 : i32
    %scan3A_16 = scf.for %scan3A_25 = %scan3A_12 to %scan3A_14 step %scan3A_15 iter_args(%scan3A_26 = %scan3A_11) -> (i32)  : i32 {
      %mul3A_27 = arith.constant 16 : i32
      %mul3A_28 = arith.muli %scan3A_25, %mul3A_27 : i32
      %get3A_29 = arith.index_cast %mul3A_28 : i32 to index
      %get3A_30 = tpu.vector_load %arg5[%get3A_29] {strides = array<i32>} : memref<10000xf32, #tpu.memory_space<vmem>>, vector<16xf32>,
      %bitcast3A = vector.bitcast %get3A_30 : vector<16xf32> to vector<16xi32>
      %shift_right_logical3A = arith.constant 10 : i32
      %shift_right_logical3A_31 = vector.broadcast %shift_right_logical3A : i32 to vector<16xi32>
      %shift_right_logical3A_32 = arith.shrui %bitcast3A, %shift_right_logical3A_31 : vector<16xi32>
      %eq3A = vector.broadcast %squeeze3A : i32 to vector<16xi32>
      %eq3A_33 = arith.cmpi eq, %shift_right_logical3A_32, %eq3A : vector<16xi32>
      %and3A = arith.constant 1023 : i32
      %and3A_34 = vector.broadcast %and3A : i32 to vector<16xi32>
      %and3A_35 = arith.andi %bitcast3A, %and3A_34 : vector<16xi32>
      tpu.vector_store_idx %arg6[%and3A_35, %iota3A], %broadcast_in_dim3A_3 masked %eq3A_33 {add = true} : memref<1024x16xi32, #tpu.memory_space<vmem>>[vector<16xi32>, vector<16xi32>], vector<16xi32>, vector<16xi1>
      %scan3A_36 = arith.constant 0 : i32
      scf.yield %scan3A_36 : i32
    }
    %scan3A_17 = arith.constant 625 : i32
    %scan3A_18 = arith.constant 0 : i32
    %scan3A_19 = arith.constant 0 : i32
    %scan3A_20 = arith.constant 64 : i32
    %scan3A_21 = arith.addi %scan3A_19, %scan3A_20 : i32
    %scan3A_22 = arith.constant 1 : i32
    %scan3A_23 = scf.for %scan3A_25 = %scan3A_19 to %scan3A_21 step %scan3A_22 iter_args(%scan3A_26 = %scan3A_18) -> (i32)  : i32 {
      %mul3A_27 = arith.constant 16 : i32
      %mul3A_28 = arith.muli %scan3A_25, %mul3A_27 : i32
      %add3A_29 = vector.broadcast %mul3A_28 : i32 to vector<16xi32>
      %add3A_30 = arith.addi %add3A_29, %iota3A : vector<16xi32>
      %broadcast_in_dim3A_31 = arith.constant 0 : i32
      %broadcast_in_dim3A_32 = vector.broadcast %broadcast_in_dim3A_31 : i32 to vector<16xi32>
      %broadcast_in_dim3A_33 = arith.constant 0 : i32
      %broadcast_in_dim3A_34 = vector.broadcast %broadcast_in_dim3A_33 : i32 to vector<16xi32>
      %gather3A = tpu.vector_load_idx %arg6[%add3A_30, %broadcast_in_dim3A_34] : memref<1024x16xi32, #tpu.memory_space<vmem>>[vector<16xi32>, vector<16xi32>], vector<16xi32>,
      %add3A_35 = arith.addi %broadcast_in_dim3A_32, %gather3A : vector<16xi32>
      %broadcast_in_dim3A_36 = arith.constant 1 : i32
      %broadcast_in_dim3A_37 = vector.broadcast %broadcast_in_dim3A_36 : i32 to vector<16xi32>
      %gather3A_38 = tpu.vector_load_idx %arg6[%add3A_30, %broadcast_in_dim3A_37] : memref<1024x16xi32, #tpu.memory_space<vmem>>[vector<16xi32>, vector<16xi32>], vector<16xi32>,
      %add3A_39 = arith.addi %add3A_35, %gather3A_38 : vector<16xi32>
      %broadcast_in_dim3A_40 = arith.constant 2 : i32
      %broadcast_in_dim3A_41 = vector.broadcast %broadcast_in_dim3A_40 : i32 to vector<16xi32>
      %gather3A_42 = tpu.vector_load_idx %arg6[%add3A_30, %broadcast_in_dim3A_41] : memref<1024x16xi32, #tpu.memory_space<vmem>>[vector<16xi32>, vector<16xi32>], vector<16xi32>,
      %add3A_43 = arith.addi %add3A_39, %gather3A_42 : vector<16xi32>
      %broadcast_in_dim3A_44 = arith.constant 3 : i32
      %broadcast_in_dim3A_45 = vector.broadcast %broadcast_in_dim3A_44 : i32 to vector<16xi32>
      %gather3A_46 = tpu.vector_load_idx %arg6[%add3A_30, %broadcast_in_dim3A_45] : memref<1024x16xi32, #tpu.memory_space<vmem>>[vector<16xi32>, vector<16xi32>], vector<16xi32>,
      %add3A_47 = arith.addi %add3A_43, %gather3A_46 : vector<16xi32>
      %broadcast_in_dim3A_48 = arith.constant 4 : i32
      %broadcast_in_dim3A_49 = vector.broadcast %broadcast_in_dim3A_48 : i32 to vector<16xi32>
      %gather3A_50 = tpu.vector_load_idx %arg6[%add3A_30, %broadcast_in_dim3A_49] : memref<1024x16xi32, #tpu.memory_space<vmem>>[vector<16xi32>, vector<16xi32>], vector<16xi32>,
      %add3A_51 = arith.addi %add3A_47, %gather3A_50 : vector<16xi32>
      %broadcast_in_dim3A_52 = arith.constant 5 : i32
      %broadcast_in_dim3A_53 = vector.broadcast %broadcast_in_dim3A_52 : i32 to vector<16xi32>
      %gather3A_54 = tpu.vector_load_idx %arg6[%add3A_30, %broadcast_in_dim3A_53] : memref<1024x16xi32, #tpu.memory_space<vmem>>[vector<16xi32>, vector<16xi32>], vector<16xi32>,
      %add3A_55 = arith.addi %add3A_51, %gather3A_54 : vector<16xi32>
      %broadcast_in_dim3A_56 = arith.constant 6 : i32
      %broadcast_in_dim3A_57 = vector.broadcast %broadcast_in_dim3A_56 : i32 to vector<16xi32>
      %gather3A_58 = tpu.vector_load_idx %arg6[%add3A_30, %broadcast_in_dim3A_57] : memref<1024x16xi32, #tpu.memory_space<vmem>>[vector<16xi32>, vector<16xi32>], vector<16xi32>,
      %add3A_59 = arith.addi %add3A_55, %gather3A_58 : vector<16xi32>
      %broadcast_in_dim3A_60 = arith.constant 7 : i32
      %broadcast_in_dim3A_61 = vector.broadcast %broadcast_in_dim3A_60 : i32 to vector<16xi32>
      %gather3A_62 = tpu.vector_load_idx %arg6[%add3A_30, %broadcast_in_dim3A_61] : memref<1024x16xi32, #tpu.memory_space<vmem>>[vector<16xi32>, vector<16xi32>], vector<16xi32>,
      %add3A_63 = arith.addi %add3A_59, %gather3A_62 : vector<16xi32>
      %broadcast_in_dim3A_64 = arith.constant 8 : i32
      %broadcast_in_dim3A_65 = vector.broadcast %broadcast_in_dim3A_64 : i32 to vector<16xi32>
      %gather3A_66 = tpu.vector_load_idx %arg6[%add3A_30, %broadcast_in_dim3A_65] : memref<1024x16xi32, #tpu.memory_space<vmem>>[vector<16xi32>, vector<16xi32>], vector<16xi32>,
      %add3A_67 = arith.addi %add3A_63, %gather3A_66 : vector<16xi32>
      %broadcast_in_dim3A_68 = arith.constant 9 : i32
      %broadcast_in_dim3A_69 = vector.broadcast %broadcast_in_dim3A_68 : i32 to vector<16xi32>
      %gather3A_70 = tpu.vector_load_idx %arg6[%add3A_30, %broadcast_in_dim3A_69] : memref<1024x16xi32, #tpu.memory_space<vmem>>[vector<16xi32>, vector<16xi32>], vector<16xi32>,
      %add3A_71 = arith.addi %add3A_67, %gather3A_70 : vector<16xi32>
      %broadcast_in_dim3A_72 = arith.constant 10 : i32
      %broadcast_in_dim3A_73 = vector.broadcast %broadcast_in_dim3A_72 : i32 to vector<16xi32>
      %gather3A_74 = tpu.vector_load_idx %arg6[%add3A_30, %broadcast_in_dim3A_73] : memref<1024x16xi32, #tpu.memory_space<vmem>>[vector<16xi32>, vector<16xi32>], vector<16xi32>,
      %add3A_75 = arith.addi %add3A_71, %gather3A_74 : vector<16xi32>
      %broadcast_in_dim3A_76 = arith.constant 11 : i32
      %broadcast_in_dim3A_77 = vector.broadcast %broadcast_in_dim3A_76 : i32 to vector<16xi32>
      %gather3A_78 = tpu.vector_load_idx %arg6[%add3A_30, %broadcast_in_dim3A_77] : memref<1024x16xi32, #tpu.memory_space<vmem>>[vector<16xi32>, vector<16xi32>], vector<16xi32>,
      %add3A_79 = arith.addi %add3A_75, %gather3A_78 : vector<16xi32>
      %broadcast_in_dim3A_80 = arith.constant 12 : i32
      %broadcast_in_dim3A_81 = vector.broadcast %broadcast_in_dim3A_80 : i32 to vector<16xi32>
      %gather3A_82 = tpu.vector_load_idx %arg6[%add3A_30, %broadcast_in_dim3A_81] : memref<1024x16xi32, #tpu.memory_space<vmem>>[vector<16xi32>, vector<16xi32>], vector<16xi32>,
      %add3A_83 = arith.addi %add3A_79, %gather3A_82 : vector<16xi32>
      %broadcast_in_dim3A_84 = arith.constant 13 : i32
      %broadcast_in_dim3A_85 = vector.broadcast %broadcast_in_dim3A_84 : i32 to vector<16xi32>
      %gather3A_86 = tpu.vector_load_idx %arg6[%add3A_30, %broadcast_in_dim3A_85] : memref<1024x16xi32, #tpu.memory_space<vmem>>[vector<16xi32>, vector<16xi32>], vector<16xi32>,
      %add3A_87 = arith.addi %add3A_83, %gather3A_86 : vector<16xi32>
      %broadcast_in_dim3A_88 = arith.constant 14 : i32
      %broadcast_in_dim3A_89 = vector.broadcast %broadcast_in_dim3A_88 : i32 to vector<16xi32>
      %gather3A_90 = tpu.vector_load_idx %arg6[%add3A_30, %broadcast_in_dim3A_89] : memref<1024x16xi32, #tpu.memory_space<vmem>>[vector<16xi32>, vector<16xi32>], vector<16xi32>,
      %add3A_91 = arith.addi %add3A_87, %gather3A_90 : vector<16xi32>
      %broadcast_in_dim3A_92 = arith.constant 15 : i32
      %broadcast_in_dim3A_93 = vector.broadcast %broadcast_in_dim3A_92 : i32 to vector<16xi32>
      %gather3A_94 = tpu.vector_load_idx %arg6[%add3A_30, %broadcast_in_dim3A_93] : memref<1024x16xi32, #tpu.memory_space<vmem>>[vector<16xi32>, vector<16xi32>], vector<16xi32>,
      %add3A_95 = arith.addi %add3A_91, %gather3A_94 : vector<16xi32>
      %mul3A_96 = arith.constant 16 : i32
      %mul3A_97 = arith.muli %scan3A_25, %mul3A_96 : i32
      %swap3A = arith.index_cast %mul3A_97 : i32 to index
      %swap3A_98 = tpu.vector_load %arg7[%swap3A] {strides = array<i32>} : memref<1024xi32, #tpu.memory_space<vmem>>, vector<16xi32>,
      tpu.vector_store %arg7[%swap3A], %add3A_95 {strides = array<i32>} : memref<1024xi32, #tpu.memory_space<vmem>>, vector<16xi32>,
      %scan3A_99 = arith.constant 0 : i32
      scf.yield %scan3A_99 : i32
    }
    %scan3A_24 = arith.constant 64 : i32
    "tpu.region"() ({
      %run_scoped3A_25 = tpu.sem_alloc : memref<!tpu.dma_semaphore, #tpu.memory_space<semaphore_mem>>
      %dma_start3A = arith.constant 0 : i32
      %dma_start3A_26 = tpu.memref_slice %arg4[%add3A, %dma_start3A] : memref<32x1024xi32, #tpu.memory_space<hbm>> -> memref<1x1024xi32, #tpu.memory_space<hbm>>
      %dma_start3A_27 = tpu.memref_squeeze %dma_start3A_26 : memref<1x1024xi32, #tpu.memory_space<hbm>> -> memref<1024xi32, #tpu.memory_space<hbm>>
      %dma_start3A_28 = arith.constant 0 : i32
      %dma_start3A_29 = tpu.memref_slice %arg4[%add3A, %dma_start3A_28] : memref<32x1024xi32, #tpu.memory_space<hbm>> -> memref<1x1024xi32, #tpu.memory_space<hbm>>
      %dma_start3A_30 = tpu.memref_squeeze %dma_start3A_29 : memref<1x1024xi32, #tpu.memory_space<hbm>> -> memref<1024xi32, #tpu.memory_space<hbm>>
      tpu.enqueue_dma source(%arg7 : memref<1024xi32, #tpu.memory_space<vmem>>) target(%dma_start3A_30 : memref<1024xi32, #tpu.memory_space<hbm>>) target_semaphore(%run_scoped3A_25 : memref<!tpu.dma_semaphore, #tpu.memory_space<semaphore_mem>>)
      %dma_wait3A = arith.constant 0 : i32
      %dma_wait3A_31 = tpu.memref_slice %arg4[%add3A, %dma_wait3A] : memref<32x1024xi32, #tpu.memory_space<hbm>> -> memref<1x1024xi32, #tpu.memory_space<hbm>>
      %dma_wait3A_32 = tpu.memref_squeeze %dma_wait3A_31 : memref<1x1024xi32, #tpu.memory_space<hbm>> -> memref<1024xi32, #tpu.memory_space<hbm>>
      %dma_wait3A_33 = arith.constant 0 : i32
      %dma_wait3A_34 = tpu.memref_slice %arg4[%add3A, %dma_wait3A_33] : memref<32x1024xi32, #tpu.memory_space<hbm>> -> memref<1x1024xi32, #tpu.memory_space<hbm>>
      %dma_wait3A_35 = tpu.memref_squeeze %dma_wait3A_34 : memref<1x1024xi32, #tpu.memory_space<hbm>> -> memref<1024xi32, #tpu.memory_space<hbm>>
      tpu.wait_dma2 semaphore(%run_scoped3A_25 : memref<!tpu.dma_semaphore, #tpu.memory_space<semaphore_mem>>) src(%arg7 : memref<1024xi32, #tpu.memory_space<vmem>>) dst(%dma_wait3A_35 : memref<1024xi32, #tpu.memory_space<hbm>>)
      tpu.yield
    }) : () -> ()
    return
  }
}

#map = affine_map<(d0, d1) -> (0)>
#map1 = affine_map<(d0, d1) -> (0, 0)>
module attributes {stable_mosaic.version = 14 : i64} {
  func.func @_final_body(%arg0: i32, %arg1: i32, %arg2: memref<320000xf32, #tpu.memory_space<hbm>>, %arg3: memref<320000xi32, #tpu.memory_space<hbm>>, %arg4: memref<1x128xi32, #tpu.memory_space<hbm>>, %arg5: memref<320000xf32, #tpu.memory_space<hbm>>, %arg6: memref<32x20000xf32, #tpu.memory_space<hbm>>, %arg7: memref<32x20000xf32, #tpu.memory_space<hbm>>, %arg8: memref<32x20000xf32, #tpu.memory_space<hbm>>, %arg9: memref<128xi32, #tpu.memory_space<vmem>>, %arg10: memref<2000xf32, #tpu.memory_space<vmem>>, %arg11: memref<2000xi32, #tpu.memory_space<vmem>>, %arg12: memref<2000xf32, #tpu.memory_space<vmem>>, %arg13: memref<20000xf32, #tpu.memory_space<vmem>>, %arg14: memref<20000xf32, #tpu.memory_space<vmem>>, %arg15: memref<20000xf32, #tpu.memory_space<vmem>>, %arg16: memref<16xi32, #tpu.memory_space<vmem>>, %arg17: memref<16xf32, #tpu.memory_space<vmem>>) attributes {dimension_semantics = [#tpu.dimension_semantics<core_parallel>, #tpu.dimension_semantics<subcore_parallel>], iteration_bounds = array<i64: 2, 16>, scalar_prefetch = 0 : i64, scratch_operands = 9 : i64, tpu.core_type = #tpu.core_type<sc_vector_subcore>, window_params = [{transform_indices = #map}, {transform_indices = #map}, {transform_indices = #map1}, {transform_indices = #map}, {transform_indices = #map1}, {transform_indices = #map1}, {transform_indices = #map1}]} {
    %mul3A = arith.constant 2 : i32
    %mul3A_0 = arith.muli %arg1, %mul3A : i32
    %add3A = arith.addi %mul3A_0, %arg0 : i32
    %mul3A_1 = arith.constant 10000 : i32
    %mul3A_2 = arith.muli %add3A, %mul3A_1 : i32
    %iota3A = tpu.iota {dimensions = array<i32: 0>} : vector<16xi32>
    %run_scoped3A = arith.constant 0 : i32
    "tpu.region"() ({
      %run_scoped3A_62 = tpu.sem_alloc : memref<!tpu.dma_semaphore, #tpu.memory_space<semaphore_mem>>
      %dma_start3A = arith.constant 0 : i32
      %dma_start3A_63 = tpu.memref_slice %arg4[%run_scoped3A, %dma_start3A] : memref<1x128xi32, #tpu.memory_space<hbm>> -> memref<1x128xi32, #tpu.memory_space<hbm>>
      %dma_start3A_64 = tpu.memref_squeeze %dma_start3A_63 : memref<1x128xi32, #tpu.memory_space<hbm>> -> memref<128xi32, #tpu.memory_space<hbm>>
      %dma_start3A_65 = arith.constant 0 : i32
      %dma_start3A_66 = tpu.memref_slice %arg4[%run_scoped3A, %dma_start3A_65] : memref<1x128xi32, #tpu.memory_space<hbm>> -> memref<1x128xi32, #tpu.memory_space<hbm>>
      %dma_start3A_67 = tpu.memref_squeeze %dma_start3A_66 : memref<1x128xi32, #tpu.memory_space<hbm>> -> memref<128xi32, #tpu.memory_space<hbm>>
      tpu.enqueue_dma source(%dma_start3A_67 : memref<128xi32, #tpu.memory_space<hbm>>) target(%arg9 : memref<128xi32, #tpu.memory_space<vmem>>) target_semaphore(%run_scoped3A_62 : memref<!tpu.dma_semaphore, #tpu.memory_space<semaphore_mem>>)
      %dma_wait3A = arith.constant 0 : i32
      %dma_wait3A_68 = tpu.memref_slice %arg4[%run_scoped3A, %dma_wait3A] : memref<1x128xi32, #tpu.memory_space<hbm>> -> memref<1x128xi32, #tpu.memory_space<hbm>>
      %dma_wait3A_69 = tpu.memref_squeeze %dma_wait3A_68 : memref<1x128xi32, #tpu.memory_space<hbm>> -> memref<128xi32, #tpu.memory_space<hbm>>
      %dma_wait3A_70 = arith.constant 0 : i32
      %dma_wait3A_71 = tpu.memref_slice %arg4[%run_scoped3A, %dma_wait3A_70] : memref<1x128xi32, #tpu.memory_space<hbm>> -> memref<1x128xi32, #tpu.memory_space<hbm>>
      %dma_wait3A_72 = tpu.memref_squeeze %dma_wait3A_71 : memref<1x128xi32, #tpu.memory_space<hbm>> -> memref<128xi32, #tpu.memory_space<hbm>>
      tpu.wait_dma2 semaphore(%run_scoped3A_62 : memref<!tpu.dma_semaphore, #tpu.memory_space<semaphore_mem>>) src(%dma_wait3A_72 : memref<128xi32, #tpu.memory_space<hbm>>) dst(%arg9 : memref<128xi32, #tpu.memory_space<vmem>>)
      tpu.yield
    }) : () -> ()
    %get3A = arith.constant 0 : index
    %get3A_3 = tpu.vector_load %arg9[%get3A] {strides = array<i32>} : memref<128xi32, #tpu.memory_space<vmem>>, vector<16xi32>,
    %slice3A = vector.extract_strided_slice %get3A_3 {offsets = [0], sizes = [1], strides = [1]} : vector<16xi32> to vector<1xi32>
    %squeeze3A = vector.extract %slice3A[0] : i32 from vector<1xi32>
    %slice3A_4 = vector.extract_strided_slice %get3A_3 {offsets = [1], sizes = [1], strides = [1]} : vector<16xi32> to vector<1xi32>
    %squeeze3A_5 = vector.extract %slice3A_4[0] : i32 from vector<1xi32>
    %add3A_6 = arith.constant 2 : i32
    %add3A_7 = arith.addi %add3A_6, %add3A : i32
    %jit3A = arith.constant 16 : i32
    %div3A = arith.divsi %add3A_7, %jit3A : i32
    %sign3A = arith.constant 0 : i32
    %sign3A_8 = arith.cmpi sgt, %add3A_7, %sign3A : i32
    %sign3A_9 = arith.extui %sign3A_8 : i1 to i32
    %sign3A_10 = arith.constant 0 : i32
    %sign3A_11 = arith.cmpi slt, %add3A_7, %sign3A_10 : i32
    %sign3A_12 = arith.extui %sign3A_11 : i1 to i32
    %sign3A_13 = arith.subi %sign3A_9, %sign3A_12 : i32
    %sign3A_14 = arith.constant 0 : i32
    %sign3A_15 = arith.cmpi sgt, %jit3A, %sign3A_14 : i32
    %sign3A_16 = arith.extui %sign3A_15 : i1 to i32
    %sign3A_17 = arith.constant 0 : i32
    %sign3A_18 = arith.cmpi slt, %jit3A, %sign3A_17 : i32
    %sign3A_19 = arith.extui %sign3A_18 : i1 to i32
    %sign3A_20 = arith.subi %sign3A_16, %sign3A_19 : i32
    %ne3A = arith.cmpi ne, %sign3A_13, %sign3A_20 : i32
    %rem3A = arith.remsi %add3A_7, %jit3A : i32
    %ne3A_21 = arith.constant 0 : i32
    %ne3A_22 = arith.cmpi ne, %rem3A, %ne3A_21 : i32
    %and3A = arith.andi %ne3A, %ne3A_22 : i1
    %sub3A = arith.constant 1 : i32
    %sub3A_23 = arith.subi %div3A, %sub3A : i32
    %select_n3A = arith.select %and3A, %sub3A_23, %div3A : i32
    %mul3A_24 = arith.constant 16 : i32
    %mul3A_25 = arith.muli %select_n3A, %mul3A_24 : i32
    %get3A_26 = arith.index_cast %mul3A_25 : i32 to index
    %get3A_27 = tpu.vector_load %arg9[%get3A_26] {strides = array<i32>} : memref<128xi32, #tpu.memory_space<vmem>>, vector<16xi32>,
    %jit3A_28 = arith.constant 16 : i32
    %eq3A = arith.constant 0 : i32
    %eq3A_29 = arith.cmpi eq, %jit3A_28, %eq3A : i32
    %jit3A_30 = arith.constant 1 : i32
    %select_n3A_31 = arith.select %eq3A_29, %jit3A_30, %jit3A_28 : i32
    %rem3A_32 = arith.remsi %add3A_7, %select_n3A_31 : i32
    %ne3A_33 = arith.constant 0 : i32
    %ne3A_34 = arith.cmpi ne, %rem3A_32, %ne3A_33 : i32
    %lt3A = arith.constant 0 : i32
    %lt3A_35 = arith.cmpi slt, %rem3A_32, %lt3A : i32
    %lt3A_36 = arith.constant 0 : i32
    %lt3A_37 = arith.cmpi slt, %select_n3A_31, %lt3A_36 : i32
    %ne3A_38 = arith.xori %lt3A_35, %lt3A_37 : i1
    %and3A_39 = arith.andi %ne3A_38, %ne3A_34 : i1
    %add3A_40 = arith.addi %rem3A_32, %select_n3A_31 : i32
    %select_n3A_41 = arith.select %and3A_39, %add3A_40, %rem3A_32 : i32
    %eq3A_42 = vector.broadcast %select_n3A_41 : i32 to vector<16xi32>
    %eq3A_43 = arith.cmpi eq, %iota3A, %eq3A_42 : vector<16xi32>
    %jit3A_44 = arith.constant 0 : i32
    %broadcast_in_dim3A = vector.broadcast %jit3A_44 : i32 to vector<16xi32>
    %select_n3A_45 = arith.select %eq3A_43, %get3A_27, %broadcast_in_dim3A : vector<16xi1>, vector<16xi32>
    %reduce_sum3A = arith.constant true
    %reduce_sum3A_46 = vector.broadcast %reduce_sum3A : i1 to vector<16xi1>
    %reduce_sum3A_47 = tpu.scan <sum>, %select_n3A_45 masked %reduce_sum3A_46 : vector<16xi32>, vector<16xi1> -> vector<16xi32>
    %reduce_sum3A_48 = vector.extract %reduce_sum3A_47[15] : i32 from vector<16xi32>
    %scan3A = arith.constant 0 : i32
    %scan3A_49 = arith.constant 0 : i32
    %scan3A_50 = arith.constant 1250 : i32
    %scan3A_51 = arith.addi %scan3A_49, %scan3A_50 : i32
    %scan3A_52 = arith.constant 1 : i32
    %scan3A_53 = scf.for %scan3A_62 = %scan3A_49 to %scan3A_51 step %scan3A_52 iter_args(%scan3A_63 = %scan3A) -> (i32)  : i32 {
      %broadcast_in_dim3A_64 = arith.constant 0.000000e+00 : f32
      %broadcast_in_dim3A_65 = vector.broadcast %broadcast_in_dim3A_64 : f32 to vector<16xf32>
      %mul3A_66 = arith.constant 16 : i32
      %mul3A_67 = arith.muli %scan3A_62, %mul3A_66 : i32
      %swap3A = arith.index_cast %mul3A_67 : i32 to index
      %swap3A_68 = tpu.vector_load %arg13[%swap3A] {strides = array<i32>} : memref<20000xf32, #tpu.memory_space<vmem>>, vector<16xf32>,
      tpu.vector_store %arg13[%swap3A], %broadcast_in_dim3A_65 {strides = array<i32>} : memref<20000xf32, #tpu.memory_space<vmem>>, vector<16xf32>,
      %mul3A_69 = arith.constant 16 : i32
      %mul3A_70 = arith.muli %scan3A_62, %mul3A_69 : i32
      %swap3A_71 = arith.index_cast %mul3A_70 : i32 to index
      %swap3A_72 = tpu.vector_load %arg14[%swap3A_71] {strides = array<i32>} : memref<20000xf32, #tpu.memory_space<vmem>>, vector<16xf32>,
      tpu.vector_store %arg14[%swap3A_71], %broadcast_in_dim3A_65 {strides = array<i32>} : memref<20000xf32, #tpu.memory_space<vmem>>, vector<16xf32>,
      %mul3A_73 = arith.constant 16 : i32
      %mul3A_74 = arith.muli %scan3A_62, %mul3A_73 : i32
      %swap3A_75 = arith.index_cast %mul3A_74 : i32 to index
      %swap3A_76 = tpu.vector_load %arg15[%swap3A_75] {strides = array<i32>} : memref<20000xf32, #tpu.memory_space<vmem>>, vector<16xf32>,
      tpu.vector_store %arg15[%swap3A_75], %broadcast_in_dim3A_65 {strides = array<i32>} : memref<20000xf32, #tpu.memory_space<vmem>>, vector<16xf32>,
      %scan3A_77 = arith.constant 0 : i32
      scf.yield %scan3A_77 : i32
    }
    %scan3A_54 = arith.constant 1250 : i32
    %scan3A_55 = arith.constant 0 : i32
    %scan3A_56 = arith.constant 0 : i32
    %scan3A_57 = arith.constant 5 : i32
    %scan3A_58 = arith.addi %scan3A_56, %scan3A_57 : i32
    %scan3A_59 = arith.constant 1 : i32
    %scan3A_60 = scf.for %scan3A_62 = %scan3A_56 to %scan3A_58 step %scan3A_59 iter_args(%scan3A_63 = %scan3A_55) -> (i32)  : i32 {
      %mul3A_64 = arith.constant 2000 : i32
      %mul3A_65 = arith.muli %scan3A_62, %mul3A_64 : i32
      %add3A_66 = arith.addi %mul3A_2, %mul3A_65 : i32
      "tpu.region"() ({
        %run_scoped3A_73 = tpu.sem_alloc : memref<!tpu.dma_semaphore, #tpu.memory_space<semaphore_mem>>
        %dma_start3A = tpu.memref_slice %arg2[%add3A_66] : memref<320000xf32, #tpu.memory_space<hbm>> -> memref<2000xf32, #tpu.memory_space<hbm>>
        %dma_start3A_74 = tpu.memref_slice %arg2[%add3A_66] : memref<320000xf32, #tpu.memory_space<hbm>> -> memref<2000xf32, #tpu.memory_space<hbm>>
        tpu.enqueue_dma source(%dma_start3A_74 : memref<2000xf32, #tpu.memory_space<hbm>>) target(%arg10 : memref<2000xf32, #tpu.memory_space<vmem>>) target_semaphore(%run_scoped3A_73 : memref<!tpu.dma_semaphore, #tpu.memory_space<semaphore_mem>>)
        %dma_wait3A = tpu.memref_slice %arg2[%add3A_66] : memref<320000xf32, #tpu.memory_space<hbm>> -> memref<2000xf32, #tpu.memory_space<hbm>>
        %dma_wait3A_75 = tpu.memref_slice %arg2[%add3A_66] : memref<320000xf32, #tpu.memory_space<hbm>> -> memref<2000xf32, #tpu.memory_space<hbm>>
        tpu.wait_dma2 semaphore(%run_scoped3A_73 : memref<!tpu.dma_semaphore, #tpu.memory_space<semaphore_mem>>) src(%dma_wait3A_75 : memref<2000xf32, #tpu.memory_space<hbm>>) dst(%arg10 : memref<2000xf32, #tpu.memory_space<vmem>>)
        tpu.yield
      }) : () -> ()
      "tpu.region"() ({
        %run_scoped3A_73 = tpu.sem_alloc : memref<!tpu.dma_semaphore, #tpu.memory_space<semaphore_mem>>
        %dma_start3A = tpu.memref_slice %arg3[%add3A_66] : memref<320000xi32, #tpu.memory_space<hbm>> -> memref<2000xi32, #tpu.memory_space<hbm>>
        %dma_start3A_74 = tpu.memref_slice %arg3[%add3A_66] : memref<320000xi32, #tpu.memory_space<hbm>> -> memref<2000xi32, #tpu.memory_space<hbm>>
        tpu.enqueue_dma source(%dma_start3A_74 : memref<2000xi32, #tpu.memory_space<hbm>>) target(%arg11 : memref<2000xi32, #tpu.memory_space<vmem>>) target_semaphore(%run_scoped3A_73 : memref<!tpu.dma_semaphore, #tpu.memory_space<semaphore_mem>>)
        %dma_wait3A = tpu.memref_slice %arg3[%add3A_66] : memref<320000xi32, #tpu.memory_space<hbm>> -> memref<2000xi32, #tpu.memory_space<hbm>>
        %dma_wait3A_75 = tpu.memref_slice %arg3[%add3A_66] : memref<320000xi32, #tpu.memory_space<hbm>> -> memref<2000xi32, #tpu.memory_space<hbm>>
        tpu.wait_dma2 semaphore(%run_scoped3A_73 : memref<!tpu.dma_semaphore, #tpu.memory_space<semaphore_mem>>) src(%dma_wait3A_75 : memref<2000xi32, #tpu.memory_space<hbm>>) dst(%arg11 : memref<2000xi32, #tpu.memory_space<vmem>>)
        tpu.yield
      }) : () -> ()
      %scan3A_67 = arith.constant 0 : i32
      %scan3A_68 = arith.constant 125 : i32
      %scan3A_69 = arith.addi %scan3A_67, %scan3A_68 : i32
      %scan3A_70 = arith.constant 1 : i32
      %scan3A_71 = scf.for %scan3A_73 = %scan3A_67 to %scan3A_69 step %scan3A_70 iter_args(%scan3A_74 = %scan3A_63) -> (i32)  : i32 {
        %mul3A_75 = arith.constant 16 : i32
        %mul3A_76 = arith.muli %scan3A_73, %mul3A_75 : i32
        %get3A_77 = arith.index_cast %mul3A_76 : i32 to index
        %get3A_78 = tpu.vector_load %arg10[%get3A_77] {strides = array<i32>} : memref<2000xf32, #tpu.memory_space<vmem>>, vector<16xf32>,
        %bitcast3A = vector.bitcast %get3A_78 : vector<16xf32> to vector<16xi32>
        %gt3A = vector.broadcast %squeeze3A : i32 to vector<16xi32>
        %gt3A_79 = arith.cmpi sgt, %bitcast3A, %gt3A : vector<16xi32>
        %eq3A_80 = vector.broadcast %squeeze3A : i32 to vector<16xi32>
        %eq3A_81 = arith.cmpi eq, %bitcast3A, %eq3A_80 : vector<16xi32>
        %jit3A_82 = arith.constant 1 : i32
        %jit3A_83 = arith.constant 0 : i32
        %broadcast_in_dim3A_84 = vector.broadcast %jit3A_82 : i32 to vector<16xi32>
        %broadcast_in_dim3A_85 = vector.broadcast %jit3A_83 : i32 to vector<16xi32>
        %select_n3A_86 = arith.select %eq3A_81, %broadcast_in_dim3A_84, %broadcast_in_dim3A_85 : vector<16xi1>, vector<16xi32>
        %broadcast_in_dim3A_87 = arith.constant true
        %broadcast_in_dim3A_88 = vector.broadcast %broadcast_in_dim3A_87 : i1 to vector<16xi1>
        %masked_cumsum3A = tpu.scan <sum>, %select_n3A_86 masked %broadcast_in_dim3A_88 : vector<16xi32>, vector<16xi1> -> vector<16xi32>
        %add3A_89 = arith.addi %reduce_sum3A_48, %scan3A_74 : i32
        %add3A_90 = vector.broadcast %add3A_89 : i32 to vector<16xi32>
        %add3A_91 = arith.addi %add3A_90, %masked_cumsum3A : vector<16xi32>
        %sub3A_92 = arith.subi %add3A_91, %select_n3A_86 : vector<16xi32>
        %lt3A_93 = vector.broadcast %squeeze3A_5 : i32 to vector<16xi32>
        %lt3A_94 = arith.cmpi slt, %sub3A_92, %lt3A_93 : vector<16xi32>
        %and3A_95 = arith.andi %eq3A_81, %lt3A_94 : vector<16xi1>
        %or3A = arith.ori %gt3A_79, %and3A_95 : vector<16xi1>
        %jit3A_96 = arith.constant 1.000000e+00 : f32
        %jit3A_97 = arith.constant 0.000000e+00 : f32
        %broadcast_in_dim3A_98 = vector.broadcast %jit3A_96 : f32 to vector<16xf32>
        %broadcast_in_dim3A_99 = vector.broadcast %jit3A_97 : f32 to vector<16xf32>
        %select_n3A_100 = arith.select %or3A, %broadcast_in_dim3A_98, %broadcast_in_dim3A_99 : vector<16xi1>, vector<16xf32>
        %mul3A_101 = arith.constant 16 : i32
        %mul3A_102 = arith.muli %scan3A_73, %mul3A_101 : i32
        %swap3A = arith.index_cast %mul3A_102 : i32 to index
        %swap3A_103 = tpu.vector_load %arg12[%swap3A] {strides = array<i32>} : memref<2000xf32, #tpu.memory_space<vmem>>, vector<16xf32>,
        tpu.vector_store %arg12[%swap3A], %select_n3A_100 {strides = array<i32>} : memref<2000xf32, #tpu.memory_space<vmem>>, vector<16xf32>,
        %mul3A_104 = arith.constant 16 : i32
        %mul3A_105 = arith.muli %scan3A_73, %mul3A_104 : i32
        %get3A_106 = arith.index_cast %mul3A_105 : i32 to index
        %get3A_107 = tpu.vector_load %arg11[%get3A_106] {strides = array<i32>} : memref<2000xi32, #tpu.memory_space<vmem>>, vector<16xi32>,
        %swap3A_108 = arith.constant 0 : index
        %swap3A_109 = tpu.vector_load %arg16[%swap3A_108] {strides = array<i32>} : memref<16xi32, #tpu.memory_space<vmem>>, vector<16xi32>,
        tpu.vector_store %arg16[%swap3A_108], %get3A_107 {strides = array<i32>} : memref<16xi32, #tpu.memory_space<vmem>>, vector<16xi32>,
        %add3A_110 = arith.constant 1 : i32
        %add3A_111 = vector.broadcast %add3A_110 : i32 to vector<16xi32>
        %add3A_112 = arith.addi %iota3A, %add3A_111 : vector<16xi32>
        %min3A = arith.constant 15 : i32
        %min3A_113 = vector.broadcast %min3A : i32 to vector<16xi32>
        %min3A_114 = arith.minsi %add3A_112, %min3A_113 : vector<16xi32>
        %gather3A = tpu.vector_load_idx %arg16[%min3A_114] : memref<16xi32, #tpu.memory_space<vmem>>[vector<16xi32>], vector<16xi32>,
        %ne3A_115 = arith.cmpi ne, %get3A_107, %gather3A : vector<16xi32>
        %eq3A_116 = arith.constant 15 : i32
        %eq3A_117 = vector.broadcast %eq3A_116 : i32 to vector<16xi32>
        %eq3A_118 = arith.cmpi eq, %iota3A, %eq3A_117 : vector<16xi32>
        %or3A_119 = arith.ori %ne3A_115, %eq3A_118 : vector<16xi1>
        %broadcast_in_dim3A_120 = arith.constant true
        %broadcast_in_dim3A_121 = vector.broadcast %broadcast_in_dim3A_120 : i1 to vector<16xi1>
        %masked_cumsum3A_122 = tpu.scan <sum>, %get3A_78 masked %broadcast_in_dim3A_121 : vector<16xf32>, vector<16xi1> -> vector<16xf32>
        %jit3A_123 = arith.constant 0.000000e+00 : f32
        %broadcast_in_dim3A_124 = vector.broadcast %jit3A_123 : f32 to vector<16xf32>
        %select_n3A_125 = arith.select %or3A_119, %masked_cumsum3A_122, %broadcast_in_dim3A_124 : vector<16xi1>, vector<16xf32>
        %broadcast_in_dim3A_126 = arith.constant true
        %broadcast_in_dim3A_127 = vector.broadcast %broadcast_in_dim3A_126 : i1 to vector<16xi1>
        %masked_cummax3A = tpu.scan <max>, %select_n3A_125 masked %broadcast_in_dim3A_127 : vector<16xf32>, vector<16xi1> -> vector<16xf32>
        %swap3A_128 = arith.constant 0 : index
        %swap3A_129 = tpu.vector_load %arg17[%swap3A_128] {strides = array<i32>} : memref<16xf32, #tpu.memory_space<vmem>>, vector<16xf32>,
        tpu.vector_store %arg17[%swap3A_128], %masked_cummax3A {strides = array<i32>} : memref<16xf32, #tpu.memory_space<vmem>>, vector<16xf32>,
        %sub3A_130 = arith.constant 1 : i32
        %sub3A_131 = vector.broadcast %sub3A_130 : i32 to vector<16xi32>
        %sub3A_132 = arith.subi %iota3A, %sub3A_131 : vector<16xi32>
        %max3A = arith.constant 0 : i32
        %max3A_133 = vector.broadcast %max3A : i32 to vector<16xi32>
        %max3A_134 = arith.maxsi %sub3A_132, %max3A_133 : vector<16xi32>
        %gather3A_135 = tpu.vector_load_idx %arg17[%max3A_134] : memref<16xf32, #tpu.memory_space<vmem>>[vector<16xi32>], vector<16xf32>,
        %eq3A_136 = arith.constant 0 : i32
        %eq3A_137 = vector.broadcast %eq3A_136 : i32 to vector<16xi32>
        %eq3A_138 = arith.cmpi eq, %iota3A, %eq3A_137 : vector<16xi32>
        %jit3A_139 = arith.constant 0.000000e+00 : f32
        %broadcast_in_dim3A_140 = vector.broadcast %jit3A_139 : f32 to vector<16xf32>
        %select_n3A_141 = arith.select %eq3A_138, %broadcast_in_dim3A_140, %gather3A_135 : vector<16xi1>, vector<16xf32>
        %sub3A_142 = arith.subf %masked_cumsum3A_122, %select_n3A_141 : vector<16xf32>
        tpu.vector_store_idx %arg13[%get3A_107], %sub3A_142 masked %or3A_119 {add = true} : memref<20000xf32, #tpu.memory_space<vmem>>[vector<16xi32>], vector<16xf32>, vector<16xi1>
        %broadcast_in_dim3A_143 = arith.constant true
        %broadcast_in_dim3A_144 = vector.broadcast %broadcast_in_dim3A_143 : i1 to vector<16xi1>
        %masked_cumsum3A_145 = tpu.scan <sum>, %select_n3A_100 masked %broadcast_in_dim3A_144 : vector<16xf32>, vector<16xi1> -> vector<16xf32>
        %jit3A_146 = arith.constant 0.000000e+00 : f32
        %broadcast_in_dim3A_147 = vector.broadcast %jit3A_146 : f32 to vector<16xf32>
        %select_n3A_148 = arith.select %or3A_119, %masked_cumsum3A_145, %broadcast_in_dim3A_147 : vector<16xi1>, vector<16xf32>
        %broadcast_in_dim3A_149 = arith.constant true
        %broadcast_in_dim3A_150 = vector.broadcast %broadcast_in_dim3A_149 : i1 to vector<16xi1>
        %masked_cummax3A_151 = tpu.scan <max>, %select_n3A_148 masked %broadcast_in_dim3A_150 : vector<16xf32>, vector<16xi1> -> vector<16xf32>
        %swap3A_152 = arith.constant 0 : index
        %swap3A_153 = tpu.vector_load %arg17[%swap3A_152] {strides = array<i32>} : memref<16xf32, #tpu.memory_space<vmem>>, vector<16xf32>,
        tpu.vector_store %arg17[%swap3A_152], %masked_cummax3A_151 {strides = array<i32>} : memref<16xf32, #tpu.memory_space<vmem>>, vector<16xf32>,
        %sub3A_154 = arith.constant 1 : i32
        %sub3A_155 = vector.broadcast %sub3A_154 : i32 to vector<16xi32>
        %sub3A_156 = arith.subi %iota3A, %sub3A_155 : vector<16xi32>
        %max3A_157 = arith.constant 0 : i32
        %max3A_158 = vector.broadcast %max3A_157 : i32 to vector<16xi32>
        %max3A_159 = arith.maxsi %sub3A_156, %max3A_158 : vector<16xi32>
        %gather3A_160 = tpu.vector_load_idx %arg17[%max3A_159] : memref<16xf32, #tpu.memory_space<vmem>>[vector<16xi32>], vector<16xf32>,
        %eq3A_161 = arith.constant 0 : i32
        %eq3A_162 = vector.broadcast %eq3A_161 : i32 to vector<16xi32>
        %eq3A_163 = arith.cmpi eq, %iota3A, %eq3A_162 : vector<16xi32>
        %jit3A_164 = arith.constant 0.000000e+00 : f32
        %broadcast_in_dim3A_165 = vector.broadcast %jit3A_164 : f32 to vector<16xf32>
        %select_n3A_166 = arith.select %eq3A_163, %broadcast_in_dim3A_165, %gather3A_160 : vector<16xi1>, vector<16xf32>
        %sub3A_167 = arith.subf %masked_cumsum3A_145, %select_n3A_166 : vector<16xf32>
        tpu.vector_store_idx %arg14[%get3A_107], %sub3A_167 masked %or3A_119 {add = true} : memref<20000xf32, #tpu.memory_space<vmem>>[vector<16xi32>], vector<16xf32>, vector<16xi1>
        %add3A_168 = arith.constant 1 : i32
        %add3A_169 = vector.broadcast %add3A_168 : i32 to vector<16xi32>
        %add3A_170 = arith.addi %iota3A, %add3A_169 : vector<16xi32>
        %convert_element_type3A = arith.sitofp %add3A_170 : vector<16xi32> to vector<16xf32>
        %jit3A_171 = arith.constant 0.000000e+00 : f32
        %broadcast_in_dim3A_172 = vector.broadcast %jit3A_171 : f32 to vector<16xf32>
        %select_n3A_173 = arith.select %or3A_119, %convert_element_type3A, %broadcast_in_dim3A_172 : vector<16xi1>, vector<16xf32>
        %broadcast_in_dim3A_174 = arith.constant true
        %broadcast_in_dim3A_175 = vector.broadcast %broadcast_in_dim3A_174 : i1 to vector<16xi1>
        %masked_cummax3A_176 = tpu.scan <max>, %select_n3A_173 masked %broadcast_in_dim3A_175 : vector<16xf32>, vector<16xi1> -> vector<16xf32>
        %swap3A_177 = arith.constant 0 : index
        %swap3A_178 = tpu.vector_load %arg17[%swap3A_177] {strides = array<i32>} : memref<16xf32, #tpu.memory_space<vmem>>, vector<16xf32>,
        tpu.vector_store %arg17[%swap3A_177], %masked_cummax3A_176 {strides = array<i32>} : memref<16xf32, #tpu.memory_space<vmem>>, vector<16xf32>,
        %sub3A_179 = arith.constant 1 : i32
        %sub3A_180 = vector.broadcast %sub3A_179 : i32 to vector<16xi32>
        %sub3A_181 = arith.subi %iota3A, %sub3A_180 : vector<16xi32>
        %max3A_182 = arith.constant 0 : i32
        %max3A_183 = vector.broadcast %max3A_182 : i32 to vector<16xi32>
        %max3A_184 = arith.maxsi %sub3A_181, %max3A_183 : vector<16xi32>
        %gather3A_185 = tpu.vector_load_idx %arg17[%max3A_184] : memref<16xf32, #tpu.memory_space<vmem>>[vector<16xi32>], vector<16xf32>,
        %eq3A_186 = arith.constant 0 : i32
        %eq3A_187 = vector.broadcast %eq3A_186 : i32 to vector<16xi32>
        %eq3A_188 = arith.cmpi eq, %iota3A, %eq3A_187 : vector<16xi32>
        %jit3A_189 = arith.constant 0.000000e+00 : f32
        %broadcast_in_dim3A_190 = vector.broadcast %jit3A_189 : f32 to vector<16xf32>
        %select_n3A_191 = arith.select %eq3A_188, %broadcast_in_dim3A_190, %gather3A_185 : vector<16xi1>, vector<16xf32>
        %sub3A_192 = arith.subf %convert_element_type3A, %select_n3A_191 : vector<16xf32>
        tpu.vector_store_idx %arg15[%get3A_107], %sub3A_192 masked %or3A_119 {add = true} : memref<20000xf32, #tpu.memory_space<vmem>>[vector<16xi32>], vector<16xf32>, vector<16xi1>
        %reduce_sum3A_193 = arith.constant true
        %reduce_sum3A_194 = vector.broadcast %reduce_sum3A_193 : i1 to vector<16xi1>
        %reduce_sum3A_195 = tpu.scan <sum>, %select_n3A_86 masked %reduce_sum3A_194 : vector<16xi32>, vector<16xi1> -> vector<16xi32>
        %reduce_sum3A_196 = vector.extract %reduce_sum3A_195[15] : i32 from vector<16xi32>
        %add3A_197 = arith.addi %scan3A_74, %reduce_sum3A_196 : i32
        scf.yield %add3A_197 : i32
      }
      %scan3A_72 = arith.constant 125 : i32
      "tpu.region"() ({
        %run_scoped3A_73 = tpu.sem_alloc : memref<!tpu.dma_semaphore, #tpu.memory_space<semaphore_mem>>
        %dma_start3A = tpu.memref_slice %arg5[%add3A_66] : memref<320000xf32, #tpu.memory_space<hbm>> -> memref<2000xf32, #tpu.memory_space<hbm>>
        %dma_start3A_74 = tpu.memref_slice %arg5[%add3A_66] : memref<320000xf32, #tpu.memory_space<hbm>> -> memref<2000xf32, #tpu.memory_space<hbm>>
        tpu.enqueue_dma source(%arg12 : memref<2000xf32, #tpu.memory_space<vmem>>) target(%dma_start3A_74 : memref<2000xf32, #tpu.memory_space<hbm>>) target_semaphore(%run_scoped3A_73 : memref<!tpu.dma_semaphore, #tpu.memory_space<semaphore_mem>>)
        %dma_wait3A = tpu.memref_slice %arg5[%add3A_66] : memref<320000xf32, #tpu.memory_space<hbm>> -> memref<2000xf32, #tpu.memory_space<hbm>>
        %dma_wait3A_75 = tpu.memref_slice %arg5[%add3A_66] : memref<320000xf32, #tpu.memory_space<hbm>> -> memref<2000xf32, #tpu.memory_space<hbm>>
        tpu.wait_dma2 semaphore(%run_scoped3A_73 : memref<!tpu.dma_semaphore, #tpu.memory_space<semaphore_mem>>) src(%arg12 : memref<2000xf32, #tpu.memory_space<vmem>>) dst(%dma_wait3A_75 : memref<2000xf32, #tpu.memory_space<hbm>>)
        tpu.yield
      }) : () -> ()
      scf.yield %scan3A_71 : i32
    }
    %scan3A_61 = arith.constant 5 : i32
    "tpu.region"() ({
      %run_scoped3A_62 = tpu.sem_alloc : memref<!tpu.dma_semaphore, #tpu.memory_space<semaphore_mem>>
      %dma_start3A = arith.constant 0 : i32
      %dma_start3A_63 = tpu.memref_slice %arg6[%add3A, %dma_start3A] : memref<32x20000xf32, #tpu.memory_space<hbm>> -> memref<1x20000xf32, #tpu.memory_space<hbm>>
      %dma_start3A_64 = tpu.memref_squeeze %dma_start3A_63 : memref<1x20000xf32, #tpu.memory_space<hbm>> -> memref<20000xf32, #tpu.memory_space<hbm>>
      %dma_start3A_65 = arith.constant 0 : i32
      %dma_start3A_66 = tpu.memref_slice %arg6[%add3A, %dma_start3A_65] : memref<32x20000xf32, #tpu.memory_space<hbm>> -> memref<1x20000xf32, #tpu.memory_space<hbm>>
      %dma_start3A_67 = tpu.memref_squeeze %dma_start3A_66 : memref<1x20000xf32, #tpu.memory_space<hbm>> -> memref<20000xf32, #tpu.memory_space<hbm>>
      tpu.enqueue_dma source(%arg13 : memref<20000xf32, #tpu.memory_space<vmem>>) target(%dma_start3A_67 : memref<20000xf32, #tpu.memory_space<hbm>>) target_semaphore(%run_scoped3A_62 : memref<!tpu.dma_semaphore, #tpu.memory_space<semaphore_mem>>)
      %dma_wait3A = arith.constant 0 : i32
      %dma_wait3A_68 = tpu.memref_slice %arg6[%add3A, %dma_wait3A] : memref<32x20000xf32, #tpu.memory_space<hbm>> -> memref<1x20000xf32, #tpu.memory_space<hbm>>
      %dma_wait3A_69 = tpu.memref_squeeze %dma_wait3A_68 : memref<1x20000xf32, #tpu.memory_space<hbm>> -> memref<20000xf32, #tpu.memory_space<hbm>>
      %dma_wait3A_70 = arith.constant 0 : i32
      %dma_wait3A_71 = tpu.memref_slice %arg6[%add3A, %dma_wait3A_70] : memref<32x20000xf32, #tpu.memory_space<hbm>> -> memref<1x20000xf32, #tpu.memory_space<hbm>>
      %dma_wait3A_72 = tpu.memref_squeeze %dma_wait3A_71 : memref<1x20000xf32, #tpu.memory_space<hbm>> -> memref<20000xf32, #tpu.memory_space<hbm>>
      tpu.wait_dma2 semaphore(%run_scoped3A_62 : memref<!tpu.dma_semaphore, #tpu.memory_space<semaphore_mem>>) src(%arg13 : memref<20000xf32, #tpu.memory_space<vmem>>) dst(%dma_wait3A_72 : memref<20000xf32, #tpu.memory_space<hbm>>)
      tpu.yield
    }) : () -> ()
    "tpu.region"() ({
      %run_scoped3A_62 = tpu.sem_alloc : memref<!tpu.dma_semaphore, #tpu.memory_space<semaphore_mem>>
      %dma_start3A = arith.constant 0 : i32
      %dma_start3A_63 = tpu.memref_slice %arg7[%add3A, %dma_start3A] : memref<32x20000xf32, #tpu.memory_space<hbm>> -> memref<1x20000xf32, #tpu.memory_space<hbm>>
      %dma_start3A_64 = tpu.memref_squeeze %dma_start3A_63 : memref<1x20000xf32, #tpu.memory_space<hbm>> -> memref<20000xf32, #tpu.memory_space<hbm>>
      %dma_start3A_65 = arith.constant 0 : i32
      %dma_start3A_66 = tpu.memref_slice %arg7[%add3A, %dma_start3A_65] : memref<32x20000xf32, #tpu.memory_space<hbm>> -> memref<1x20000xf32, #tpu.memory_space<hbm>>
      %dma_start3A_67 = tpu.memref_squeeze %dma_start3A_66 : memref<1x20000xf32, #tpu.memory_space<hbm>> -> memref<20000xf32, #tpu.memory_space<hbm>>
      tpu.enqueue_dma source(%arg14 : memref<20000xf32, #tpu.memory_space<vmem>>) target(%dma_start3A_67 : memref<20000xf32, #tpu.memory_space<hbm>>) target_semaphore(%run_scoped3A_62 : memref<!tpu.dma_semaphore, #tpu.memory_space<semaphore_mem>>)
      %dma_wait3A = arith.constant 0 : i32
      %dma_wait3A_68 = tpu.memref_slice %arg7[%add3A, %dma_wait3A] : memref<32x20000xf32, #tpu.memory_space<hbm>> -> memref<1x20000xf32, #tpu.memory_space<hbm>>
      %dma_wait3A_69 = tpu.memref_squeeze %dma_wait3A_68 : memref<1x20000xf32, #tpu.memory_space<hbm>> -> memref<20000xf32, #tpu.memory_space<hbm>>
      %dma_wait3A_70 = arith.constant 0 : i32
      %dma_wait3A_71 = tpu.memref_slice %arg7[%add3A, %dma_wait3A_70] : memref<32x20000xf32, #tpu.memory_space<hbm>> -> memref<1x20000xf32, #tpu.memory_space<hbm>>
      %dma_wait3A_72 = tpu.memref_squeeze %dma_wait3A_71 : memref<1x20000xf32, #tpu.memory_space<hbm>> -> memref<20000xf32, #tpu.memory_space<hbm>>
      tpu.wait_dma2 semaphore(%run_scoped3A_62 : memref<!tpu.dma_semaphore, #tpu.memory_space<semaphore_mem>>) src(%arg14 : memref<20000xf32, #tpu.memory_space<vmem>>) dst(%dma_wait3A_72 : memref<20000xf32, #tpu.memory_space<hbm>>)
      tpu.yield
    }) : () -> ()
    "tpu.region"() ({
      %run_scoped3A_62 = tpu.sem_alloc : memref<!tpu.dma_semaphore, #tpu.memory_space<semaphore_mem>>
      %dma_start3A = arith.constant 0 : i32
      %dma_start3A_63 = tpu.memref_slice %arg8[%add3A, %dma_start3A] : memref<32x20000xf32, #tpu.memory_space<hbm>> -> memref<1x20000xf32, #tpu.memory_space<hbm>>
      %dma_start3A_64 = tpu.memref_squeeze %dma_start3A_63 : memref<1x20000xf32, #tpu.memory_space<hbm>> -> memref<20000xf32, #tpu.memory_space<hbm>>
      %dma_start3A_65 = arith.constant 0 : i32
      %dma_start3A_66 = tpu.memref_slice %arg8[%add3A, %dma_start3A_65] : memref<32x20000xf32, #tpu.memory_space<hbm>> -> memref<1x20000xf32, #tpu.memory_space<hbm>>
      %dma_start3A_67 = tpu.memref_squeeze %dma_start3A_66 : memref<1x20000xf32, #tpu.memory_space<hbm>> -> memref<20000xf32, #tpu.memory_space<hbm>>
      tpu.enqueue_dma source(%arg15 : memref<20000xf32, #tpu.memory_space<vmem>>) target(%dma_start3A_67 : memref<20000xf32, #tpu.memory_space<hbm>>) target_semaphore(%run_scoped3A_62 : memref<!tpu.dma_semaphore, #tpu.memory_space<semaphore_mem>>)
      %dma_wait3A = arith.constant 0 : i32
      %dma_wait3A_68 = tpu.memref_slice %arg8[%add3A, %dma_wait3A] : memref<32x20000xf32, #tpu.memory_space<hbm>> -> memref<1x20000xf32, #tpu.memory_space<hbm>>
      %dma_wait3A_69 = tpu.memref_squeeze %dma_wait3A_68 : memref<1x20000xf32, #tpu.memory_space<hbm>> -> memref<20000xf32, #tpu.memory_space<hbm>>
      %dma_wait3A_70 = arith.constant 0 : i32
      %dma_wait3A_71 = tpu.memref_slice %arg8[%add3A, %dma_wait3A_70] : memref<32x20000xf32, #tpu.memory_space<hbm>> -> memref<1x20000xf32, #tpu.memory_space<hbm>>
      %dma_wait3A_72 = tpu.memref_squeeze %dma_wait3A_71 : memref<1x20000xf32, #tpu.memory_space<hbm>> -> memref<20000xf32, #tpu.memory_space<hbm>>
      tpu.wait_dma2 semaphore(%run_scoped3A_62 : memref<!tpu.dma_semaphore, #tpu.memory_space<semaphore_mem>>) src(%arg15 : memref<20000xf32, #tpu.memory_space<vmem>>) dst(%dma_wait3A_72 : memref<20000xf32, #tpu.memory_space<hbm>>)
      tpu.yield
    }) : () -> ()
    return
  }
}

#map = affine_map<(d0, d1) -> (0)>
#map1 = affine_map<(d0, d1) -> (0, 0)>
module attributes {stable_mosaic.version = 14 : i64} {
  func.func @_hist_body(%arg0: i32, %arg1: i32, %arg2: memref<320000xf32, #tpu.memory_space<hbm>>, %arg3: memref<1x128xi32, #tpu.memory_space<hbm>>, %arg4: memref<32x2048xi32, #tpu.memory_space<hbm>>, %arg5: memref<10000xf32, #tpu.memory_space<vmem>>, %arg6: memref<2048x16xi32, #tpu.memory_space<vmem>>, %arg7: memref<2048xi32, #tpu.memory_space<vmem>>, %arg8: memref<128xi32, #tpu.memory_space<vmem>>) attributes {dimension_semantics = [#tpu.dimension_semantics<core_parallel>, #tpu.dimension_semantics<subcore_parallel>], iteration_bounds = array<i64: 2, 16>, scalar_prefetch = 0 : i64, scratch_operands = 4 : i64, tpu.core_type = #tpu.core_type<sc_vector_subcore>, window_params = [{transform_indices = #map}, {transform_indices = #map1}, {transform_indices = #map1}]} {
    %mul3A = arith.constant 2 : i32
    %mul3A_0 = arith.muli %arg1, %mul3A : i32
    %add3A = arith.addi %mul3A_0, %arg0 : i32
    %mul3A_1 = arith.constant 10000 : i32
    %mul3A_2 = arith.muli %add3A, %mul3A_1 : i32
    %iota3A = tpu.iota {dimensions = array<i32: 0>} : vector<16xi32>
    %broadcast_in_dim3A = arith.constant 1 : i32
    %broadcast_in_dim3A_3 = vector.broadcast %broadcast_in_dim3A : i32 to vector<16xi32>
    %run_scoped3A = arith.constant 0 : i32
    "tpu.region"() ({
      %run_scoped3A_25 = tpu.sem_alloc : memref<!tpu.dma_semaphore, #tpu.memory_space<semaphore_mem>>
      %dma_start3A = arith.constant 0 : i32
      %dma_start3A_26 = tpu.memref_slice %arg3[%run_scoped3A, %dma_start3A] : memref<1x128xi32, #tpu.memory_space<hbm>> -> memref<1x128xi32, #tpu.memory_space<hbm>>
      %dma_start3A_27 = tpu.memref_squeeze %dma_start3A_26 : memref<1x128xi32, #tpu.memory_space<hbm>> -> memref<128xi32, #tpu.memory_space<hbm>>
      %dma_start3A_28 = arith.constant 0 : i32
      %dma_start3A_29 = tpu.memref_slice %arg3[%run_scoped3A, %dma_start3A_28] : memref<1x128xi32, #tpu.memory_space<hbm>> -> memref<1x128xi32, #tpu.memory_space<hbm>>
      %dma_start3A_30 = tpu.memref_squeeze %dma_start3A_29 : memref<1x128xi32, #tpu.memory_space<hbm>> -> memref<128xi32, #tpu.memory_space<hbm>>
      tpu.enqueue_dma source(%dma_start3A_30 : memref<128xi32, #tpu.memory_space<hbm>>) target(%arg8 : memref<128xi32, #tpu.memory_space<vmem>>) target_semaphore(%run_scoped3A_25 : memref<!tpu.dma_semaphore, #tpu.memory_space<semaphore_mem>>)
      %dma_wait3A = arith.constant 0 : i32
      %dma_wait3A_31 = tpu.memref_slice %arg3[%run_scoped3A, %dma_wait3A] : memref<1x128xi32, #tpu.memory_space<hbm>> -> memref<1x128xi32, #tpu.memory_space<hbm>>
      %dma_wait3A_32 = tpu.memref_squeeze %dma_wait3A_31 : memref<1x128xi32, #tpu.memory_space<hbm>> -> memref<128xi32, #tpu.memory_space<hbm>>
      %dma_wait3A_33 = arith.constant 0 : i32
      %dma_wait3A_34 = tpu.memref_slice %arg3[%run_scoped3A, %dma_wait3A_33] : memref<1x128xi32, #tpu.memory_space<hbm>> -> memref<1x128xi32, #tpu.memory_space<hbm>>
      %dma_wait3A_35 = tpu.memref_squeeze %dma_wait3A_34 : memref<1x128xi32, #tpu.memory_space<hbm>> -> memref<128xi32, #tpu.memory_space<hbm>>
      tpu.wait_dma2 semaphore(%run_scoped3A_25 : memref<!tpu.dma_semaphore, #tpu.memory_space<semaphore_mem>>) src(%dma_wait3A_35 : memref<128xi32, #tpu.memory_space<hbm>>) dst(%arg8 : memref<128xi32, #tpu.memory_space<vmem>>)
      tpu.yield
    }) : () -> ()
    %get3A = arith.constant 0 : index
    %get3A_4 = tpu.vector_load %arg8[%get3A] {strides = array<i32>} : memref<128xi32, #tpu.memory_space<vmem>>, vector<16xi32>,
    %slice3A = vector.extract_strided_slice %get3A_4 {offsets = [0], sizes = [1], strides = [1]} : vector<16xi32> to vector<1xi32>
    %squeeze3A = vector.extract %slice3A[0] : i32 from vector<1xi32>
    "tpu.region"() ({
      %run_scoped3A_25 = tpu.sem_alloc : memref<!tpu.dma_semaphore, #tpu.memory_space<semaphore_mem>>
      %dma_start3A = tpu.memref_slice %arg2[%mul3A_2] : memref<320000xf32, #tpu.memory_space<hbm>> -> memref<10000xf32, #tpu.memory_space<hbm>>
      %dma_start3A_26 = tpu.memref_slice %arg2[%mul3A_2] : memref<320000xf32, #tpu.memory_space<hbm>> -> memref<10000xf32, #tpu.memory_space<hbm>>
      tpu.enqueue_dma source(%dma_start3A_26 : memref<10000xf32, #tpu.memory_space<hbm>>) target(%arg5 : memref<10000xf32, #tpu.memory_space<vmem>>) target_semaphore(%run_scoped3A_25 : memref<!tpu.dma_semaphore, #tpu.memory_space<semaphore_mem>>)
      %dma_wait3A = tpu.memref_slice %arg2[%mul3A_2] : memref<320000xf32, #tpu.memory_space<hbm>> -> memref<10000xf32, #tpu.memory_space<hbm>>
      %dma_wait3A_27 = tpu.memref_slice %arg2[%mul3A_2] : memref<320000xf32, #tpu.memory_space<hbm>> -> memref<10000xf32, #tpu.memory_space<hbm>>
      tpu.wait_dma2 semaphore(%run_scoped3A_25 : memref<!tpu.dma_semaphore, #tpu.memory_space<semaphore_mem>>) src(%dma_wait3A_27 : memref<10000xf32, #tpu.memory_space<hbm>>) dst(%arg5 : memref<10000xf32, #tpu.memory_space<vmem>>)
      tpu.yield
    }) : () -> ()
    %scan3A = arith.constant 0 : i32
    %scan3A_5 = arith.constant 0 : i32
    %scan3A_6 = arith.constant 2048 : i32
    %scan3A_7 = arith.addi %scan3A_5, %scan3A_6 : i32
    %scan3A_8 = arith.constant 1 : i32
    %scan3A_9 = scf.for %scan3A_25 = %scan3A_5 to %scan3A_7 step %scan3A_8 iter_args(%scan3A_26 = %scan3A) -> (i32)  : i32 {
      %broadcast_in_dim3A_27 = arith.constant 0 : i32
      %broadcast_in_dim3A_28 = vector.broadcast %broadcast_in_dim3A_27 : i32 to vector<16xi32>
      %swap3A = arith.index_cast %scan3A_25 : i32 to index
      %swap3A_29 = arith.constant 0 : index
      %swap3A_30 = tpu.vector_load %arg6[%swap3A, %swap3A_29] {strides = array<i32>} : memref<2048x16xi32, #tpu.memory_space<vmem>>, vector<16xi32>,
      tpu.vector_store %arg6[%swap3A, %swap3A_29], %broadcast_in_dim3A_28 {strides = array<i32>} : memref<2048x16xi32, #tpu.memory_space<vmem>>, vector<16xi32>,
      %scan3A_31 = arith.constant 0 : i32
      scf.yield %scan3A_31 : i32
    }
    %scan3A_10 = arith.constant 2048 : i32
    %scan3A_11 = arith.constant 0 : i32
    %scan3A_12 = arith.constant 0 : i32
    %scan3A_13 = arith.constant 625 : i32
    %scan3A_14 = arith.addi %scan3A_12, %scan3A_13 : i32
    %scan3A_15 = arith.constant 1 : i32
    %scan3A_16 = scf.for %scan3A_25 = %scan3A_12 to %scan3A_14 step %scan3A_15 iter_args(%scan3A_26 = %scan3A_11) -> (i32)  : i32 {
      %mul3A_27 = arith.constant 16 : i32
      %mul3A_28 = arith.muli %scan3A_25, %mul3A_27 : i32
      %get3A_29 = arith.index_cast %mul3A_28 : i32 to index
      %get3A_30 = tpu.vector_load %arg5[%get3A_29] {strides = array<i32>} : memref<10000xf32, #tpu.memory_space<vmem>>, vector<16xf32>,
      %bitcast3A = vector.bitcast %get3A_30 : vector<16xf32> to vector<16xi32>
      %shift_right_logical3A = arith.constant 21 : i32
      %shift_right_logical3A_31 = vector.broadcast %shift_right_logical3A : i32 to vector<16xi32>
      %shift_right_logical3A_32 = arith.shrui %bitcast3A, %shift_right_logical3A_31 : vector<16xi32>
      %eq3A = vector.broadcast %squeeze3A : i32 to vector<16xi32>
      %eq3A_33 = arith.cmpi eq, %shift_right_logical3A_32, %eq3A : vector<16xi32>
      %shift_right_logical3A_34 = arith.constant 10 : i32
      %shift_right_logical3A_35 = vector.broadcast %shift_right_logical3A_34 : i32 to vector<16xi32>
      %shift_right_logical3A_36 = arith.shrui %bitcast3A, %shift_right_logical3A_35 : vector<16xi32>
      %and3A = arith.constant 2047 : i32
      %and3A_37 = vector.broadcast %and3A : i32 to vector<16xi32>
      %and3A_38 = arith.andi %shift_right_logical3A_36, %and3A_37 : vector<16xi32>
      tpu.vector_store_idx %arg6[%and3A_38, %iota3A], %broadcast_in_dim3A_3 masked %eq3A_33 {add = true} : memref<2048x16xi32, #tpu.memory_space<vmem>>[vector<16xi32>, vector<16xi32>], vector<16xi32>, vector<16xi1>
      %scan3A_39 = arith.constant 0 : i32
      scf.yield %scan3A_39 : i32
    }
    %scan3A_17 = arith.constant 625 : i32
    %scan3A_18 = arith.constant 0 : i32
    %scan3A_19 = arith.constant 0 : i32
    %scan3A_20 = arith.constant 128 : i32
    %scan3A_21 = arith.addi %scan3A_19, %scan3A_20 : i32
    %scan3A_22 = arith.constant 1 : i32
    %scan3A_23 = scf.for %scan3A_25 = %scan3A_19 to %scan3A_21 step %scan3A_22 iter_args(%scan3A_26 = %scan3A_18) -> (i32)  : i32 {
      %mul3A_27 = arith.constant 16 : i32
      %mul3A_28 = arith.muli %scan3A_25, %mul3A_27 : i32
      %add3A_29 = vector.broadcast %mul3A_28 : i32 to vector<16xi32>
      %add3A_30 = arith.addi %add3A_29, %iota3A : vector<16xi32>
      %broadcast_in_dim3A_31 = arith.constant 0 : i32
      %broadcast_in_dim3A_32 = vector.broadcast %broadcast_in_dim3A_31 : i32 to vector<16xi32>
      %broadcast_in_dim3A_33 = arith.constant 0 : i32
      %broadcast_in_dim3A_34 = vector.broadcast %broadcast_in_dim3A_33 : i32 to vector<16xi32>
      %gather3A = tpu.vector_load_idx %arg6[%add3A_30, %broadcast_in_dim3A_34] : memref<2048x16xi32, #tpu.memory_space<vmem>>[vector<16xi32>, vector<16xi32>], vector<16xi32>,
      %add3A_35 = arith.addi %broadcast_in_dim3A_32, %gather3A : vector<16xi32>
      %broadcast_in_dim3A_36 = arith.constant 1 : i32
      %broadcast_in_dim3A_37 = vector.broadcast %broadcast_in_dim3A_36 : i32 to vector<16xi32>
      %gather3A_38 = tpu.vector_load_idx %arg6[%add3A_30, %broadcast_in_dim3A_37] : memref<2048x16xi32, #tpu.memory_space<vmem>>[vector<16xi32>, vector<16xi32>], vector<16xi32>,
      %add3A_39 = arith.addi %add3A_35, %gather3A_38 : vector<16xi32>
      %broadcast_in_dim3A_40 = arith.constant 2 : i32
      %broadcast_in_dim3A_41 = vector.broadcast %broadcast_in_dim3A_40 : i32 to vector<16xi32>
      %gather3A_42 = tpu.vector_load_idx %arg6[%add3A_30, %broadcast_in_dim3A_41] : memref<2048x16xi32, #tpu.memory_space<vmem>>[vector<16xi32>, vector<16xi32>], vector<16xi32>,
      %add3A_43 = arith.addi %add3A_39, %gather3A_42 : vector<16xi32>
      %broadcast_in_dim3A_44 = arith.constant 3 : i32
      %broadcast_in_dim3A_45 = vector.broadcast %broadcast_in_dim3A_44 : i32 to vector<16xi32>
      %gather3A_46 = tpu.vector_load_idx %arg6[%add3A_30, %broadcast_in_dim3A_45] : memref<2048x16xi32, #tpu.memory_space<vmem>>[vector<16xi32>, vector<16xi32>], vector<16xi32>,
      %add3A_47 = arith.addi %add3A_43, %gather3A_46 : vector<16xi32>
      %broadcast_in_dim3A_48 = arith.constant 4 : i32
      %broadcast_in_dim3A_49 = vector.broadcast %broadcast_in_dim3A_48 : i32 to vector<16xi32>
      %gather3A_50 = tpu.vector_load_idx %arg6[%add3A_30, %broadcast_in_dim3A_49] : memref<2048x16xi32, #tpu.memory_space<vmem>>[vector<16xi32>, vector<16xi32>], vector<16xi32>,
      %add3A_51 = arith.addi %add3A_47, %gather3A_50 : vector<16xi32>
      %broadcast_in_dim3A_52 = arith.constant 5 : i32
      %broadcast_in_dim3A_53 = vector.broadcast %broadcast_in_dim3A_52 : i32 to vector<16xi32>
      %gather3A_54 = tpu.vector_load_idx %arg6[%add3A_30, %broadcast_in_dim3A_53] : memref<2048x16xi32, #tpu.memory_space<vmem>>[vector<16xi32>, vector<16xi32>], vector<16xi32>,
      %add3A_55 = arith.addi %add3A_51, %gather3A_54 : vector<16xi32>
      %broadcast_in_dim3A_56 = arith.constant 6 : i32
      %broadcast_in_dim3A_57 = vector.broadcast %broadcast_in_dim3A_56 : i32 to vector<16xi32>
      %gather3A_58 = tpu.vector_load_idx %arg6[%add3A_30, %broadcast_in_dim3A_57] : memref<2048x16xi32, #tpu.memory_space<vmem>>[vector<16xi32>, vector<16xi32>], vector<16xi32>,
      %add3A_59 = arith.addi %add3A_55, %gather3A_58 : vector<16xi32>
      %broadcast_in_dim3A_60 = arith.constant 7 : i32
      %broadcast_in_dim3A_61 = vector.broadcast %broadcast_in_dim3A_60 : i32 to vector<16xi32>
      %gather3A_62 = tpu.vector_load_idx %arg6[%add3A_30, %broadcast_in_dim3A_61] : memref<2048x16xi32, #tpu.memory_space<vmem>>[vector<16xi32>, vector<16xi32>], vector<16xi32>,
      %add3A_63 = arith.addi %add3A_59, %gather3A_62 : vector<16xi32>
      %broadcast_in_dim3A_64 = arith.constant 8 : i32
      %broadcast_in_dim3A_65 = vector.broadcast %broadcast_in_dim3A_64 : i32 to vector<16xi32>
      %gather3A_66 = tpu.vector_load_idx %arg6[%add3A_30, %broadcast_in_dim3A_65] : memref<2048x16xi32, #tpu.memory_space<vmem>>[vector<16xi32>, vector<16xi32>], vector<16xi32>,
      %add3A_67 = arith.addi %add3A_63, %gather3A_66 : vector<16xi32>
      %broadcast_in_dim3A_68 = arith.constant 9 : i32
      %broadcast_in_dim3A_69 = vector.broadcast %broadcast_in_dim3A_68 : i32 to vector<16xi32>
      %gather3A_70 = tpu.vector_load_idx %arg6[%add3A_30, %broadcast_in_dim3A_69] : memref<2048x16xi32, #tpu.memory_space<vmem>>[vector<16xi32>, vector<16xi32>], vector<16xi32>,
      %add3A_71 = arith.addi %add3A_67, %gather3A_70 : vector<16xi32>
      %broadcast_in_dim3A_72 = arith.constant 10 : i32
      %broadcast_in_dim3A_73 = vector.broadcast %broadcast_in_dim3A_72 : i32 to vector<16xi32>
      %gather3A_74 = tpu.vector_load_idx %arg6[%add3A_30, %broadcast_in_dim3A_73] : memref<2048x16xi32, #tpu.memory_space<vmem>>[vector<16xi32>, vector<16xi32>], vector<16xi32>,
      %add3A_75 = arith.addi %add3A_71, %gather3A_74 : vector<16xi32>
      %broadcast_in_dim3A_76 = arith.constant 11 : i32
      %broadcast_in_dim3A_77 = vector.broadcast %broadcast_in_dim3A_76 : i32 to vector<16xi32>
      %gather3A_78 = tpu.vector_load_idx %arg6[%add3A_30, %broadcast_in_dim3A_77] : memref<2048x16xi32, #tpu.memory_space<vmem>>[vector<16xi32>, vector<16xi32>], vector<16xi32>,
      %add3A_79 = arith.addi %add3A_75, %gather3A_78 : vector<16xi32>
      %broadcast_in_dim3A_80 = arith.constant 12 : i32
      %broadcast_in_dim3A_81 = vector.broadcast %broadcast_in_dim3A_80 : i32 to vector<16xi32>
      %gather3A_82 = tpu.vector_load_idx %arg6[%add3A_30, %broadcast_in_dim3A_81] : memref<2048x16xi32, #tpu.memory_space<vmem>>[vector<16xi32>, vector<16xi32>], vector<16xi32>,
      %add3A_83 = arith.addi %add3A_79, %gather3A_82 : vector<16xi32>
      %broadcast_in_dim3A_84 = arith.constant 13 : i32
      %broadcast_in_dim3A_85 = vector.broadcast %broadcast_in_dim3A_84 : i32 to vector<16xi32>
      %gather3A_86 = tpu.vector_load_idx %arg6[%add3A_30, %broadcast_in_dim3A_85] : memref<2048x16xi32, #tpu.memory_space<vmem>>[vector<16xi32>, vector<16xi32>], vector<16xi32>,
      %add3A_87 = arith.addi %add3A_83, %gather3A_86 : vector<16xi32>
      %broadcast_in_dim3A_88 = arith.constant 14 : i32
      %broadcast_in_dim3A_89 = vector.broadcast %broadcast_in_dim3A_88 : i32 to vector<16xi32>
      %gather3A_90 = tpu.vector_load_idx %arg6[%add3A_30, %broadcast_in_dim3A_89] : memref<2048x16xi32, #tpu.memory_space<vmem>>[vector<16xi32>, vector<16xi32>], vector<16xi32>,
      %add3A_91 = arith.addi %add3A_87, %gather3A_90 : vector<16xi32>
      %broadcast_in_dim3A_92 = arith.constant 15 : i32
      %broadcast_in_dim3A_93 = vector.broadcast %broadcast_in_dim3A_92 : i32 to vector<16xi32>
      %gather3A_94 = tpu.vector_load_idx %arg6[%add3A_30, %broadcast_in_dim3A_93] : memref<2048x16xi32, #tpu.memory_space<vmem>>[vector<16xi32>, vector<16xi32>], vector<16xi32>,
      %add3A_95 = arith.addi %add3A_91, %gather3A_94 : vector<16xi32>
      %mul3A_96 = arith.constant 16 : i32
      %mul3A_97 = arith.muli %scan3A_25, %mul3A_96 : i32
      %swap3A = arith.index_cast %mul3A_97 : i32 to index
      %swap3A_98 = tpu.vector_load %arg7[%swap3A] {strides = array<i32>} : memref<2048xi32, #tpu.memory_space<vmem>>, vector<16xi32>,
      tpu.vector_store %arg7[%swap3A], %add3A_95 {strides = array<i32>} : memref<2048xi32, #tpu.memory_space<vmem>>, vector<16xi32>,
      %scan3A_99 = arith.constant 0 : i32
      scf.yield %scan3A_99 : i32
    }
    %scan3A_24 = arith.constant 128 : i32
    "tpu.region"() ({
      %run_scoped3A_25 = tpu.sem_alloc : memref<!tpu.dma_semaphore, #tpu.memory_space<semaphore_mem>>
      %dma_start3A = arith.constant 0 : i32
      %dma_start3A_26 = tpu.memref_slice %arg4[%add3A, %dma_start3A] : memref<32x2048xi32, #tpu.memory_space<hbm>> -> memref<1x2048xi32, #tpu.memory_space<hbm>>
      %dma_start3A_27 = tpu.memref_squeeze %dma_start3A_26 : memref<1x2048xi32, #tpu.memory_space<hbm>> -> memref<2048xi32, #tpu.memory_space<hbm>>
      %dma_start3A_28 = arith.constant 0 : i32
      %dma_start3A_29 = tpu.memref_slice %arg4[%add3A, %dma_start3A_28] : memref<32x2048xi32, #tpu.memory_space<hbm>> -> memref<1x2048xi32, #tpu.memory_space<hbm>>
      %dma_start3A_30 = tpu.memref_squeeze %dma_start3A_29 : memref<1x2048xi32, #tpu.memory_space<hbm>> -> memref<2048xi32, #tpu.memory_space<hbm>>
      tpu.enqueue_dma source(%arg7 : memref<2048xi32, #tpu.memory_space<vmem>>) target(%dma_start3A_30 : memref<2048xi32, #tpu.memory_space<hbm>>) target_semaphore(%run_scoped3A_25 : memref<!tpu.dma_semaphore, #tpu.memory_space<semaphore_mem>>)
      %dma_wait3A = arith.constant 0 : i32
      %dma_wait3A_31 = tpu.memref_slice %arg4[%add3A, %dma_wait3A] : memref<32x2048xi32, #tpu.memory_space<hbm>> -> memref<1x2048xi32, #tpu.memory_space<hbm>>
      %dma_wait3A_32 = tpu.memref_squeeze %dma_wait3A_31 : memref<1x2048xi32, #tpu.memory_space<hbm>> -> memref<2048xi32, #tpu.memory_space<hbm>>
      %dma_wait3A_33 = arith.constant 0 : i32
      %dma_wait3A_34 = tpu.memref_slice %arg4[%add3A, %dma_wait3A_33] : memref<32x2048xi32, #tpu.memory_space<hbm>> -> memref<1x2048xi32, #tpu.memory_space<hbm>>
      %dma_wait3A_35 = tpu.memref_squeeze %dma_wait3A_34 : memref<1x2048xi32, #tpu.memory_space<hbm>> -> memref<2048xi32, #tpu.memory_space<hbm>>
      tpu.wait_dma2 semaphore(%run_scoped3A_25 : memref<!tpu.dma_semaphore, #tpu.memory_space<semaphore_mem>>) src(%arg7 : memref<2048xi32, #tpu.memory_space<vmem>>) dst(%dma_wait3A_35 : memref<2048xi32, #tpu.memory_space<hbm>>)
      tpu.yield
    }) : () -> ()
    return
  }
}

module attributes {stable_mosaic.version = 14 : i64} {
  func.func @_proj_body(%arg0: memref<10000x128xf32, #tpu.memory_space<vmem>>, %arg1: memref<16x128xf32, #tpu.memory_space<vmem>>, %arg2: memref<10000x16xf32, #tpu.memory_space<vmem>>) attributes {dimension_semantics = [], scalar_prefetch = 0 : i64, scratch_operands = 0 : i64, tpu.core_type = #tpu.core_type<tc>} {
    %get3A = arith.constant 0 : index
    %get3A_0 = arith.constant 0 : index
    %get3A_1 = vector.load %arg0[%get3A, %get3A_0] : memref<10000x128xf32, #tpu.memory_space<vmem>>, vector<10000x128xf32>
    %get3A_2 = arith.constant 0 : index
    %get3A_3 = arith.constant 0 : index
    %get3A_4 = vector.load %arg1[%get3A_2, %get3A_3] : memref<16x128xf32, #tpu.memory_space<vmem>>, vector<16x128xf32>
    %dot_general3A = arith.constant dense<0.000000e+00> : vector<10000x16xf32>
    %dot_general3A_5 = tpu.matmul %get3A_1, %get3A_4, %dot_general3A {dimension_numbers = #tpu.dot_dimension_numbers<[1], [1], [0], [0], [0, 0, 1, 0], [], []>, transpose_lhs_hint = false} : vector<10000x128xf32>, vector<16x128xf32>, vector<10000x16xf32> -> vector<10000x16xf32>
    %swap3A = arith.constant 0 : index
    %swap3A_6 = arith.constant 0 : index
    %swap3A_7 = vector.load %arg2[%swap3A, %swap3A_6] : memref<10000x16xf32, #tpu.memory_space<vmem>>, vector<10000x16xf32>
    tpu.vector_store %arg2[%swap3A, %swap3A_6], %dot_general3A_5 {strides = array<i32>} : memref<10000x16xf32, #tpu.memory_space<vmem>>, vector<10000x16xf32>,
    return
  }
}

module attributes {stable_mosaic.version = 14 : i64} {
  func.func @_pick1_body(%arg0: memref<32x512xi32, #tpu.memory_space<vmem>>, %arg1: memref<1x128xi32, #tpu.memory_space<vmem>>) attributes {dimension_semantics = [], scalar_prefetch = 0 : i64, scratch_operands = 0 : i64, tpu.core_type = #tpu.core_type<tc>} {
    %get3A = arith.constant 0 : index
    %get3A_0 = arith.constant 0 : index
    %get3A_1 = vector.load %arg0[%get3A, %get3A_0] : memref<32x512xi32, #tpu.memory_space<vmem>>, vector<32x512xi32>
    %reduce_sum3A = arith.constant dense<0> : vector<512xi32>
    %reduce_sum3A_2 = vector.multi_reduction <add>, %get3A_1, %reduce_sum3A [0] : vector<32x512xi32> to vector<512xi32>
    %reshape3A = vector.shape_cast %reduce_sum3A_2 : vector<512xi32> to vector<4x128xi32>
    %iota3A = tpu.iota {dimensions = array<i32: 1>} : vector<4x128xi32>
    %roll3A = arith.constant 127 : i32
    %roll3A_3 = tpu.dynamic_rotate %reshape3A by %roll3A dim 1 : vector<4x128xi32>, i32 -> vector<4x128xi32>
    %lt3A = arith.constant 127 : i32
    %lt3A_4 = vector.broadcast %lt3A : i32 to vector<4x128xi32>
    %lt3A_5 = arith.cmpi slt, %iota3A, %lt3A_4 : vector<4x128xi32>
    %jit3A = arith.constant 0 : i32
    %broadcast_in_dim3A = vector.broadcast %jit3A : i32 to vector<4x128xi32>
    %select_n3A = arith.select %lt3A_5, %roll3A_3, %broadcast_in_dim3A : vector<4x128xi1>, vector<4x128xi32>
    %add3A = arith.addi %reshape3A, %select_n3A : vector<4x128xi32>
    %roll3A_6 = arith.constant 126 : i32
    %roll3A_7 = tpu.dynamic_rotate %add3A by %roll3A_6 dim 1 : vector<4x128xi32>, i32 -> vector<4x128xi32>
    %lt3A_8 = arith.constant 126 : i32
    %lt3A_9 = vector.broadcast %lt3A_8 : i32 to vector<4x128xi32>
    %lt3A_10 = arith.cmpi slt, %iota3A, %lt3A_9 : vector<4x128xi32>
    %jit3A_11 = arith.constant 0 : i32
    %broadcast_in_dim3A_12 = vector.broadcast %jit3A_11 : i32 to vector<4x128xi32>
    %select_n3A_13 = arith.select %lt3A_10, %roll3A_7, %broadcast_in_dim3A_12 : vector<4x128xi1>, vector<4x128xi32>
    %add3A_14 = arith.addi %add3A, %select_n3A_13 : vector<4x128xi32>
    %roll3A_15 = arith.constant 124 : i32
    %roll3A_16 = tpu.dynamic_rotate %add3A_14 by %roll3A_15 dim 1 : vector<4x128xi32>, i32 -> vector<4x128xi32>
    %lt3A_17 = arith.constant 124 : i32
    %lt3A_18 = vector.broadcast %lt3A_17 : i32 to vector<4x128xi32>
    %lt3A_19 = arith.cmpi slt, %iota3A, %lt3A_18 : vector<4x128xi32>
    %jit3A_20 = arith.constant 0 : i32
    %broadcast_in_dim3A_21 = vector.broadcast %jit3A_20 : i32 to vector<4x128xi32>
    %select_n3A_22 = arith.select %lt3A_19, %roll3A_16, %broadcast_in_dim3A_21 : vector<4x128xi1>, vector<4x128xi32>
    %add3A_23 = arith.addi %add3A_14, %select_n3A_22 : vector<4x128xi32>
    %roll3A_24 = arith.constant 120 : i32
    %roll3A_25 = tpu.dynamic_rotate %add3A_23 by %roll3A_24 dim 1 : vector<4x128xi32>, i32 -> vector<4x128xi32>
    %lt3A_26 = arith.constant 120 : i32
    %lt3A_27 = vector.broadcast %lt3A_26 : i32 to vector<4x128xi32>
    %lt3A_28 = arith.cmpi slt, %iota3A, %lt3A_27 : vector<4x128xi32>
    %jit3A_29 = arith.constant 0 : i32
    %broadcast_in_dim3A_30 = vector.broadcast %jit3A_29 : i32 to vector<4x128xi32>
    %select_n3A_31 = arith.select %lt3A_28, %roll3A_25, %broadcast_in_dim3A_30 : vector<4x128xi1>, vector<4x128xi32>
    %add3A_32 = arith.addi %add3A_23, %select_n3A_31 : vector<4x128xi32>
    %roll3A_33 = arith.constant 112 : i32
    %roll3A_34 = tpu.dynamic_rotate %add3A_32 by %roll3A_33 dim 1 : vector<4x128xi32>, i32 -> vector<4x128xi32>
    %lt3A_35 = arith.constant 112 : i32
    %lt3A_36 = vector.broadcast %lt3A_35 : i32 to vector<4x128xi32>
    %lt3A_37 = arith.cmpi slt, %iota3A, %lt3A_36 : vector<4x128xi32>
    %jit3A_38 = arith.constant 0 : i32
    %broadcast_in_dim3A_39 = vector.broadcast %jit3A_38 : i32 to vector<4x128xi32>
    %select_n3A_40 = arith.select %lt3A_37, %roll3A_34, %broadcast_in_dim3A_39 : vector<4x128xi1>, vector<4x128xi32>
    %add3A_41 = arith.addi %add3A_32, %select_n3A_40 : vector<4x128xi32>
    %roll3A_42 = arith.constant 96 : i32
    %roll3A_43 = tpu.dynamic_rotate %add3A_41 by %roll3A_42 dim 1 : vector<4x128xi32>, i32 -> vector<4x128xi32>
    %lt3A_44 = arith.constant 96 : i32
    %lt3A_45 = vector.broadcast %lt3A_44 : i32 to vector<4x128xi32>
    %lt3A_46 = arith.cmpi slt, %iota3A, %lt3A_45 : vector<4x128xi32>
    %jit3A_47 = arith.constant 0 : i32
    %broadcast_in_dim3A_48 = vector.broadcast %jit3A_47 : i32 to vector<4x128xi32>
    %select_n3A_49 = arith.select %lt3A_46, %roll3A_43, %broadcast_in_dim3A_48 : vector<4x128xi1>, vector<4x128xi32>
    %add3A_50 = arith.addi %add3A_41, %select_n3A_49 : vector<4x128xi32>
    %roll3A_51 = arith.constant 64 : i32
    %roll3A_52 = tpu.dynamic_rotate %add3A_50 by %roll3A_51 dim 1 : vector<4x128xi32>, i32 -> vector<4x128xi32>
    %lt3A_53 = arith.constant 64 : i32
    %lt3A_54 = vector.broadcast %lt3A_53 : i32 to vector<4x128xi32>
    %lt3A_55 = arith.cmpi slt, %iota3A, %lt3A_54 : vector<4x128xi32>
    %jit3A_56 = arith.constant 0 : i32
    %broadcast_in_dim3A_57 = vector.broadcast %jit3A_56 : i32 to vector<4x128xi32>
    %select_n3A_58 = arith.select %lt3A_55, %roll3A_52, %broadcast_in_dim3A_57 : vector<4x128xi1>, vector<4x128xi32>
    %add3A_59 = arith.addi %add3A_50, %select_n3A_58 : vector<4x128xi32>
    %reduce_sum3A_60 = arith.constant dense<0> : vector<4xi32>
    %reduce_sum3A_61 = vector.multi_reduction <add>, %reshape3A, %reduce_sum3A_60 [1] : vector<4x128xi32> to vector<4xi32>
    %broadcast_in_dim3A_62 = vector.shape_cast %reduce_sum3A_61 : vector<4xi32> to vector<4x1xi32>
    %iota3A_63 = tpu.iota {dimensions = array<i32: 0>} : vector<4x4xi32>
    %iota3A_64 = tpu.iota {dimensions = array<i32: 1>} : vector<4x4xi32>
    %reshape3A_65 = vector.shape_cast %broadcast_in_dim3A_62 : vector<4x1xi32> to vector<1x4xi32>
    %broadcast_in_dim3A_66 = vector.shape_cast %reshape3A_65 : vector<1x4xi32> to vector<1x4xi32>
    %broadcast_in_dim3A_67 = vector.broadcast %broadcast_in_dim3A_66 : vector<1x4xi32> to vector<4x4xi32>
    %gt3A = arith.cmpi sgt, %iota3A_64, %iota3A_63 : vector<4x4xi32>
    %jit3A_68 = arith.constant 0 : i32
    %broadcast_in_dim3A_69 = vector.broadcast %jit3A_68 : i32 to vector<4x4xi32>
    %select_n3A_70 = arith.select %gt3A, %broadcast_in_dim3A_67, %broadcast_in_dim3A_69 : vector<4x4xi1>, vector<4x4xi32>
    %reduce_sum3A_71 = arith.constant dense<0> : vector<4xi32>
    %reduce_sum3A_72 = vector.multi_reduction <add>, %select_n3A_70, %reduce_sum3A_71 [1] : vector<4x4xi32> to vector<4xi32>
    %broadcast_in_dim3A_73 = vector.shape_cast %reduce_sum3A_72 : vector<4xi32> to vector<4x1xi32>
    %add3A_74 = vector.broadcast %broadcast_in_dim3A_73 : vector<4x1xi32> to vector<4x128xi32>
    %add3A_75 = arith.addi %add3A_59, %add3A_74 : vector<4x128xi32>
    %iota3A_76 = tpu.iota {dimensions = array<i32: 0>} : vector<4x128xi32>
    %mul3A = arith.constant 128 : i32
    %mul3A_77 = vector.broadcast %mul3A : i32 to vector<4x128xi32>
    %mul3A_78 = arith.muli %iota3A_76, %mul3A_77 : vector<4x128xi32>
    %iota3A_79 = tpu.iota {dimensions = array<i32: 1>} : vector<4x128xi32>
    %add3A_80 = arith.addi %mul3A_78, %iota3A_79 : vector<4x128xi32>
    %ge3A = arith.constant 160000 : i32
    %ge3A_81 = vector.broadcast %ge3A : i32 to vector<4x128xi32>
    %ge3A_82 = arith.cmpi sge, %add3A_75, %ge3A_81 : vector<4x128xi32>
    %jit3A_83 = arith.constant -1 : i32
    %broadcast_in_dim3A_84 = vector.broadcast %jit3A_83 : i32 to vector<4x128xi32>
    %select_n3A_85 = arith.select %ge3A_82, %add3A_80, %broadcast_in_dim3A_84 : vector<4x128xi1>, vector<4x128xi32>
    %reduce_max3A = vector.shape_cast %select_n3A_85 : vector<4x128xi32> to vector<1x4x128xi32>
    %reduce_max3A_86 = arith.constant dense<-2147483648> : vector<1xi32>
    %reduce_max3A_87 = vector.multi_reduction <maxsi>, %reduce_max3A, %reduce_max3A_86 [1, 2] : vector<1x4x128xi32> to vector<1xi32>
    %reduce_max3A_88 = vector.shape_cast %reduce_max3A_87 : vector<1xi32> to vector<1x1x1xi32>
    %reduce_max3A_89 = vector.extract %reduce_max3A_88[0, 0, 0] : i32 from vector<1x1x1xi32>
    %eq3A = vector.broadcast %reduce_max3A_89 : i32 to vector<4x128xi32>
    %eq3A_90 = arith.cmpi eq, %add3A_80, %eq3A : vector<4x128xi32>
    %jit3A_91 = arith.constant 0 : i32
    %broadcast_in_dim3A_92 = vector.broadcast %jit3A_91 : i32 to vector<4x128xi32>
    %select_n3A_93 = arith.select %eq3A_90, %reshape3A, %broadcast_in_dim3A_92 : vector<4x128xi1>, vector<4x128xi32>
    %reduce_sum3A_94 = vector.shape_cast %select_n3A_93 : vector<4x128xi32> to vector<1x4x128xi32>
    %reduce_sum3A_95 = arith.constant dense<0> : vector<1xi32>
    %reduce_sum3A_96 = vector.multi_reduction <add>, %reduce_sum3A_94, %reduce_sum3A_95 [1, 2] : vector<1x4x128xi32> to vector<1xi32>
    %reduce_sum3A_97 = vector.shape_cast %reduce_sum3A_96 : vector<1xi32> to vector<1x1x1xi32>
    %reduce_sum3A_98 = vector.extract %reduce_sum3A_97[0, 0, 0] : i32 from vector<1x1x1xi32>
    %eq3A_99 = vector.broadcast %reduce_max3A_89 : i32 to vector<4x128xi32>
    %eq3A_100 = arith.cmpi eq, %add3A_80, %eq3A_99 : vector<4x128xi32>
    %jit3A_101 = arith.constant 0 : i32
    %broadcast_in_dim3A_102 = vector.broadcast %jit3A_101 : i32 to vector<4x128xi32>
    %select_n3A_103 = arith.select %eq3A_100, %add3A_75, %broadcast_in_dim3A_102 : vector<4x128xi1>, vector<4x128xi32>
    %reduce_sum3A_104 = vector.shape_cast %select_n3A_103 : vector<4x128xi32> to vector<1x4x128xi32>
    %reduce_sum3A_105 = arith.constant dense<0> : vector<1xi32>
    %reduce_sum3A_106 = vector.multi_reduction <add>, %reduce_sum3A_104, %reduce_sum3A_105 [1, 2] : vector<1x4x128xi32> to vector<1xi32>
    %reduce_sum3A_107 = vector.shape_cast %reduce_sum3A_106 : vector<1xi32> to vector<1x1x1xi32>
    %reduce_sum3A_108 = vector.extract %reduce_sum3A_107[0, 0, 0] : i32 from vector<1x1x1xi32>
    %sub3A = arith.subi %reduce_sum3A_108, %reduce_sum3A_98 : i32
    %sub3A_109 = arith.constant 160000 : i32
    %sub3A_110 = arith.subi %sub3A_109, %sub3A : i32
    %iota3A_111 = tpu.iota {dimensions = array<i32: 1>} : vector<1x128xi32>
    %broadcast_in_dim3A_112 = arith.constant 0 : i32
    %broadcast_in_dim3A_113 = vector.broadcast %broadcast_in_dim3A_112 : i32 to vector<1x128xi32>
    %eq3A_114 = arith.constant 0 : i32
    %eq3A_115 = vector.broadcast %eq3A_114 : i32 to vector<1x128xi32>
    %eq3A_116 = arith.cmpi eq, %iota3A_111, %eq3A_115 : vector<1x128xi32>
    %broadcast_in_dim3A_117 = vector.broadcast %reduce_max3A_89 : i32 to vector<1x128xi32>
    %select_n3A_118 = arith.select %eq3A_116, %broadcast_in_dim3A_117, %broadcast_in_dim3A_113 : vector<1x128xi1>, vector<1x128xi32>
    %eq3A_119 = arith.constant 1 : i32
    %eq3A_120 = vector.broadcast %eq3A_119 : i32 to vector<1x128xi32>
    %eq3A_121 = arith.cmpi eq, %iota3A_111, %eq3A_120 : vector<1x128xi32>
    %broadcast_in_dim3A_122 = vector.broadcast %sub3A_110 : i32 to vector<1x128xi32>
    %select_n3A_123 = arith.select %eq3A_121, %broadcast_in_dim3A_122, %select_n3A_118 : vector<1x128xi1>, vector<1x128xi32>
    %swap3A = arith.constant 0 : index
    %swap3A_124 = arith.constant 0 : index
    %swap3A_125 = vector.load %arg1[%swap3A, %swap3A_124] : memref<1x128xi32, #tpu.memory_space<vmem>>, vector<1x128xi32>
    tpu.vector_store %arg1[%swap3A, %swap3A_124], %select_n3A_123 {strides = array<i32>} : memref<1x128xi32, #tpu.memory_space<vmem>>, vector<1x128xi32>,
    return
  }
}

module attributes {stable_mosaic.version = 14 : i64} {
  func.func @_pick2_body(%arg0: memref<32x2048xi32, #tpu.memory_space<vmem>>, %arg1: memref<1x128xi32, #tpu.memory_space<vmem>>, %arg2: memref<1x128xi32, #tpu.memory_space<vmem>>) attributes {dimension_semantics = [], scalar_prefetch = 0 : i64, scratch_operands = 0 : i64, tpu.core_type = #tpu.core_type<tc>} {
    %get3A = arith.constant 0 : index
    %get3A_0 = arith.constant 1 : index
    %get3A_1 = vector.load %arg1[%get3A, %get3A_0] : memref<1x128xi32, #tpu.memory_space<vmem>>, vector<1x1xi32>
    %get3A_2 = vector.extract %get3A_1[0, 0] : i32 from vector<1x1xi32>
    %get3A_3 = arith.constant 0 : index
    %get3A_4 = arith.constant 0 : index
    %get3A_5 = vector.load %arg1[%get3A_3, %get3A_4] : memref<1x128xi32, #tpu.memory_space<vmem>>, vector<1x1xi32>
    %get3A_6 = vector.extract %get3A_5[0, 0] : i32 from vector<1x1xi32>
    %get3A_7 = arith.constant 0 : index
    %get3A_8 = arith.constant 0 : index
    %get3A_9 = vector.load %arg0[%get3A_7, %get3A_8] : memref<32x2048xi32, #tpu.memory_space<vmem>>, vector<32x2048xi32>
    %reduce_sum3A = arith.constant dense<0> : vector<2048xi32>
    %reduce_sum3A_10 = vector.multi_reduction <add>, %get3A_9, %reduce_sum3A [0] : vector<32x2048xi32> to vector<2048xi32>
    %reshape3A = vector.shape_cast %reduce_sum3A_10 : vector<2048xi32> to vector<16x128xi32>
    %iota3A = tpu.iota {dimensions = array<i32: 1>} : vector<16x128xi32>
    %roll3A = arith.constant 127 : i32
    %roll3A_11 = tpu.dynamic_rotate %reshape3A by %roll3A dim 1 : vector<16x128xi32>, i32 -> vector<16x128xi32>
    %lt3A = arith.constant 127 : i32
    %lt3A_12 = vector.broadcast %lt3A : i32 to vector<16x128xi32>
    %lt3A_13 = arith.cmpi slt, %iota3A, %lt3A_12 : vector<16x128xi32>
    %jit3A = arith.constant 0 : i32
    %broadcast_in_dim3A = vector.broadcast %jit3A : i32 to vector<16x128xi32>
    %select_n3A = arith.select %lt3A_13, %roll3A_11, %broadcast_in_dim3A : vector<16x128xi1>, vector<16x128xi32>
    %add3A = arith.addi %reshape3A, %select_n3A : vector<16x128xi32>
    %roll3A_14 = arith.constant 126 : i32
    %roll3A_15 = tpu.dynamic_rotate %add3A by %roll3A_14 dim 1 : vector<16x128xi32>, i32 -> vector<16x128xi32>
    %lt3A_16 = arith.constant 126 : i32
    %lt3A_17 = vector.broadcast %lt3A_16 : i32 to vector<16x128xi32>
    %lt3A_18 = arith.cmpi slt, %iota3A, %lt3A_17 : vector<16x128xi32>
    %jit3A_19 = arith.constant 0 : i32
    %broadcast_in_dim3A_20 = vector.broadcast %jit3A_19 : i32 to vector<16x128xi32>
    %select_n3A_21 = arith.select %lt3A_18, %roll3A_15, %broadcast_in_dim3A_20 : vector<16x128xi1>, vector<16x128xi32>
    %add3A_22 = arith.addi %add3A, %select_n3A_21 : vector<16x128xi32>
    %roll3A_23 = arith.constant 124 : i32
    %roll3A_24 = tpu.dynamic_rotate %add3A_22 by %roll3A_23 dim 1 : vector<16x128xi32>, i32 -> vector<16x128xi32>
    %lt3A_25 = arith.constant 124 : i32
    %lt3A_26 = vector.broadcast %lt3A_25 : i32 to vector<16x128xi32>
    %lt3A_27 = arith.cmpi slt, %iota3A, %lt3A_26 : vector<16x128xi32>
    %jit3A_28 = arith.constant 0 : i32
    %broadcast_in_dim3A_29 = vector.broadcast %jit3A_28 : i32 to vector<16x128xi32>
    %select_n3A_30 = arith.select %lt3A_27, %roll3A_24, %broadcast_in_dim3A_29 : vector<16x128xi1>, vector<16x128xi32>
    %add3A_31 = arith.addi %add3A_22, %select_n3A_30 : vector<16x128xi32>
    %roll3A_32 = arith.constant 120 : i32
    %roll3A_33 = tpu.dynamic_rotate %add3A_31 by %roll3A_32 dim 1 : vector<16x128xi32>, i32 -> vector<16x128xi32>
    %lt3A_34 = arith.constant 120 : i32
    %lt3A_35 = vector.broadcast %lt3A_34 : i32 to vector<16x128xi32>
    %lt3A_36 = arith.cmpi slt, %iota3A, %lt3A_35 : vector<16x128xi32>
    %jit3A_37 = arith.constant 0 : i32
    %broadcast_in_dim3A_38 = vector.broadcast %jit3A_37 : i32 to vector<16x128xi32>
    %select_n3A_39 = arith.select %lt3A_36, %roll3A_33, %broadcast_in_dim3A_38 : vector<16x128xi1>, vector<16x128xi32>
    %add3A_40 = arith.addi %add3A_31, %select_n3A_39 : vector<16x128xi32>
    %roll3A_41 = arith.constant 112 : i32
    %roll3A_42 = tpu.dynamic_rotate %add3A_40 by %roll3A_41 dim 1 : vector<16x128xi32>, i32 -> vector<16x128xi32>
    %lt3A_43 = arith.constant 112 : i32
    %lt3A_44 = vector.broadcast %lt3A_43 : i32 to vector<16x128xi32>
    %lt3A_45 = arith.cmpi slt, %iota3A, %lt3A_44 : vector<16x128xi32>
    %jit3A_46 = arith.constant 0 : i32
    %broadcast_in_dim3A_47 = vector.broadcast %jit3A_46 : i32 to vector<16x128xi32>
    %select_n3A_48 = arith.select %lt3A_45, %roll3A_42, %broadcast_in_dim3A_47 : vector<16x128xi1>, vector<16x128xi32>
    %add3A_49 = arith.addi %add3A_40, %select_n3A_48 : vector<16x128xi32>
    %roll3A_50 = arith.constant 96 : i32
    %roll3A_51 = tpu.dynamic_rotate %add3A_49 by %roll3A_50 dim 1 : vector<16x128xi32>, i32 -> vector<16x128xi32>
    %lt3A_52 = arith.constant 96 : i32
    %lt3A_53 = vector.broadcast %lt3A_52 : i32 to vector<16x128xi32>
    %lt3A_54 = arith.cmpi slt, %iota3A, %lt3A_53 : vector<16x128xi32>
    %jit3A_55 = arith.constant 0 : i32
    %broadcast_in_dim3A_56 = vector.broadcast %jit3A_55 : i32 to vector<16x128xi32>
    %select_n3A_57 = arith.select %lt3A_54, %roll3A_51, %broadcast_in_dim3A_56 : vector<16x128xi1>, vector<16x128xi32>
    %add3A_58 = arith.addi %add3A_49, %select_n3A_57 : vector<16x128xi32>
    %roll3A_59 = arith.constant 64 : i32
    %roll3A_60 = tpu.dynamic_rotate %add3A_58 by %roll3A_59 dim 1 : vector<16x128xi32>, i32 -> vector<16x128xi32>
    %lt3A_61 = arith.constant 64 : i32
    %lt3A_62 = vector.broadcast %lt3A_61 : i32 to vector<16x128xi32>
    %lt3A_63 = arith.cmpi slt, %iota3A, %lt3A_62 : vector<16x128xi32>
    %jit3A_64 = arith.constant 0 : i32
    %broadcast_in_dim3A_65 = vector.broadcast %jit3A_64 : i32 to vector<16x128xi32>
    %select_n3A_66 = arith.select %lt3A_63, %roll3A_60, %broadcast_in_dim3A_65 : vector<16x128xi1>, vector<16x128xi32>
    %add3A_67 = arith.addi %add3A_58, %select_n3A_66 : vector<16x128xi32>
    %reduce_sum3A_68 = arith.constant dense<0> : vector<16xi32>
    %reduce_sum3A_69 = vector.multi_reduction <add>, %reshape3A, %reduce_sum3A_68 [1] : vector<16x128xi32> to vector<16xi32>
    %broadcast_in_dim3A_70 = vector.shape_cast %reduce_sum3A_69 : vector<16xi32> to vector<16x1xi32>
    %iota3A_71 = tpu.iota {dimensions = array<i32: 0>} : vector<16x16xi32>
    %iota3A_72 = tpu.iota {dimensions = array<i32: 1>} : vector<16x16xi32>
    %reshape3A_73 = vector.shape_cast %broadcast_in_dim3A_70 : vector<16x1xi32> to vector<1x16xi32>
    %broadcast_in_dim3A_74 = vector.shape_cast %reshape3A_73 : vector<1x16xi32> to vector<1x16xi32>
    %broadcast_in_dim3A_75 = vector.broadcast %broadcast_in_dim3A_74 : vector<1x16xi32> to vector<16x16xi32>
    %gt3A = arith.cmpi sgt, %iota3A_72, %iota3A_71 : vector<16x16xi32>
    %jit3A_76 = arith.constant 0 : i32
    %broadcast_in_dim3A_77 = vector.broadcast %jit3A_76 : i32 to vector<16x16xi32>
    %select_n3A_78 = arith.select %gt3A, %broadcast_in_dim3A_75, %broadcast_in_dim3A_77 : vector<16x16xi1>, vector<16x16xi32>
    %reduce_sum3A_79 = arith.constant dense<0> : vector<16xi32>
    %reduce_sum3A_80 = vector.multi_reduction <add>, %select_n3A_78, %reduce_sum3A_79 [1] : vector<16x16xi32> to vector<16xi32>
    %broadcast_in_dim3A_81 = vector.shape_cast %reduce_sum3A_80 : vector<16xi32> to vector<16x1xi32>
    %add3A_82 = vector.broadcast %broadcast_in_dim3A_81 : vector<16x1xi32> to vector<16x128xi32>
    %add3A_83 = arith.addi %add3A_67, %add3A_82 : vector<16x128xi32>
    %iota3A_84 = tpu.iota {dimensions = array<i32: 0>} : vector<16x128xi32>
    %mul3A = arith.constant 128 : i32
    %mul3A_85 = vector.broadcast %mul3A : i32 to vector<16x128xi32>
    %mul3A_86 = arith.muli %iota3A_84, %mul3A_85 : vector<16x128xi32>
    %iota3A_87 = tpu.iota {dimensions = array<i32: 1>} : vector<16x128xi32>
    %add3A_88 = arith.addi %mul3A_86, %iota3A_87 : vector<16x128xi32>
    %ge3A = vector.broadcast %get3A_2 : i32 to vector<16x128xi32>
    %ge3A_89 = arith.cmpi sge, %add3A_83, %ge3A : vector<16x128xi32>
    %jit3A_90 = arith.constant -1 : i32
    %broadcast_in_dim3A_91 = vector.broadcast %jit3A_90 : i32 to vector<16x128xi32>
    %select_n3A_92 = arith.select %ge3A_89, %add3A_88, %broadcast_in_dim3A_91 : vector<16x128xi1>, vector<16x128xi32>
    %reduce_max3A = vector.shape_cast %select_n3A_92 : vector<16x128xi32> to vector<1x16x128xi32>
    %reduce_max3A_93 = arith.constant dense<-2147483648> : vector<1xi32>
    %reduce_max3A_94 = vector.multi_reduction <maxsi>, %reduce_max3A, %reduce_max3A_93 [1, 2] : vector<1x16x128xi32> to vector<1xi32>
    %reduce_max3A_95 = vector.shape_cast %reduce_max3A_94 : vector<1xi32> to vector<1x1x1xi32>
    %reduce_max3A_96 = vector.extract %reduce_max3A_95[0, 0, 0] : i32 from vector<1x1x1xi32>
    %eq3A = vector.broadcast %reduce_max3A_96 : i32 to vector<16x128xi32>
    %eq3A_97 = arith.cmpi eq, %add3A_88, %eq3A : vector<16x128xi32>
    %jit3A_98 = arith.constant 0 : i32
    %broadcast_in_dim3A_99 = vector.broadcast %jit3A_98 : i32 to vector<16x128xi32>
    %select_n3A_100 = arith.select %eq3A_97, %reshape3A, %broadcast_in_dim3A_99 : vector<16x128xi1>, vector<16x128xi32>
    %reduce_sum3A_101 = vector.shape_cast %select_n3A_100 : vector<16x128xi32> to vector<1x16x128xi32>
    %reduce_sum3A_102 = arith.constant dense<0> : vector<1xi32>
    %reduce_sum3A_103 = vector.multi_reduction <add>, %reduce_sum3A_101, %reduce_sum3A_102 [1, 2] : vector<1x16x128xi32> to vector<1xi32>
    %reduce_sum3A_104 = vector.shape_cast %reduce_sum3A_103 : vector<1xi32> to vector<1x1x1xi32>
    %reduce_sum3A_105 = vector.extract %reduce_sum3A_104[0, 0, 0] : i32 from vector<1x1x1xi32>
    %eq3A_106 = vector.broadcast %reduce_max3A_96 : i32 to vector<16x128xi32>
    %eq3A_107 = arith.cmpi eq, %add3A_88, %eq3A_106 : vector<16x128xi32>
    %jit3A_108 = arith.constant 0 : i32
    %broadcast_in_dim3A_109 = vector.broadcast %jit3A_108 : i32 to vector<16x128xi32>
    %select_n3A_110 = arith.select %eq3A_107, %add3A_83, %broadcast_in_dim3A_109 : vector<16x128xi1>, vector<16x128xi32>
    %reduce_sum3A_111 = vector.shape_cast %select_n3A_110 : vector<16x128xi32> to vector<1x16x128xi32>
    %reduce_sum3A_112 = arith.constant dense<0> : vector<1xi32>
    %reduce_sum3A_113 = vector.multi_reduction <add>, %reduce_sum3A_111, %reduce_sum3A_112 [1, 2] : vector<1x16x128xi32> to vector<1xi32>
    %reduce_sum3A_114 = vector.shape_cast %reduce_sum3A_113 : vector<1xi32> to vector<1x1x1xi32>
    %reduce_sum3A_115 = vector.extract %reduce_sum3A_114[0, 0, 0] : i32 from vector<1x1x1xi32>
    %sub3A = arith.subi %reduce_sum3A_115, %reduce_sum3A_105 : i32
    %sub3A_116 = arith.subi %get3A_2, %sub3A : i32
    %shift_left3A = arith.constant 11 : i32
    %shift_left3A_117 = arith.shli %get3A_6, %shift_left3A : i32
    %or3A = arith.ori %shift_left3A_117, %reduce_max3A_96 : i32
    %iota3A_118 = tpu.iota {dimensions = array<i32: 1>} : vector<1x128xi32>
    %broadcast_in_dim3A_119 = arith.constant 0 : i32
    %broadcast_in_dim3A_120 = vector.broadcast %broadcast_in_dim3A_119 : i32 to vector<1x128xi32>
    %eq3A_121 = arith.constant 0 : i32
    %eq3A_122 = vector.broadcast %eq3A_121 : i32 to vector<1x128xi32>
    %eq3A_123 = arith.cmpi eq, %iota3A_118, %eq3A_122 : vector<1x128xi32>
    %broadcast_in_dim3A_124 = vector.broadcast %reduce_max3A_96 : i32 to vector<1x128xi32>
    %select_n3A_125 = arith.select %eq3A_123, %broadcast_in_dim3A_124, %broadcast_in_dim3A_120 : vector<1x128xi1>, vector<1x128xi32>
    %eq3A_126 = arith.constant 1 : i32
    %eq3A_127 = vector.broadcast %eq3A_126 : i32 to vector<1x128xi32>
    %eq3A_128 = arith.cmpi eq, %iota3A_118, %eq3A_127 : vector<1x128xi32>
    %broadcast_in_dim3A_129 = vector.broadcast %sub3A_116 : i32 to vector<1x128xi32>
    %select_n3A_130 = arith.select %eq3A_128, %broadcast_in_dim3A_129, %select_n3A_125 : vector<1x128xi1>, vector<1x128xi32>
    %eq3A_131 = arith.constant 2 : i32
    %eq3A_132 = vector.broadcast %eq3A_131 : i32 to vector<1x128xi32>
    %eq3A_133 = arith.cmpi eq, %iota3A_118, %eq3A_132 : vector<1x128xi32>
    %broadcast_in_dim3A_134 = vector.broadcast %or3A : i32 to vector<1x128xi32>
    %select_n3A_135 = arith.select %eq3A_133, %broadcast_in_dim3A_134, %select_n3A_130 : vector<1x128xi1>, vector<1x128xi32>
    %swap3A = arith.constant 0 : index
    %swap3A_136 = arith.constant 0 : index
    %swap3A_137 = vector.load %arg2[%swap3A, %swap3A_136] : memref<1x128xi32, #tpu.memory_space<vmem>>, vector<1x128xi32>
    tpu.vector_store %arg2[%swap3A, %swap3A_136], %select_n3A_135 {strides = array<i32>} : memref<1x128xi32, #tpu.memory_space<vmem>>, vector<1x128xi32>,
    return
  }
}

module attributes {stable_mosaic.version = 14 : i64} {
  func.func @_pick3_body(%arg0: memref<32x1024xi32, #tpu.memory_space<vmem>>, %arg1: memref<1x128xi32, #tpu.memory_space<vmem>>, %arg2: memref<1x128xi32, #tpu.memory_space<vmem>>) attributes {dimension_semantics = [], scalar_prefetch = 0 : i64, scratch_operands = 0 : i64, tpu.core_type = #tpu.core_type<tc>} {
    %get3A = arith.constant 0 : index
    %get3A_0 = arith.constant 1 : index
    %get3A_1 = vector.load %arg1[%get3A, %get3A_0] : memref<1x128xi32, #tpu.memory_space<vmem>>, vector<1x1xi32>
    %get3A_2 = vector.extract %get3A_1[0, 0] : i32 from vector<1x1xi32>
    %get3A_3 = arith.constant 0 : index
    %get3A_4 = arith.constant 2 : index
    %get3A_5 = vector.load %arg1[%get3A_3, %get3A_4] : memref<1x128xi32, #tpu.memory_space<vmem>>, vector<1x1xi32>
    %get3A_6 = vector.extract %get3A_5[0, 0] : i32 from vector<1x1xi32>
    %get3A_7 = arith.constant 0 : index
    %get3A_8 = arith.constant 0 : index
    %get3A_9 = vector.load %arg0[%get3A_7, %get3A_8] : memref<32x1024xi32, #tpu.memory_space<vmem>>, vector<32x1024xi32>
    %reduce_sum3A = arith.constant dense<0> : vector<1024xi32>
    %reduce_sum3A_10 = vector.multi_reduction <add>, %get3A_9, %reduce_sum3A [0] : vector<32x1024xi32> to vector<1024xi32>
    %reshape3A = vector.shape_cast %reduce_sum3A_10 : vector<1024xi32> to vector<8x128xi32>
    %iota3A = tpu.iota {dimensions = array<i32: 1>} : vector<8x128xi32>
    %roll3A = arith.constant 127 : i32
    %roll3A_11 = tpu.dynamic_rotate %reshape3A by %roll3A dim 1 : vector<8x128xi32>, i32 -> vector<8x128xi32>
    %lt3A = arith.constant 127 : i32
    %lt3A_12 = vector.broadcast %lt3A : i32 to vector<8x128xi32>
    %lt3A_13 = arith.cmpi slt, %iota3A, %lt3A_12 : vector<8x128xi32>
    %jit3A = arith.constant 0 : i32
    %broadcast_in_dim3A = vector.broadcast %jit3A : i32 to vector<8x128xi32>
    %select_n3A = arith.select %lt3A_13, %roll3A_11, %broadcast_in_dim3A : vector<8x128xi1>, vector<8x128xi32>
    %add3A = arith.addi %reshape3A, %select_n3A : vector<8x128xi32>
    %roll3A_14 = arith.constant 126 : i32
    %roll3A_15 = tpu.dynamic_rotate %add3A by %roll3A_14 dim 1 : vector<8x128xi32>, i32 -> vector<8x128xi32>
    %lt3A_16 = arith.constant 126 : i32
    %lt3A_17 = vector.broadcast %lt3A_16 : i32 to vector<8x128xi32>
    %lt3A_18 = arith.cmpi slt, %iota3A, %lt3A_17 : vector<8x128xi32>
    %jit3A_19 = arith.constant 0 : i32
    %broadcast_in_dim3A_20 = vector.broadcast %jit3A_19 : i32 to vector<8x128xi32>
    %select_n3A_21 = arith.select %lt3A_18, %roll3A_15, %broadcast_in_dim3A_20 : vector<8x128xi1>, vector<8x128xi32>
    %add3A_22 = arith.addi %add3A, %select_n3A_21 : vector<8x128xi32>
    %roll3A_23 = arith.constant 124 : i32
    %roll3A_24 = tpu.dynamic_rotate %add3A_22 by %roll3A_23 dim 1 : vector<8x128xi32>, i32 -> vector<8x128xi32>
    %lt3A_25 = arith.constant 124 : i32
    %lt3A_26 = vector.broadcast %lt3A_25 : i32 to vector<8x128xi32>
    %lt3A_27 = arith.cmpi slt, %iota3A, %lt3A_26 : vector<8x128xi32>
    %jit3A_28 = arith.constant 0 : i32
    %broadcast_in_dim3A_29 = vector.broadcast %jit3A_28 : i32 to vector<8x128xi32>
    %select_n3A_30 = arith.select %lt3A_27, %roll3A_24, %broadcast_in_dim3A_29 : vector<8x128xi1>, vector<8x128xi32>
    %add3A_31 = arith.addi %add3A_22, %select_n3A_30 : vector<8x128xi32>
    %roll3A_32 = arith.constant 120 : i32
    %roll3A_33 = tpu.dynamic_rotate %add3A_31 by %roll3A_32 dim 1 : vector<8x128xi32>, i32 -> vector<8x128xi32>
    %lt3A_34 = arith.constant 120 : i32
    %lt3A_35 = vector.broadcast %lt3A_34 : i32 to vector<8x128xi32>
    %lt3A_36 = arith.cmpi slt, %iota3A, %lt3A_35 : vector<8x128xi32>
    %jit3A_37 = arith.constant 0 : i32
    %broadcast_in_dim3A_38 = vector.broadcast %jit3A_37 : i32 to vector<8x128xi32>
    %select_n3A_39 = arith.select %lt3A_36, %roll3A_33, %broadcast_in_dim3A_38 : vector<8x128xi1>, vector<8x128xi32>
    %add3A_40 = arith.addi %add3A_31, %select_n3A_39 : vector<8x128xi32>
    %roll3A_41 = arith.constant 112 : i32
    %roll3A_42 = tpu.dynamic_rotate %add3A_40 by %roll3A_41 dim 1 : vector<8x128xi32>, i32 -> vector<8x128xi32>
    %lt3A_43 = arith.constant 112 : i32
    %lt3A_44 = vector.broadcast %lt3A_43 : i32 to vector<8x128xi32>
    %lt3A_45 = arith.cmpi slt, %iota3A, %lt3A_44 : vector<8x128xi32>
    %jit3A_46 = arith.constant 0 : i32
    %broadcast_in_dim3A_47 = vector.broadcast %jit3A_46 : i32 to vector<8x128xi32>
    %select_n3A_48 = arith.select %lt3A_45, %roll3A_42, %broadcast_in_dim3A_47 : vector<8x128xi1>, vector<8x128xi32>
    %add3A_49 = arith.addi %add3A_40, %select_n3A_48 : vector<8x128xi32>
    %roll3A_50 = arith.constant 96 : i32
    %roll3A_51 = tpu.dynamic_rotate %add3A_49 by %roll3A_50 dim 1 : vector<8x128xi32>, i32 -> vector<8x128xi32>
    %lt3A_52 = arith.constant 96 : i32
    %lt3A_53 = vector.broadcast %lt3A_52 : i32 to vector<8x128xi32>
    %lt3A_54 = arith.cmpi slt, %iota3A, %lt3A_53 : vector<8x128xi32>
    %jit3A_55 = arith.constant 0 : i32
    %broadcast_in_dim3A_56 = vector.broadcast %jit3A_55 : i32 to vector<8x128xi32>
    %select_n3A_57 = arith.select %lt3A_54, %roll3A_51, %broadcast_in_dim3A_56 : vector<8x128xi1>, vector<8x128xi32>
    %add3A_58 = arith.addi %add3A_49, %select_n3A_57 : vector<8x128xi32>
    %roll3A_59 = arith.constant 64 : i32
    %roll3A_60 = tpu.dynamic_rotate %add3A_58 by %roll3A_59 dim 1 : vector<8x128xi32>, i32 -> vector<8x128xi32>
    %lt3A_61 = arith.constant 64 : i32
    %lt3A_62 = vector.broadcast %lt3A_61 : i32 to vector<8x128xi32>
    %lt3A_63 = arith.cmpi slt, %iota3A, %lt3A_62 : vector<8x128xi32>
    %jit3A_64 = arith.constant 0 : i32
    %broadcast_in_dim3A_65 = vector.broadcast %jit3A_64 : i32 to vector<8x128xi32>
    %select_n3A_66 = arith.select %lt3A_63, %roll3A_60, %broadcast_in_dim3A_65 : vector<8x128xi1>, vector<8x128xi32>
    %add3A_67 = arith.addi %add3A_58, %select_n3A_66 : vector<8x128xi32>
    %reduce_sum3A_68 = arith.constant dense<0> : vector<8xi32>
    %reduce_sum3A_69 = vector.multi_reduction <add>, %reshape3A, %reduce_sum3A_68 [1] : vector<8x128xi32> to vector<8xi32>
    %broadcast_in_dim3A_70 = vector.shape_cast %reduce_sum3A_69 : vector<8xi32> to vector<8x1xi32>
    %iota3A_71 = tpu.iota {dimensions = array<i32: 0>} : vector<8x8xi32>
    %iota3A_72 = tpu.iota {dimensions = array<i32: 1>} : vector<8x8xi32>
    %reshape3A_73 = vector.shape_cast %broadcast_in_dim3A_70 : vector<8x1xi32> to vector<1x8xi32>
    %broadcast_in_dim3A_74 = vector.shape_cast %reshape3A_73 : vector<1x8xi32> to vector<1x8xi32>
    %broadcast_in_dim3A_75 = vector.broadcast %broadcast_in_dim3A_74 : vector<1x8xi32> to vector<8x8xi32>
    %gt3A = arith.cmpi sgt, %iota3A_72, %iota3A_71 : vector<8x8xi32>
    %jit3A_76 = arith.constant 0 : i32
    %broadcast_in_dim3A_77 = vector.broadcast %jit3A_76 : i32 to vector<8x8xi32>
    %select_n3A_78 = arith.select %gt3A, %broadcast_in_dim3A_75, %broadcast_in_dim3A_77 : vector<8x8xi1>, vector<8x8xi32>
    %reduce_sum3A_79 = arith.constant dense<0> : vector<8xi32>
    %reduce_sum3A_80 = vector.multi_reduction <add>, %select_n3A_78, %reduce_sum3A_79 [1] : vector<8x8xi32> to vector<8xi32>
    %broadcast_in_dim3A_81 = vector.shape_cast %reduce_sum3A_80 : vector<8xi32> to vector<8x1xi32>
    %add3A_82 = vector.broadcast %broadcast_in_dim3A_81 : vector<8x1xi32> to vector<8x128xi32>
    %add3A_83 = arith.addi %add3A_67, %add3A_82 : vector<8x128xi32>
    %iota3A_84 = tpu.iota {dimensions = array<i32: 0>} : vector<8x128xi32>
    %mul3A = arith.constant 128 : i32
    %mul3A_85 = vector.broadcast %mul3A : i32 to vector<8x128xi32>
    %mul3A_86 = arith.muli %iota3A_84, %mul3A_85 : vector<8x128xi32>
    %iota3A_87 = tpu.iota {dimensions = array<i32: 1>} : vector<8x128xi32>
    %add3A_88 = arith.addi %mul3A_86, %iota3A_87 : vector<8x128xi32>
    %ge3A = vector.broadcast %get3A_2 : i32 to vector<8x128xi32>
    %ge3A_89 = arith.cmpi sge, %add3A_83, %ge3A : vector<8x128xi32>
    %jit3A_90 = arith.constant -1 : i32
    %broadcast_in_dim3A_91 = vector.broadcast %jit3A_90 : i32 to vector<8x128xi32>
    %select_n3A_92 = arith.select %ge3A_89, %add3A_88, %broadcast_in_dim3A_91 : vector<8x128xi1>, vector<8x128xi32>
    %reduce_max3A = vector.shape_cast %select_n3A_92 : vector<8x128xi32> to vector<1x8x128xi32>
    %reduce_max3A_93 = arith.constant dense<-2147483648> : vector<1xi32>
    %reduce_max3A_94 = vector.multi_reduction <maxsi>, %reduce_max3A, %reduce_max3A_93 [1, 2] : vector<1x8x128xi32> to vector<1xi32>
    %reduce_max3A_95 = vector.shape_cast %reduce_max3A_94 : vector<1xi32> to vector<1x1x1xi32>
    %reduce_max3A_96 = vector.extract %reduce_max3A_95[0, 0, 0] : i32 from vector<1x1x1xi32>
    %eq3A = vector.broadcast %reduce_max3A_96 : i32 to vector<8x128xi32>
    %eq3A_97 = arith.cmpi eq, %add3A_88, %eq3A : vector<8x128xi32>
    %jit3A_98 = arith.constant 0 : i32
    %broadcast_in_dim3A_99 = vector.broadcast %jit3A_98 : i32 to vector<8x128xi32>
    %select_n3A_100 = arith.select %eq3A_97, %reshape3A, %broadcast_in_dim3A_99 : vector<8x128xi1>, vector<8x128xi32>
    %reduce_sum3A_101 = vector.shape_cast %select_n3A_100 : vector<8x128xi32> to vector<1x8x128xi32>
    %reduce_sum3A_102 = arith.constant dense<0> : vector<1xi32>
    %reduce_sum3A_103 = vector.multi_reduction <add>, %reduce_sum3A_101, %reduce_sum3A_102 [1, 2] : vector<1x8x128xi32> to vector<1xi32>
    %reduce_sum3A_104 = vector.shape_cast %reduce_sum3A_103 : vector<1xi32> to vector<1x1x1xi32>
    %reduce_sum3A_105 = vector.extract %reduce_sum3A_104[0, 0, 0] : i32 from vector<1x1x1xi32>
    %eq3A_106 = vector.broadcast %reduce_max3A_96 : i32 to vector<8x128xi32>
    %eq3A_107 = arith.cmpi eq, %add3A_88, %eq3A_106 : vector<8x128xi32>
    %jit3A_108 = arith.constant 0 : i32
    %broadcast_in_dim3A_109 = vector.broadcast %jit3A_108 : i32 to vector<8x128xi32>
    %select_n3A_110 = arith.select %eq3A_107, %add3A_83, %broadcast_in_dim3A_109 : vector<8x128xi1>, vector<8x128xi32>
    %reduce_sum3A_111 = vector.shape_cast %select_n3A_110 : vector<8x128xi32> to vector<1x8x128xi32>
    %reduce_sum3A_112 = arith.constant dense<0> : vector<1xi32>
    %reduce_sum3A_113 = vector.multi_reduction <add>, %reduce_sum3A_111, %reduce_sum3A_112 [1, 2] : vector<1x8x128xi32> to vector<1xi32>
    %reduce_sum3A_114 = vector.shape_cast %reduce_sum3A_113 : vector<1xi32> to vector<1x1x1xi32>
    %reduce_sum3A_115 = vector.extract %reduce_sum3A_114[0, 0, 0] : i32 from vector<1x1x1xi32>
    %sub3A = arith.subi %reduce_sum3A_115, %reduce_sum3A_105 : i32
    %sub3A_116 = arith.subi %get3A_2, %sub3A : i32
    %shift_left3A = arith.constant 10 : i32
    %shift_left3A_117 = arith.shli %get3A_6, %shift_left3A : i32
    %or3A = arith.ori %shift_left3A_117, %reduce_max3A_96 : i32
    %get3A_118 = arith.constant 0 : index
    %get3A_119 = arith.constant 0 : index
    %get3A_120 = vector.load %arg0[%get3A_118, %get3A_119] : memref<32x1024xi32, #tpu.memory_space<vmem>>, vector<32x1024xi32>
    %iota3A_121 = tpu.iota {dimensions = array<i32: 1>} : vector<32x1024xi32>
    %eq3A_122 = vector.broadcast %reduce_max3A_96 : i32 to vector<32x1024xi32>
    %eq3A_123 = arith.cmpi eq, %iota3A_121, %eq3A_122 : vector<32x1024xi32>
    %jit3A_124 = arith.constant 0 : i32
    %broadcast_in_dim3A_125 = vector.broadcast %jit3A_124 : i32 to vector<32x1024xi32>
    %select_n3A_126 = arith.select %eq3A_123, %get3A_120, %broadcast_in_dim3A_125 : vector<32x1024xi1>, vector<32x1024xi32>
    %reduce_sum3A_127 = arith.constant dense<0> : vector<32xi32>
    %reduce_sum3A_128 = vector.multi_reduction <add>, %select_n3A_126, %reduce_sum3A_127 [1] : vector<32x1024xi32> to vector<32xi32>
    %broadcast_in_dim3A_129 = vector.shape_cast %reduce_sum3A_128 : vector<32xi32> to vector<32x1xi32>
    %iota3A_130 = tpu.iota {dimensions = array<i32: 0>} : vector<32x32xi32>
    %iota3A_131 = tpu.iota {dimensions = array<i32: 1>} : vector<32x32xi32>
    %reshape3A_132 = vector.shape_cast %broadcast_in_dim3A_129 : vector<32x1xi32> to vector<1x32xi32>
    %broadcast_in_dim3A_133 = vector.shape_cast %reshape3A_132 : vector<1x32xi32> to vector<1x32xi32>
    %broadcast_in_dim3A_134 = vector.broadcast %broadcast_in_dim3A_133 : vector<1x32xi32> to vector<32x32xi32>
    %lt3A_135 = arith.cmpi slt, %iota3A_131, %iota3A_130 : vector<32x32xi32>
    %jit3A_136 = arith.constant 0 : i32
    %broadcast_in_dim3A_137 = vector.broadcast %jit3A_136 : i32 to vector<32x32xi32>
    %select_n3A_138 = arith.select %lt3A_135, %broadcast_in_dim3A_134, %broadcast_in_dim3A_137 : vector<32x32xi1>, vector<32x32xi32>
    %reduce_sum3A_139 = arith.constant dense<0> : vector<32xi32>
    %reduce_sum3A_140 = vector.multi_reduction <add>, %select_n3A_138, %reduce_sum3A_139 [1] : vector<32x32xi32> to vector<32xi32>
    %reshape3A_141 = vector.shape_cast %reduce_sum3A_140 : vector<32xi32> to vector<1x32xi32>
    %broadcast_in_dim3A_142 = arith.constant 0 : i32
    %broadcast_in_dim3A_143 = vector.broadcast %broadcast_in_dim3A_142 : i32 to vector<1x2xi32>
    %broadcast_in_dim3A_144 = arith.constant 0 : i32
    %broadcast_in_dim3A_145 = vector.broadcast %broadcast_in_dim3A_144 : i32 to vector<1x94xi32>
    %concatenate3A = tpu.concatenate %broadcast_in_dim3A_143, %reshape3A_141, %broadcast_in_dim3A_145 in 1 : vector<1x2xi32>, vector<1x32xi32>, vector<1x94xi32> -> vector<1x128xi32>
    %iota3A_146 = tpu.iota {dimensions = array<i32: 1>} : vector<1x128xi32>
    %broadcast_in_dim3A_147 = arith.constant 0 : i32
    %broadcast_in_dim3A_148 = vector.broadcast %broadcast_in_dim3A_147 : i32 to vector<1x128xi32>
    %eq3A_149 = arith.constant 0 : i32
    %eq3A_150 = vector.broadcast %eq3A_149 : i32 to vector<1x128xi32>
    %eq3A_151 = arith.cmpi eq, %iota3A_146, %eq3A_150 : vector<1x128xi32>
    %broadcast_in_dim3A_152 = vector.broadcast %or3A : i32 to vector<1x128xi32>
    %select_n3A_153 = arith.select %eq3A_151, %broadcast_in_dim3A_152, %broadcast_in_dim3A_148 : vector<1x128xi1>, vector<1x128xi32>
    %eq3A_154 = arith.constant 1 : i32
    %eq3A_155 = vector.broadcast %eq3A_154 : i32 to vector<1x128xi32>
    %eq3A_156 = arith.cmpi eq, %iota3A_146, %eq3A_155 : vector<1x128xi32>
    %broadcast_in_dim3A_157 = vector.broadcast %sub3A_116 : i32 to vector<1x128xi32>
    %select_n3A_158 = arith.select %eq3A_156, %broadcast_in_dim3A_157, %select_n3A_153 : vector<1x128xi1>, vector<1x128xi32>
    %iota3A_159 = tpu.iota {dimensions = array<i32: 1>} : vector<1x128xi32>
    %lt3A_160 = arith.constant 2 : i32
    %lt3A_161 = vector.broadcast %lt3A_160 : i32 to vector<1x128xi32>
    %lt3A_162 = arith.cmpi slt, %iota3A_159, %lt3A_161 : vector<1x128xi32>
    %select_n3A_163 = arith.select %lt3A_162, %select_n3A_158, %concatenate3A : vector<1x128xi1>, vector<1x128xi32>
    %swap3A = arith.constant 0 : index
    %swap3A_164 = arith.constant 0 : index
    %swap3A_165 = vector.load %arg2[%swap3A, %swap3A_164] : memref<1x128xi32, #tpu.memory_space<vmem>>, vector<1x128xi32>
    tpu.vector_store %arg2[%swap3A, %swap3A_164], %select_n3A_163 {strides = array<i32>} : memref<1x128xi32, #tpu.memory_space<vmem>>, vector<1x128xi32>,
    return
  }
}

module attributes {stable_mosaic.version = 14 : i64} {
  func.func @_edge_body(%arg0: memref<32x20000xf32, #tpu.memory_space<vmem>>, %arg1: memref<32x20000xf32, #tpu.memory_space<vmem>>, %arg2: memref<32x20000xf32, #tpu.memory_space<vmem>>, %arg3: memref<1x20000xf32, #tpu.memory_space<vmem>>, %arg4: memref<1x20000xf32, #tpu.memory_space<vmem>>, %arg5: memref<1x20000xf32, #tpu.memory_space<vmem>>) attributes {dimension_semantics = [], scalar_prefetch = 0 : i64, scratch_operands = 0 : i64, tpu.core_type = #tpu.core_type<tc>} {
    %get3A = arith.constant 0 : index
    %get3A_0 = arith.constant 0 : index
    %get3A_1 = vector.load %arg0[%get3A, %get3A_0] : memref<32x20000xf32, #tpu.memory_space<vmem>>, vector<32x20000xf32>
    %reduce_sum3A = arith.constant dense<0.000000e+00> : vector<20000xf32>
    %reduce_sum3A_2 = vector.multi_reduction <add>, %get3A_1, %reduce_sum3A [0] : vector<32x20000xf32> to vector<20000xf32>
    %broadcast_in_dim3A = vector.shape_cast %reduce_sum3A_2 : vector<20000xf32> to vector<1x20000xf32>
    %get3A_3 = arith.constant 0 : index
    %get3A_4 = arith.constant 0 : index
    %get3A_5 = vector.load %arg1[%get3A_3, %get3A_4] : memref<32x20000xf32, #tpu.memory_space<vmem>>, vector<32x20000xf32>
    %reduce_sum3A_6 = arith.constant dense<0.000000e+00> : vector<20000xf32>
    %reduce_sum3A_7 = vector.multi_reduction <add>, %get3A_5, %reduce_sum3A_6 [0] : vector<32x20000xf32> to vector<20000xf32>
    %broadcast_in_dim3A_8 = vector.shape_cast %reduce_sum3A_7 : vector<20000xf32> to vector<1x20000xf32>
    %get3A_9 = arith.constant 0 : index
    %get3A_10 = arith.constant 0 : index
    %get3A_11 = vector.load %arg2[%get3A_9, %get3A_10] : memref<32x20000xf32, #tpu.memory_space<vmem>>, vector<32x20000xf32>
    %reduce_sum3A_12 = arith.constant dense<0.000000e+00> : vector<20000xf32>
    %reduce_sum3A_13 = vector.multi_reduction <add>, %get3A_11, %reduce_sum3A_12 [0] : vector<32x20000xf32> to vector<20000xf32>
    %broadcast_in_dim3A_14 = vector.shape_cast %reduce_sum3A_13 : vector<20000xf32> to vector<1x20000xf32>
    %max3A = arith.constant 1.000000e+00 : f32
    %max3A_15 = vector.broadcast %max3A : f32 to vector<1x20000xf32>
    %max3A_16 = arith.maximumf %broadcast_in_dim3A_14, %max3A_15 : vector<1x20000xf32>
    %div3A = arith.divf %broadcast_in_dim3A, %max3A_16 : vector<1x20000xf32>
    %swap3A = arith.constant 0 : index
    %swap3A_17 = arith.constant 0 : index
    %swap3A_18 = vector.load %arg3[%swap3A, %swap3A_17] : memref<1x20000xf32, #tpu.memory_space<vmem>>, vector<1x20000xf32>
    tpu.vector_store %arg3[%swap3A, %swap3A_17], %div3A {strides = array<i32>} : memref<1x20000xf32, #tpu.memory_space<vmem>>, vector<1x20000xf32>,
    %div3A_19 = arith.divf %broadcast_in_dim3A_8, %max3A_16 : vector<1x20000xf32>
    %swap3A_20 = arith.constant 0 : index
    %swap3A_21 = arith.constant 0 : index
    %swap3A_22 = vector.load %arg4[%swap3A_20, %swap3A_21] : memref<1x20000xf32, #tpu.memory_space<vmem>>, vector<1x20000xf32>
    tpu.vector_store %arg4[%swap3A_20, %swap3A_21], %div3A_19 {strides = array<i32>} : memref<1x20000xf32, #tpu.memory_space<vmem>>, vector<1x20000xf32>,
    %gt3A = arith.constant 0.000000e+00 : f32
    %gt3A_23 = vector.broadcast %gt3A : f32 to vector<1x20000xf32>
    %gt3A_24 = arith.cmpf ogt, %broadcast_in_dim3A_8, %gt3A_23 : vector<1x20000xf32>
    %jit3A = arith.constant 1.000000e+00 : f32
    %jit3A_25 = arith.constant 0.000000e+00 : f32
    %broadcast_in_dim3A_26 = vector.broadcast %jit3A : f32 to vector<1x20000xf32>
    %broadcast_in_dim3A_27 = vector.broadcast %jit3A_25 : f32 to vector<1x20000xf32>
    %select_n3A = arith.select %gt3A_24, %broadcast_in_dim3A_26, %broadcast_in_dim3A_27 : vector<1x20000xi1>, vector<1x20000xf32>
    %swap3A_28 = arith.constant 0 : index
    %swap3A_29 = arith.constant 0 : index
    %swap3A_30 = vector.load %arg5[%swap3A_28, %swap3A_29] : memref<1x20000xf32, #tpu.memory_space<vmem>>, vector<1x20000xf32>
    tpu.vector_store %arg5[%swap3A_28, %swap3A_29], %select_n3A {strides = array<i32>} : memref<1x20000xf32, #tpu.memory_space<vmem>>, vector<1x20000xf32>,
    return
  }
}

</mosaic_0001>

<sc_bundles>
// kernel: kernel.11.cloned.1.call-start
scs
__scs_entry_jumppad:
0x0: {  	(pc) =	sbr.rel $0x88, $3  }
0x1: {  	(tag) =	ssettag $0x0;
	lr =	simm.s32 $0x1  }
0x2: {  	[smem:$0x3F9B] =	sst lr;
	_ =	strace $0xD0000000  }
0x3: {  	_ = 	snop  }
0x4: {  	_ = 	snop  }
0x5: {  	_ = 	snop  }
0x6: {  	_ = 	snop  }
0x7: {  	_ = 	snop  }
__scs_overlays_trampoline_lowered:
0x8: {  	[smem:$0x3FAA] =	sst s0  }
0x9: {  	[smem:$0x3FAB] =	sst s1  }
0xa: {  	[smem:$0x3FAC] =	sst s2  }
0xb: {  	[smem:$0x3FAD] =	sst s3  }
0xc: {  	[smem:$0x3FAE] =	sst s4  }
0xd: {  	[smem:$0x3FAF] =	sst s5  }
0xe: {  	[smem:$0x3FB0] =	sst s6  }
0xf: {  	[smem:$0x3FB1] =	sst s7  }
0x10: {  	[smem:$0x3FB2] =	sst s8  }
0x11: {  	[smem:$0x3FB3] =	sst s9;
	s0 =	simm.s32 @!p0 $0x0  }
0x12: {  	s1 =	sld [smem:$0x3F99];
	s0 =	simm.s32 @p0 $0x1  }
0x13: {  	[smem:$0x3FB4] =	sst s0;
	s0 =	simm.s32 @!p1 $0x0  }
0x14: {  	s2 =	sld [smem:$0x3F98];
	s0 =	simm.s32 @p1 $0x1  }
0x15: {  	[smem:$0x3FB5] =	sst s0;
	s0 =	simm.s32 @!p2 $0x0  }
0x16: {  	s3 =	sld [smem:$0x3FDB];
	s0 =	simm.s32 @p2 $0x1  }
0x17: {  	s4 =	simm.s32 $0x1BF5;
	[smem:$0x3FB7] =	sst s0  }
0x18: {  	s0 =	sld [smem:$0x3F9A];
	_ =	swait.ge [sflag:s4], $0x0  }
0x19: {  	s7 =	sld [smem:$0x3F9B]  }
0x1a: {  	s8 =	sadd.s32 $0xFFFFE003, lr  }
0x1b: {  	s9 =	sadd.s32 $0xFFFFFEF7, lr;
	s5 =	simm.s32 $0xFFFFFFFF;
	p2 =	slt.u32 s8, $0xFFFFF086  }
0x1c: {  	p1 =	slt.u32 s9, $0xF7A;
	s5 =	simm.s32 @!p2 $0x0  }
0x1d: {  	s5 =	simm.s32 @p1 $0x1;
	p0 =	seq.s32 s7, s2  }
0x1e: {  	s7 =	smul.u32 @!p0 $0xF7A, s2;
	p2 =	seq.s32 @!p0 s5, $0x0  }
0x1f: {  	s9 =	smul.u32 $0xF7A, s1;
	s8 =	simm.s32 @!p0 $0x1BF5;
	p2 =	por !p2, p0  }
0x20: {  	[sflag:s8] =	ssyncset.s32 @!p0 $0xFFFFF086;
	s6 =	sadd.s32 @!p0 s3, s7;
	s7 =	simm.s32 @!p0 $0x108  }
0x21: {  	s3 =	sadd.s32 s3, s9;
	s6 =	sadd.s32 @!p0 $0x88, s6;
	s7 =	simm.s32 @p2 $0x1082  }
0x22: {  	[simem:s7], [sflag:s8] =	dma.local @!p0 [hbm:s6], $0xF7A  }
0x23: {  	s9 =	sor.u32 $0xD0000000, s2;
	s6 =	simm.s32 $0x108;
	_ =	swait.ge @!p0 [sflag:s8], $0x0  }
0x24: {  	s3 =	sadd.s32 $0x88, s3;
	s6 =	simm.s32 @!p1 $0x1082;
	[sflag:s4] =	ssyncset.s32 $0xFFFFF086  }
0x25: {  	[simem:s6], [sflag:s4] =	dma.local [hbm:s3], $0xF7A  }
0x26: {  	[smem:$0x3F9B] =	sst s1;
	(tag) =	ssettag s2;
	_ =	strace s9  }
0x27: {  	s1 =	sld [smem:$0x3FAB]  }
0x28: {  	s2 =	sld [smem:$0x3FAC]  }
0x29: {  	s4 =	sld [smem:$0x3FAE]  }
0x2a: {  	p0 =	seq.s32 s5, $0x0;
	s5 =	sld [smem:$0x3FAF]  }
0x2b: {  	s6 =	sld [smem:$0x3FB0]  }
0x2c: {  	s7 =	sld [smem:$0x3FB1]  }
0x2d: {  	s3 =	simm.s32 $0x108;
	s8 =	sld [smem:$0x3FB2]  }
0x2e: {  	s3 =	simm.s32 @!p0 $0x1082;
	s9 =	sld [smem:$0x3FB3]  }
0x2f: {  	lr =	sadd.s32 s0, s3;
	s0 =	sld [smem:$0x3FAA]  }
0x30: {  	s3 =	sld [smem:$0x3FAD]  }
0x31: {  	[smem:$0x3FB6] =	sst s10  }
0x32: {  	s10 =	sld [smem:$0x3FB4];
	_ =	sdelay $0x3  }
0x33: {  	p0 =	seq.s32 s10, $0x1;
	s10 =	sld [smem:$0x3FB6];
	_ =	sdelay $0x3  }
0x34: {  	[smem:$0x3FB6] =	sst s10  }
0x35: {  	s10 =	sld [smem:$0x3FB5];
	_ =	sdelay $0x3  }
0x36: {  	p1 =	seq.s32 s10, $0x1;
	s10 =	sld [smem:$0x3FB6];
	_ =	sdelay $0x3  }
0x37: {  	[smem:$0x3FB6] =	sst s10  }
0x38: {  	s10 =	sld [smem:$0x3FB7]  }
0x39: {  	_ = 	snop;
	(pc) =	sbr.ind lr, $3  }
0x3a: {  	_ = 	snop  }
0x3b: {  	_ = 	snop  }
0x3c: {  	p2 =	seq.s32 s10, $0x1;
	s10 =	sld [smem:$0x3FB6]  }
0x3d: {  	_ =	shalt  }
0x3e: {  	_ =	shalt  }
0x3f: {  	_ =	shalt  }
0x40: {  	_ =	shalt  }
0x41: {  	_ =	shalt  }
0x42: {  	_ =	shalt  }
0x43: {  	_ =	shalt  }
0x44: {  	_ =	shalt  }
0x45: {  	_ =	shalt  }
0x46: {  	_ =	shalt  }
0x47: {  	_ =	shalt  }
0x48: {  	_ =	shalt  }
0x49: {  	_ =	shalt  }
0x4a: {  	_ =	shalt  }
0x4b: {  	_ =	shalt  }
0x4c: {  	_ =	shalt  }
0x4d: {  	_ =	shalt  }
0x4e: {  	_ =	shalt  }
0x4f: {  	_ =	shalt  }
0x50: {  	_ =	shalt  }
0x51: {  	_ =	shalt  }
0x52: {  	_ =	shalt  }
0x53: {  	_ =	shalt  }
0x54: {  	_ =	shalt  }
0x55: {  	_ =	shalt  }
0x56: {  	_ =	shalt  }
0x57: {  	_ =	shalt  }
0x58: {  	_ =	shalt  }
0x59: {  	_ =	shalt  }
0x5a: {  	_ =	shalt  }
0x5b: {  	_ =	shalt  }
0x5c: {  	_ =	shalt  }
0x5d: {  	_ =	shalt  }
0x5e: {  	_ =	shalt  }
0x5f: {  	_ =	shalt  }
0x60: {  	_ =	shalt  }
0x61: {  	_ =	shalt  }
0x62: {  	_ =	shalt  }
0x63: {  	_ =	shalt  }
0x64: {  	_ =	shalt  }
0x65: {  	_ =	shalt  }
0x66: {  	_ =	shalt  }
0x67: {  	_ =	shalt  }
0x68: {  	_ =	shalt  }
0x69: {  	_ =	shalt  }
0x6a: {  	_ =	shalt  }
0x6b: {  	_ =	shalt  }
0x6c: {  	_ =	shalt  }
0x6d: {  	_ =	shalt  }
0x6e: {  	_ =	shalt  }
0x6f: {  	_ =	shalt  }
0x70: {  	_ =	shalt  }
0x71: {  	_ =	shalt  }
0x72: {  	_ =	shalt  }
0x73: {  	_ =	shalt  }
0x74: {  	_ =	shalt  }
0x75: {  	_ =	shalt  }
0x76: {  	_ =	shalt  }
0x77: {  	_ =	shalt  }
0x78: {  	_ =	shalt  }
0x79: {  	_ =	shalt  }
0x7a: {  	_ =	shalt  }
0x7b: {  	_ =	shalt  }
0x7c: {  	_ =	shalt  }
0x7d: {  	_ =	shalt  }
0x7e: {  	_ =	shalt  }
0x7f: {  	_ =	shalt  }
0x80: {  	_ =	shalt  }
0x81: {  	_ =	shalt  }
0x82: {  	_ =	shalt  }
0x83: {  	_ =	shalt  }
0x84: {  	_ =	shalt  }
0x85: {  	_ =	shalt  }
0x86: {  	_ =	shalt  }
0x87: {  	_ =	shalt  }
.Lfunc_end0:
.L_simem_size_0:
called_computation_lowered:
.L_overlay_start_0:
0x88: {  	s2 =	sld [smem:$0x3FD9]  }
0x89: {  	s3 =	sld [smem:$0x3FFE];
	_ =	sdelay $0x1  }
0x8a: {  	s1 =	srdreg.scid  }
0x8b: {  	s0 =	sand.u32 $0x1, s1  }
0x8c: {  	s14 =	sshll.u32 s0, $0xA;
	s2 =	sadd.s32 s3, s2  }
0x8d: {  	s2 =	sadd.s32 s2, s14  }
0x8e: {  	[smem:$0x3FC2] =	sst s2  }
0x8f: {  	_ = 	snop  }
0x90: {  	s2 =	sld [smem:$0x3FD0]  }
0x91: {  	s15 =	sld [smem:$0x3FC8]  }
0x92: {  	s4 =	sld [smem:$0x3FC7]  }
0x93: {  	s6 =	simm.s32 $0xA;
	s7 =	simm.s32 $0x10;
	s5 =	sld [smem:$0x3FC6]  }
0x94: {  	[smem:s7], [sflag:s6] =	dma.local [hbm:s2], $0x1  }
0x95: {  	_ =	swait.eq [sflag:s6], $0x1  }
0x96: {  	s16 =	sld [smem:$0x10];
	[sflag:s6] =	ssyncset.done $0x0  }
0x97: {  	s17 =	sld [smem:$0x11];
	[sflag:s6] =	ssyncadd.s32 $0xFFFFFFFF  }
0x98: {  	s18 =	sld [smem:$0x15];
	(tm) =	ssettm $0x1  }
0x99: {  	s8 =	sld [smem:$0x3FFB];
	_ =	sdelay $0x3  }
0x9a: {  	_ =	strace s8  }
0x9b: {  	s8 =	sld [smem:$0x3FFC];
	_ =	sdelay $0x3  }
0x9c: {  	_ =	strace s8  }
0x9d: {  	s8 =	sld [smem:$0x3FFD];
	_ =	sdelay $0x3  }
0x9e: {  	_ =	strace s8  }
0x9f: {  	_ =	strace $0x8FFFFFFF  }
0xa0: {  	s19 =	sld [smem:$0x3FDB];
	_ =	sdelay $0x1  }
0xa1: {  	s9 =	simm.s32 $_scs_section_size  }
0xa2: {  	s10 =	simm.s32 $_size__tile_overlayer_lowered;
	s11 =	simm.s32 $_tile_overlayer_lowered  }
0xa3: {  	s22 =	simm.s32 $0x1BFF;
	s21 =	sshll.u32 s11, $0x1;
	s8 =	sadd.s32 s9, s19  }
0xa4: {  	s12 =	simm.s32 $0x0;
	s20 =	sshll.u32 s10, $0x1;
	s10 =	sadd.s32 s21, s8  }
0xa5: {  	[timem:s12], [sflag:s22] =	dma.local [hbm:s10], s20  }
0xa6: {  	_ =	swait.ge [sflag:s22], s20  }
0xa7: {  	s9 =	ssub.s32 $0x0, s20;
	[sflag:s22] =	ssyncset.done $0x0  }
0xa8: {  	[sflag:s22] =	ssyncadd.s32 s9;
	_ =	sdelay $0x1  }
0xa9: {  	s23 =	simm.s32 $0x1B8B  }
0xaa: {  	_ =	swait.ge [sflag:s23], $0x1  }
0xab: {  	[sflag:s23] =	ssyncset.done $0x0  }
0xac: {  	s25 =	simm.s32 $0x1B8E;
	s24 =	sld [smem:$0x3FFE];
	[sflag:s23] =	ssyncadd.s32 $0xFFFFFFFF  }
0xad: {  	s26 =	simm.s32 $execute0_lowered;
	[smem:$0x3FD2] =	sst s25  }
0xae: {  	s10 =	sshll.u32 s26, $0x1;
	_ =	strace $0x80000046;
	[dreg:$0x1] =	wrdreg $0xFFFFFFFF  }
0xaf: {  	s28 =	simm.s32 $_size_execute0_lowered;
	s8 =	sadd.s32 s8, s10;
	[dreg:$0x0] =	wrdreg $0x0  }
0xb0: {  	s10 =	sshll.u32 s28, $0x1;
	[dreg:$0x2] =	wrdreg s8  }
0xb1: {  	[dreg:$0x3] =	wrdreg s10  }
0xb2: {  	[dreg:$0x4] =	wrdreg $0xC0  }
0xb3: {  	_ =	task [dreg:s12], $0x5FFFF  }
0xb4: {  	[dreg:$0x1] =	wrdreg $0xFFFFFFFF  }
0xb5: {  	[dreg:$0x0] =	wrdreg $0x60  }
0xb6: {  	[dreg:$0x2] =	wrdreg s17  }
0xb7: {  	[dreg:$0x3] =	wrdreg s15  }
0xb8: {  	[dreg:$0x4] =	wrdreg s4  }
0xb9: {  	[dreg:$0x5] =	wrdreg s5  }
0xba: {  	[dreg:$0x6] =	wrdreg s24  }
0xbb: {  	[dreg:$0x7] =	wrdreg s16  }
0xbc: {  	[dreg:$0x8] =	wrdreg s18  }
0xbd: {  	[dreg:$0x9] =	wrdreg $0x9  }
0xbe: {  	_ =	task.clear_ibuf [dreg:s12], $0xAFFFF;
	_ =	strace $0x90000046  }
0xbf: {  	s29 =	simm.s32 $0x9;
	_ =	strace $0x80000048  }
0xc0: {  	_ =	swait.ge [sflag:s29], $0x1  }
0xc1: {  	[sflag:s29] =	ssyncadd.s32 $0xFFFFFFFF  }
0xc2: {  	_ =	strace $0x90000048  }
0xc3: {  	_ =	sfence  }
0xc4: {  	s30 =	sld [smem:$0x0];
	_ =	sdelay $0x2  }
0xc5: {  	s31 =	sshll.u32 s1, $0xD;
	s1 =	sshrl.u32 s1, $0x2  }
0xc6: {  	s3 =	sand.u32 $0x4000, s31;
	s1 =	sadd.s32 s1, s30  }
0xc7: {  	s0 =	sor.u32 s3, s0;
	s1 =	sshll.u32 s1, $0x11  }
0xc8: {  	s0 =	sor.u32 s1, s0  }
0xc9: {  	s0 =	sadd.s32 $0x8F2B, s0  }
0xca: {  	[sflag:s0] =	ssyncadd.remote.s32 $0x1  }
0xcb: {  	_ =	sfence.sel $0xFFFF  }
0xcc: {  	[dreg:$0x0] =	wrdreg $0xFFFFFFFF;
	(pc) =	sbr.abs _section_cstart, $3  }
0xcd: {  	[dreg:$0x1] =	wrdreg $0xFFFFFFFF  }
0xce: {  	_ =	task.clear_ibuf [dreg:s12], $0x2FFFF;
	_ =	strace $0x9FFFFFFF  }
0xcf: {  	(tm) =	ssettm $0x7FFFFFFF  }
tec
execute0_lowered:
.L_overlay_start_1:
0x0: {  	(tag) =	ssettag $0x1  }
0x1: {  	s0 =	rddreg [dreg:$0x0]  }
0x2: {  	s1 =	rddreg [dreg:$0x4]  }
0x3: {  	s2 =	rddreg [dreg:$0x6];
	s7 =	simm.s32 $0x0  }
0x4: {  	s3 =	srdreg.scid;
	s5 =	stileid.u32;
	s12 =	simm.s32 $0x2  }
0x5: {  	s13 =	simm.s32 $0x4E20;
	s15 =	simm.s32 $0x80;
	s16 =	simm.s32 $0x6590  }
0x6: {  	s18 =	simm.s32 $0xE290;
	s25 =	simm.s32 $0x54A0;
	s28 =	simm.s32 $0x6440  }
0x7: {  	s29 =	simm.s32 $0x14A90;
	s30 =	simm.s32 $0x5520;
	s31 =	simm.s32 $0xD590  }
0x8: {  	s6 =	simm.s32 $0x64C0;
	s10 =	simm.s32 $0x50;
	s11 =	simm.s32 $0x55A0  }
0x9: {  	s14 =	simm.s32 $0x16760;
	s17 =	simm.s32 $0x15F90;
	s20 =	simm.s32 $0x0  }
0xa: {  	[smem:$0x7FF] =	sst s7;
	s3 =	sand.u32 $0x1, s3;
	s5 =	sshll.u32 s5, $0x1  }
0xb: {  	s8 =	sadd.s32 $0x2400, s1;
	_ =	strace $0x80000047;
	s4 =	ssub.s32 $0x2, s3  }
0xc: {  	s3 =	sor.u32 s3, s5;
	s5 =	simm.s32 $0x15A90;
	s26 =	sshrl.u32 s4, $0x1  }
0xd: {  	s9 =	smul.u32 $0x2710, s3;
	s3 =	sshll.u32 s3, $0x6;
	s1 =	ssub.s32 s4, s26  }
0xe: {  	v0 =	vlaneseq.u32;
	s2 =	sadd.s32 s2, s3;
	s26 =	simm.s32 $0xCD90;
	s4 =	simm.s32 $0x15290  }
0xf: {  	v2 =	vmul.u32 $0x10, v0;
	s3 =	simm.s32 $0x6540;
	[dreg:$0x8] =	wrdreg s2;
	s1 =	smax.u32 s1, $0x1  }
0x10: {  	v1 =	vimm.s32 $0x0;
	v3 =	vimm.s32 $0x1;
	s2 =	simm.s32 $0xDD90;
	[dreg:$0x9] =	wrdreg s1;
	s1 =	simm.s32 $0x1  }
.LBB2_1:
0x11: {  	[dreg:$0xa] =	wrdreg s20  }
0x12: {  	s19 =	rddreg [dreg:$0x3]  }
0x13: {  	[tilespmem:s7], [sflag:$0x2] =	stream.linear.gather [hbm4b:s19+s7], $0x4E20, $0x38;
	[tilespmem:$0x18960] =	vst v63  }
0x14: {  	_ =	swait.ge [sflag:s12], $0x4E20  }
0x15: {  	[sflag:s12] =	ssyncset.done $0x0  }
0x16: {  	s20 =	simm.s32 $0x0;
	s19 =	simm.s32 $0x40;
	[sflag:s12] =	ssyncadd.s32 $0xFFFFB1E0  }
.LBB2_2:
0x17: {  	p0 =	sne.s32 s19, $0x7FC0;
	[tilespmem:s20+$0x16760] =	vst v1;
	s20 =	smov.u32 s19;
	s19 =	sadd.s32 $0x40, s19  }
.Ltmp0:
0x18: {  	(pc) =	sbr.rel @p0 .LBB2_2-.Ltmp0, $2  }
0x19: {  	_ =	sdelay $0x2  }
0x1a: {  	s20 =	sshra.s32 s20, $0x2  }
0x1b: {  	[tilespmem:s20+$0x16760] =	vst v1;
	s19 =	simm.s32 $0x0;
	s20 =	simm.s32 $0x0  }
.LBB2_4:
0x1c: {  	s21 =	smul.u32 $0x7D0, s20;
	_ =	sdelay $0x1  }
0x1d: {  	s21 =	sadd.s32 s9, s21  }
0x1e: {  	s22 =	rddreg [dreg:$0x1];
	s21 =	sshrl.u32 s21, $0x3  }
0x1f: {  	s22 =	sadd.s32 s22, s21  }
0x20: {  	[tilespmem:s13], [sflag:$0x2] =	stream.linear.gather [hbm4b:s22+s19], $0x7D0, $0x38;
	[tilespmem:$0x18960] =	vst v63  }
0x21: {  	_ =	swait.ge [sflag:s12], $0x7D0  }
0x22: {  	[sflag:s12] =	ssyncset.done $0x0  }
0x23: {  	[sflag:s12] =	ssyncadd.s32 $0xFFFFF830  }
0x24: {  	s24 =	rddreg [dreg:$0x2]  }
0x25: {  	s23 =	simm.s32 $0x55F0;
	s22 =	sadd.s32 s24, s21  }
0x26: {  	[tilespmem:s23], [sflag:$0x2] =	stream.linear.gather [hbm4b:s22+s19], $0x7D0, $0x38;
	[tilespmem:$0x18960] =	vst v63  }
0x27: {  	_ =	swait.ge [sflag:s12], $0x7D0  }
0x28: {  	[sflag:s12] =	ssyncset.done $0x0  }
0x29: {  	s22 =	simm.s32 $0x0;
	[sflag:s12] =	ssyncadd.s32 $0xFFFFF830  }
0x2a: {  	v4 =	vld [tilespmem:s22+$0x55F0];
	_ =	sdelay $0x7  }
0x2b: {  	s24 =	simm.s32 $0x80;
	s23 =	simm.s32 $0x10;
	v4 =	vld.idx.msk [tilespmem:v4+s7+$0x0], $0xffff  }
.LBB2_5:
0x2c: {  	p0 =	sne.s32 s24, $0x1F00;
	v5 =	vld [tilespmem:s23+$0x55F0];
	_ =	sdelay $0x3  }
.Ltmp1:
0x2d: {  	(pc) =	sbr.rel @p0 .LBB2_5-.Ltmp1, $2  }
0x2e: {  	[tilespmem:s22+$0x5DC0] =	vst v4;
	s22 =	smov.u32 s23;
	_ =	sdelay $0x2  }
0x2f: {  	s23 =	sshra.s32 s24, $0x2;
	s24 =	sadd.s32 $0x40, s24;
	v4 =	vld.idx.msk [tilespmem:v5+s7+$0x0], $0xffff  }
0x30: {  	v5 =	vld [tilespmem:s23+$0x55F0];
	_ =	sdelay $0x6  }
0x31: {  	[tilespmem:s22+$0x5DC0] =	vst v4  }
0x32: {  	v4 =	vld.idx.msk [tilespmem:v5+s7+$0x0], $0xffff;
	_ =	sdelay $0x4  }
0x33: {  	[tilespmem:s23+$0x5DC0] =	vst v4  }
0x34: {  	[tilespmem:s16], [sflag:$0x1] =	stream.indirect.gather [hbm4b:s0+s15], $0x10, s13, s15, $0xb8;
	[tilespmem:$0x18960] =	vst v63  }
0x35: {  	s24 =	simm.s32 $0x5DC0  }
0x36: {  	[tilespmem:s18], [sflag:$0x1] =	stream.indirect.gather [hbm4b:s8+s15], $0x10, s24, s15, $0xb8;
	[tilespmem:$0x18960] =	vst v63  }
0x37: {  	s23 =	simm.s32 $0x4EA0;
	s24 =	simm.s32 $0x6D90  }
0x38: {  	[tilespmem:s24], [sflag:$0x1] =	stream.indirect.gather [hbm4b:s0+s15], $0x10, s23, s15, $0xb8;
	[tilespmem:$0x18960] =	vst v63  }
0x39: {  	s23 =	simm.s32 $0x5E40;
	s24 =	simm.s32 $0xEA90  }
0x3a: {  	[tilespmem:s24], [sflag:$0x1] =	stream.indirect.gather [hbm4b:s8+s15], $0x10, s23, s15, $0xb8;
	[tilespmem:$0x18960] =	vst v63  }
0x3b: {  	s23 =	simm.s32 $0x4F20;
	s24 =	simm.s32 $0x7590  }
0x3c: {  	[tilespmem:s24], [sflag:$0x1] =	stream.indirect.gather [hbm4b:s0+s15], $0x10, s23, s15, $0xb8;
	[tilespmem:$0x18960] =	vst v63  }
0x3d: {  	s23 =	simm.s32 $0x5EC0;
	s24 =	simm.s32 $0xF290  }
0x3e: {  	[tilespmem:s24], [sflag:$0x1] =	stream.indirect.gather [hbm4b:s8+s15], $0x10, s23, s15, $0xb8;
	[tilespmem:$0x18960] =	vst v63  }
0x3f: {  	s23 =	simm.s32 $0x4FA0;
	s24 =	simm.s32 $0x7D90  }
0x40: {  	[tilespmem:s24], [sflag:$0x1] =	stream.indirect.gather [hbm4b:s0+s15], $0x10, s23, s15, $0xb8;
	[tilespmem:$0x18960] =	vst v63  }
0x41: {  	s23 =	simm.s32 $0x5F40;
	s24 =	simm.s32 $0xFA90  }
0x42: {  	[tilespmem:s24], [sflag:$0x1] =	stream.indirect.gather [hbm4b:s8+s15], $0x10, s23, s15, $0xb8;
	[tilespmem:$0x18960] =	vst v63  }
0x43: {  	_ =	swait.ge [sflag:s1], $0x800  }
0x44: {  	[sflag:s1] =	ssyncset.done $0x0  }
0x45: {  	[sflag:s1] =	ssyncadd.s32 $0xFFFFF800  }
0x46: {  	_ =	swait.ge [sflag:s1], $0x800  }
0x47: {  	[sflag:s1] =	ssyncset.done $0x0  }
0x48: {  	[sflag:s1] =	ssyncadd.s32 $0xFFFFF800  }
0x49: {  	_ =	swait.ge [sflag:s1], $0x800  }
0x4a: {  	[sflag:s1] =	ssyncset.done $0x0  }
0x4b: {  	[sflag:s1] =	ssyncadd.s32 $0xFFFFF800  }
0x4c: {  	_ =	swait.ge [sflag:s1], $0x800  }
0x4d: {  	[sflag:s1] =	ssyncset.done $0x0  }
0x4e: {  	[sflag:s1] =	ssyncadd.s32 $0xFFFFF800  }
0x4f: {  	_ =	swait.ge [sflag:s1], $0x800  }
0x50: {  	[sflag:s1] =	ssyncset.done $0x0  }
0x51: {  	[sflag:s1] =	ssyncadd.s32 $0xFFFFF800  }
0x52: {  	_ =	swait.ge [sflag:s1], $0x800  }
0x53: {  	[sflag:s1] =	ssyncset.done $0x0  }
0x54: {  	[sflag:s1] =	ssyncadd.s32 $0xFFFFF800  }
0x55: {  	_ =	swait.ge [sflag:s1], $0x800  }
0x56: {  	[sflag:s1] =	ssyncset.done $0x0  }
0x57: {  	[sflag:s1] =	ssyncadd.s32 $0xFFFFF800  }
0x58: {  	_ =	swait.ge [sflag:s1], $0x800  }
0x59: {  	[sflag:s1] =	ssyncset.done $0x0  }
0x5a: {  	s23 =	simm.s32 $0x5020;
	s24 =	simm.s32 $0x8590;
	[sflag:s1] =	ssyncadd.s32 $0xFFFFF800  }
0x5b: {  	[tilespmem:s24], [sflag:$0x1] =	stream.indirect.gather [hbm4b:s0+s15], $0x10, s23, s15, $0xb8;
	[tilespmem:$0x18960] =	vst v63  }
0x5c: {  	s23 =	simm.s32 $0x5FC0;
	s24 =	simm.s32 $0x10290  }
0x5d: {  	[tilespmem:s24], [sflag:$0x1] =	stream.indirect.gather [hbm4b:s8+s15], $0x10, s23, s15, $0xb8;
	[tilespmem:$0x18960] =	vst v63  }
0x5e: {  	s23 =	simm.s32 $0x50A0;
	s24 =	simm.s32 $0x8D90  }
0x5f: {  	[tilespmem:s24], [sflag:$0x1] =	stream.indirect.gather [hbm4b:s0+s15], $0x10, s23, s15, $0xb8;
	[tilespmem:$0x18960] =	vst v63  }
0x60: {  	s23 =	simm.s32 $0x6040;
	s24 =	simm.s32 $0x10A90  }
0x61: {  	[tilespmem:s24], [sflag:$0x1] =	stream.indirect.gather [hbm4b:s8+s15], $0x10, s23, s15, $0xb8;
	[tilespmem:$0x18960] =	vst v63  }
0x62: {  	s23 =	simm.s32 $0x5120;
	s24 =	simm.s32 $0x9590  }
0x63: {  	[tilespmem:s24], [sflag:$0x1] =	stream.indirect.gather [hbm4b:s0+s15], $0x10, s23, s15, $0xb8;
	[tilespmem:$0x18960] =	vst v63  }
0x64: {  	s23 =	simm.s32 $0x60C0;
	s24 =	simm.s32 $0x11290  }
0x65: {  	[tilespmem:s24], [sflag:$0x1] =	stream.indirect.gather [hbm4b:s8+s15], $0x10, s23, s15, $0xb8;
	[tilespmem:$0x18960] =	vst v63  }
0x66: {  	s23 =	simm.s32 $0x51A0;
	s24 =	simm.s32 $0x9D90  }
0x67: {  	[tilespmem:s24], [sflag:$0x1] =	stream.indirect.gather [hbm4b:s0+s15], $0x10, s23, s15, $0xb8;
	[tilespmem:$0x18960] =	vst v63  }
0x68: {  	s23 =	simm.s32 $0x6140;
	s24 =	simm.s32 $0x11A90  }
0x69: {  	[tilespmem:s24], [sflag:$0x1] =	stream.indirect.gather [hbm4b:s8+s15], $0x10, s23, s15, $0xb8;
	[tilespmem:$0x18960] =	vst v63  }
0x6a: {  	_ =	swait.ge [sflag:s1], $0x800  }
0x6b: {  	[sflag:s1] =	ssyncset.done $0x0  }
0x6c: {  	[sflag:s1] =	ssyncadd.s32 $0xFFFFF800  }
0x6d: {  	_ =	swait.ge [sflag:s1], $0x800  }
0x6e: {  	[sflag:s1] =	ssyncset.done $0x0  }
0x6f: {  	[sflag:s1] =	ssyncadd.s32 $0xFFFFF800  }
0x70: {  	_ =	swait.ge [sflag:s1], $0x800  }
0x71: {  	[sflag:s1] =	ssyncset.done $0x0  }
0x72: {  	[sflag:s1] =	ssyncadd.s32 $0xFFFFF800  }
0x73: {  	_ =	swait.ge [sflag:s1], $0x800  }
0x74: {  	[sflag:s1] =	ssyncset.done $0x0  }
0x75: {  	[sflag:s1] =	ssyncadd.s32 $0xFFFFF800  }
0x76: {  	_ =	swait.ge [sflag:s1], $0x800  }
0x77: {  	[sflag:s1] =	ssyncset.done $0x0  }
0x78: {  	[sflag:s1] =	ssyncadd.s32 $0xFFFFF800  }
0x79: {  	_ =	swait.ge [sflag:s1], $0x800  }
0x7a: {  	[sflag:s1] =	ssyncset.done $0x0  }
0x7b: {  	[sflag:s1] =	ssyncadd.s32 $0xFFFFF800  }
0x7c: {  	_ =	swait.ge [sflag:s1], $0x800  }
0x7d: {  	[sflag:s1] =	ssyncset.done $0x0  }
0x7e: {  	[sflag:s1] =	ssyncadd.s32 $0xFFFFF800  }
0x7f: {  	_ =	swait.ge [sflag:s1], $0x800  }
0x80: {  	[sflag:s1] =	ssyncset.done $0x0  }
0x81: {  	s23 =	simm.s32 $0x5220;
	s24 =	simm.s32 $0xA590;
	[sflag:s1] =	ssyncadd.s32 $0xFFFFF800  }
0x82: {  	[tilespmem:s24], [sflag:$0x1] =	stream.indirect.gather [hbm4b:s0+s15], $0x10, s23, s15, $0xb8;
	[tilespmem:$0x18960] =	vst v63  }
0x83: {  	s23 =	simm.s32 $0x61C0;
	s24 =	simm.s32 $0x12290  }
0x84: {  	[tilespmem:s24], [sflag:$0x1] =	stream.indirect.gather [hbm4b:s8+s15], $0x10, s23, s15, $0xb8;
	[tilespmem:$0x18960] =	vst v63  }
0x85: {  	s23 =	simm.s32 $0x52A0;
	s24 =	simm.s32 $0xAD90  }
0x86: {  	[tilespmem:s24], [sflag:$0x1] =	stream.indirect.gather [hbm4b:s0+s15], $0x10, s23, s15, $0xb8;
	[tilespmem:$0x18960] =	vst v63  }
0x87: {  	s23 =	simm.s32 $0x6240;
	s24 =	simm.s32 $0x12A90  }
0x88: {  	[tilespmem:s24], [sflag:$0x1] =	stream.indirect.gather [hbm4b:s8+s15], $0x10, s23, s15, $0xb8;
	[tilespmem:$0x18960] =	vst v63  }
0x89: {  	s23 =	simm.s32 $0x5320;
	s24 =	simm.s32 $0xB590  }
0x8a: {  	[tilespmem:s24], [sflag:$0x1] =	stream.indirect.gather [hbm4b:s0+s15], $0x10, s23, s15, $0xb8;
	[tilespmem:$0x18960] =	vst v63  }
0x8b: {  	s23 =	simm.s32 $0x62C0;
	s24 =	simm.s32 $0x13290  }
0x8c: {  	[tilespmem:s24], [sflag:$0x1] =	stream.indirect.gather [hbm4b:s8+s15], $0x10, s23, s15, $0xb8;
	[tilespmem:$0x18960] =	vst v63  }
0x8d: {  	s23 =	simm.s32 $0x53A0;
	s24 =	simm.s32 $0xBD90  }
0x8e: {  	[tilespmem:s24], [sflag:$0x1] =	stream.indirect.gather [hbm4b:s0+s15], $0x10, s23, s15, $0xb8;
	[tilespmem:$0x18960] =	vst v63  }
0x8f: {  	s23 =	simm.s32 $0x6340;
	s24 =	simm.s32 $0x13A90  }
0x90: {  	[tilespmem:s24], [sflag:$0x1] =	stream.indirect.gather [hbm4b:s8+s15], $0x10, s23, s15, $0xb8;
	[tilespmem:$0x18960] =	vst v63  }
0x91: {  	_ =	swait.ge [sflag:s1], $0x800  }
0x92: {  	[sflag:s1] =	ssyncset.done $0x0  }
0x93: {  	[sflag:s1] =	ssyncadd.s32 $0xFFFFF800  }
0x94: {  	_ =	swait.ge [sflag:s1], $0x800  }
0x95: {  	[sflag:s1] =	ssyncset.done $0x0  }
0x96: {  	[sflag:s1] =	ssyncadd.s32 $0xFFFFF800  }
0x97: {  	_ =	swait.ge [sflag:s1], $0x800  }
0x98: {  	[sflag:s1] =	ssyncset.done $0x0  }
0x99: {  	[sflag:s1] =	ssyncadd.s32 $0xFFFFF800  }
0x9a: {  	_ =	swait.ge [sflag:s1], $0x800  }
0x9b: {  	[sflag:s1] =	ssyncset.done $0x0  }
0x9c: {  	[sflag:s1] =	ssyncadd.s32 $0xFFFFF800  }
0x9d: {  	_ =	swait.ge [sflag:s1], $0x800  }
0x9e: {  	[sflag:s1] =	ssyncset.done $0x0  }
0x9f: {  	[sflag:s1] =	ssyncadd.s32 $0xFFFFF800  }
0xa0: {  	_ =	swait.ge [sflag:s1], $0x800  }
0xa1: {  	[sflag:s1] =	ssyncset.done $0x0  }
0xa2: {  	[sflag:s1] =	ssyncadd.s32 $0xFFFFF800  }
0xa3: {  	_ =	swait.ge [sflag:s1], $0x800  }
0xa4: {  	[sflag:s1] =	ssyncset.done $0x0  }
0xa5: {  	[sflag:s1] =	ssyncadd.s32 $0xFFFFF800  }
0xa6: {  	_ =	swait.ge [sflag:s1], $0x800  }
0xa7: {  	[sflag:s1] =	ssyncset.done $0x0  }
0xa8: {  	s23 =	simm.s32 $0x5420;
	s24 =	simm.s32 $0xC590;
	[sflag:s1] =	ssyncadd.s32 $0xFFFFF800  }
0xa9: {  	[tilespmem:s24], [sflag:$0x1] =	stream.indirect.gather [hbm4b:s0+s15], $0x10, s23, s15, $0xb8;
	[tilespmem:$0x18960] =	vst v63  }
0xaa: {  	s23 =	simm.s32 $0x63C0;
	s24 =	simm.s32 $0x14290  }
0xab: {  	[tilespmem:s24], [sflag:$0x1] =	stream.indirect.gather [hbm4b:s8+s15], $0x10, s23, s15, $0xb8;
	[tilespmem:$0x18960] =	vst v63  }
0xac: {  	_ = 	snop  }
0xad: {  	[tilespmem:s26], [sflag:$0x1] =	stream.indirect.gather [hbm4b:s0+s15], $0x10, s25, s15, $0xb8;
	[tilespmem:$0x18960] =	vst v63  }
0xae: {  	_ = 	snop  }
0xaf: {  	[tilespmem:s29], [sflag:$0x1] =	stream.indirect.gather [hbm4b:s8+s15], $0x10, s28, s15, $0xb8;
	[tilespmem:$0x18960] =	vst v63  }
0xb0: {  	_ = 	snop  }
0xb1: {  	[tilespmem:s31], [sflag:$0x1] =	stream.indirect.gather [hbm4b:s0+s15], $0x10, s30, s15, $0xb8;
	[tilespmem:$0x18960] =	vst v63  }
0xb2: {  	_ = 	snop  }
0xb3: {  	[tilespmem:s4], [sflag:$0x1] =	stream.indirect.gather [hbm4b:s8+s15], $0x10, s6, s15, $0xb8;
	[tilespmem:$0x18960] =	vst v63  }
0xb4: {  	_ = 	snop  }
0xb5: {  	[tilespmem:s2], [sflag:$0x1] =	stream.indirect.gather [hbm4b:s0+s10], $0x10, s11, s10, $0xb8;
	[tilespmem:$0x18960] =	vst v63  }
0xb6: {  	_ = 	snop  }
0xb7: {  	[tilespmem:s5], [sflag:$0x1] =	stream.indirect.gather [hbm4b:s8+s10], $0x10, s3, s10, $0xb8;
	[tilespmem:$0x18960] =	vst v63  }
0xb8: {  	_ =	swait.ge [sflag:s1], $0x800  }
0xb9: {  	[sflag:s1] =	ssyncset.done $0x0  }
0xba: {  	[sflag:s1] =	ssyncadd.s32 $0xFFFFF800  }
0xbb: {  	_ =	swait.ge [sflag:s1], $0x800  }
0xbc: {  	[sflag:s1] =	ssyncset.done $0x0  }
0xbd: {  	[sflag:s1] =	ssyncadd.s32 $0xFFFFF800  }
0xbe: {  	_ =	swait.ge [sflag:s1], $0x800  }
0xbf: {  	[sflag:s1] =	ssyncset.done $0x0  }
0xc0: {  	[sflag:s1] =	ssyncadd.s32 $0xFFFFF800  }
0xc1: {  	_ =	swait.ge [sflag:s1], $0x800  }
0xc2: {  	[sflag:s1] =	ssyncset.done $0x0  }
0xc3: {  	[sflag:s1] =	ssyncadd.s32 $0xFFFFF800  }
0xc4: {  	_ =	swait.ge [sflag:s1], $0x800  }
0xc5: {  	[sflag:s1] =	ssyncset.done $0x0  }
0xc6: {  	[sflag:s1] =	ssyncadd.s32 $0xFFFFF800  }
0xc7: {  	_ =	swait.ge [sflag:s1], $0x800  }
0xc8: {  	s23 =	simm.s32 $0x0;
	[sflag:s1] =	ssyncset.done $0x0  }
0xc9: {  	v4 =	vmov s23;
	[sflag:s1] =	ssyncadd.s32 $0xFFFFF800  }
0xca: {  	v4 =	vshll.u32 v4, $0x4;
	_ =	swait.ge [sflag:s1], $0x500  }
0xcb: {  	v4 =	vor.u32 v2, v4;
	[sflag:s1] =	ssyncset.done $0x0  }
0xcc: {  	[sflag:s1] =	ssyncadd.s32 $0xFFFFFB00  }
0xcd: {  	v5 =	vor.u32 $0x1, v4;
	_ =	swait.ge [sflag:s1], $0x500  }
0xce: {  	[sflag:s1] =	ssyncset.done $0x0  }
0xcf: {  	v6 =	vor.u32 $0x2, v4;
	[sflag:s1] =	ssyncadd.s32 $0xFFFFFB00  }
0xd0: {  	v7 =	vld.idx.msk [tilespmem:v4+s18+$0x0], $0xffff  }
0xd1: {  	v9 =	vor.u32 $0x3, v4;
	v8 =	vld.idx.msk [tilespmem:v4+s16+$0x0], $0xffff  }
0xd2: {  	v10 =	vld.idx.msk [tilespmem:v5+s16+$0x0], $0xffff  }
0xd3: {  	v11 =	vor.u32 $0x4, v4;
	v5 =	vld.idx.msk [tilespmem:v5+s18+$0x0], $0xffff  }
0xd4: {  	v12 =	vld.idx.msk [tilespmem:v6+s16+$0x0], $0xffff  }
0xd5: {  	v13 =	vor.u32 $0x5, v4;
	v6 =	vld.idx.msk [tilespmem:v6+s18+$0x0], $0xffff  }
0xd6: {  	v14 =	vld.idx.msk [tilespmem:v9+s16+$0x0], $0xffff;
	v7 =	vmul.f32 v7, v8  }
0xd7: {  	v38 =	vor.u32 $0x6, v4;
	v37 =	vld.idx.msk [tilespmem:v9+s18+$0x0], $0xffff  }
0xd8: {  	v15 =	vld.idx.msk [tilespmem:v11+s16+$0x0], $0xffff;
	v5 =	vmul.f32 v5, v10;
	v7 =	vadd.f32 $0.0e+00, v7  }
0xd9: {  	v40 =	vor.u32 $0x7, v4;
	v39 =	vld.idx.msk [tilespmem:v11+s18+$0x0], $0xffff  }
0xda: {  	v16 =	vld.idx.msk [tilespmem:v13+s16+$0x0], $0xffff;
	v6 =	vmul.f32 v6, v12;
	v5 =	vadd.f32 v5, v7  }
0xdb: {  	v41 =	vor.u32 $0x8, v4;
	v7 =	vld.idx.msk [tilespmem:v13+s18+$0x0], $0xffff  }
0xdc: {  	v42 =	vld.idx.msk [tilespmem:v38+s16+$0x0], $0xffff;
	v5 =	vadd.f32 v6, v5;
	v6 =	vmul.f32 v37, v14  }
0xdd: {  	v44 =	vor.u32 $0x9, v4;
	v43 =	vld.idx.msk [tilespmem:v38+s18+$0x0], $0xffff  }
0xde: {  	v45 =	vld.idx.msk [tilespmem:v40+s16+$0x0], $0xffff;
	v5 =	vadd.f32 v6, v5;
	v6 =	vmul.f32 v39, v15  }
0xdf: {  	v47 =	vor.u32 $0xA, v4;
	v46 =	vld.idx.msk [tilespmem:v40+s18+$0x0], $0xffff  }
0xe0: {  	v48 =	vld.idx.msk [tilespmem:v41+s16+$0x0], $0xffff;
	v5 =	vadd.f32 v6, v5;
	v6 =	vmul.f32 v7, v16  }
0xe1: {  	v49 =	vor.u32 $0xB, v4;
	v7 =	vld.idx.msk [tilespmem:v41+s18+$0x0], $0xffff  }
0xe2: {  	v50 =	vld.idx.msk [tilespmem:v44+s16+$0x0], $0xffff;
	v5 =	vadd.f32 v6, v5;
	v6 =	vmul.f32 v43, v42  }
0xe3: {  	v52 =	vor.u32 $0xC, v4;
	v51 =	vld.idx.msk [tilespmem:v44+s18+$0x0], $0xffff  }
0xe4: {  	v53 =	vld.idx.msk [tilespmem:v47+s16+$0x0], $0xffff;
	v5 =	vadd.f32 v6, v5;
	v6 =	vmul.f32 v46, v45  }
0xe5: {  	v55 =	vor.u32 $0xD, v4;
	v54 =	vld.idx.msk [tilespmem:v47+s18+$0x0], $0xffff  }
0xe6: {  	v56 =	vld.idx.msk [tilespmem:v49+s16+$0x0], $0xffff;
	v5 =	vadd.f32 v6, v5;
	v6 =	vmul.f32 v7, v48  }
0xe7: {  	v57 =	vor.u32 $0xE, v4;
	v7 =	vld.idx.msk [tilespmem:v49+s18+$0x0], $0xffff  }
0xe8: {  	v58 =	vld.idx.msk [tilespmem:v52+s16+$0x0], $0xffff;
	v5 =	vadd.f32 v6, v5;
	v6 =	vmul.f32 v51, v50  }
0xe9: {  	v59 =	vld.idx.msk [tilespmem:v52+s18+$0x0], $0xffff;
	v4 =	vor.u32 $0xF, v4  }
0xea: {  	v60 =	vld.idx.msk [tilespmem:v55+s16+$0x0], $0xffff;
	v5 =	vadd.f32 v6, v5;
	v6 =	vmul.f32 v54, v53  }
0xeb: {  	v61 =	vld.idx.msk [tilespmem:v55+s18+$0x0], $0xffff  }
0xec: {  	v62 =	vld.idx.msk [tilespmem:v57+s16+$0x0], $0xffff;
	v5 =	vadd.f32 v6, v5;
	v6 =	vmul.f32 v7, v56  }
0xed: {  	v7 =	vld.idx.msk [tilespmem:v57+s18+$0x0], $0xffff  }
0xee: {  	v63 =	vld.idx.msk [tilespmem:v4+s16+$0x0], $0xffff;
	v5 =	vadd.f32 v6, v5;
	v6 =	vmul.f32 v59, v58  }
0xef: {  	v4 =	vld.idx.msk [tilespmem:v4+s18+$0x0], $0xffff  }
0xf0: {  	v5 =	vadd.f32 v6, v5;
	v6 =	vmul.f32 v61, v60;
	_ =	sdelay $0x1  }
0xf1: {  	v5 =	vadd.f32 v6, v5;
	v6 =	vmul.f32 v7, v62;
	_ =	sdelay $0x1  }
0xf2: {  	v4 =	vmul.f32 v4, v63;
	v5 =	vadd.f32 v6, v5;
	_ =	sdelay $0x1  }
0xf3: {  	v4 =	vadd.f32 v4, v5;
	_ =	sdelay $0x1  }
0xf4: {  	v4 =	vsub.f32 $0.0e+00, v4;
	_ =	sdelay $0x1  }
0xf5: {  	v4 =	vmul.f32 $1.442695020e+00, v4;
	_ =	sdelay $0x1  }
0xf6: {  	(erf) = vpow2.f32 v4;
	_ =	sdelay $0x8  }
0xf7: {  	v4 =	vpop (erf)  }
0xf8: {  	v4 =	vadd.f32 $1.000000000e+00, v4;
	_ =	sdelay $0x1  }
0xf9: {  	(erf) = vrcp.f32 v4;
	_ =	sdelay $0x8  }
0xfa: {  	v4 =	vpop (erf)  }
0xfb: {  	s24 =	simm.s32 $0x10;
	v5 =	vshrl.u32 v4, $0x11  }
0xfc: {  	s22 =	simm.s32 $0x15F90;
	v6 =	vmov s24;
	v7 =	vand.u32 $0x7FF0, v5  }
0xfd: {  	s23 =	simm.s32 $0x20;
	[tilespmem:s22+$0x0] =	vst v4;
	v5 =	vshll.u32 v6, $0x4;
	v4 =	vor.u32 v0, v7  }
.LBB2_7:
0xfe: {  	p0 =	sne.s32 s23, $0x7C0;
	v5 =	vor.u32 v2, v5;
	_ =	sdelay $0x1  }
0xff: {  	v6 =	vor.u32 $0x1, v5;
	_ =	sdelay $0x1  }
0x100: {  	v7 =	vor.u32 $0x2, v5;
	[tilespmem:v4+s14+$0x0] =	vst.idx.add.s32.msk $0xffff, v3  }
0x101: {  	v4 =	vld.idx.msk [tilespmem:v5+s18+$0x0], $0xffff  }
0x102: {  	v9 =	vor.u32 $0x3, v5;
	v8 =	vld.idx.msk [tilespmem:v5+s16+$0x0], $0xffff  }
0x103: {  	v10 =	vld.idx.msk [tilespmem:v6+s16+$0x0], $0xffff  }
0x104: {  	v11 =	vor.u32 $0x4, v5;
	v6 =	vld.idx.msk [tilespmem:v6+s18+$0x0], $0xffff  }
0x105: {  	v12 =	vld.idx.msk [tilespmem:v7+s16+$0x0], $0xffff  }
0x106: {  	v13 =	vor.u32 $0x5, v5;
	v7 =	vld.idx.msk [tilespmem:v7+s18+$0x0], $0xffff  }
0x107: {  	v14 =	vld.idx.msk [tilespmem:v9+s16+$0x0], $0xffff  }
0x108: {  	v4 =	vmul.f32 v4, v8;
	v8 =	vld.idx.msk [tilespmem:v9+s18+$0x0], $0xffff;
	v9 =	vor.u32 $0x6, v5  }
0x109: {  	v15 =	vld.idx.msk [tilespmem:v11+s16+$0x0], $0xffff  }
0x10a: {  	v4 =	vadd.f32 $0.0e+00, v4;
	v6 =	vmul.f32 v6, v10;
	v10 =	vld.idx.msk [tilespmem:v11+s18+$0x0], $0xffff;
	v11 =	vor.u32 $0x7, v5  }
0x10b: {  	v16 =	vld.idx.msk [tilespmem:v13+s16+$0x0], $0xffff  }
0x10c: {  	v4 =	vadd.f32 v6, v4;
	v6 =	vmul.f32 v7, v12;
	v12 =	vor.u32 $0x8, v5;
	v7 =	vld.idx.msk [tilespmem:v13+s18+$0x0], $0xffff  }
0x10d: {  	v13 =	vld.idx.msk [tilespmem:v9+s16+$0x0], $0xffff  }
0x10e: {  	v4 =	vadd.f32 v6, v4;
	v6 =	vmul.f32 v8, v14;
	v8 =	vld.idx.msk [tilespmem:v9+s18+$0x0], $0xffff;
	v9 =	vor.u32 $0x9, v5  }
0x10f: {  	v14 =	vld.idx.msk [tilespmem:v11+s16+$0x0], $0xffff  }
0x110: {  	v4 =	vadd.f32 v6, v4;
	v6 =	vmul.f32 v10, v15;
	v10 =	vld.idx.msk [tilespmem:v11+s18+$0x0], $0xffff;
	v11 =	vor.u32 $0xA, v5  }
0x111: {  	v15 =	vld.idx.msk [tilespmem:v12+s16+$0x0], $0xffff  }
0x112: {  	v4 =	vadd.f32 v6, v4;
	v6 =	vmul.f32 v7, v16;
	v7 =	vld.idx.msk [tilespmem:v12+s18+$0x0], $0xffff;
	v12 =	vor.u32 $0xB, v5  }
0x113: {  	v16 =	vld.idx.msk [tilespmem:v9+s16+$0x0], $0xffff  }
0x114: {  	v4 =	vadd.f32 v6, v4;
	v6 =	vmul.f32 v8, v13;
	v8 =	vld.idx.msk [tilespmem:v9+s18+$0x0], $0xffff;
	v9 =	vor.u32 $0xC, v5  }
0x115: {  	v13 =	vld.idx.msk [tilespmem:v11+s16+$0x0], $0xffff  }
0x116: {  	v4 =	vadd.f32 v6, v4;
	v6 =	vmul.f32 v10, v14;
	v10 =	vld.idx.msk [tilespmem:v11+s18+$0x0], $0xffff;
	v11 =	vor.u32 $0xD, v5  }
0x117: {  	v14 =	vld.idx.msk [tilespmem:v12+s16+$0x0], $0xffff  }
0x118: {  	v4 =	vadd.f32 v6, v4;
	v6 =	vmul.f32 v7, v15;
	v7 =	vld.idx.msk [tilespmem:v12+s18+$0x0], $0xffff;
	v12 =	vor.u32 $0xE, v5  }
0x119: {  	v15 =	vld.idx.msk [tilespmem:v9+s16+$0x0], $0xffff  }
0x11a: {  	v5 =	vor.u32 $0xF, v5;
	v4 =	vadd.f32 v6, v4;
	v6 =	vmul.f32 v8, v16;
	v8 =	vld.idx.msk [tilespmem:v9+s18+$0x0], $0xffff  }
0x11b: {  	v9 =	vld.idx.msk [tilespmem:v11+s16+$0x0], $0xffff  }
0x11c: {  	v4 =	vadd.f32 v6, v4;
	v6 =	vmul.f32 v10, v13;
	v10 =	vld.idx.msk [tilespmem:v11+s18+$0x0], $0xffff  }
0x11d: {  	v11 =	vld.idx.msk [tilespmem:v12+s16+$0x0], $0xffff  }
0x11e: {  	v4 =	vadd.f32 v6, v4;
	v6 =	vmul.f32 v7, v14;
	v7 =	vld.idx.msk [tilespmem:v12+s18+$0x0], $0xffff  }
0x11f: {  	v12 =	vld.idx.msk [tilespmem:v5+s16+$0x0], $0xffff  }
0x120: {  	v4 =	vadd.f32 v6, v4;
	v6 =	vmul.f32 v8, v15;
	v5 =	vld.idx.msk [tilespmem:v5+s18+$0x0], $0xffff;
	_ =	sdelay $0x1  }
0x121: {  	v4 =	vadd.f32 v6, v4;
	v6 =	vmul.f32 v10, v9;
	_ =	sdelay $0x1  }
0x122: {  	v4 =	vadd.f32 v6, v4;
	v6 =	vmul.f32 v7, v11;
	_ =	sdelay $0x1  }
0x123: {  	v4 =	vadd.f32 v6, v4;
	v5 =	vmul.f32 v5, v12;
	_ =	sdelay $0x1  }
0x124: {  	v4 =	vadd.f32 v5, v4;
	_ =	sdelay $0x1  }
0x125: {  	v4 =	vsub.f32 $0.0e+00, v4;
	_ =	sdelay $0x1  }
0x126: {  	v4 =	vmul.f32 $1.442695020e+00, v4;
	_ =	sdelay $0x1  }
0x127: {  	(erf) = vpow2.f32 v4;
	_ =	sdelay $0x8  }
0x128: {  	v4 =	vpop (erf)  }
0x129: {  	v4 =	vadd.f32 $1.000000000e+00, v4;
	_ =	sdelay $0x1  }
0x12a: {  	(erf) = vrcp.f32 v4;
	_ =	sdelay $0x7  }
.Ltmp2:
0x12b: {  	(pc) =	sbr.rel @p0 .LBB2_7-.Ltmp2, $4  }
0x12c: {  	s22 =	sadd.s32 $0x10, s22;
	v4 =	vpop (erf)  }
0x12d: {  	[tilespmem:s22+$0x0] =	vst v4;
	v4 =	vshrl.u32 v4, $0x11  }
0x12e: {  	v5 =	vmov s23;
	v4 =	vand.u32 $0x7FF0, v4  }
0x12f: {  	s23 =	sadd.s32 $0x10, s23;
	v5 =	vshll.u32 v5, $0x4;
	v4 =	vor.u32 v0, v4  }
0x130: {  	v5 =	vor.u32 v2, v5;
	_ =	sdelay $0x1  }
0x131: {  	v6 =	vor.u32 $0x1, v5;
	_ =	sdelay $0x1  }
0x132: {  	[tilespmem:v4+s14+$0x0] =	vst.idx.add.s32.msk $0xffff, v3;
	v7 =	vor.u32 $0x2, v5  }
0x133: {  	v4 =	vld.idx.msk [tilespmem:v5+s18+$0x0], $0xffff  }
0x134: {  	v9 =	vor.u32 $0x3, v5;
	v8 =	vld.idx.msk [tilespmem:v5+s16+$0x0], $0xffff  }
0x135: {  	v10 =	vld.idx.msk [tilespmem:v6+s16+$0x0], $0xffff  }
0x136: {  	v11 =	vor.u32 $0x4, v5;
	v6 =	vld.idx.msk [tilespmem:v6+s18+$0x0], $0xffff  }
0x137: {  	v12 =	vld.idx.msk [tilespmem:v7+s16+$0x0], $0xffff  }
0x138: {  	v13 =	vor.u32 $0x5, v5;
	v7 =	vld.idx.msk [tilespmem:v7+s18+$0x0], $0xffff  }
0x139: {  	v14 =	vld.idx.msk [tilespmem:v9+s16+$0x0], $0xffff;
	v4 =	vmul.f32 v4, v8  }
0x13a: {  	v21 =	vor.u32 $0x6, v5;
	v20 =	vld.idx.msk [tilespmem:v9+s18+$0x0], $0xffff  }
0x13b: {  	v15 =	vld.idx.msk [tilespmem:v11+s16+$0x0], $0xffff;
	v6 =	vmul.f32 v6, v10;
	v4 =	vadd.f32 $0.0e+00, v4  }
0x13c: {  	v23 =	vor.u32 $0x7, v5;
	v22 =	vld.idx.msk [tilespmem:v11+s18+$0x0], $0xffff  }
0x13d: {  	v16 =	vld.idx.msk [tilespmem:v13+s16+$0x0], $0xffff;
	v24 =	vmul.f32 v7, v12;
	v4 =	vadd.f32 v6, v4  }
0x13e: {  	v26 =	vor.u32 $0x8, v5;
	v25 =	vld.idx.msk [tilespmem:v13+s18+$0x0], $0xffff  }
0x13f: {  	v27 =	vld.idx.msk [tilespmem:v21+s16+$0x0], $0xffff;
	v28 =	vmul.f32 v20, v14;
	v4 =	vadd.f32 v24, v4  }
0x140: {  	v30 =	vor.u32 $0x9, v5;
	v29 =	vld.idx.msk [tilespmem:v21+s18+$0x0], $0xffff  }
0x141: {  	v31 =	vld.idx.msk [tilespmem:v23+s16+$0x0], $0xffff;
	v32 =	vmul.f32 v22, v15;
	v4 =	vadd.f32 v28, v4  }
0x142: {  	v34 =	vor.u32 $0xA, v5;
	v33 =	vld.idx.msk [tilespmem:v23+s18+$0x0], $0xffff  }
0x143: {  	v35 =	vld.idx.msk [tilespmem:v26+s16+$0x0], $0xffff;
	v36 =	vmul.f32 v25, v16;
	v4 =	vadd.f32 v32, v4  }
0x144: {  	v38 =	vor.u32 $0xB, v5;
	v37 =	vld.idx.msk [tilespmem:v26+s18+$0x0], $0xffff  }
0x145: {  	v39 =	vld.idx.msk [tilespmem:v30+s16+$0x0], $0xffff;
	v40 =	vmul.f32 v29, v27;
	v4 =	vadd.f32 v36, v4  }
0x146: {  	v42 =	vor.u32 $0xC, v5;
	v41 =	vld.idx.msk [tilespmem:v30+s18+$0x0], $0xffff  }
0x147: {  	v43 =	vld.idx.msk [tilespmem:v34+s16+$0x0], $0xffff;
	v44 =	vmul.f32 v33, v31;
	v4 =	vadd.f32 v40, v4  }
0x148: {  	v46 =	vor.u32 $0xD, v5;
	v45 =	vld.idx.msk [tilespmem:v34+s18+$0x0], $0xffff  }
0x149: {  	v47 =	vld.idx.msk [tilespmem:v38+s16+$0x0], $0xffff;
	v48 =	vmul.f32 v37, v35;
	v4 =	vadd.f32 v44, v4  }
0x14a: {  	v50 =	vor.u32 $0xE, v5;
	v49 =	vld.idx.msk [tilespmem:v38+s18+$0x0], $0xffff  }
0x14b: {  	v51 =	vld.idx.msk [tilespmem:v42+s16+$0x0], $0xffff;
	v52 =	vmul.f32 v41, v39;
	v4 =	vadd.f32 v48, v4  }
0x14c: {  	v5 =	vor.u32 $0xF, v5;
	v53 =	vld.idx.msk [tilespmem:v42+s18+$0x0], $0xffff  }
0x14d: {  	v54 =	vld.idx.msk [tilespmem:v46+s16+$0x0], $0xffff;
	v55 =	vmul.f32 v45, v43;
	v4 =	vadd.f32 v52, v4  }
0x14e: {  	v56 =	vld.idx.msk [tilespmem:v46+s18+$0x0], $0xffff  }
0x14f: {  	v57 =	vld.idx.msk [tilespmem:v50+s16+$0x0], $0xffff;
	v58 =	vmul.f32 v49, v47;
	v4 =	vadd.f32 v55, v4  }
0x150: {  	v59 =	vld.idx.msk [tilespmem:v50+s18+$0x0], $0xffff  }
0x151: {  	v60 =	vld.idx.msk [tilespmem:v5+s16+$0x0], $0xffff;
	v61 =	vmul.f32 v53, v51;
	v4 =	vadd.f32 v58, v4  }
0x152: {  	v5 =	vld.idx.msk [tilespmem:v5+s18+$0x0], $0xffff  }
0x153: {  	v62 =	vmul.f32 v56, v54;
	v4 =	vadd.f32 v61, v4;
	_ =	sdelay $0x1  }
0x154: {  	v63 =	vmul.f32 v59, v57;
	v4 =	vadd.f32 v62, v4;
	_ =	sdelay $0x1  }
0x155: {  	v5 =	vmul.f32 v5, v60;
	v4 =	vadd.f32 v63, v4;
	_ =	sdelay $0x1  }
0x156: {  	v4 =	vadd.f32 v5, v4;
	_ =	sdelay $0x1  }
0x157: {  	v4 =	vsub.f32 $0.0e+00, v4;
	_ =	sdelay $0x1  }
0x158: {  	v4 =	vmul.f32 $1.442695020e+00, v4;
	_ =	sdelay $0x1  }
0x159: {  	(erf) = vpow2.f32 v4;
	_ =	sdelay $0x8  }
0x15a: {  	v4 =	vpop (erf)  }
0x15b: {  	v4 =	vadd.f32 $1.000000000e+00, v4;
	_ =	sdelay $0x1  }
0x15c: {  	(erf) = vrcp.f32 v4;
	_ =	sdelay $0x8  }
0x15d: {  	v4 =	vpop (erf)  }
0x15e: {  	v5 =	vshrl.u32 v4, $0x11  }
0x15f: {  	v5 =	vand.u32 $0x7FF0, v5  }
0x160: {  	v5 =	vor.u32 v0, v5;
	_ =	sdelay $0x2  }
0x161: {  	s22 =	sadd.s32 $0x10, s22;
	s20 =	sadd.s32 $0x1, s20  }
0x162: {  	s24 =	rddreg [dreg:$0x5];
	p0 =	sne.s32 s20, $0x5;
	[tilespmem:s22+$0x0] =	vst v4  }
.Ltmp3:
0x163: {  	s22 =	sadd.s32 s24, s21;
	s21 =	simm.s32 $0x0;
	[tilespmem:v5+s14+$0x0] =	vst.idx.add.s32.msk $0xffff, v3;
	(pc) =	sbr.rel @p0 .LBB2_4-.Ltmp3, $4  }
0x164: {  	[hbm4b:s22+s21] =	stream.linear.scatter [tilespmem:s17], [sflag:$0x2], $0x7D0, $0x38;
	[tilespmem:$0x18960] =	vst v63  }
0x165: {  	_ =	swait.ge [sflag:s12], $0x7D0  }
0x166: {  	[sflag:s12] =	ssyncset.done $0x0  }
0x167: {  	[sflag:s12] =	ssyncadd.s32 $0xFFFFF830  }
0x168: {  	v4 =	vmov s21  }
0x169: {  	v4 =	vshll.u32 v4, $0x4  }
0x16a: {  	v4 =	vor.u32 v2, v4  }
0x16b: {  	v5 =	vor.u32 $0x1, v4  }
0x16c: {  	v6 =	vor.u32 $0x2, v4  }
0x16d: {  	v7 =	vor.u32 $0x3, v4  }
0x16e: {  	v8 =	vor.u32 $0x4, v4  }
0x16f: {  	v9 =	vor.u32 $0x5, v4;
	v10 =	vld.idx.msk [tilespmem:v4+s14+$0x0], $0xffff  }
0x170: {  	v11 =	vor.u32 $0x6, v4;
	v5 =	vld.idx.msk [tilespmem:v5+s14+$0x0], $0xffff  }
0x171: {  	v12 =	vor.u32 $0x7, v4;
	v6 =	vld.idx.msk [tilespmem:v6+s14+$0x0], $0xffff  }
0x172: {  	v13 =	vor.u32 $0x8, v4;
	v7 =	vld.idx.msk [tilespmem:v7+s14+$0x0], $0xffff  }
0x173: {  	v14 =	vor.u32 $0x9, v4;
	v8 =	vld.idx.msk [tilespmem:v8+s14+$0x0], $0xffff  }
0x174: {  	v15 =	vor.u32 $0xA, v4;
	v9 =	vld.idx.msk [tilespmem:v9+s14+$0x0], $0xffff  }
0x175: {  	v16 =	vor.u32 $0xB, v4;
	v11 =	vld.idx.msk [tilespmem:v11+s14+$0x0], $0xffff;
	v5 =	vadd.s32 v10, v5  }
0x176: {  	v53 =	vor.u32 $0xC, v4;
	v10 =	vld.idx.msk [tilespmem:v12+s14+$0x0], $0xffff;
	v5 =	vadd.s32 v6, v5  }
0x177: {  	v54 =	vor.u32 $0xD, v4;
	v6 =	vld.idx.msk [tilespmem:v13+s14+$0x0], $0xffff;
	v5 =	vadd.s32 v7, v5  }
0x178: {  	v55 =	vor.u32 $0xE, v4;
	v7 =	vld.idx.msk [tilespmem:v14+s14+$0x0], $0xffff;
	v5 =	vadd.s32 v8, v5  }
0x179: {  	v4 =	vor.u32 $0xF, v4;
	v8 =	vld.idx.msk [tilespmem:v15+s14+$0x0], $0xffff;
	v5 =	vadd.s32 v9, v5  }
0x17a: {  	v9 =	vld.idx.msk [tilespmem:v16+s14+$0x0], $0xffff;
	v5 =	vadd.s32 v11, v5  }
0x17b: {  	v11 =	vld.idx.msk [tilespmem:v53+s14+$0x0], $0xffff;
	v5 =	vadd.s32 v10, v5  }
0x17c: {  	s19 =	simm.s32 $0x10;
	v10 =	vld.idx.msk [tilespmem:v54+s14+$0x0], $0xffff;
	v5 =	vadd.s32 v6, v5  }
0x17d: {  	v56 =	vmov s19;
	v6 =	vld.idx.msk [tilespmem:v55+s14+$0x0], $0xffff;
	v5 =	vadd.s32 v7, v5  }
0x17e: {  	v4 =	vld.idx.msk [tilespmem:v4+s14+$0x0], $0xffff;
	v7 =	vshll.u32 v56, $0x4;
	v5 =	vadd.s32 v8, v5  }
0x17f: {  	v7 =	vor.u32 v2, v7;
	v5 =	vadd.s32 v9, v5  }
0x180: {  	v8 =	vor.u32 $0x1, v7;
	v5 =	vadd.s32 v11, v5  }
0x181: {  	v5 =	vadd.s32 v10, v5  }
0x182: {  	v9 =	vor.u32 $0x2, v7;
	v5 =	vadd.s32 v6, v5  }
0x183: {  	s19 =	simm.s32 $0x18760;
	v6 =	vor.u32 $0x3, v7;
	v4 =	vadd.s32 v4, v5  }
0x184: {  	v5 =	vor.u32 $0x4, v7;
	[tilespmem:s19+$0x0] =	vst v4  }
0x185: {  	v4 =	vld.idx.msk [tilespmem:v8+s14+$0x0], $0xffff;
	v8 =	vor.u32 $0x5, v7  }
0x186: {  	v11 =	vor.u32 $0x6, v7;
	v10 =	vld.idx.msk [tilespmem:v7+s14+$0x0], $0xffff  }
0x187: {  	v57 =	vor.u32 $0x7, v7;
	v9 =	vld.idx.msk [tilespmem:v9+s14+$0x0], $0xffff  }
0x188: {  	v58 =	vor.u32 $0x8, v7;
	v6 =	vld.idx.msk [tilespmem:v6+s14+$0x0], $0xffff  }
0x189: {  	v59 =	vor.u32 $0x9, v7;
	v5 =	vld.idx.msk [tilespmem:v5+s14+$0x0], $0xffff  }
0x18a: {  	v60 =	vor.u32 $0xA, v7;
	v8 =	vld.idx.msk [tilespmem:v8+s14+$0x0], $0xffff  }
0x18b: {  	v61 =	vor.u32 $0xB, v7;
	v11 =	vld.idx.msk [tilespmem:v11+s14+$0x0], $0xffff;
	v4 =	vadd.s32 v10, v4  }
0x18c: {  	v62 =	vor.u32 $0xC, v7;
	v10 =	vld.idx.msk [tilespmem:v57+s14+$0x0], $0xffff;
	v4 =	vadd.s32 v9, v4  }
0x18d: {  	v63 =	vor.u32 $0xD, v7;
	v9 =	vld.idx.msk [tilespmem:v58+s14+$0x0], $0xffff;
	v4 =	vadd.s32 v6, v4  }
0x18e: {  	v17 =	vor.u32 $0xE, v7;
	v14 =	vld.idx.msk [tilespmem:v59+s14+$0x0], $0xffff;
	v4 =	vadd.s32 v5, v4  }
0x18f: {  	v18 =	vor.u32 $0xF, v7;
	v15 =	vld.idx.msk [tilespmem:v60+s14+$0x0], $0xffff;
	v5 =	vadd.s32 v8, v4  }
0x190: {  	v4 =	vld.idx.msk [tilespmem:v61+s14+$0x0], $0xffff;
	v6 =	vadd.s32 v11, v5  }
0x191: {  	v5 =	vld.idx.msk [tilespmem:v62+s14+$0x0], $0xffff;
	v7 =	vadd.s32 v10, v6  }
0x192: {  	s20 =	simm.s32 $0x20;
	v6 =	vld.idx.msk [tilespmem:v63+s14+$0x0], $0xffff;
	v8 =	vadd.s32 v9, v7  }
0x193: {  	v7 =	vld.idx.msk [tilespmem:v17+s14+$0x0], $0xffff;
	v9 =	vmov s20;
	v10 =	vadd.s32 v14, v8  }
0x194: {  	s20 =	simm.s32 $0x30;
	v8 =	vld.idx.msk [tilespmem:v18+s14+$0x0], $0xffff;
	v9 =	vshll.u32 v9, $0x4;
	v10 =	vadd.s32 v15, v10  }
.LBB2_10:
0x195: {  	p0 =	sne.s32 s20, $0x1F0;
	v9 =	vor.u32 v2, v9;
	v4 =	vadd.s32 v4, v10  }
0x196: {  	v10 =	vor.u32 $0x1, v9;
	v4 =	vadd.s32 v5, v4  }
0x197: {  	v4 =	vadd.s32 v6, v4  }
0x198: {  	v5 =	vor.u32 $0x2, v9;
	v4 =	vadd.s32 v7, v4  }
0x199: {  	s19 =	sadd.s32 $0x10, s19;
	v6 =	vor.u32 $0x3, v9;
	v4 =	vadd.s32 v8, v4  }
0x19a: {  	v7 =	vor.u32 $0x4, v9;
	[tilespmem:s19+$0x0] =	vst v4  }
0x19b: {  	v8 =	vor.u32 $0x5, v9;
	v4 =	vld.idx.msk [tilespmem:v10+s14+$0x0], $0xffff  }
0x19c: {  	v11 =	vor.u32 $0x6, v9;
	v10 =	vld.idx.msk [tilespmem:v9+s14+$0x0], $0xffff  }
0x19d: {  	v12 =	vor.u32 $0x7, v9;
	v5 =	vld.idx.msk [tilespmem:v5+s14+$0x0], $0xffff  }
0x19e: {  	v13 =	vor.u32 $0x8, v9;
	v6 =	vld.idx.msk [tilespmem:v6+s14+$0x0], $0xffff  }
0x19f: {  	v14 =	vor.u32 $0x9, v9;
	v7 =	vld.idx.msk [tilespmem:v7+s14+$0x0], $0xffff  }
0x1a0: {  	v15 =	vor.u32 $0xA, v9;
	v8 =	vld.idx.msk [tilespmem:v8+s14+$0x0], $0xffff  }
0x1a1: {  	v16 =	vor.u32 $0xB, v9;
	v11 =	vld.idx.msk [tilespmem:v11+s14+$0x0], $0xffff  }
0x1a2: {  	v4 =	vadd.s32 v10, v4;
	v10 =	vld.idx.msk [tilespmem:v12+s14+$0x0], $0xffff;
	v12 =	vor.u32 $0xC, v9  }
0x1a3: {  	v17 =	vor.u32 $0xD, v9;
	v4 =	vadd.s32 v5, v4;
	v13 =	vld.idx.msk [tilespmem:v13+s14+$0x0], $0xffff  }
0x1a4: {  	v18 =	vor.u32 $0xE, v9;
	v4 =	vadd.s32 v6, v4;
	v14 =	vld.idx.msk [tilespmem:v14+s14+$0x0], $0xffff  }
0x1a5: {  	v9 =	vor.u32 $0xF, v9;
	v4 =	vadd.s32 v7, v4;
	v15 =	vld.idx.msk [tilespmem:v15+s14+$0x0], $0xffff  }
0x1a6: {  	v5 =	vadd.s32 v8, v4;
	v4 =	vld.idx.msk [tilespmem:v16+s14+$0x0], $0xffff  }
.Ltmp4:
0x1a7: {  	v6 =	vadd.s32 v11, v5;
	v5 =	vld.idx.msk [tilespmem:v12+s14+$0x0], $0xffff;
	(pc) =	sbr.rel @p0 .LBB2_10-.Ltmp4, $4  }
0x1a8: {  	v7 =	vadd.s32 v10, v6;
	v6 =	vld.idx.msk [tilespmem:v17+s14+$0x0], $0xffff  }
0x1a9: {  	v8 =	vadd.s32 v13, v7;
	v7 =	vld.idx.msk [tilespmem:v18+s14+$0x0], $0xffff  }
0x1aa: {  	v10 =	vmov s20;
	v11 =	vadd.s32 v14, v8;
	v8 =	vld.idx.msk [tilespmem:v9+s14+$0x0], $0xffff  }
0x1ab: {  	s20 =	sadd.s32 $0x10, s20;
	v9 =	vshll.u32 v10, $0x4;
	v10 =	vadd.s32 v15, v11  }
0x1ac: {  	v9 =	vor.u32 v2, v9;
	v4 =	vadd.s32 v4, v10  }
0x1ad: {  	v49 =	vor.u32 $0x1, v9;
	v4 =	vadd.s32 v5, v4  }
0x1ae: {  	v4 =	vadd.s32 v6, v4  }
0x1af: {  	v5 =	vor.u32 $0x2, v9;
	v4 =	vadd.s32 v7, v4  }
0x1b0: {  	s19 =	sadd.s32 $0x10, s19;
	v50 =	vor.u32 $0x3, v9;
	v4 =	vadd.s32 v8, v4  }
0x1b1: {  	v51 =	vor.u32 $0x4, v9;
	[tilespmem:s19+$0x0] =	vst v4  }
0x1b2: {  	v52 =	vor.u32 $0x5, v9;
	v4 =	vld.idx.msk [tilespmem:v49+s14+$0x0], $0xffff  }
0x1b3: {  	v11 =	vor.u32 $0x6, v9;
	v53 =	vld.idx.msk [tilespmem:v9+s14+$0x0], $0xffff  }
0x1b4: {  	v12 =	vor.u32 $0x7, v9;
	v5 =	vld.idx.msk [tilespmem:v5+s14+$0x0], $0xffff  }
0x1b5: {  	v13 =	vor.u32 $0x8, v9;
	v6 =	vld.idx.msk [tilespmem:v50+s14+$0x0], $0xffff  }
0x1b6: {  	v14 =	vor.u32 $0x9, v9;
	v7 =	vld.idx.msk [tilespmem:v51+s14+$0x0], $0xffff  }
0x1b7: {  	v15 =	vor.u32 $0xA, v9;
	v8 =	vld.idx.msk [tilespmem:v52+s14+$0x0], $0xffff  }
0x1b8: {  	v16 =	vor.u32 $0xB, v9;
	v11 =	vld.idx.msk [tilespmem:v11+s14+$0x0], $0xffff;
	v4 =	vadd.s32 v53, v4  }
0x1b9: {  	v55 =	vor.u32 $0xC, v9;
	v54 =	vld.idx.msk [tilespmem:v12+s14+$0x0], $0xffff;
	v4 =	vadd.s32 v5, v4  }
0x1ba: {  	v56 =	vor.u32 $0xD, v9;
	v5 =	vld.idx.msk [tilespmem:v13+s14+$0x0], $0xffff;
	v4 =	vadd.s32 v6, v4  }
0x1bb: {  	v58 =	vor.u32 $0xE, v9;
	v57 =	vld.idx.msk [tilespmem:v14+s14+$0x0], $0xffff;
	v4 =	vadd.s32 v7, v4  }
0x1bc: {  	v59 =	vld.idx.msk [tilespmem:v15+s14+$0x0], $0xffff;
	v9 =	vor.u32 $0xF, v9;
	v4 =	vadd.s32 v8, v4  }
0x1bd: {  	v60 =	vld.idx.msk [tilespmem:v16+s14+$0x0], $0xffff;
	v4 =	vadd.s32 v11, v4  }
0x1be: {  	v61 =	vld.idx.msk [tilespmem:v55+s14+$0x0], $0xffff;
	v4 =	vadd.s32 v54, v4  }
0x1bf: {  	v62 =	vld.idx.msk [tilespmem:v56+s14+$0x0], $0xffff;
	v4 =	vadd.s32 v5, v4  }
0x1c0: {  	v5 =	vld.idx.msk [tilespmem:v58+s14+$0x0], $0xffff;
	v4 =	vadd.s32 v57, v4  }
0x1c1: {  	v63 =	vld.idx.msk [tilespmem:v9+s14+$0x0], $0xffff;
	v4 =	vadd.s32 v59, v4  }
0x1c2: {  	v4 =	vadd.s32 v60, v4  }
0x1c3: {  	v4 =	vadd.s32 v61, v4  }
0x1c4: {  	v4 =	vadd.s32 v62, v4  }
0x1c5: {  	v4 =	vadd.s32 v5, v4  }
0x1c6: {  	s19 =	sadd.s32 $0x10, s19;
	v4 =	vadd.s32 v63, v4  }
0x1c7: {  	s22 =	rddreg [dreg:$0x8];
	s20 =	simm.s32 $0x18760;
	[tilespmem:s19+$0x0] =	vst v4  }
0x1c8: {  	[hbm4b:s22+s7] =	stream.linear.scatter [tilespmem:s20], [sflag:$0x2], $0x200, $0x38;
	[tilespmem:$0x18960] =	vst v63  }
0x1c9: {  	_ =	swait.ge [sflag:s12], $0x200  }
0x1ca: {  	s23 =	rddreg [dreg:$0xa]  }
0x1cb: {  	s24 =	rddreg [dreg:$0x9];
	s20 =	sadd.s32 $0x1, s23  }
0x1cc: {  	p0 =	sne.s32 s20, s24  }
.Ltmp5:
0x1cd: {  	_ = 	snop;
	(pc) =	sbr.rel @p0 .LBB2_1-.Ltmp5, $3  }
0x1ce: {  	_ =	sdelay $0x1  }
0x1cf: {  	[sflag:s12] =	ssyncset.done $0x0  }
0x1d0: {  	[sflag:s12] =	ssyncadd.s32 $0xFFFFFE00  }
0x1d1: {  	_ =	sfence.sel $0x180000  }
0x1d2: {  	[bflag:$0x0] =	sbarrier.arrive $0xFFFF  }
0x1d3: {  	_ =	strace $0x90000047  }
0x1d4: {  	s0 =	stileid.u32;
	[bflag:$0x2] =	sbarrier.arrive $0xFFFF  }
0x1d5: {  	p0 =	sne.s32 s0, $0x0;
	s0 =	rddreg [dreg:$0x7]  }
0x1d6: {  	s0 =	sadd.s32 @!p0 $0x100000, s0  }
0x1d7: {  	[sflag:s0] =	ssyncadd.tile.s32 @!p0 $0x1;
	_ =	shalt  }
.Lfunc_end2:
_tile_overlayer_lowered:
.L_overlay_start_2:
0x1d8: {  	(tag) =	ssettag $0x2  }
0x1d9: {  	s0 =	rddreg [dreg:$0x0];
	s2 =	stileid.u32  }
0x1da: {  	s1 =	rddreg [dreg:$0x1];
	p0 =	sne.s32 s2, $0x0  }
0x1db: {  	s3 =	rddreg [dreg:$0x2];
	[bflag:$0x3] =	sbarrier.arrive $0xFFFF;
	s2 =	simm.s32 @!p0 $0x1C02  }
0x1dc: {  	[timem:s3], [sflag:s2] =	dma.local @!p0 [hbm:s0], s1  }
0x1dd: {  	s0 =	simm.s32 @!p0 $0x2  }
0x1de: {  	_ =	swait.ge @!p0 [sflag:s0], s1  }
0x1df: {  	s1 =	ssub.s32 @!p0 $0x0, s1;
	[sflag:s0] =	ssyncset.done @!p0 $0x0  }
0x1e0: {  	[sflag:s0] =	ssyncadd.s32 @!p0 s1  }
0x1e1: {  	[bflag:$0x3] =	sbarrier.arrive $0xFFFF  }
0x1e2: {  	_ =	shalt  }

// kernel: kernel.14.cloned.1.call-start
scs
__scs_entry_jumppad:
0x0: {  	(pc) =	sbr.rel $0x88, $3  }
0x1: {  	(tag) =	ssettag $0x0;
	lr =	simm.s32 $0x1  }
0x2: {  	[smem:$0x3F9B] =	sst lr;
	_ =	strace $0xD0000000  }
0x3: {  	_ = 	snop  }
0x4: {  	_ = 	snop  }
0x5: {  	_ = 	snop  }
0x6: {  	_ = 	snop  }
0x7: {  	_ = 	snop  }
__scs_overlays_trampoline_lowered:
0x8: {  	[smem:$0x3FAA] =	sst s0  }
0x9: {  	[smem:$0x3FAB] =	sst s1  }
0xa: {  	[smem:$0x3FAC] =	sst s2  }
0xb: {  	[smem:$0x3FAD] =	sst s3  }
0xc: {  	[smem:$0x3FAE] =	sst s4  }
0xd: {  	[smem:$0x3FAF] =	sst s5  }
0xe: {  	[smem:$0x3FB0] =	sst s6  }
0xf: {  	[smem:$0x3FB1] =	sst s7  }
0x10: {  	[smem:$0x3FB2] =	sst s8  }
0x11: {  	[smem:$0x3FB3] =	sst s9;
	s0 =	simm.s32 @!p0 $0x0  }
0x12: {  	s1 =	sld [smem:$0x3F99];
	s0 =	simm.s32 @p0 $0x1  }
0x13: {  	[smem:$0x3FB4] =	sst s0;
	s0 =	simm.s32 @!p1 $0x0  }
0x14: {  	s2 =	sld [smem:$0x3F98];
	s0 =	simm.s32 @p1 $0x1  }
0x15: {  	[smem:$0x3FB5] =	sst s0;
	s0 =	simm.s32 @!p2 $0x0  }
0x16: {  	s3 =	sld [smem:$0x3FDB];
	s0 =	simm.s32 @p2 $0x1  }
0x17: {  	s4 =	simm.s32 $0x1BF5;
	[smem:$0x3FB7] =	sst s0  }
0x18: {  	s0 =	sld [smem:$0x3F9A];
	_ =	swait.ge [sflag:s4], $0x0  }
0x19: {  	s7 =	sld [smem:$0x3F9B]  }
0x1a: {  	s8 =	sadd.s32 $0xFFFFE003, lr  }
0x1b: {  	s9 =	sadd.s32 $0xFFFFFEF7, lr;
	s5 =	simm.s32 $0xFFFFFFFF;
	p2 =	slt.u32 s8, $0xFFFFF086  }
0x1c: {  	p1 =	slt.u32 s9, $0xF7A;
	s5 =	simm.s32 @!p2 $0x0  }
0x1d: {  	s5 =	simm.s32 @p1 $0x1;
	p0 =	seq.s32 s7, s2  }
0x1e: {  	s7 =	smul.u32 @!p0 $0xF7A, s2;
	p2 =	seq.s32 @!p0 s5, $0x0  }
0x1f: {  	s9 =	smul.u32 $0xF7A, s1;
	s8 =	simm.s32 @!p0 $0x1BF5;
	p2 =	por !p2, p0  }
0x20: {  	[sflag:s8] =	ssyncset.s32 @!p0 $0xFFFFF086;
	s6 =	sadd.s32 @!p0 s3, s7;
	s7 =	simm.s32 @!p0 $0x108  }
0x21: {  	s3 =	sadd.s32 s3, s9;
	s6 =	sadd.s32 @!p0 $0x88, s6;
	s7 =	simm.s32 @p2 $0x1082  }
0x22: {  	[simem:s7], [sflag:s8] =	dma.local @!p0 [hbm:s6], $0xF7A  }
0x23: {  	s9 =	sor.u32 $0xD0000000, s2;
	s6 =	simm.s32 $0x108;
	_ =	swait.ge @!p0 [sflag:s8], $0x0  }
0x24: {  	s3 =	sadd.s32 $0x88, s3;
	s6 =	simm.s32 @!p1 $0x1082;
	[sflag:s4] =	ssyncset.s32 $0xFFFFF086  }
0x25: {  	[simem:s6], [sflag:s4] =	dma.local [hbm:s3], $0xF7A  }
0x26: {  	[smem:$0x3F9B] =	sst s1;
	(tag) =	ssettag s2;
	_ =	strace s9  }
0x27: {  	s1 =	sld [smem:$0x3FAB]  }
0x28: {  	s2 =	sld [smem:$0x3FAC]  }
0x29: {  	s4 =	sld [smem:$0x3FAE]  }
0x2a: {  	p0 =	seq.s32 s5, $0x0;
	s5 =	sld [smem:$0x3FAF]  }
0x2b: {  	s6 =	sld [smem:$0x3FB0]  }
0x2c: {  	s7 =	sld [smem:$0x3FB1]  }
0x2d: {  	s3 =	simm.s32 $0x108;
	s8 =	sld [smem:$0x3FB2]  }
0x2e: {  	s3 =	simm.s32 @!p0 $0x1082;
	s9 =	sld [smem:$0x3FB3]  }
0x2f: {  	lr =	sadd.s32 s0, s3;
	s0 =	sld [smem:$0x3FAA]  }
0x30: {  	s3 =	sld [smem:$0x3FAD]  }
0x31: {  	[smem:$0x3FB6] =	sst s10  }
0x32: {  	s10 =	sld [smem:$0x3FB4];
	_ =	sdelay $0x3  }
0x33: {  	p0 =	seq.s32 s10, $0x1;
	s10 =	sld [smem:$0x3FB6];
	_ =	sdelay $0x3  }
0x34: {  	[smem:$0x3FB6] =	sst s10  }
0x35: {  	s10 =	sld [smem:$0x3FB5];
	_ =	sdelay $0x3  }
0x36: {  	p1 =	seq.s32 s10, $0x1;
	s10 =	sld [smem:$0x3FB6];
	_ =	sdelay $0x3  }
0x37: {  	[smem:$0x3FB6] =	sst s10  }
0x38: {  	s10 =	sld [smem:$0x3FB7]  }
0x39: {  	_ = 	snop;
	(pc) =	sbr.ind lr, $3  }
0x3a: {  	_ = 	snop  }
0x3b: {  	_ = 	snop  }
0x3c: {  	p2 =	seq.s32 s10, $0x1;
	s10 =	sld [smem:$0x3FB6]  }
0x3d: {  	_ =	shalt  }
0x3e: {  	_ =	shalt  }
0x3f: {  	_ =	shalt  }
0x40: {  	_ =	shalt  }
0x41: {  	_ =	shalt  }
0x42: {  	_ =	shalt  }
0x43: {  	_ =	shalt  }
0x44: {  	_ =	shalt  }
0x45: {  	_ =	shalt  }
0x46: {  	_ =	shalt  }
0x47: {  	_ =	shalt  }
0x48: {  	_ =	shalt  }
0x49: {  	_ =	shalt  }
0x4a: {  	_ =	shalt  }
0x4b: {  	_ =	shalt  }
0x4c: {  	_ =	shalt  }
0x4d: {  	_ =	shalt  }
0x4e: {  	_ =	shalt  }
0x4f: {  	_ =	shalt  }
0x50: {  	_ =	shalt  }
0x51: {  	_ =	shalt  }
0x52: {  	_ =	shalt  }
0x53: {  	_ =	shalt  }
0x54: {  	_ =	shalt  }
0x55: {  	_ =	shalt  }
0x56: {  	_ =	shalt  }
0x57: {  	_ =	shalt  }
0x58: {  	_ =	shalt  }
0x59: {  	_ =	shalt  }
0x5a: {  	_ =	shalt  }
0x5b: {  	_ =	shalt  }
0x5c: {  	_ =	shalt  }
0x5d: {  	_ =	shalt  }
0x5e: {  	_ =	shalt  }
0x5f: {  	_ =	shalt  }
0x60: {  	_ =	shalt  }
0x61: {  	_ =	shalt  }
0x62: {  	_ =	shalt  }
0x63: {  	_ =	shalt  }
0x64: {  	_ =	shalt  }
0x65: {  	_ =	shalt  }
0x66: {  	_ =	shalt  }
0x67: {  	_ =	shalt  }
0x68: {  	_ =	shalt  }
0x69: {  	_ =	shalt  }
0x6a: {  	_ =	shalt  }
0x6b: {  	_ =	shalt  }
0x6c: {  	_ =	shalt  }
0x6d: {  	_ =	shalt  }
0x6e: {  	_ =	shalt  }
0x6f: {  	_ =	shalt  }
0x70: {  	_ =	shalt  }
0x71: {  	_ =	shalt  }
0x72: {  	_ =	shalt  }
0x73: {  	_ =	shalt  }
0x74: {  	_ =	shalt  }
0x75: {  	_ =	shalt  }
0x76: {  	_ =	shalt  }
0x77: {  	_ =	shalt  }
0x78: {  	_ =	shalt  }
0x79: {  	_ =	shalt  }
0x7a: {  	_ =	shalt  }
0x7b: {  	_ =	shalt  }
0x7c: {  	_ =	shalt  }
0x7d: {  	_ =	shalt  }
0x7e: {  	_ =	shalt  }
0x7f: {  	_ =	shalt  }
0x80: {  	_ =	shalt  }
0x81: {  	_ =	shalt  }
0x82: {  	_ =	shalt  }
0x83: {  	_ =	shalt  }
0x84: {  	_ =	shalt  }
0x85: {  	_ =	shalt  }
0x86: {  	_ =	shalt  }
0x87: {  	_ =	shalt  }
.Lfunc_end0:
.L_simem_size_0:
called_computation.1_lowered:
.L_overlay_start_0:
0x88: {  	s2 =	sld [smem:$0x3FD9]  }
0x89: {  	s3 =	sld [smem:$0x3FFE];
	_ =	sdelay $0x1  }
0x8a: {  	s1 =	srdreg.scid  }
0x8b: {  	s0 =	sand.u32 $0x1, s1  }
0x8c: {  	s15 =	sshll.u32 s0, $0xA;
	s2 =	sadd.s32 s3, s2  }
0x8d: {  	s2 =	sadd.s32 s2, s15  }
0x8e: {  	[smem:$0x3FC2] =	sst s2  }
0x8f: {  	_ = 	snop  }
0x90: {  	s2 =	sld [smem:$0x3FD0];
	_ =	sdelay $0x2  }
0x91: {  	s16 =	simm.s32 $0xA;
	s4 =	simm.s32 $0x10  }
0x92: {  	[smem:s4], [sflag:s16] =	dma.local [hbm:s2], $0x1  }
0x93: {  	_ =	swait.eq [sflag:s16], $0x1  }
0x94: {  	s17 =	sld [smem:$0x10];
	[sflag:s16] =	ssyncset.done $0x0  }
0x95: {  	s18 =	sld [smem:$0x11];
	[sflag:s16] =	ssyncadd.s32 $0xFFFFFFFF  }
0x96: {  	s19 =	sld [smem:$0x15];
	(tm) =	ssettm $0x1  }
0x97: {  	s5 =	sld [smem:$0x3FFB];
	_ =	sdelay $0x3  }
0x98: {  	_ =	strace s5  }
0x99: {  	s5 =	sld [smem:$0x3FFC];
	_ =	sdelay $0x3  }
0x9a: {  	_ =	strace s5  }
0x9b: {  	s5 =	sld [smem:$0x3FFD];
	_ =	sdelay $0x3  }
0x9c: {  	_ =	strace s5  }
0x9d: {  	_ =	strace $0x8FFFFFFF  }
0x9e: {  	s20 =	sld [smem:$0x3FDB];
	_ =	sdelay $0x1  }
0x9f: {  	s6 =	simm.s32 $_scs_section_size  }
0xa0: {  	s7 =	simm.s32 $_size__tile_overlayer_lowered;
	s8 =	simm.s32 $_tile_overlayer_lowered  }
0xa1: {  	s23 =	simm.s32 $0x1BFF;
	s22 =	sshll.u32 s8, $0x1;
	s5 =	sadd.s32 s6, s20  }
0xa2: {  	s9 =	simm.s32 $0x0;
	s21 =	sshll.u32 s7, $0x1;
	s7 =	sadd.s32 s22, s5  }
0xa3: {  	[timem:s9], [sflag:s23] =	dma.local [hbm:s7], s21  }
0xa4: {  	_ =	swait.ge [sflag:s23], s21  }
0xa5: {  	s6 =	ssub.s32 $0x0, s21;
	[sflag:s23] =	ssyncset.done $0x0  }
0xa6: {  	[sflag:s23] =	ssyncadd.s32 s6;
	_ =	sdelay $0x1  }
0xa7: {  	s24 =	simm.s32 $0x1B8B  }
0xa8: {  	_ =	swait.ge [sflag:s24], $0x1  }
0xa9: {  	[sflag:s24] =	ssyncset.done $0x0  }
0xaa: {  	s25 =	simm.s32 $0x1B8E;
	[sflag:s24] =	ssyncadd.s32 $0xFFFFFFFF  }
0xab: {  	s26 =	simm.s32 $execute0_lowered;
	[smem:$0x3FD2] =	sst s25  }
0xac: {  	s6 =	sshll.u32 s26, $0x1;
	_ =	strace $0x80000049;
	[dreg:$0x1] =	wrdreg $0xFFFFFFFF  }
0xad: {  	s28 =	simm.s32 $_size_execute0_lowered;
	s5 =	sadd.s32 s5, s6;
	[dreg:$0x0] =	wrdreg $0x0  }
0xae: {  	s6 =	sshll.u32 s28, $0x1;
	[dreg:$0x2] =	wrdreg s5  }
0xaf: {  	[dreg:$0x3] =	wrdreg s6  }
0xb0: {  	[dreg:$0x4] =	wrdreg $0xC0  }
0xb1: {  	_ =	task [dreg:s9], $0x5FFFF  }
0xb2: {  	[dreg:$0x1] =	wrdreg $0xFFFFFFFF  }
0xb3: {  	[dreg:$0x0] =	wrdreg $0x60  }
0xb4: {  	[dreg:$0x2] =	wrdreg s17  }
0xb5: {  	[dreg:$0x3] =	wrdreg s19  }
0xb6: {  	[dreg:$0x4] =	wrdreg s18  }
0xb7: {  	[dreg:$0x5] =	wrdreg $0x9  }
0xb8: {  	_ =	task.clear_ibuf [dreg:s9], $0x6FFFF;
	_ =	strace $0x90000049  }
0xb9: {  	s29 =	simm.s32 $0x9;
	_ =	strace $0x8000004B  }
0xba: {  	_ =	swait.ge [sflag:s29], $0x1  }
0xbb: {  	[sflag:s29] =	ssyncadd.s32 $0xFFFFFFFF  }
0xbc: {  	_ =	strace $0x9000004B  }
0xbd: {  	_ =	sfence  }
0xbe: {  	s30 =	sld [smem:$0x0];
	_ =	sdelay $0x2  }
0xbf: {  	s31 =	sshll.u32 s1, $0xD;
	s1 =	sshrl.u32 s1, $0x2  }
0xc0: {  	s3 =	sand.u32 $0x4000, s31;
	s1 =	sadd.s32 s1, s30  }
0xc1: {  	s0 =	sor.u32 s3, s0;
	s1 =	sshll.u32 s1, $0x11  }
0xc2: {  	s0 =	sor.u32 s1, s0  }
0xc3: {  	s0 =	sadd.s32 $0x8F2B, s0  }
0xc4: {  	[sflag:s0] =	ssyncadd.remote.s32 $0x1  }
0xc5: {  	_ =	sfence.sel $0xFFFF  }
0xc6: {  	[dreg:$0x0] =	wrdreg $0xFFFFFFFF;
	(pc) =	sbr.abs _section_cstart, $3  }
0xc7: {  	[dreg:$0x1] =	wrdreg $0xFFFFFFFF  }
0xc8: {  	_ =	task.clear_ibuf [dreg:s9], $0x2FFFF;
	_ =	strace $0x9FFFFFFF  }
0xc9: {  	(tm) =	ssettm $0x7FFFFFFF  }
tec
execute0_lowered:
.L_overlay_start_1:
0x0: {  	(tag) =	ssettag $0x1  }
0x1: {  	s4 =	rddreg [dreg:$0x0]  }
0x2: {  	s2 =	rddreg [dreg:$0x1]  }
0x3: {  	s1 =	srdreg.scid;
	s0 =	stileid.u32  }
0x4: {  	s5 =	rddreg [dreg:$0x2];
	s3 =	simm.s32 $0x0;
	s10 =	simm.s32 $0xA710  }
0x5: {  	s11 =	simm.s32 $0x0;
	s6 =	sand.u32 $0x1, s1;
	s7 =	sshll.u32 s0, $0x1  }
0x6: {  	[smem:$0x7FF] =	sst s3;
	s7 =	sor.u32 s6, s7;
	s6 =	ssub.s32 $0x2, s6  }
0x7: {  	s1 =	rddreg [dreg:$0x3];
	_ =	strace $0x8000004A;
	s9 =	sshrl.u32 s6, $0x1  }
0x8: {  	v0 =	vlaneseq.u32;
	s8 =	smul.u32 $0x4E2, s7;
	s7 =	sshll.u32 s7, $0x8;
	s6 =	ssub.s32 s6, s9  }
0x9: {  	v3 =	vmul.u32 $0x10, v0;
	s5 =	sadd.s32 s5, s7;
	s7 =	simm.s32 $0xAF10;
	s9 =	simm.s32 $0x2710  }
0xa: {  	v1 =	vimm.s32 $0x0;
	v2 =	vimm.s32 $0x1;
	s4 =	sadd.s32 s4, s8;
	s6 =	smax.u32 s6, $0x1;
	s8 =	simm.s32 $0x1  }
.LBB2_1:
0xb: {  	[tilespmem:s7], [sflag:$0x1] =	stream.linear.gather [hbm4b:s2+s3], $0x80, $0x38;
	[tilespmem:$0xAF90] =	vst v63  }
0xc: {  	_ =	swait.ge [sflag:s8], $0x80  }
0xd: {  	[sflag:s8] =	ssyncset.done $0x0  }
0xe: {  	[sflag:s8] =	ssyncadd.s32 $0xFFFFFF80  }
0xf: {  	v4 =	vld [tilespmem:$0xAF10];
	[tilespmem:s3], [sflag:$0x1] =	stream.linear.gather [hbm4b:s4+s3], $0x2710, $0x38  }
0x10: {  	_ =	swait.ge [sflag:s8], $0x2710  }
0x11: {  	[sflag:s8] =	ssyncset.done $0x0  }
0x12: {  	s12 =	simm.s32 $0x40;
	s13 =	simm.s32 $0x0;
	[sflag:s8] =	ssyncadd.s32 $0xFFFFD8F0  }
.LBB2_2:
0x13: {  	p0 =	seq.s32 s12, $0x1FFC0;
	[tilespmem:s13+$0x2710] =	vst v1;
	s13 =	smov.u32 s12;
	s12 =	sadd.s32 $0x40, s12  }
.Ltmp0:
0x14: {  	(pc) =	sbr.rel @!p0 .LBB2_2-.Ltmp0, $2  }
0x15: {  	_ =	sdelay $0x2  }
0x16: {  	s13 =	sshra.s32 s13, $0x2  }
0x17: {  	[tilespmem:s13+$0x2710] =	vst v1;
	v4 =	vbroadcast v4, $0x0;
	s12 =	simm.s32 $0x0;
	s13 =	simm.s32 $0x0  }
.LBB2_4:
0x18: {  	s14 =	sshra.s32 s13, $0x2  }
0x19: {  	v5 =	vld [tilespmem:s14+$0x0];
	_ =	sdelay $0x4  }
0x1a: {  	v6 =	vshrl.u32 v5, $0x15;
	v5 =	vshrl.u32 v5, $0x6  }
0x1b: {  	vm0 =	veq.s32 v6, v4;
	v5 =	vand.u32 $0x7FF0, v5  }
0x1c: {  	p0 =	sne.s32 s13, $0x9C00;
	v5 =	vor.u32 v0, v5  }
.Ltmp1:
0x1d: {  	_ = 	snop;
	(pc) =	sbr.rel @p0 .LBB2_4-.Ltmp1, $2  }
0x1e: {  	_ =	sdelay $0x2  }
0x1f: {  	s13 =	sadd.s32 $0x40, s13;
	[tilespmem:v5+s9+$0x0] =	vst.idx.add.s32.msk vm0, v2  }
0x20: {  	v4 =	vmov s12  }
0x21: {  	v4 =	vshll.u32 v4, $0x4  }
0x22: {  	v4 =	vor.u32 v3, v4  }
0x23: {  	v5 =	vor.u32 $0x1, v4  }
0x24: {  	v6 =	vor.u32 $0x2, v4  }
0x25: {  	v7 =	vor.u32 $0x3, v4  }
0x26: {  	v8 =	vor.u32 $0x4, v4  }
0x27: {  	v9 =	vor.u32 $0x5, v4;
	v10 =	vld.idx.msk [tilespmem:v4+s9+$0x0], $0xffff  }
0x28: {  	v11 =	vor.u32 $0x6, v4;
	v5 =	vld.idx.msk [tilespmem:v5+s9+$0x0], $0xffff  }
0x29: {  	v12 =	vor.u32 $0x7, v4;
	v6 =	vld.idx.msk [tilespmem:v6+s9+$0x0], $0xffff  }
0x2a: {  	v13 =	vor.u32 $0x8, v4;
	v7 =	vld.idx.msk [tilespmem:v7+s9+$0x0], $0xffff  }
0x2b: {  	v14 =	vor.u32 $0x9, v4;
	v8 =	vld.idx.msk [tilespmem:v8+s9+$0x0], $0xffff  }
0x2c: {  	v15 =	vor.u32 $0xA, v4;
	v9 =	vld.idx.msk [tilespmem:v9+s9+$0x0], $0xffff  }
0x2d: {  	v16 =	vor.u32 $0xB, v4;
	v11 =	vld.idx.msk [tilespmem:v11+s9+$0x0], $0xffff;
	v5 =	vadd.s32 v10, v5  }
0x2e: {  	v53 =	vor.u32 $0xC, v4;
	v10 =	vld.idx.msk [tilespmem:v12+s9+$0x0], $0xffff;
	v5 =	vadd.s32 v6, v5  }
0x2f: {  	v54 =	vor.u32 $0xD, v4;
	v6 =	vld.idx.msk [tilespmem:v13+s9+$0x0], $0xffff;
	v5 =	vadd.s32 v7, v5  }
0x30: {  	v55 =	vor.u32 $0xE, v4;
	v7 =	vld.idx.msk [tilespmem:v14+s9+$0x0], $0xffff;
	v5 =	vadd.s32 v8, v5  }
0x31: {  	v4 =	vor.u32 $0xF, v4;
	v8 =	vld.idx.msk [tilespmem:v15+s9+$0x0], $0xffff;
	v5 =	vadd.s32 v9, v5  }
0x32: {  	v9 =	vld.idx.msk [tilespmem:v16+s9+$0x0], $0xffff;
	v5 =	vadd.s32 v11, v5  }
0x33: {  	v11 =	vld.idx.msk [tilespmem:v53+s9+$0x0], $0xffff;
	v5 =	vadd.s32 v10, v5  }
0x34: {  	s31 =	simm.s32 $0x10;
	v10 =	vld.idx.msk [tilespmem:v54+s9+$0x0], $0xffff;
	v5 =	vadd.s32 v6, v5  }
0x35: {  	v56 =	vmov s31;
	v6 =	vld.idx.msk [tilespmem:v55+s9+$0x0], $0xffff;
	v5 =	vadd.s32 v7, v5  }
0x36: {  	v4 =	vld.idx.msk [tilespmem:v4+s9+$0x0], $0xffff;
	v7 =	vshll.u32 v56, $0x4;
	v5 =	vadd.s32 v8, v5  }
0x37: {  	v7 =	vor.u32 v3, v7;
	v5 =	vadd.s32 v9, v5  }
0x38: {  	v8 =	vor.u32 $0x1, v7;
	v5 =	vadd.s32 v11, v5  }
0x39: {  	v5 =	vadd.s32 v10, v5  }
0x3a: {  	v9 =	vor.u32 $0x2, v7;
	v5 =	vadd.s32 v6, v5  }
0x3b: {  	s12 =	simm.s32 $0xA710;
	v6 =	vor.u32 $0x3, v7;
	v4 =	vadd.s32 v4, v5  }
0x3c: {  	v5 =	vor.u32 $0x4, v7;
	[tilespmem:s12+$0x0] =	vst v4  }
0x3d: {  	v4 =	vld.idx.msk [tilespmem:v8+s9+$0x0], $0xffff;
	v8 =	vor.u32 $0x5, v7  }
0x3e: {  	v11 =	vor.u32 $0x6, v7;
	v10 =	vld.idx.msk [tilespmem:v7+s9+$0x0], $0xffff  }
0x3f: {  	v57 =	vor.u32 $0x7, v7;
	v9 =	vld.idx.msk [tilespmem:v9+s9+$0x0], $0xffff  }
0x40: {  	v58 =	vor.u32 $0x8, v7;
	v6 =	vld.idx.msk [tilespmem:v6+s9+$0x0], $0xffff  }
0x41: {  	v59 =	vor.u32 $0x9, v7;
	v5 =	vld.idx.msk [tilespmem:v5+s9+$0x0], $0xffff  }
0x42: {  	v60 =	vor.u32 $0xA, v7;
	v8 =	vld.idx.msk [tilespmem:v8+s9+$0x0], $0xffff  }
0x43: {  	v61 =	vor.u32 $0xB, v7;
	v11 =	vld.idx.msk [tilespmem:v11+s9+$0x0], $0xffff;
	v4 =	vadd.s32 v10, v4  }
0x44: {  	v62 =	vor.u32 $0xC, v7;
	v10 =	vld.idx.msk [tilespmem:v57+s9+$0x0], $0xffff;
	v4 =	vadd.s32 v9, v4  }
0x45: {  	v63 =	vor.u32 $0xD, v7;
	v9 =	vld.idx.msk [tilespmem:v58+s9+$0x0], $0xffff;
	v4 =	vadd.s32 v6, v4  }
0x46: {  	v17 =	vor.u32 $0xE, v7;
	v14 =	vld.idx.msk [tilespmem:v59+s9+$0x0], $0xffff;
	v4 =	vadd.s32 v5, v4  }
0x47: {  	v18 =	vor.u32 $0xF, v7;
	v15 =	vld.idx.msk [tilespmem:v60+s9+$0x0], $0xffff;
	v5 =	vadd.s32 v8, v4  }
0x48: {  	v4 =	vld.idx.msk [tilespmem:v61+s9+$0x0], $0xffff;
	v6 =	vadd.s32 v11, v5  }
0x49: {  	v5 =	vld.idx.msk [tilespmem:v62+s9+$0x0], $0xffff;
	v7 =	vadd.s32 v10, v6  }
0x4a: {  	s13 =	simm.s32 $0x20;
	v6 =	vld.idx.msk [tilespmem:v63+s9+$0x0], $0xffff;
	v8 =	vadd.s32 v9, v7  }
0x4b: {  	v7 =	vld.idx.msk [tilespmem:v17+s9+$0x0], $0xffff;
	v9 =	vmov s13;
	v10 =	vadd.s32 v14, v8  }
0x4c: {  	s13 =	simm.s32 $0x30;
	v8 =	vld.idx.msk [tilespmem:v18+s9+$0x0], $0xffff;
	v9 =	vshll.u32 v9, $0x4;
	v10 =	vadd.s32 v15, v10  }
.LBB2_6:
0x4d: {  	p0 =	sne.s32 s13, $0x7F0;
	v9 =	vor.u32 v3, v9;
	v4 =	vadd.s32 v4, v10  }
0x4e: {  	v10 =	vor.u32 $0x1, v9;
	v4 =	vadd.s32 v5, v4  }
0x4f: {  	v4 =	vadd.s32 v6, v4  }
0x50: {  	v5 =	vor.u32 $0x2, v9;
	v4 =	vadd.s32 v7, v4  }
0x51: {  	s12 =	sadd.s32 $0x10, s12;
	v6 =	vor.u32 $0x3, v9;
	v4 =	vadd.s32 v8, v4  }
0x52: {  	v7 =	vor.u32 $0x4, v9;
	[tilespmem:s12+$0x0] =	vst v4  }
0x53: {  	v8 =	vor.u32 $0x5, v9;
	v4 =	vld.idx.msk [tilespmem:v10+s9+$0x0], $0xffff  }
0x54: {  	v11 =	vor.u32 $0x6, v9;
	v10 =	vld.idx.msk [tilespmem:v9+s9+$0x0], $0xffff  }
0x55: {  	v12 =	vor.u32 $0x7, v9;
	v5 =	vld.idx.msk [tilespmem:v5+s9+$0x0], $0xffff  }
0x56: {  	v13 =	vor.u32 $0x8, v9;
	v6 =	vld.idx.msk [tilespmem:v6+s9+$0x0], $0xffff  }
0x57: {  	v14 =	vor.u32 $0x9, v9;
	v7 =	vld.idx.msk [tilespmem:v7+s9+$0x0], $0xffff  }
0x58: {  	v15 =	vor.u32 $0xA, v9;
	v8 =	vld.idx.msk [tilespmem:v8+s9+$0x0], $0xffff  }
0x59: {  	v16 =	vor.u32 $0xB, v9;
	v11 =	vld.idx.msk [tilespmem:v11+s9+$0x0], $0xffff  }
0x5a: {  	v4 =	vadd.s32 v10, v4;
	v10 =	vld.idx.msk [tilespmem:v12+s9+$0x0], $0xffff;
	v12 =	vor.u32 $0xC, v9  }
0x5b: {  	v17 =	vor.u32 $0xD, v9;
	v4 =	vadd.s32 v5, v4;
	v13 =	vld.idx.msk [tilespmem:v13+s9+$0x0], $0xffff  }
0x5c: {  	v18 =	vor.u32 $0xE, v9;
	v4 =	vadd.s32 v6, v4;
	v14 =	vld.idx.msk [tilespmem:v14+s9+$0x0], $0xffff  }
0x5d: {  	v9 =	vor.u32 $0xF, v9;
	v4 =	vadd.s32 v7, v4;
	v15 =	vld.idx.msk [tilespmem:v15+s9+$0x0], $0xffff  }
0x5e: {  	v5 =	vadd.s32 v8, v4;
	v4 =	vld.idx.msk [tilespmem:v16+s9+$0x0], $0xffff  }
.Ltmp2:
0x5f: {  	v6 =	vadd.s32 v11, v5;
	v5 =	vld.idx.msk [tilespmem:v12+s9+$0x0], $0xffff;
	(pc) =	sbr.rel @p0 .LBB2_6-.Ltmp2, $4  }
0x60: {  	v7 =	vadd.s32 v10, v6;
	v6 =	vld.idx.msk [tilespmem:v17+s9+$0x0], $0xffff  }
0x61: {  	v8 =	vadd.s32 v13, v7;
	v7 =	vld.idx.msk [tilespmem:v18+s9+$0x0], $0xffff  }
0x62: {  	v10 =	vmov s13;
	v11 =	vadd.s32 v14, v8;
	v8 =	vld.idx.msk [tilespmem:v9+s9+$0x0], $0xffff  }
0x63: {  	s13 =	sadd.s32 $0x10, s13;
	v9 =	vshll.u32 v10, $0x4;
	v10 =	vadd.s32 v15, v11  }
0x64: {  	v9 =	vor.u32 v3, v9;
	v4 =	vadd.s32 v4, v10  }
0x65: {  	v49 =	vor.u32 $0x1, v9;
	v4 =	vadd.s32 v5, v4  }
0x66: {  	v4 =	vadd.s32 v6, v4  }
0x67: {  	v5 =	vor.u32 $0x2, v9;
	v4 =	vadd.s32 v7, v4  }
0x68: {  	s12 =	sadd.s32 $0x10, s12;
	v50 =	vor.u32 $0x3, v9;
	v4 =	vadd.s32 v8, v4  }
0x69: {  	v51 =	vor.u32 $0x4, v9;
	[tilespmem:s12+$0x0] =	vst v4  }
0x6a: {  	v52 =	vor.u32 $0x5, v9;
	v4 =	vld.idx.msk [tilespmem:v49+s9+$0x0], $0xffff  }
0x6b: {  	v11 =	vor.u32 $0x6, v9;
	v53 =	vld.idx.msk [tilespmem:v9+s9+$0x0], $0xffff  }
0x6c: {  	v12 =	vor.u32 $0x7, v9;
	v5 =	vld.idx.msk [tilespmem:v5+s9+$0x0], $0xffff  }
0x6d: {  	v13 =	vor.u32 $0x8, v9;
	v6 =	vld.idx.msk [tilespmem:v50+s9+$0x0], $0xffff  }
0x6e: {  	v14 =	vor.u32 $0x9, v9;
	v7 =	vld.idx.msk [tilespmem:v51+s9+$0x0], $0xffff  }
0x6f: {  	v15 =	vor.u32 $0xA, v9;
	v8 =	vld.idx.msk [tilespmem:v52+s9+$0x0], $0xffff  }
0x70: {  	v16 =	vor.u32 $0xB, v9;
	v11 =	vld.idx.msk [tilespmem:v11+s9+$0x0], $0xffff;
	v4 =	vadd.s32 v53, v4  }
0x71: {  	v55 =	vor.u32 $0xC, v9;
	v54 =	vld.idx.msk [tilespmem:v12+s9+$0x0], $0xffff;
	v4 =	vadd.s32 v5, v4  }
0x72: {  	v56 =	vor.u32 $0xD, v9;
	v5 =	vld.idx.msk [tilespmem:v13+s9+$0x0], $0xffff;
	v4 =	vadd.s32 v6, v4  }
0x73: {  	v58 =	vor.u32 $0xE, v9;
	v57 =	vld.idx.msk [tilespmem:v14+s9+$0x0], $0xffff;
	v4 =	vadd.s32 v7, v4  }
0x74: {  	v59 =	vld.idx.msk [tilespmem:v15+s9+$0x0], $0xffff;
	v9 =	vor.u32 $0xF, v9;
	v4 =	vadd.s32 v8, v4  }
0x75: {  	v60 =	vld.idx.msk [tilespmem:v16+s9+$0x0], $0xffff;
	v4 =	vadd.s32 v11, v4  }
0x76: {  	v61 =	vld.idx.msk [tilespmem:v55+s9+$0x0], $0xffff;
	v4 =	vadd.s32 v54, v4  }
0x77: {  	v62 =	vld.idx.msk [tilespmem:v56+s9+$0x0], $0xffff;
	v4 =	vadd.s32 v5, v4  }
0x78: {  	v5 =	vld.idx.msk [tilespmem:v58+s9+$0x0], $0xffff;
	v4 =	vadd.s32 v57, v4  }
0x79: {  	v63 =	vld.idx.msk [tilespmem:v9+s9+$0x0], $0xffff;
	v4 =	vadd.s32 v59, v4  }
0x7a: {  	v4 =	vadd.s32 v60, v4  }
0x7b: {  	v4 =	vadd.s32 v61, v4  }
0x7c: {  	v4 =	vadd.s32 v62, v4  }
0x7d: {  	s11 =	sadd.s32 $0x1, s11;
	v4 =	vadd.s32 v5, v4  }
0x7e: {  	p0 =	sne.s32 s11, s6;
	s12 =	sadd.s32 $0x10, s12;
	v4 =	vadd.s32 v63, v4  }
.Ltmp3:
0x7f: {  	[tilespmem:s12+$0x0] =	vst v4;
	(pc) =	sbr.rel @p0 .LBB2_1-.Ltmp3, $4  }
0x80: {  	[hbm4b:s5+s3] =	stream.linear.scatter [tilespmem:s10], [sflag:$0x1], $0x800, $0x38;
	[tilespmem:$0xAF90] =	vst v63  }
0x81: {  	_ =	swait.ge [sflag:s8], $0x800  }
0x82: {  	[sflag:s8] =	ssyncset.done $0x0  }
0x83: {  	[sflag:s8] =	ssyncadd.s32 $0xFFFFF800  }
0x84: {  	_ =	sfence.sel $0x180000  }
0x85: {  	[bflag:$0x0] =	sbarrier.arrive $0xFFFF  }
0x86: {  	p0 =	sne.s32 s0, $0x0;
	_ =	strace $0x9000004A  }
0x87: {  	s0 =	sadd.s32 @!p0 $0x100000, s1;
	[bflag:$0x2] =	sbarrier.arrive $0xFFFF  }
0x88: {  	[sflag:s0] =	ssyncadd.tile.s32 @!p0 $0x1;
	_ =	shalt  }
.Lfunc_end2:
_tile_overlayer_lowered:
.L_overlay_start_2:
0x89: {  	(tag) =	ssettag $0x2  }
0x8a: {  	s0 =	rddreg [dreg:$0x0];
	s2 =	stileid.u32  }
0x8b: {  	s1 =	rddreg [dreg:$0x1];
	p0 =	sne.s32 s2, $0x0  }
0x8c: {  	s3 =	rddreg [dreg:$0x2];
	[bflag:$0x3] =	sbarrier.arrive $0xFFFF;
	s2 =	simm.s32 @!p0 $0x1C01  }
0x8d: {  	[timem:s3], [sflag:s2] =	dma.local @!p0 [hbm:s0], s1  }
0x8e: {  	s0 =	simm.s32 @!p0 $0x1  }
0x8f: {  	_ =	swait.ge @!p0 [sflag:s0], s1  }
0x90: {  	s1 =	ssub.s32 @!p0 $0x0, s1;
	[sflag:s0] =	ssyncset.done @!p0 $0x0  }
0x91: {  	[sflag:s0] =	ssyncadd.s32 @!p0 s1  }
0x92: {  	[bflag:$0x3] =	sbarrier.arrive $0xFFFF  }
0x93: {  	_ =	shalt  }

// kernel: kernel.17.cloned.1.call-start
scs
__scs_entry_jumppad:
0x0: {  	(pc) =	sbr.rel $0x88, $3  }
0x1: {  	(tag) =	ssettag $0x0;
	lr =	simm.s32 $0x1  }
0x2: {  	[smem:$0x3F9B] =	sst lr;
	_ =	strace $0xD0000000  }
0x3: {  	_ = 	snop  }
0x4: {  	_ = 	snop  }
0x5: {  	_ = 	snop  }
0x6: {  	_ = 	snop  }
0x7: {  	_ = 	snop  }
__scs_overlays_trampoline_lowered:
0x8: {  	[smem:$0x3FAA] =	sst s0  }
0x9: {  	[smem:$0x3FAB] =	sst s1  }
0xa: {  	[smem:$0x3FAC] =	sst s2  }
0xb: {  	[smem:$0x3FAD] =	sst s3  }
0xc: {  	[smem:$0x3FAE] =	sst s4  }
0xd: {  	[smem:$0x3FAF] =	sst s5  }
0xe: {  	[smem:$0x3FB0] =	sst s6  }
0xf: {  	[smem:$0x3FB1] =	sst s7  }
0x10: {  	[smem:$0x3FB2] =	sst s8  }
0x11: {  	[smem:$0x3FB3] =	sst s9;
	s0 =	simm.s32 @!p0 $0x0  }
0x12: {  	s1 =	sld [smem:$0x3F99];
	s0 =	simm.s32 @p0 $0x1  }
0x13: {  	[smem:$0x3FB4] =	sst s0;
	s0 =	simm.s32 @!p1 $0x0  }
0x14: {  	s2 =	sld [smem:$0x3F98];
	s0 =	simm.s32 @p1 $0x1  }
0x15: {  	[smem:$0x3FB5] =	sst s0;
	s0 =	simm.s32 @!p2 $0x0  }
0x16: {  	s3 =	sld [smem:$0x3FDB];
	s0 =	simm.s32 @p2 $0x1  }
0x17: {  	s4 =	simm.s32 $0x1BF5;
	[smem:$0x3FB7] =	sst s0  }
0x18: {  	s0 =	sld [smem:$0x3F9A];
	_ =	swait.ge [sflag:s4], $0x0  }
0x19: {  	s7 =	sld [smem:$0x3F9B]  }
0x1a: {  	s8 =	sadd.s32 $0xFFFFE003, lr  }
0x1b: {  	s9 =	sadd.s32 $0xFFFFFEF7, lr;
	s5 =	simm.s32 $0xFFFFFFFF;
	p2 =	slt.u32 s8, $0xFFFFF086  }
0x1c: {  	p1 =	slt.u32 s9, $0xF7A;
	s5 =	simm.s32 @!p2 $0x0  }
0x1d: {  	s5 =	simm.s32 @p1 $0x1;
	p0 =	seq.s32 s7, s2  }
0x1e: {  	s7 =	smul.u32 @!p0 $0xF7A, s2;
	p2 =	seq.s32 @!p0 s5, $0x0  }
0x1f: {  	s9 =	smul.u32 $0xF7A, s1;
	s8 =	simm.s32 @!p0 $0x1BF5;
	p2 =	por !p2, p0  }
0x20: {  	[sflag:s8] =	ssyncset.s32 @!p0 $0xFFFFF086;
	s6 =	sadd.s32 @!p0 s3, s7;
	s7 =	simm.s32 @!p0 $0x108  }
0x21: {  	s3 =	sadd.s32 s3, s9;
	s6 =	sadd.s32 @!p0 $0x88, s6;
	s7 =	simm.s32 @p2 $0x1082  }
0x22: {  	[simem:s7], [sflag:s8] =	dma.local @!p0 [hbm:s6], $0xF7A  }
0x23: {  	s9 =	sor.u32 $0xD0000000, s2;
	s6 =	simm.s32 $0x108;
	_ =	swait.ge @!p0 [sflag:s8], $0x0  }
0x24: {  	s3 =	sadd.s32 $0x88, s3;
	s6 =	simm.s32 @!p1 $0x1082;
	[sflag:s4] =	ssyncset.s32 $0xFFFFF086  }
0x25: {  	[simem:s6], [sflag:s4] =	dma.local [hbm:s3], $0xF7A  }
0x26: {  	[smem:$0x3F9B] =	sst s1;
	(tag) =	ssettag s2;
	_ =	strace s9  }
0x27: {  	s1 =	sld [smem:$0x3FAB]  }
0x28: {  	s2 =	sld [smem:$0x3FAC]  }
0x29: {  	s4 =	sld [smem:$0x3FAE]  }
0x2a: {  	p0 =	seq.s32 s5, $0x0;
	s5 =	sld [smem:$0x3FAF]  }
0x2b: {  	s6 =	sld [smem:$0x3FB0]  }
0x2c: {  	s7 =	sld [smem:$0x3FB1]  }
0x2d: {  	s3 =	simm.s32 $0x108;
	s8 =	sld [smem:$0x3FB2]  }
0x2e: {  	s3 =	simm.s32 @!p0 $0x1082;
	s9 =	sld [smem:$0x3FB3]  }
0x2f: {  	lr =	sadd.s32 s0, s3;
	s0 =	sld [smem:$0x3FAA]  }
0x30: {  	s3 =	sld [smem:$0x3FAD]  }
0x31: {  	[smem:$0x3FB6] =	sst s10  }
0x32: {  	s10 =	sld [smem:$0x3FB4];
	_ =	sdelay $0x3  }
0x33: {  	p0 =	seq.s32 s10, $0x1;
	s10 =	sld [smem:$0x3FB6];
	_ =	sdelay $0x3  }
0x34: {  	[smem:$0x3FB6] =	sst s10  }
0x35: {  	s10 =	sld [smem:$0x3FB5];
	_ =	sdelay $0x3  }
0x36: {  	p1 =	seq.s32 s10, $0x1;
	s10 =	sld [smem:$0x3FB6];
	_ =	sdelay $0x3  }
0x37: {  	[smem:$0x3FB6] =	sst s10  }
0x38: {  	s10 =	sld [smem:$0x3FB7]  }
0x39: {  	_ = 	snop;
	(pc) =	sbr.ind lr, $3  }
0x3a: {  	_ = 	snop  }
0x3b: {  	_ = 	snop  }
0x3c: {  	p2 =	seq.s32 s10, $0x1;
	s10 =	sld [smem:$0x3FB6]  }
0x3d: {  	_ =	shalt  }
0x3e: {  	_ =	shalt  }
0x3f: {  	_ =	shalt  }
0x40: {  	_ =	shalt  }
0x41: {  	_ =	shalt  }
0x42: {  	_ =	shalt  }
0x43: {  	_ =	shalt  }
0x44: {  	_ =	shalt  }
0x45: {  	_ =	shalt  }
0x46: {  	_ =	shalt  }
0x47: {  	_ =	shalt  }
0x48: {  	_ =	shalt  }
0x49: {  	_ =	shalt  }
0x4a: {  	_ =	shalt  }
0x4b: {  	_ =	shalt  }
0x4c: {  	_ =	shalt  }
0x4d: {  	_ =	shalt  }
0x4e: {  	_ =	shalt  }
0x4f: {  	_ =	shalt  }
0x50: {  	_ =	shalt  }
0x51: {  	_ =	shalt  }
0x52: {  	_ =	shalt  }
0x53: {  	_ =	shalt  }
0x54: {  	_ =	shalt  }
0x55: {  	_ =	shalt  }
0x56: {  	_ =	shalt  }
0x57: {  	_ =	shalt  }
0x58: {  	_ =	shalt  }
0x59: {  	_ =	shalt  }
0x5a: {  	_ =	shalt  }
0x5b: {  	_ =	shalt  }
0x5c: {  	_ =	shalt  }
0x5d: {  	_ =	shalt  }
0x5e: {  	_ =	shalt  }
0x5f: {  	_ =	shalt  }
0x60: {  	_ =	shalt  }
0x61: {  	_ =	shalt  }
0x62: {  	_ =	shalt  }
0x63: {  	_ =	shalt  }
0x64: {  	_ =	shalt  }
0x65: {  	_ =	shalt  }
0x66: {  	_ =	shalt  }
0x67: {  	_ =	shalt  }
0x68: {  	_ =	shalt  }
0x69: {  	_ =	shalt  }
0x6a: {  	_ =	shalt  }
0x6b: {  	_ =	shalt  }
0x6c: {  	_ =	shalt  }
0x6d: {  	_ =	shalt  }
0x6e: {  	_ =	shalt  }
0x6f: {  	_ =	shalt  }
0x70: {  	_ =	shalt  }
0x71: {  	_ =	shalt  }
0x72: {  	_ =	shalt  }
0x73: {  	_ =	shalt  }
0x74: {  	_ =	shalt  }
0x75: {  	_ =	shalt  }
0x76: {  	_ =	shalt  }
0x77: {  	_ =	shalt  }
0x78: {  	_ =	shalt  }
0x79: {  	_ =	shalt  }
0x7a: {  	_ =	shalt  }
0x7b: {  	_ =	shalt  }
0x7c: {  	_ =	shalt  }
0x7d: {  	_ =	shalt  }
0x7e: {  	_ =	shalt  }
0x7f: {  	_ =	shalt  }
0x80: {  	_ =	shalt  }
0x81: {  	_ =	shalt  }
0x82: {  	_ =	shalt  }
0x83: {  	_ =	shalt  }
0x84: {  	_ =	shalt  }
0x85: {  	_ =	shalt  }
0x86: {  	_ =	shalt  }
0x87: {  	_ =	shalt  }
.Lfunc_end0:
.L_simem_size_0:
called_computation.2_lowered:
.L_overlay_start_0:
0x88: {  	s2 =	sld [smem:$0x3FD9]  }
0x89: {  	s3 =	sld [smem:$0x3FFE];
	_ =	sdelay $0x1  }
0x8a: {  	s1 =	srdreg.scid  }
0x8b: {  	s0 =	sand.u32 $0x1, s1  }
0x8c: {  	s15 =	sshll.u32 s0, $0xA;
	s2 =	sadd.s32 s3, s2  }
0x8d: {  	s2 =	sadd.s32 s2, s15  }
0x8e: {  	[smem:$0x3FC2] =	sst s2  }
0x8f: {  	_ = 	snop  }
0x90: {  	s2 =	sld [smem:$0x3FD0];
	_ =	sdelay $0x2  }
0x91: {  	s16 =	simm.s32 $0xA;
	s4 =	simm.s32 $0x10  }
0x92: {  	[smem:s4], [sflag:s16] =	dma.local [hbm:s2], $0x1  }
0x93: {  	_ =	swait.eq [sflag:s16], $0x1  }
0x94: {  	s17 =	sld [smem:$0x10];
	[sflag:s16] =	ssyncset.done $0x0  }
0x95: {  	s18 =	sld [smem:$0x11];
	[sflag:s16] =	ssyncadd.s32 $0xFFFFFFFF  }
0x96: {  	s19 =	sld [smem:$0x15];
	(tm) =	ssettm $0x1  }
0x97: {  	s5 =	sld [smem:$0x3FFB];
	_ =	sdelay $0x3  }
0x98: {  	_ =	strace s5  }
0x99: {  	s5 =	sld [smem:$0x3FFC];
	_ =	sdelay $0x3  }
0x9a: {  	_ =	strace s5  }
0x9b: {  	s5 =	sld [smem:$0x3FFD];
	_ =	sdelay $0x3  }
0x9c: {  	_ =	strace s5  }
0x9d: {  	_ =	strace $0x8FFFFFFF  }
0x9e: {  	s20 =	sld [smem:$0x3FDB];
	_ =	sdelay $0x1  }
0x9f: {  	s6 =	simm.s32 $_scs_section_size  }
0xa0: {  	s7 =	simm.s32 $_size__tile_overlayer_lowered;
	s8 =	simm.s32 $_tile_overlayer_lowered  }
0xa1: {  	s23 =	simm.s32 $0x1BFF;
	s22 =	sshll.u32 s8, $0x1;
	s5 =	sadd.s32 s6, s20  }
0xa2: {  	s9 =	simm.s32 $0x0;
	s21 =	sshll.u32 s7, $0x1;
	s7 =	sadd.s32 s22, s5  }
0xa3: {  	[timem:s9], [sflag:s23] =	dma.local [hbm:s7], s21  }
0xa4: {  	_ =	swait.ge [sflag:s23], s21  }
0xa5: {  	s6 =	ssub.s32 $0x0, s21;
	[sflag:s23] =	ssyncset.done $0x0  }
0xa6: {  	[sflag:s23] =	ssyncadd.s32 s6;
	_ =	sdelay $0x1  }
0xa7: {  	s24 =	simm.s32 $0x1B8B  }
0xa8: {  	_ =	swait.ge [sflag:s24], $0x1  }
0xa9: {  	[sflag:s24] =	ssyncset.done $0x0  }
0xaa: {  	s25 =	simm.s32 $0x1B8E;
	[sflag:s24] =	ssyncadd.s32 $0xFFFFFFFF  }
0xab: {  	s26 =	simm.s32 $execute0_lowered;
	[smem:$0x3FD2] =	sst s25  }
0xac: {  	s6 =	sshll.u32 s26, $0x1;
	_ =	strace $0x8000004C;
	[dreg:$0x1] =	wrdreg $0xFFFFFFFF  }
0xad: {  	s28 =	simm.s32 $_size_execute0_lowered;
	s5 =	sadd.s32 s5, s6;
	[dreg:$0x0] =	wrdreg $0x0  }
0xae: {  	s6 =	sshll.u32 s28, $0x1;
	[dreg:$0x2] =	wrdreg s5  }
0xaf: {  	[dreg:$0x3] =	wrdreg s6  }
0xb0: {  	[dreg:$0x4] =	wrdreg $0xC0  }
0xb1: {  	_ =	task [dreg:s9], $0x5FFFF  }
0xb2: {  	[dreg:$0x1] =	wrdreg $0xFFFFFFFF  }
0xb3: {  	[dreg:$0x0] =	wrdreg $0x60  }
0xb4: {  	[dreg:$0x2] =	wrdreg s17  }
0xb5: {  	[dreg:$0x3] =	wrdreg s19  }
0xb6: {  	[dreg:$0x4] =	wrdreg s18  }
0xb7: {  	[dreg:$0x5] =	wrdreg $0x9  }
0xb8: {  	_ =	task.clear_ibuf [dreg:s9], $0x6FFFF;
	_ =	strace $0x9000004C  }
0xb9: {  	s29 =	simm.s32 $0x9;
	_ =	strace $0x8000004E  }
0xba: {  	_ =	swait.ge [sflag:s29], $0x1  }
0xbb: {  	[sflag:s29] =	ssyncadd.s32 $0xFFFFFFFF  }
0xbc: {  	_ =	strace $0x9000004E  }
0xbd: {  	_ =	sfence  }
0xbe: {  	s30 =	sld [smem:$0x0];
	_ =	sdelay $0x2  }
0xbf: {  	s31 =	sshll.u32 s1, $0xD;
	s1 =	sshrl.u32 s1, $0x2  }
0xc0: {  	s3 =	sand.u32 $0x4000, s31;
	s1 =	sadd.s32 s1, s30  }
0xc1: {  	s0 =	sor.u32 s3, s0;
	s1 =	sshll.u32 s1, $0x11  }
0xc2: {  	s0 =	sor.u32 s1, s0  }
0xc3: {  	s0 =	sadd.s32 $0x8F2B, s0  }
0xc4: {  	[sflag:s0] =	ssyncadd.remote.s32 $0x1  }
0xc5: {  	_ =	sfence.sel $0xFFFF  }
0xc6: {  	[dreg:$0x0] =	wrdreg $0xFFFFFFFF;
	(pc) =	sbr.abs _section_cstart, $3  }
0xc7: {  	[dreg:$0x1] =	wrdreg $0xFFFFFFFF  }
0xc8: {  	_ =	task.clear_ibuf [dreg:s9], $0x2FFFF;
	_ =	strace $0x9FFFFFFF  }
0xc9: {  	(tm) =	ssettm $0x7FFFFFFF  }
tec
execute0_lowered:
.L_overlay_start_1:
0x0: {  	(tag) =	ssettag $0x1  }
0x1: {  	s4 =	rddreg [dreg:$0x0]  }
0x2: {  	s2 =	rddreg [dreg:$0x1]  }
0x3: {  	s1 =	srdreg.scid;
	s0 =	stileid.u32  }
0x4: {  	s5 =	rddreg [dreg:$0x2];
	s3 =	simm.s32 $0x0;
	s10 =	simm.s32 $0x6710  }
0x5: {  	s11 =	simm.s32 $0x0;
	s6 =	sand.u32 $0x1, s1;
	s7 =	sshll.u32 s0, $0x1  }
0x6: {  	[smem:$0x7FF] =	sst s3;
	s7 =	sor.u32 s6, s7;
	s6 =	ssub.s32 $0x2, s6  }
0x7: {  	s1 =	rddreg [dreg:$0x3];
	_ =	strace $0x8000004D;
	s9 =	sshrl.u32 s6, $0x1  }
0x8: {  	v0 =	vlaneseq.u32;
	s8 =	smul.u32 $0x4E2, s7;
	s7 =	sshll.u32 s7, $0x7;
	s6 =	ssub.s32 s6, s9  }
0x9: {  	v3 =	vmul.u32 $0x10, v0;
	s5 =	sadd.s32 s5, s7;
	s7 =	simm.s32 $0x6B10;
	s9 =	simm.s32 $0x2710  }
0xa: {  	v1 =	vimm.s32 $0x0;
	v2 =	vimm.s32 $0x1;
	s4 =	sadd.s32 s4, s8;
	s6 =	smax.u32 s6, $0x1;
	s8 =	simm.s32 $0x1  }
.LBB2_1:
0xb: {  	[tilespmem:s7], [sflag:$0x1] =	stream.linear.gather [hbm4b:s2+s3], $0x80, $0x38;
	[tilespmem:$0x6B90] =	vst v63  }
0xc: {  	_ =	swait.ge [sflag:s8], $0x80  }
0xd: {  	[sflag:s8] =	ssyncset.done $0x0  }
0xe: {  	[sflag:s8] =	ssyncadd.s32 $0xFFFFFF80  }
0xf: {  	v4 =	vld [tilespmem:$0x6B10];
	[tilespmem:s3], [sflag:$0x1] =	stream.linear.gather [hbm4b:s4+s3], $0x2710, $0x38  }
0x10: {  	_ =	swait.ge [sflag:s8], $0x2710  }
0x11: {  	[sflag:s8] =	ssyncset.done $0x0  }
0x12: {  	s12 =	simm.s32 $0x40;
	s13 =	simm.s32 $0x0;
	[sflag:s8] =	ssyncadd.s32 $0xFFFFD8F0  }
.LBB2_2:
0x13: {  	p0 =	seq.s32 s12, $0xFFC0;
	[tilespmem:s13+$0x2710] =	vst v1;
	s13 =	smov.u32 s12;
	s12 =	sadd.s32 $0x40, s12  }
.Ltmp0:
0x14: {  	(pc) =	sbr.rel @!p0 .LBB2_2-.Ltmp0, $2  }
0x15: {  	_ =	sdelay $0x2  }
0x16: {  	s13 =	sshra.s32 s13, $0x2  }
0x17: {  	[tilespmem:s13+$0x2710] =	vst v1;
	v4 =	vbroadcast v4, $0x2;
	s12 =	simm.s32 $0x0;
	s13 =	simm.s32 $0x0  }
.LBB2_4:
0x18: {  	s14 =	sshra.s32 s13, $0x2  }
0x19: {  	v5 =	vld [tilespmem:s14+$0x0];
	_ =	sdelay $0x4  }
0x1a: {  	v6 =	vshrl.u32 v5, $0xA;
	v5 =	vshll.u32 v5, $0x4  }
0x1b: {  	vm0 =	veq.s32 v6, v4;
	v5 =	vand.u32 $0x3FF0, v5  }
0x1c: {  	p0 =	sne.s32 s13, $0x9C00;
	v5 =	vor.u32 v0, v5  }
.Ltmp1:
0x1d: {  	_ = 	snop;
	(pc) =	sbr.rel @p0 .LBB2_4-.Ltmp1, $2  }
0x1e: {  	_ =	sdelay $0x2  }
0x1f: {  	s13 =	sadd.s32 $0x40, s13;
	[tilespmem:v5+s9+$0x0] =	vst.idx.add.s32.msk vm0, v2  }
0x20: {  	v4 =	vmov s12  }
0x21: {  	v4 =	vshll.u32 v4, $0x4  }
0x22: {  	v4 =	vor.u32 v3, v4  }
0x23: {  	v5 =	vor.u32 $0x1, v4  }
0x24: {  	v6 =	vor.u32 $0x2, v4  }
0x25: {  	v7 =	vor.u32 $0x3, v4  }
0x26: {  	v8 =	vor.u32 $0x4, v4  }
0x27: {  	v9 =	vor.u32 $0x5, v4;
	v10 =	vld.idx.msk [tilespmem:v4+s9+$0x0], $0xffff  }
0x28: {  	v11 =	vor.u32 $0x6, v4;
	v5 =	vld.idx.msk [tilespmem:v5+s9+$0x0], $0xffff  }
0x29: {  	v12 =	vor.u32 $0x7, v4;
	v6 =	vld.idx.msk [tilespmem:v6+s9+$0x0], $0xffff  }
0x2a: {  	v13 =	vor.u32 $0x8, v4;
	v7 =	vld.idx.msk [tilespmem:v7+s9+$0x0], $0xffff  }
0x2b: {  	v14 =	vor.u32 $0x9, v4;
	v8 =	vld.idx.msk [tilespmem:v8+s9+$0x0], $0xffff  }
0x2c: {  	v15 =	vor.u32 $0xA, v4;
	v9 =	vld.idx.msk [tilespmem:v9+s9+$0x0], $0xffff  }
0x2d: {  	v16 =	vor.u32 $0xB, v4;
	v11 =	vld.idx.msk [tilespmem:v11+s9+$0x0], $0xffff;
	v5 =	vadd.s32 v10, v5  }
0x2e: {  	v53 =	vor.u32 $0xC, v4;
	v10 =	vld.idx.msk [tilespmem:v12+s9+$0x0], $0xffff;
	v5 =	vadd.s32 v6, v5  }
0x2f: {  	v54 =	vor.u32 $0xD, v4;
	v6 =	vld.idx.msk [tilespmem:v13+s9+$0x0], $0xffff;
	v5 =	vadd.s32 v7, v5  }
0x30: {  	v55 =	vor.u32 $0xE, v4;
	v7 =	vld.idx.msk [tilespmem:v14+s9+$0x0], $0xffff;
	v5 =	vadd.s32 v8, v5  }
0x31: {  	v4 =	vor.u32 $0xF, v4;
	v8 =	vld.idx.msk [tilespmem:v15+s9+$0x0], $0xffff;
	v5 =	vadd.s32 v9, v5  }
0x32: {  	v9 =	vld.idx.msk [tilespmem:v16+s9+$0x0], $0xffff;
	v5 =	vadd.s32 v11, v5  }
0x33: {  	v11 =	vld.idx.msk [tilespmem:v53+s9+$0x0], $0xffff;
	v5 =	vadd.s32 v10, v5  }
0x34: {  	s31 =	simm.s32 $0x10;
	v10 =	vld.idx.msk [tilespmem:v54+s9+$0x0], $0xffff;
	v5 =	vadd.s32 v6, v5  }
0x35: {  	v56 =	vmov s31;
	v6 =	vld.idx.msk [tilespmem:v55+s9+$0x0], $0xffff;
	v5 =	vadd.s32 v7, v5  }
0x36: {  	v4 =	vld.idx.msk [tilespmem:v4+s9+$0x0], $0xffff;
	v7 =	vshll.u32 v56, $0x4;
	v5 =	vadd.s32 v8, v5  }
0x37: {  	v7 =	vor.u32 v3, v7;
	v5 =	vadd.s32 v9, v5  }
0x38: {  	v8 =	vor.u32 $0x1, v7;
	v5 =	vadd.s32 v11, v5  }
0x39: {  	v5 =	vadd.s32 v10, v5  }
0x3a: {  	v9 =	vor.u32 $0x2, v7;
	v5 =	vadd.s32 v6, v5  }
0x3b: {  	s12 =	simm.s32 $0x6710;
	v6 =	vor.u32 $0x3, v7;
	v4 =	vadd.s32 v4, v5  }
0x3c: {  	v5 =	vor.u32 $0x4, v7;
	[tilespmem:s12+$0x0] =	vst v4  }
0x3d: {  	v4 =	vld.idx.msk [tilespmem:v8+s9+$0x0], $0xffff;
	v8 =	vor.u32 $0x5, v7  }
0x3e: {  	v11 =	vor.u32 $0x6, v7;
	v10 =	vld.idx.msk [tilespmem:v7+s9+$0x0], $0xffff  }
0x3f: {  	v57 =	vor.u32 $0x7, v7;
	v9 =	vld.idx.msk [tilespmem:v9+s9+$0x0], $0xffff  }
0x40: {  	v58 =	vor.u32 $0x8, v7;
	v6 =	vld.idx.msk [tilespmem:v6+s9+$0x0], $0xffff  }
0x41: {  	v59 =	vor.u32 $0x9, v7;
	v5 =	vld.idx.msk [tilespmem:v5+s9+$0x0], $0xffff  }
0x42: {  	v60 =	vor.u32 $0xA, v7;
	v8 =	vld.idx.msk [tilespmem:v8+s9+$0x0], $0xffff  }
0x43: {  	v61 =	vor.u32 $0xB, v7;
	v11 =	vld.idx.msk [tilespmem:v11+s9+$0x0], $0xffff;
	v4 =	vadd.s32 v10, v4  }
0x44: {  	v62 =	vor.u32 $0xC, v7;
	v10 =	vld.idx.msk [tilespmem:v57+s9+$0x0], $0xffff;
	v4 =	vadd.s32 v9, v4  }
0x45: {  	v63 =	vor.u32 $0xD, v7;
	v9 =	vld.idx.msk [tilespmem:v58+s9+$0x0], $0xffff;
	v4 =	vadd.s32 v6, v4  }
0x46: {  	v17 =	vor.u32 $0xE, v7;
	v14 =	vld.idx.msk [tilespmem:v59+s9+$0x0], $0xffff;
	v4 =	vadd.s32 v5, v4  }
0x47: {  	v18 =	vor.u32 $0xF, v7;
	v15 =	vld.idx.msk [tilespmem:v60+s9+$0x0], $0xffff;
	v5 =	vadd.s32 v8, v4  }
0x48: {  	v4 =	vld.idx.msk [tilespmem:v61+s9+$0x0], $0xffff;
	v6 =	vadd.s32 v11, v5  }
0x49: {  	v5 =	vld.idx.msk [tilespmem:v62+s9+$0x0], $0xffff;
	v7 =	vadd.s32 v10, v6  }
0x4a: {  	s13 =	simm.s32 $0x20;
	v6 =	vld.idx.msk [tilespmem:v63+s9+$0x0], $0xffff;
	v8 =	vadd.s32 v9, v7  }
0x4b: {  	v7 =	vld.idx.msk [tilespmem:v17+s9+$0x0], $0xffff;
	v9 =	vmov s13;
	v10 =	vadd.s32 v14, v8  }
0x4c: {  	s13 =	simm.s32 $0x30;
	v8 =	vld.idx.msk [tilespmem:v18+s9+$0x0], $0xffff;
	v9 =	vshll.u32 v9, $0x4;
	v10 =	vadd.s32 v15, v10  }
.LBB2_6:
0x4d: {  	p0 =	sne.s32 s13, $0x3F0;
	v9 =	vor.u32 v3, v9;
	v4 =	vadd.s32 v4, v10  }
0x4e: {  	v10 =	vor.u32 $0x1, v9;
	v4 =	vadd.s32 v5, v4  }
0x4f: {  	v4 =	vadd.s32 v6, v4  }
0x50: {  	v5 =	vor.u32 $0x2, v9;
	v4 =	vadd.s32 v7, v4  }
0x51: {  	s12 =	sadd.s32 $0x10, s12;
	v6 =	vor.u32 $0x3, v9;
	v4 =	vadd.s32 v8, v4  }
0x52: {  	v7 =	vor.u32 $0x4, v9;
	[tilespmem:s12+$0x0] =	vst v4  }
0x53: {  	v8 =	vor.u32 $0x5, v9;
	v4 =	vld.idx.msk [tilespmem:v10+s9+$0x0], $0xffff  }
0x54: {  	v11 =	vor.u32 $0x6, v9;
	v10 =	vld.idx.msk [tilespmem:v9+s9+$0x0], $0xffff  }
0x55: {  	v12 =	vor.u32 $0x7, v9;
	v5 =	vld.idx.msk [tilespmem:v5+s9+$0x0], $0xffff  }
0x56: {  	v13 =	vor.u32 $0x8, v9;
	v6 =	vld.idx.msk [tilespmem:v6+s9+$0x0], $0xffff  }
0x57: {  	v14 =	vor.u32 $0x9, v9;
	v7 =	vld.idx.msk [tilespmem:v7+s9+$0x0], $0xffff  }
0x58: {  	v15 =	vor.u32 $0xA, v9;
	v8 =	vld.idx.msk [tilespmem:v8+s9+$0x0], $0xffff  }
0x59: {  	v16 =	vor.u32 $0xB, v9;
	v11 =	vld.idx.msk [tilespmem:v11+s9+$0x0], $0xffff  }
0x5a: {  	v4 =	vadd.s32 v10, v4;
	v10 =	vld.idx.msk [tilespmem:v12+s9+$0x0], $0xffff;
	v12 =	vor.u32 $0xC, v9  }
0x5b: {  	v17 =	vor.u32 $0xD, v9;
	v4 =	vadd.s32 v5, v4;
	v13 =	vld.idx.msk [tilespmem:v13+s9+$0x0], $0xffff  }
0x5c: {  	v18 =	vor.u32 $0xE, v9;
	v4 =	vadd.s32 v6, v4;
	v14 =	vld.idx.msk [tilespmem:v14+s9+$0x0], $0xffff  }
0x5d: {  	v9 =	vor.u32 $0xF, v9;
	v4 =	vadd.s32 v7, v4;
	v15 =	vld.idx.msk [tilespmem:v15+s9+$0x0], $0xffff  }
0x5e: {  	v5 =	vadd.s32 v8, v4;
	v4 =	vld.idx.msk [tilespmem:v16+s9+$0x0], $0xffff  }
.Ltmp2:
0x5f: {  	v6 =	vadd.s32 v11, v5;
	v5 =	vld.idx.msk [tilespmem:v12+s9+$0x0], $0xffff;
	(pc) =	sbr.rel @p0 .LBB2_6-.Ltmp2, $4  }
0x60: {  	v7 =	vadd.s32 v10, v6;
	v6 =	vld.idx.msk [tilespmem:v17+s9+$0x0], $0xffff  }
0x61: {  	v8 =	vadd.s32 v13, v7;
	v7 =	vld.idx.msk [tilespmem:v18+s9+$0x0], $0xffff  }
0x62: {  	v10 =	vmov s13;
	v11 =	vadd.s32 v14, v8;
	v8 =	vld.idx.msk [tilespmem:v9+s9+$0x0], $0xffff  }
0x63: {  	s13 =	sadd.s32 $0x10, s13;
	v9 =	vshll.u32 v10, $0x4;
	v10 =	vadd.s32 v15, v11  }
0x64: {  	v9 =	vor.u32 v3, v9;
	v4 =	vadd.s32 v4, v10  }
0x65: {  	v49 =	vor.u32 $0x1, v9;
	v4 =	vadd.s32 v5, v4  }
0x66: {  	v4 =	vadd.s32 v6, v4  }
0x67: {  	v5 =	vor.u32 $0x2, v9;
	v4 =	vadd.s32 v7, v4  }
0x68: {  	s12 =	sadd.s32 $0x10, s12;
	v50 =	vor.u32 $0x3, v9;
	v4 =	vadd.s32 v8, v4  }
0x69: {  	v51 =	vor.u32 $0x4, v9;
	[tilespmem:s12+$0x0] =	vst v4  }
0x6a: {  	v52 =	vor.u32 $0x5, v9;
	v4 =	vld.idx.msk [tilespmem:v49+s9+$0x0], $0xffff  }
0x6b: {  	v11 =	vor.u32 $0x6, v9;
	v53 =	vld.idx.msk [tilespmem:v9+s9+$0x0], $0xffff  }
0x6c: {  	v12 =	vor.u32 $0x7, v9;
	v5 =	vld.idx.msk [tilespmem:v5+s9+$0x0], $0xffff  }
0x6d: {  	v13 =	vor.u32 $0x8, v9;
	v6 =	vld.idx.msk [tilespmem:v50+s9+$0x0], $0xffff  }
0x6e: {  	v14 =	vor.u32 $0x9, v9;
	v7 =	vld.idx.msk [tilespmem:v51+s9+$0x0], $0xffff  }
0x6f: {  	v15 =	vor.u32 $0xA, v9;
	v8 =	vld.idx.msk [tilespmem:v52+s9+$0x0], $0xffff  }
0x70: {  	v16 =	vor.u32 $0xB, v9;
	v11 =	vld.idx.msk [tilespmem:v11+s9+$0x0], $0xffff;
	v4 =	vadd.s32 v53, v4  }
0x71: {  	v55 =	vor.u32 $0xC, v9;
	v54 =	vld.idx.msk [tilespmem:v12+s9+$0x0], $0xffff;
	v4 =	vadd.s32 v5, v4  }
0x72: {  	v56 =	vor.u32 $0xD, v9;
	v5 =	vld.idx.msk [tilespmem:v13+s9+$0x0], $0xffff;
	v4 =	vadd.s32 v6, v4  }
0x73: {  	v58 =	vor.u32 $0xE, v9;
	v57 =	vld.idx.msk [tilespmem:v14+s9+$0x0], $0xffff;
	v4 =	vadd.s32 v7, v4  }
0x74: {  	v59 =	vld.idx.msk [tilespmem:v15+s9+$0x0], $0xffff;
	v9 =	vor.u32 $0xF, v9;
	v4 =	vadd.s32 v8, v4  }
0x75: {  	v60 =	vld.idx.msk [tilespmem:v16+s9+$0x0], $0xffff;
	v4 =	vadd.s32 v11, v4  }
0x76: {  	v61 =	vld.idx.msk [tilespmem:v55+s9+$0x0], $0xffff;
	v4 =	vadd.s32 v54, v4  }
0x77: {  	v62 =	vld.idx.msk [tilespmem:v56+s9+$0x0], $0xffff;
	v4 =	vadd.s32 v5, v4  }
0x78: {  	v5 =	vld.idx.msk [tilespmem:v58+s9+$0x0], $0xffff;
	v4 =	vadd.s32 v57, v4  }
0x79: {  	v63 =	vld.idx.msk [tilespmem:v9+s9+$0x0], $0xffff;
	v4 =	vadd.s32 v59, v4  }
0x7a: {  	v4 =	vadd.s32 v60, v4  }
0x7b: {  	v4 =	vadd.s32 v61, v4  }
0x7c: {  	v4 =	vadd.s32 v62, v4  }
0x7d: {  	s11 =	sadd.s32 $0x1, s11;
	v4 =	vadd.s32 v5, v4  }
0x7e: {  	p0 =	sne.s32 s11, s6;
	s12 =	sadd.s32 $0x10, s12;
	v4 =	vadd.s32 v63, v4  }
.Ltmp3:
0x7f: {  	[tilespmem:s12+$0x0] =	vst v4;
	(pc) =	sbr.rel @p0 .LBB2_1-.Ltmp3, $4  }
0x80: {  	[hbm4b:s5+s3] =	stream.linear.scatter [tilespmem:s10], [sflag:$0x1], $0x400, $0x38;
	[tilespmem:$0x6B90] =	vst v63  }
0x81: {  	_ =	swait.ge [sflag:s8], $0x400  }
0x82: {  	[sflag:s8] =	ssyncset.done $0x0  }
0x83: {  	[sflag:s8] =	ssyncadd.s32 $0xFFFFFC00  }
0x84: {  	_ =	sfence.sel $0x180000  }
0x85: {  	[bflag:$0x0] =	sbarrier.arrive $0xFFFF  }
0x86: {  	p0 =	sne.s32 s0, $0x0;
	_ =	strace $0x9000004D  }
0x87: {  	s0 =	sadd.s32 @!p0 $0x100000, s1;
	[bflag:$0x2] =	sbarrier.arrive $0xFFFF  }
0x88: {  	[sflag:s0] =	ssyncadd.tile.s32 @!p0 $0x1;
	_ =	shalt  }
.Lfunc_end2:
_tile_overlayer_lowered:
.L_overlay_start_2:
0x89: {  	(tag) =	ssettag $0x2  }
0x8a: {  	s0 =	rddreg [dreg:$0x0];
	s2 =	stileid.u32  }
0x8b: {  	s1 =	rddreg [dreg:$0x1];
	p0 =	sne.s32 s2, $0x0  }
0x8c: {  	s3 =	rddreg [dreg:$0x2];
	[bflag:$0x3] =	sbarrier.arrive $0xFFFF;
	s2 =	simm.s32 @!p0 $0x1C01  }
0x8d: {  	[timem:s3], [sflag:s2] =	dma.local @!p0 [hbm:s0], s1  }
0x8e: {  	s0 =	simm.s32 @!p0 $0x1  }
0x8f: {  	_ =	swait.ge @!p0 [sflag:s0], s1  }
0x90: {  	s1 =	ssub.s32 @!p0 $0x0, s1;
	[sflag:s0] =	ssyncset.done @!p0 $0x0  }
0x91: {  	[sflag:s0] =	ssyncadd.s32 @!p0 s1  }
0x92: {  	[bflag:$0x3] =	sbarrier.arrive $0xFFFF  }
0x93: {  	_ =	shalt  }

// kernel: kernel.20.cloned.1.call-start
scs
__scs_entry_jumppad:
0x0: {  	(pc) =	sbr.rel $0x88, $3  }
0x1: {  	(tag) =	ssettag $0x0;
	lr =	simm.s32 $0x1  }
0x2: {  	[smem:$0x3F9B] =	sst lr;
	_ =	strace $0xD0000000  }
0x3: {  	_ = 	snop  }
0x4: {  	_ = 	snop  }
0x5: {  	_ = 	snop  }
0x6: {  	_ = 	snop  }
0x7: {  	_ = 	snop  }
__scs_overlays_trampoline_lowered:
0x8: {  	[smem:$0x3FAA] =	sst s0  }
0x9: {  	[smem:$0x3FAB] =	sst s1  }
0xa: {  	[smem:$0x3FAC] =	sst s2  }
0xb: {  	[smem:$0x3FAD] =	sst s3  }
0xc: {  	[smem:$0x3FAE] =	sst s4  }
0xd: {  	[smem:$0x3FAF] =	sst s5  }
0xe: {  	[smem:$0x3FB0] =	sst s6  }
0xf: {  	[smem:$0x3FB1] =	sst s7  }
0x10: {  	[smem:$0x3FB2] =	sst s8  }
0x11: {  	[smem:$0x3FB3] =	sst s9;
	s0 =	simm.s32 @!p0 $0x0  }
0x12: {  	s1 =	sld [smem:$0x3F99];
	s0 =	simm.s32 @p0 $0x1  }
0x13: {  	[smem:$0x3FB4] =	sst s0;
	s0 =	simm.s32 @!p1 $0x0  }
0x14: {  	s2 =	sld [smem:$0x3F98];
	s0 =	simm.s32 @p1 $0x1  }
0x15: {  	[smem:$0x3FB5] =	sst s0;
	s0 =	simm.s32 @!p2 $0x0  }
0x16: {  	s3 =	sld [smem:$0x3FDB];
	s0 =	simm.s32 @p2 $0x1  }
0x17: {  	s4 =	simm.s32 $0x1BF5;
	[smem:$0x3FB7] =	sst s0  }
0x18: {  	s0 =	sld [smem:$0x3F9A];
	_ =	swait.ge [sflag:s4], $0x0  }
0x19: {  	s7 =	sld [smem:$0x3F9B]  }
0x1a: {  	s8 =	sadd.s32 $0xFFFFE003, lr  }
0x1b: {  	s9 =	sadd.s32 $0xFFFFFEF7, lr;
	s5 =	simm.s32 $0xFFFFFFFF;
	p2 =	slt.u32 s8, $0xFFFFF086  }
0x1c: {  	p1 =	slt.u32 s9, $0xF7A;
	s5 =	simm.s32 @!p2 $0x0  }
0x1d: {  	s5 =	simm.s32 @p1 $0x1;
	p0 =	seq.s32 s7, s2  }
0x1e: {  	s7 =	smul.u32 @!p0 $0xF7A, s2;
	p2 =	seq.s32 @!p0 s5, $0x0  }
0x1f: {  	s9 =	smul.u32 $0xF7A, s1;
	s8 =	simm.s32 @!p0 $0x1BF5;
	p2 =	por !p2, p0  }
0x20: {  	[sflag:s8] =	ssyncset.s32 @!p0 $0xFFFFF086;
	s6 =	sadd.s32 @!p0 s3, s7;
	s7 =	simm.s32 @!p0 $0x108  }
0x21: {  	s3 =	sadd.s32 s3, s9;
	s6 =	sadd.s32 @!p0 $0x88, s6;
	s7 =	simm.s32 @p2 $0x1082  }
0x22: {  	[simem:s7], [sflag:s8] =	dma.local @!p0 [hbm:s6], $0xF7A  }
0x23: {  	s9 =	sor.u32 $0xD0000000, s2;
	s6 =	simm.s32 $0x108;
	_ =	swait.ge @!p0 [sflag:s8], $0x0  }
0x24: {  	s3 =	sadd.s32 $0x88, s3;
	s6 =	simm.s32 @!p1 $0x1082;
	[sflag:s4] =	ssyncset.s32 $0xFFFFF086  }
0x25: {  	[simem:s6], [sflag:s4] =	dma.local [hbm:s3], $0xF7A  }
0x26: {  	[smem:$0x3F9B] =	sst s1;
	(tag) =	ssettag s2;
	_ =	strace s9  }
0x27: {  	s1 =	sld [smem:$0x3FAB]  }
0x28: {  	s2 =	sld [smem:$0x3FAC]  }
0x29: {  	s4 =	sld [smem:$0x3FAE]  }
0x2a: {  	p0 =	seq.s32 s5, $0x0;
	s5 =	sld [smem:$0x3FAF]  }
0x2b: {  	s6 =	sld [smem:$0x3FB0]  }
0x2c: {  	s7 =	sld [smem:$0x3FB1]  }
0x2d: {  	s3 =	simm.s32 $0x108;
	s8 =	sld [smem:$0x3FB2]  }
0x2e: {  	s3 =	simm.s32 @!p0 $0x1082;
	s9 =	sld [smem:$0x3FB3]  }
0x2f: {  	lr =	sadd.s32 s0, s3;
	s0 =	sld [smem:$0x3FAA]  }
0x30: {  	s3 =	sld [smem:$0x3FAD]  }
0x31: {  	[smem:$0x3FB6] =	sst s10  }
0x32: {  	s10 =	sld [smem:$0x3FB4];
	_ =	sdelay $0x3  }
0x33: {  	p0 =	seq.s32 s10, $0x1;
	s10 =	sld [smem:$0x3FB6];
	_ =	sdelay $0x3  }
0x34: {  	[smem:$0x3FB6] =	sst s10  }
0x35: {  	s10 =	sld [smem:$0x3FB5];
	_ =	sdelay $0x3  }
0x36: {  	p1 =	seq.s32 s10, $0x1;
	s10 =	sld [smem:$0x3FB6];
	_ =	sdelay $0x3  }
0x37: {  	[smem:$0x3FB6] =	sst s10  }
0x38: {  	s10 =	sld [smem:$0x3FB7]  }
0x39: {  	_ = 	snop;
	(pc) =	sbr.ind lr, $3  }
0x3a: {  	_ = 	snop  }
0x3b: {  	_ = 	snop  }
0x3c: {  	p2 =	seq.s32 s10, $0x1;
	s10 =	sld [smem:$0x3FB6]  }
0x3d: {  	_ =	shalt  }
0x3e: {  	_ =	shalt  }
0x3f: {  	_ =	shalt  }
0x40: {  	_ =	shalt  }
0x41: {  	_ =	shalt  }
0x42: {  	_ =	shalt  }
0x43: {  	_ =	shalt  }
0x44: {  	_ =	shalt  }
0x45: {  	_ =	shalt  }
0x46: {  	_ =	shalt  }
0x47: {  	_ =	shalt  }
0x48: {  	_ =	shalt  }
0x49: {  	_ =	shalt  }
0x4a: {  	_ =	shalt  }
0x4b: {  	_ =	shalt  }
0x4c: {  	_ =	shalt  }
0x4d: {  	_ =	shalt  }
0x4e: {  	_ =	shalt  }
0x4f: {  	_ =	shalt  }
0x50: {  	_ =	shalt  }
0x51: {  	_ =	shalt  }
0x52: {  	_ =	shalt  }
0x53: {  	_ =	shalt  }
0x54: {  	_ =	shalt  }
0x55: {  	_ =	shalt  }
0x56: {  	_ =	shalt  }
0x57: {  	_ =	shalt  }
0x58: {  	_ =	shalt  }
0x59: {  	_ =	shalt  }
0x5a: {  	_ =	shalt  }
0x5b: {  	_ =	shalt  }
0x5c: {  	_ =	shalt  }
0x5d: {  	_ =	shalt  }
0x5e: {  	_ =	shalt  }
0x5f: {  	_ =	shalt  }
0x60: {  	_ =	shalt  }
0x61: {  	_ =	shalt  }
0x62: {  	_ =	shalt  }
0x63: {  	_ =	shalt  }
0x64: {  	_ =	shalt  }
0x65: {  	_ =	shalt  }
0x66: {  	_ =	shalt  }
0x67: {  	_ =	shalt  }
0x68: {  	_ =	shalt  }
0x69: {  	_ =	shalt  }
0x6a: {  	_ =	shalt  }
0x6b: {  	_ =	shalt  }
0x6c: {  	_ =	shalt  }
0x6d: {  	_ =	shalt  }
0x6e: {  	_ =	shalt  }
0x6f: {  	_ =	shalt  }
0x70: {  	_ =	shalt  }
0x71: {  	_ =	shalt  }
0x72: {  	_ =	shalt  }
0x73: {  	_ =	shalt  }
0x74: {  	_ =	shalt  }
0x75: {  	_ =	shalt  }
0x76: {  	_ =	shalt  }
0x77: {  	_ =	shalt  }
0x78: {  	_ =	shalt  }
0x79: {  	_ =	shalt  }
0x7a: {  	_ =	shalt  }
0x7b: {  	_ =	shalt  }
0x7c: {  	_ =	shalt  }
0x7d: {  	_ =	shalt  }
0x7e: {  	_ =	shalt  }
0x7f: {  	_ =	shalt  }
0x80: {  	_ =	shalt  }
0x81: {  	_ =	shalt  }
0x82: {  	_ =	shalt  }
0x83: {  	_ =	shalt  }
0x84: {  	_ =	shalt  }
0x85: {  	_ =	shalt  }
0x86: {  	_ =	shalt  }
0x87: {  	_ =	shalt  }
.Lfunc_end0:
.L_simem_size_0:
called_computation.3_lowered:
.L_overlay_start_0:
0x88: {  	s2 =	sld [smem:$0x3FD9]  }
0x89: {  	s3 =	sld [smem:$0x3FFE];
	_ =	sdelay $0x1  }
0x8a: {  	s1 =	srdreg.scid  }
0x8b: {  	s0 =	sand.u32 $0x1, s1  }
0x8c: {  	s14 =	sshll.u32 s0, $0xA;
	s2 =	sadd.s32 s3, s2  }
0x8d: {  	s2 =	sadd.s32 s2, s14  }
0x8e: {  	[smem:$0x3FC2] =	sst s2  }
0x8f: {  	_ = 	snop  }
0x90: {  	s2 =	sld [smem:$0x3FD0];
	_ =	sdelay $0x2  }
0x91: {  	s4 =	simm.s32 $0xA;
	s5 =	simm.s32 $0x10;
	s15 =	sld [smem:$0x3FC7]  }
0x92: {  	[smem:s5], [sflag:s4] =	dma.local [hbm:s2], $0x1  }
0x93: {  	_ =	swait.eq [sflag:s4], $0x1  }
0x94: {  	s16 =	sld [smem:$0x10];
	[sflag:s4] =	ssyncset.done $0x0  }
0x95: {  	s17 =	sld [smem:$0x11];
	[sflag:s4] =	ssyncadd.s32 $0xFFFFFFFF  }
0x96: {  	s18 =	sld [smem:$0x15];
	(tm) =	ssettm $0x1  }
0x97: {  	s6 =	sld [smem:$0x3FFB];
	_ =	sdelay $0x3  }
0x98: {  	_ =	strace s6  }
0x99: {  	s6 =	sld [smem:$0x3FFC];
	_ =	sdelay $0x3  }
0x9a: {  	_ =	strace s6  }
0x9b: {  	s6 =	sld [smem:$0x3FFD];
	_ =	sdelay $0x3  }
0x9c: {  	_ =	strace s6  }
0x9d: {  	_ =	strace $0x8FFFFFFF  }
0x9e: {  	s19 =	sld [smem:$0x3FDB];
	_ =	sdelay $0x1  }
0x9f: {  	s7 =	simm.s32 $_scs_section_size  }
0xa0: {  	s8 =	simm.s32 $_size__tile_overlayer_lowered;
	s9 =	simm.s32 $_tile_overlayer_lowered  }
0xa1: {  	s22 =	simm.s32 $0x1BFF;
	s21 =	sshll.u32 s9, $0x1;
	s6 =	sadd.s32 s7, s19  }
0xa2: {  	s10 =	simm.s32 $0x0;
	s20 =	sshll.u32 s8, $0x1;
	s8 =	sadd.s32 s21, s6  }
0xa3: {  	[timem:s10], [sflag:s22] =	dma.local [hbm:s8], s20  }
0xa4: {  	_ =	swait.ge [sflag:s22], s20  }
0xa5: {  	s7 =	ssub.s32 $0x0, s20;
	[sflag:s22] =	ssyncset.done $0x0  }
0xa6: {  	[sflag:s22] =	ssyncadd.s32 s7;
	_ =	sdelay $0x1  }
0xa7: {  	s23 =	simm.s32 $0x1B8B  }
0xa8: {  	_ =	swait.ge [sflag:s23], $0x1  }
0xa9: {  	[sflag:s23] =	ssyncset.done $0x0  }
0xaa: {  	s25 =	simm.s32 $0x1B8E;
	s24 =	sld [smem:$0x3FFE];
	[sflag:s23] =	ssyncadd.s32 $0xFFFFFFFF  }
0xab: {  	s26 =	simm.s32 $execute0_lowered;
	[smem:$0x3FD2] =	sst s25  }
0xac: {  	s8 =	sshll.u32 s26, $0x1;
	_ =	strace $0x8000004F;
	[dreg:$0x1] =	wrdreg $0xFFFFFFFF  }
0xad: {  	s28 =	simm.s32 $_size_execute0_lowered;
	s6 =	sadd.s32 s6, s8;
	[dreg:$0x0] =	wrdreg $0x0  }
0xae: {  	s8 =	sshll.u32 s28, $0x1;
	[dreg:$0x2] =	wrdreg s6  }
0xaf: {  	[dreg:$0x3] =	wrdreg s8  }
0xb0: {  	[dreg:$0x4] =	wrdreg $0xC0  }
0xb1: {  	_ =	task [dreg:s10], $0x5FFFF  }
0xb2: {  	[dreg:$0x1] =	wrdreg $0xFFFFFFFF  }
0xb3: {  	[dreg:$0x0] =	wrdreg $0x60  }
0xb4: {  	[dreg:$0x2] =	wrdreg s16  }
0xb5: {  	[dreg:$0x3] =	wrdreg s15  }
0xb6: {  	[dreg:$0x4] =	wrdreg s18  }
0xb7: {  	[dreg:$0x5] =	wrdreg s17  }
0xb8: {  	[dreg:$0x6] =	wrdreg s24  }
0xb9: {  	[dreg:$0x7] =	wrdreg $0x9  }
0xba: {  	_ =	task.clear_ibuf [dreg:s10], $0x8FFFF;
	_ =	strace $0x9000004F  }
0xbb: {  	s29 =	simm.s32 $0x9;
	_ =	strace $0x80000051  }
0xbc: {  	_ =	swait.ge [sflag:s29], $0x1  }
0xbd: {  	[sflag:s29] =	ssyncadd.s32 $0xFFFFFFFF  }
0xbe: {  	_ =	strace $0x90000051  }
0xbf: {  	_ =	sfence  }
0xc0: {  	s30 =	sld [smem:$0x0];
	_ =	sdelay $0x2  }
0xc1: {  	s31 =	sshll.u32 s1, $0xD;
	s1 =	sshrl.u32 s1, $0x2  }
0xc2: {  	s3 =	sand.u32 $0x4000, s31;
	s1 =	sadd.s32 s1, s30  }
0xc3: {  	s0 =	sor.u32 s3, s0;
	s1 =	sshll.u32 s1, $0x11  }
0xc4: {  	s0 =	sor.u32 s1, s0  }
0xc5: {  	s0 =	sadd.s32 $0x8F2B, s0  }
0xc6: {  	[sflag:s0] =	ssyncadd.remote.s32 $0x1  }
0xc7: {  	_ =	sfence.sel $0xFFFF  }
0xc8: {  	[dreg:$0x0] =	wrdreg $0xFFFFFFFF;
	(pc) =	sbr.abs _section_cstart, $3  }
0xc9: {  	[dreg:$0x1] =	wrdreg $0xFFFFFFFF  }
0xca: {  	_ =	task.clear_ibuf [dreg:s10], $0x2FFFF;
	_ =	strace $0x9FFFFFFF  }
0xcb: {  	(tm) =	ssettm $0x7FFFFFFF  }
tec
execute0_lowered:
.L_overlay_start_1:
0x0: {  	(tag) =	ssettag $0x1  }
0x1: {  	s1 =	srdreg.scid;
	s0 =	stileid.u32  }
0x2: {  	v0 =	vimm.s32 $0xFFEDCBA9;
	s7 =	sand.u32 $0x1, s1;
	s29 =	sshll.u32 s0, $0x1  }
0x3: {  	v4 =	vimm.s32 $0x87654321;
	v1 =	vlaneseq.u32;
	v5 =	vimm.f32 $1.600000000e+01;
	s8 =	sor.u32 s7, s29  }
0x4: {  	vm0 =	vcmask $0x300;
	v3 =	vunpack.c.l.s4.s8 v0;
	v4 =	vunpack.c.l.s4.s8 v4;
	s9 =	sadd.s32 $0x2, s8  }
0x5: {  	vm1 =	vcmask $0x704;
	vm2 =	vcmask $0x3B00;
	v6 =	vsel vm0, $0x3F800000, v5;
	s30 =	sand.u32 $0xF, s9  }
0x6: {  	v3 =	vunpack.c.0.s8.s32 v3;
	v4 =	vunpack.c.0.s8.s32 v4;
	v2 =	vmov s30  }
0x7: {  	vm0 =	veq.s32 v2, v1;
	v2 =	vsel vm1, $0x40000000, v6;
	vm1 =	vcmask $0xB08  }
0x8: {  	s2 =	rddreg [dreg:$0x1];
	v4 =	vcombine.low v4, v3;
	v2 =	vsel vm1, $0x40400000, v2;
	vm1 =	vcmask $0xF0C  }
0x9: {  	s3 =	rddreg [dreg:$0x2];
	v3 =	vimm.s32 $0x65432100;
	v2 =	vsel vm1, $0x40800000, v2;
	vm1 =	vcmask $0x1310  }
0xa: {  	s4 =	rddreg [dreg:$0x3];
	v6 =	vimm.s32 $0xEDCBA987;
	v2 =	vsel vm1, $0x40A00000, v2;
	vm1 =	vcmask $0x1714  }
0xb: {  	s10 =	rddreg [dreg:$0x4];
	v6 =	vunpack.c.l.s4.s8 v6;
	v2 =	vsel vm1, $0x40C00000, v2;
	vm1 =	vcmask $0x1B18  }
0xc: {  	s6 =	simm.s32 $0x0;
	s12 =	simm.s32 $0x1;
	s14 =	simm.s32 $0x80;
	v3 =	vunpack.c.l.s4.s8 v3;
	v2 =	vsel vm1, $0x40E00000, v2;
	vm1 =	vcmask $0x1F1C  }
0xd: {  	s15 =	simm.s32 $0x850;
	s16 =	simm.s32 $0x10250;
	s17 =	simm.s32 $0x10260;
	v6 =	vunpack.c.0.s8.s32 v6;
	v2 =	vsel vm1, $0x41000000, v2;
	vm1 =	vcmask $0x2320  }
0xe: {  	s18 =	simm.s32 $0x17F0;
	s19 =	simm.s32 $0x6610;
	s20 =	simm.s32 $0xB430;
	v3 =	vunpack.c.0.s8.s32 v3;
	v2 =	vsel vm1, $0x41100000, v2;
	vm1 =	vcmask $0x2724  }
0xf: {  	s21 =	simm.s32 $0x1020;
	s22 =	simm.s32 $0x0;
	s1 =	rddreg [dreg:$0x0];
	v6 =	vand.u32 $0xF, v6;
	v7 =	vsel vm1, $0x41200000, v2;
	vm1 =	vcmask $0x2B28  }
0x10: {  	[smem:$0x7FF] =	sst s6;
	s7 =	ssub.s32 $0x2, s7;
	s11 =	smul.u32 $0x9C4, s8;
	v2 =	vcombine.low v3, v6;
	v6 =	vsel vm1, $0x41300000, v7;
	vm1 =	vcmask $0x2F2C  }
0x11: {  	vm3 =	vcmask $0x3B38;
	_ =	strace $0x80000050;
	s31 =	sshrl.u32 s7, $0x1;
	s9 =	sshll.u32 s9, $0x2;
	v6 =	vsel vm1, $0x41400000, v6;
	vm1 =	vcmask $0x3330  }
0x12: {  	v0 =	vimm.f32 $0.0e+00;
	s10 =	sadd.s32 s11, s10;
	s11 =	ssub.s32 s7, s31;
	s7 =	smul.u32 $0x2710, s8;
	v6 =	vsel vm1, $0x41500000, v6;
	vm1 =	vcmask $0x3734  }
0x13: {  	v5 =	vsel vm2, $0x0, v5;
	s13 =	sand.u32 $0xC0, s9;
	s8 =	sadd.s32 $0x29800, s10;
	s9 =	sadd.s32 $0x15E00, s10;
	v4 =	vand.u32 $0xF, v4;
	v6 =	vsel vm1, $0x41600000, v6  }
0x14: {  	s10 =	sadd.s32 $0x2400, s10;
	s11 =	smax.u32 s11, $0x1;
	s13 =	sshrl.u32 s13, $0x2;
	v3 =	vimm.s32 $0x0;
	vm1 =	vcmask $0x3F3C;
	v6 =	vsel vm3, $0x41700000, v6  }
.LBB2_1:
0x15: {  	[tilespmem:s6], [sflag:$0x1] =	stream.linear.gather [hbm4b:s3+s6], $0x80, $0x38;
	[tilespmem:$0x10270] =	vst v63  }
0x16: {  	_ =	swait.ge [sflag:s12], $0x80  }
0x17: {  	[sflag:s12] =	ssyncset.done $0x0  }
0x18: {  	[sflag:s12] =	ssyncadd.s32 $0xFFFFFF80  }
0x19: {  	v8 =	vld [tilespmem:$0x0]  }
0x1a: {  	s23 =	simm.s32 $0x40;
	s24 =	simm.s32 $0x0;
	v7 =	vld [tilespmem:s13+$0x0]  }
.LBB2_2:
0x1b: {  	p0 =	seq.s32 s23, $0x13840;
	[tilespmem:s24+$0xB430] =	vst v0;
	s25 =	smov.u32 s23;
	s23 =	sadd.s32 $0x40, s23  }
.Ltmp0:
0x1c: {  	[tilespmem:s24+$0x17F0] =	vst v0;
	(pc) =	sbr.rel @!p0 .LBB2_2-.Ltmp0, $2  }
0x1d: {  	[tilespmem:s24+$0x6610] =	vst v0;
	_ =	sdelay $0x2  }
0x1e: {  	s24 =	sshra.s32 s25, $0x2  }
0x1f: {  	v7 =	vnsel vm0, $0x0, v7  }
0x20: {  	(xrf0) =	vadd.scan.msk.s32 $0xffff, v7;
	_ =	sdelay $0x5  }
0x21: {  	v7, _, _ =	vpop (xrf0)  }
0x22: {  	(v2sf) =	vpush v7, $0xF;
	_ =	sdelay $0xb  }
0x23: {  	[tilespmem:s24+$0xB430] =	vst v0  }
0x24: {  	[tilespmem:s24+$0x17F0] =	vst v0  }
0x25: {  	[tilespmem:s24+$0x6610] =	vst v0;
	s24 =	simm.s32 $0x0  }
0x26: {  	s28 =	simm.s32 $0x0;
	s25 =	simm.s32 $0x0;
	v7 =	vbroadcast v8, $0x0;
	v8 =	vbroadcast v8, $0x1;
	s23 =	spop (v2sf)  }
.LBB2_4:
0x27: {  	s26 =	smul.u32 $0x7D0, s25;
	_ =	sdelay $0x1  }
0x28: {  	s26 =	sadd.s32 s7, s26  }
0x29: {  	s26 =	sshrl.u32 s26, $0x3  }
0x2a: {  	s29 =	sadd.s32 s1, s26  }
0x2b: {  	[tilespmem:s14], [sflag:$0x1] =	stream.linear.gather [hbm4b:s29+s24], $0x7D0, $0x38;
	[tilespmem:$0x10270] =	vst v63  }
0x2c: {  	_ =	swait.ge [sflag:s12], $0x7D0  }
0x2d: {  	[sflag:s12] =	ssyncset.done $0x0  }
0x2e: {  	s29 =	sadd.s32 s2, s26;
	[sflag:s12] =	ssyncadd.s32 $0xFFFFF830  }
0x2f: {  	[tilespmem:s15], [sflag:$0x1] =	stream.linear.gather [hbm4b:s29+s24], $0x7D0, $0x38;
	[tilespmem:$0x10270] =	vst v63  }
0x30: {  	_ =	swait.ge [sflag:s12], $0x7D0  }
0x31: {  	[sflag:s12] =	ssyncset.done $0x0  }
0x32: {  	s29 =	simm.s32 $0x0;
	[sflag:s12] =	ssyncadd.s32 $0xFFFFF830  }
0x33: {  	v10 =	vld [tilespmem:s29+$0x80];
	_ =	sdelay $0x4  }
0x34: {  	vm2 =	veq.s32 v7, v10  }
0x35: {  	v9 =	vsel vm2, $0x1, v3  }
0x36: {  	(xrf0) =	vadd.scan.msk.s32 $0xffff, v9;
	_ =	sdelay $0x4  }
0x37: {  	s30 =	sadd.s32 s23, s28;
	v9 =	vsel vm2, $0xFFFFFFFF, v3  }
0x38: {  	v9 =	vadd.s32 s30, v9;
	v11, _, _ =	vpop (xrf0)  }
0x39: {  	v9 =	vadd.s32 v11, v9  }
0x3a: {  	vm3 =	vlt.s32 v9, v8;
	v9 =	vld [tilespmem:s29+$0x850]  }
0x3b: {  	vm4 =	vlt.s32 v7, v10;
	vm2 =	vmand vm2, vm3  }
0x3c: {  	(xrf2) =	vadd.scan.msk.f32 $0xffff, v10;
	vm2 =	vmor vm4, vm2  }
0x3d: {  	v10 =	vsel vm2, $0x3F800000, v0  }
0x3e: {  	[tilespmem:s29+$0x1020] =	vst v10  }
0x3f: {  	[tilespmem:$0x10250] =	vst v9  }
0x40: {  	v12 =	vld.idx.msk [tilespmem:v4+s16+$0x0], $0xffff;
	_ =	sdelay $0x4  }
0x41: {  	vm4 =	vne.s32 v9, v12  }
0x42: {  	v63, _, _ =	vpop (xrf2);
	vm3 =	vmor vm4, vm1  }
0x43: {  	(xrf2) =	vadd.scan.msk.f32 $0xffff, v10;
	v10 =	vnsel vm3, $0x0, v63  }
0x44: {  	(xrf0) =	vmax.scan.msk.f32 $0xffff, v10;
	_ =	sdelay $0x5  }
0x45: {  	v10, _, _ =	vpop (xrf0)  }
0x46: {  	[tilespmem:$0x10260] =	vst v10  }
0x47: {  	v10 =	vld.idx.msk [tilespmem:v2+s17+$0x0], $0xffff;
	_ =	sdelay $0x1  }
0x48: {  	v13, _, _ =	vpop (xrf2)  }
0x49: {  	v14 =	vnsel vm3, $0x0, v13  }
0x4a: {  	vm2 =	veq.s32 v1, $0x0;
	(xrf0) =	vmax.scan.msk.f32 $0xffff, v14  }
0x4b: {  	v10 =	vsel vm2, $0x0, v10  }
0x4c: {  	v10 =	vsub.f32 v63, v10;
	_ =	sdelay $0x3  }
0x4d: {  	[tilespmem:v9+s18+$0x0] =	vst.idx.add.f32.msk vm3, v10;
	v10, _, _ =	vpop (xrf0)  }
0x4e: {  	[tilespmem:$0x10260] =	vst v10  }
0x4f: {  	v10 =	vld.idx.msk [tilespmem:v2+s17+$0x0], $0xffff;
	_ =	sdelay $0x1  }
0x50: {  	(v2sf) =	vpush v11, $0xF  }
0x51: {  	v11 =	vsel vm4, v6, v5  }
0x52: {  	(xrf0) =	vmax.scan.msk.f32 $0xffff, v11  }
0x53: {  	v10 =	vsel vm2, $0x0, v10  }
0x54: {  	v10 =	vsub.f32 v13, v10;
	_ =	sdelay $0x3  }
0x55: {  	[tilespmem:v9+s19+$0x0] =	vst.idx.add.f32.msk vm3, v10;
	v10, _, _ =	vpop (xrf0)  }
0x56: {  	[tilespmem:$0x10260] =	vst v10  }
0x57: {  	v10 =	vld.idx.msk [tilespmem:v2+s17+$0x0], $0xffff;
	_ =	sdelay $0x4  }
0x58: {  	s31 =	spop (v2sf);
	v10 =	vsel vm2, $0x0, v10  }
0x59: {  	s30 =	simm.s32 $0x80;
	s29 =	simm.s32 $0x40;
	s28 =	sadd.s32 s28, s31;
	v10 =	vsub.f32 v6, v10  }
.LBB2_5:
0x5a: {  	p0 =	sne.s32 s30, $0x1F00  }
0x5b: {  	s31 =	sshra.s32 s29, $0x2;
	s29 =	smov.u32 s30;
	s30 =	sadd.s32 $0x40, s30;
	[tilespmem:v9+s20+$0x0] =	vst.idx.add.f32.msk vm3, v10  }
0x5c: {  	v10 =	vld [tilespmem:s31+$0x80];
	_ =	sdelay $0x4  }
0x5d: {  	vm3 =	veq.s32 v7, v10  }
0x5e: {  	v9 =	vsel vm3, $0xFFFFFFFF, v3;
	v11 =	vsel vm3, $0x1, v3  }
0x5f: {  	(xrf0) =	vadd.scan.msk.s32 $0xffff, v11;
	_ =	sdelay $0x4  }
0x60: {  	s5 =	sadd.s32 s23, s28  }
0x61: {  	v9 =	vadd.s32 s5, v9;
	v11, _, _ =	vpop (xrf0)  }
0x62: {  	v9 =	vadd.s32 v11, v9;
	(v2sf) =	vpush v11, $0xF  }
0x63: {  	vm4 =	vlt.s32 v9, v8;
	v9 =	vld [tilespmem:s31+$0x850]  }
0x64: {  	vm5 =	vlt.s32 v7, v10;
	vm3 =	vmand vm3, vm4  }
0x65: {  	vm3 =	vmor vm5, vm3  }
0x66: {  	v11 =	vsel vm3, $0x3F800000, v0;
	(xrf2) =	vadd.scan.msk.f32 $0xffff, v10  }
0x67: {  	[tilespmem:s31+$0x1020] =	vst v11  }
0x68: {  	[tilespmem:$0x10250] =	vst v9  }
0x69: {  	v10 =	vld.idx.msk [tilespmem:v4+s16+$0x0], $0xffff;
	_ =	sdelay $0x5  }
0x6a: {  	vm4 =	vne.s32 v9, v10  }
0x6b: {  	vm3 =	vmor vm4, vm1;
	v10 =	vsel vm4, v6, v5;
	v12, _, _ =	vpop (xrf2)  }
0x6c: {  	v13 =	vnsel vm3, $0x0, v12;
	(xrf2) =	vadd.scan.msk.f32 $0xffff, v11;
	s5 =	spop (v2sf)  }
0x6d: {  	s28 =	sadd.s32 s28, s5;
	(xrf0) =	vmax.scan.msk.f32 $0xffff, v13;
	_ =	sdelay $0x5  }
0x6e: {  	v11, _, _ =	vpop (xrf0)  }
0x6f: {  	[tilespmem:$0x10260] =	vst v11  }
0x70: {  	v11 =	vld.idx.msk [tilespmem:v2+s17+$0x0], $0xffff  }
0x71: {  	v13, _, _ =	vpop (xrf2)  }
0x72: {  	v14 =	vnsel vm3, $0x0, v13  }
0x73: {  	(xrf0) =	vmax.scan.msk.f32 $0xffff, v14;
	_ =	sdelay $0x2  }
0x74: {  	v11 =	vsel vm2, $0x0, v11  }
0x75: {  	v12 =	vsub.f32 v12, v11;
	_ =	sdelay $0x1  }
0x76: {  	[tilespmem:v9+s18+$0x0] =	vst.idx.add.f32.msk vm3, v12;
	v11, _, _ =	vpop (xrf0)  }
0x77: {  	[tilespmem:$0x10260] =	vst v11  }
0x78: {  	v11 =	vld.idx.msk [tilespmem:v2+s17+$0x0], $0xffff;
	_ =	sdelay $0x2  }
0x79: {  	(xrf0) =	vmax.scan.msk.f32 $0xffff, v10;
	_ =	sdelay $0x2  }
0x7a: {  	v10 =	vsel vm2, $0x0, v11  }
0x7b: {  	v11 =	vsub.f32 v13, v10;
	_ =	sdelay $0x1  }
0x7c: {  	[tilespmem:v9+s19+$0x0] =	vst.idx.add.f32.msk vm3, v11;
	v10, _, _ =	vpop (xrf0)  }
0x7d: {  	[tilespmem:$0x10260] =	vst v10  }
0x7e: {  	v10 =	vld.idx.msk [tilespmem:v2+s17+$0x0], $0xffff;
	_ =	sdelay $0x2  }
.Ltmp1:
0x7f: {  	(pc) =	sbr.rel @p0 .LBB2_5-.Ltmp1, $3  }
0x80: {  	_ =	sdelay $0x1  }
0x81: {  	v10 =	vsel vm2, $0x0, v10  }
0x82: {  	v10 =	vsub.f32 v6, v10  }
0x83: {  	_ =	sdelay $0x4  }
0x84: {  	s5 =	sshra.s32 s29, $0x2;
	[tilespmem:v9+s20+$0x0] =	vst.idx.add.f32.msk vm3, v10  }
0x85: {  	v9 =	vld [tilespmem:s5+$0x80];
	_ =	sdelay $0x4  }
0x86: {  	vm2 =	veq.s32 v7, v9  }
0x87: {  	v10 =	vsel vm2, $0x1, v3  }
0x88: {  	(xrf0) =	vadd.scan.msk.s32 $0xffff, v10;
	_ =	sdelay $0x4  }
0x89: {  	s30 =	sadd.s32 s23, s28;
	v10 =	vsel vm2, $0xFFFFFFFF, v3  }
0x8a: {  	v10 =	vadd.s32 s30, v10;
	v11, _, _ =	vpop (xrf0)  }
0x8b: {  	v10 =	vadd.s32 v11, v10  }
0x8c: {  	vm3 =	vlt.s32 v10, v8;
	v10 =	vld [tilespmem:s5+$0x850]  }
0x8d: {  	vm4 =	vlt.s32 v7, v9;
	vm2 =	vmand vm2, vm3  }
0x8e: {  	(xrf2) =	vadd.scan.msk.f32 $0xffff, v9;
	vm2 =	vmor vm4, vm2  }
0x8f: {  	v9 =	vsel vm2, $0x3F800000, v0  }
0x90: {  	[tilespmem:s5+$0x1020] =	vst v9  }
0x91: {  	[tilespmem:$0x10250] =	vst v10  }
0x92: {  	v12 =	vld.idx.msk [tilespmem:v4+s16+$0x0], $0xffff;
	_ =	sdelay $0x4  }
0x93: {  	vm2 =	vne.s32 v10, v12  }
0x94: {  	v62, _, _ =	vpop (xrf2);
	vm3 =	vmor vm2, vm1  }
0x95: {  	(xrf2) =	vadd.scan.msk.f32 $0xffff, v9;
	v9 =	vnsel vm3, $0x0, v62  }
0x96: {  	(xrf0) =	vmax.scan.msk.f32 $0xffff, v9;
	_ =	sdelay $0x5  }
0x97: {  	v9, _, _ =	vpop (xrf0)  }
0x98: {  	[tilespmem:$0x10260] =	vst v9  }
0x99: {  	v9 =	vld.idx.msk [tilespmem:v2+s17+$0x0], $0xffff;
	_ =	sdelay $0x1  }
0x9a: {  	v13, _, _ =	vpop (xrf2)  }
0x9b: {  	v14 =	vnsel vm3, $0x0, v13  }
0x9c: {  	vm15 =	veq.s32 v1, $0x0;
	(xrf0) =	vmax.scan.msk.f32 $0xffff, v14  }
0x9d: {  	v9 =	vsel vm15, $0x0, v9  }
0x9e: {  	v9 =	vsub.f32 v62, v9;
	_ =	sdelay $0x3  }
0x9f: {  	[tilespmem:v10+s18+$0x0] =	vst.idx.add.f32.msk vm3, v9;
	v9, _, _ =	vpop (xrf0)  }
0xa0: {  	[tilespmem:$0x10260] =	vst v9  }
0xa1: {  	v9 =	vld.idx.msk [tilespmem:v2+s17+$0x0], $0xffff;
	_ =	sdelay $0x2  }
0xa2: {  	v63 =	vsel vm2, v6, v5  }
0xa3: {  	(xrf0) =	vmax.scan.msk.f32 $0xffff, v63  }
0xa4: {  	(v2sf) =	vpush v11, $0xF;
	v9 =	vsel vm15, $0x0, v9  }
0xa5: {  	v9 =	vsub.f32 v13, v9;
	_ =	sdelay $0x3  }
0xa6: {  	[tilespmem:v10+s19+$0x0] =	vst.idx.add.f32.msk vm3, v9;
	v9, _, _ =	vpop (xrf0)  }
0xa7: {  	[tilespmem:$0x10260] =	vst v9  }
0xa8: {  	v9 =	vld.idx.msk [tilespmem:v2+s17+$0x0], $0xffff;
	_ =	sdelay $0x4  }
0xa9: {  	v9 =	vsel vm15, $0x0, v9  }
0xaa: {  	s25 =	sadd.s32 $0x1, s25;
	v9 =	vsub.f32 v6, v9  }
0xab: {  	p0 =	sne.s32 s25, $0x5  }
.Ltmp2:
0xac: {  	s26 =	sadd.s32 s4, s26;
	s31 =	spop (v2sf);
	[tilespmem:v10+s20+$0x0] =	vst.idx.add.f32.msk vm3, v9;
	(pc) =	sbr.rel @p0 .LBB2_4-.Ltmp2, $4  }
0xad: {  	[hbm4b:s26+s6] =	stream.linear.scatter [tilespmem:s21], [sflag:$0x1], $0x7D0, $0x38;
	[tilespmem:$0x10270] =	vst v63  }
0xae: {  	_ =	swait.ge [sflag:s12], $0x7D0  }
0xaf: {  	[sflag:s12] =	ssyncset.done $0x0  }
0xb0: {  	s28 =	sadd.s32 s28, s31;
	[sflag:s12] =	ssyncadd.s32 $0xFFFFF830  }
0xb1: {  	[hbm4b:s8+s6] =	stream.linear.scatter [tilespmem:s18], [sflag:$0x1], $0x4E20, $0x38;
	[tilespmem:$0x10270] =	vst v63  }
0xb2: {  	_ =	swait.ge [sflag:s12], $0x4E20  }
0xb3: {  	[sflag:s12] =	ssyncset.done $0x0  }
0xb4: {  	[sflag:s12] =	ssyncadd.s32 $0xFFFFB1E0  }
0xb5: {  	[hbm4b:s9+s6] =	stream.linear.scatter [tilespmem:s19], [sflag:$0x1], $0x4E20, $0x38;
	[tilespmem:$0x10270] =	vst v63  }
0xb6: {  	s22 =	sadd.s32 $0x1, s22;
	_ =	swait.ge [sflag:s12], $0x4E20  }
0xb7: {  	p0 =	sne.s32 s22, s11;
	[sflag:s12] =	ssyncset.done $0x0  }
.Ltmp3:
0xb8: {  	[sflag:s12] =	ssyncadd.s32 $0xFFFFB1E0;
	(pc) =	sbr.rel @p0 .LBB2_1-.Ltmp3, $4  }
0xb9: {  	[hbm4b:s10+s6] =	stream.linear.scatter [tilespmem:s20], [sflag:$0x1], $0x4E20, $0x38;
	[tilespmem:$0x10270] =	vst v63  }
0xba: {  	_ =	swait.ge [sflag:s12], $0x4E20  }
0xbb: {  	[sflag:s12] =	ssyncset.done $0x0  }
0xbc: {  	[sflag:s12] =	ssyncadd.s32 $0xFFFFB1E0  }
0xbd: {  	_ =	sfence.sel $0x180000  }
0xbe: {  	[bflag:$0x0] =	sbarrier.arrive $0xFFFF  }
0xbf: {  	_ =	strace $0x90000050  }
0xc0: {  	[bflag:$0x2] =	sbarrier.arrive $0xFFFF  }
0xc1: {  	p0 =	sne.s32 s0, $0x0;
	s0 =	rddreg [dreg:$0x5]  }
0xc2: {  	s0 =	sadd.s32 @!p0 $0x100000, s0  }
0xc3: {  	[sflag:s0] =	ssyncadd.tile.s32 @!p0 $0x1;
	_ =	shalt  }
.Lfunc_end2:
_tile_overlayer_lowered:
.L_overlay_start_2:
0xc4: {  	(tag) =	ssettag $0x2  }
0xc5: {  	s0 =	rddreg [dreg:$0x0];
	s2 =	stileid.u32  }
0xc6: {  	s1 =	rddreg [dreg:$0x1];
	p0 =	sne.s32 s2, $0x0  }
0xc7: {  	s3 =	rddreg [dreg:$0x2];
	[bflag:$0x3] =	sbarrier.arrive $0xFFFF;
	s2 =	simm.s32 @!p0 $0x1C01  }
0xc8: {  	[timem:s3], [sflag:s2] =	dma.local @!p0 [hbm:s0], s1  }
0xc9: {  	s0 =	simm.s32 @!p0 $0x1  }
0xca: {  	_ =	swait.ge @!p0 [sflag:s0], s1  }
0xcb: {  	s1 =	ssub.s32 @!p0 $0x0, s1;
	[sflag:s0] =	ssyncset.done @!p0 $0x0  }
0xcc: {  	[sflag:s0] =	ssyncadd.s32 @!p0 s1  }
0xcd: {  	[bflag:$0x3] =	sbarrier.arrive $0xFFFF  }
0xce: {  	_ =	shalt  }

</sc_bundles>
